<compile_context>
chip_gen: v7x
topology: tpu7x:2x2x1
jax: 0.10.2.dev20260603
libtpu: 0.0.44.dev20260713+nightly
codegen_flags: <defaults>
</compile_context>

<pallas_src>
import dataclasses
import functools

import jax
import jax.numpy as jnp
from jax import lax
from jax.experimental import pallas as pl
from jax.experimental.pallas import tpu as pltpu
from jax.experimental.pallas import tpu_sc as plsc

NC, NS = 2, 16
NW = NC * NS
CHUNK = 88
RING = 4


def _sc_mesh():
    return plsc.VectorSubcoreMesh(
        core_axis_name="c", subcore_axis_name="s", num_cores=NC, num_subcores=NS
    )


def _sc_params():
    cp = pltpu.CompilerParams()
    if "needs_layout_passes" in pltpu.CompilerParams.__dataclass_fields__:
        cp = dataclasses.replace(cp, needs_layout_passes=False)
    return cp


def _hist_sc(n_pad, per_w):
    assert per_w % 16 == 0 and n_pad % 16 == 0

    @functools.partial(
        pl.kernel,
        out_type=jax.ShapeDtypeStruct((NC, NS, n_pad), jnp.float32),
        mesh=_sc_mesh(),
        compiler_params=_sc_params(),
        scratch_types=[
            pltpu.VMEM((n_pad,), jnp.float32),
            pltpu.VMEM((per_w,), jnp.int32),
            pltpu.SemaphoreType.DMA,
        ],
    )
    def hist(dst_hbm, out_hbm, hist_v, idx_v, isem):
        c = lax.axis_index("c")
        s = lax.axis_index("s")
        w = c * NS + s
        pltpu.async_copy(dst_hbm.at[pl.ds(w * per_w, per_w)], idx_v, isem)
        zero16 = jnp.zeros((16,), jnp.float32)

        @pl.loop(0, n_pad, step=16)
        def _(i):
            hist_v[pl.ds(i, 16)] = zero16

        pltpu.make_async_copy(dst_hbm.at[pl.ds(0, per_w)], idx_v, isem).wait()
        ones16 = jnp.ones((16,), jnp.float32)

        @pl.loop(0, per_w, step=16)
        def _(k):
            plsc.addupdate_scatter(hist_v, [idx_v[pl.ds(k, 16)]], ones16)

        pltpu.sync_copy(hist_v, out_hbm.at[c].at[s])

    return hist


def _edge_accumulate_sc(n_pad, d, nchunks):
    rows_per_sub = n_pad // NS
    assert nchunks % RING == 0 and nchunks >= 2 * RING

    @functools.partial(
        pl.kernel,
        out_type=jax.ShapeDtypeStruct((NC, n_pad, d), jnp.float32),
        mesh=_sc_mesh(),
        scratch_types=(
            [pltpu.VMEM_SHARED((n_pad, d), jnp.float32)]
            + [pltpu.VMEM((RING, CHUNK), jnp.int32)] * 2
            + [pltpu.VMEM((CHUNK, d), jnp.float32)] * RING
            + [pltpu.SemaphoreType.DMA] * (3 * RING + 1)
        ),
    )
    def accum(table_hbm, src_hbm, dst_hbm, zeros_hbm, out_hbm,
              acc, sidx_v, didx_v, *bufs_and_sems):
        rows = list(bufs_and_sems[:RING])
        isem = list(bufs_and_sems[RING:2 * RING])
        gsem = list(bufs_and_sems[2 * RING:3 * RING])
        ssem = list(bufs_and_sems[3 * RING:4 * RING])
        zsem = bufs_and_sems[4 * RING]
        c = lax.axis_index("c")
        s = lax.axis_index("s")
        w = c * NS + s
        row0 = s * rows_per_sub
        pltpu.async_copy(zeros_hbm.at[pl.ds(row0, rows_per_sub), :],
                        acc.at[pl.ds(row0, rows_per_sub), :], zsem)

        def issue_idx(j, b):
            pltpu.async_copy(src_hbm.at[w, j], sidx_v.at[b], isem[b])
            pltpu.async_copy(dst_hbm.at[w, j], didx_v.at[b], isem[b])

        def wait_idx(b):
            pltpu.make_async_copy(src_hbm.at[w, 0], sidx_v.at[b],
                                  isem[b]).wait()
            pltpu.make_async_copy(dst_hbm.at[w, 0], didx_v.at[b],
                                  isem[b]).wait()

        def issue_gather(b):
            pltpu.async_copy(table_hbm.at[sidx_v.at[b]], rows[b], gsem[b])

        def wait_gather(b):
            pltpu.make_async_copy(table_hbm.at[sidx_v.at[0]], rows[b],
                                  gsem[b]).wait()

        def issue_scatter(b):
            pltpu.async_copy(rows[b], acc.at[didx_v.at[b]], ssem[b], add=True)

        def wait_scatter(b):
            pltpu.make_async_copy(rows[b], acc.at[didx_v.at[0]],
                                  ssem[b]).wait()

        def stage(i, with_idx=True, with_gather=True, with_scatter=True,
                  with_free=True):
            if with_idx:
                if with_free:
                    wait_scatter(i % RING)
                issue_idx(i, i % RING)
            if with_gather:
                wait_idx((i - 1) % RING)
                issue_gather((i - 1) % RING)
            if with_scatter:
                wait_gather((i - 2) % RING)
                issue_scatter((i - 2) % RING)

        for i in range(2):
            stage(i, with_gather=i >= 1, with_scatter=False, with_free=False)
        pltpu.make_async_copy(zeros_hbm.at[pl.ds(row0, rows_per_sub), :],
                              acc.at[pl.ds(row0, rows_per_sub), :], zsem).wait()
        plsc.subcore_barrier()
        for i in range(2, RING):
            stage(i, with_gather=True, with_scatter=True, with_free=False)

        @pl.loop(1, nchunks // RING)
        def _(jq):
            for k in range(RING):
                b = k
                wait_scatter(b)
                pltpu.async_copy(src_hbm.at[w, jq * RING + k], sidx_v.at[b],
                                 isem[b])
                pltpu.async_copy(dst_hbm.at[w, jq * RING + k], didx_v.at[b],
                                 isem[b])
                wait_idx((k - 1) % RING)
                issue_gather((k - 1) % RING)
                wait_gather((k - 2) % RING)
                issue_scatter((k - 2) % RING)

        stage(nchunks, with_idx=False)
        stage(nchunks + 1, with_idx=False, with_gather=False)
        for b in range(RING):
            wait_scatter(b)
        plsc.subcore_barrier()
        pltpu.sync_copy(acc.at[pl.ds(row0, rows_per_sub), :],
                        out_hbm.at[c].at[pl.ds(row0, rows_per_sub), :])

    return accum




def _tc_matmul(x, w, rb):
    n, k = x.shape
    _, m = w.shape

    def body(x_ref, w_ref, o_ref):
        o_ref[...] = jnp.dot(x_ref[...], w_ref[...],
                             preferred_element_type=jnp.float32)

    return pl.pallas_call(
        body,
        grid=(n // rb,),
        in_specs=[pl.BlockSpec((rb, k), lambda i: (i, 0)),
                  pl.BlockSpec((k, m), lambda i: (0, 0))],
        out_specs=pl.BlockSpec((rb, m), lambda i: (i, 0)),
        out_shape=jax.ShapeDtypeStruct((n, m), jnp.float32),
    )(x, w)


def _tc_dis_prescale(hist2, x, w1, rb):
    n, k = x.shape
    d = w1.shape[1]

    def body(h_ref, x_ref, w1_ref, dis_ref, h1_ref, g_ref):
        deg = jnp.sum(h_ref[...], axis=0) + 1.0
        dis_c = lax.rsqrt(deg).reshape(rb, 1)
        dis_ref[...] = dis_c
        h1 = jnp.dot(x_ref[...], w1_ref[...], preferred_element_type=jnp.float32)
        h1_ref[...] = h1
        g_ref[...] = h1 * dis_c

    return pl.pallas_call(
        body,
        grid=(n // rb,),
        in_specs=[pl.BlockSpec((NW, rb), lambda i: (0, i)),
                  pl.BlockSpec((rb, k), lambda i: (i, 0)),
                  pl.BlockSpec((k, d), lambda i: (0, 0))],
        out_specs=[pl.BlockSpec((rb, 1), lambda i: (i, 0)),
                   pl.BlockSpec((rb, d), lambda i: (i, 0)),
                   pl.BlockSpec((rb, d), lambda i: (i, 0))],
        out_shape=[jax.ShapeDtypeStruct((n, 1), jnp.float32),
                   jax.ShapeDtypeStruct((n, d), jnp.float32),
                   jax.ShapeDtypeStruct((n, d), jnp.float32)],
    )(hist2, x, w1)


def _tc_layer_mid(acc, h1, dis, b1, w2, rb):
    _, n, d = acc.shape
    m = w2.shape[1]

    def body(acc_ref, h1_ref, dis_ref, b1_ref, w2_ref, h2_ref, g2_ref):
        dis_c = dis_ref[...]
        su = acc_ref[0] + acc_ref[1]
        z = jnp.maximum(dis_c * su + (dis_c * dis_c) * h1_ref[...] + b1_ref[...],
                        0.0)
        h2 = jnp.dot(z, w2_ref[...], preferred_element_type=jnp.float32)
        h2_ref[...] = h2
        g2_ref[...] = h2 * dis_c

    return pl.pallas_call(
        body,
        grid=(n // rb,),
        in_specs=[pl.BlockSpec((NC, rb, d), lambda i: (0, i, 0)),
                  pl.BlockSpec((rb, d), lambda i: (i, 0)),
                  pl.BlockSpec((rb, 1), lambda i: (i, 0)),
                  pl.BlockSpec((1, d), lambda i: (0, 0)),
                  pl.BlockSpec((d, m), lambda i: (0, 0))],
        out_specs=[pl.BlockSpec((rb, m), lambda i: (i, 0)),
                   pl.BlockSpec((rb, m), lambda i: (i, 0))],
        out_shape=[jax.ShapeDtypeStruct((n, m), jnp.float32),
                   jax.ShapeDtypeStruct((n, m), jnp.float32)],
    )(acc, h1, dis, b1, w2)


def _tc_layer_out(acc, h2, dis, b2, n_out, rb):
    _, _, d = acc.shape

    def body(acc_ref, h2_ref, dis_ref, b2_ref, o_ref):
        dis_c = dis_ref[...]
        su = acc_ref[0] + acc_ref[1]
        o_ref[...] = dis_c * su + (dis_c * dis_c) * h2_ref[...] + b2_ref[...]

    return pl.pallas_call(
        body,
        grid=(n_out // rb,),
        in_specs=[pl.BlockSpec((NC, rb, d), lambda i: (0, i, 0)),
                  pl.BlockSpec((rb, d), lambda i: (i, 0)),
                  pl.BlockSpec((rb, 1), lambda i: (i, 0)),
                  pl.BlockSpec((1, d), lambda i: (0, 0))],
        out_specs=pl.BlockSpec((rb, d), lambda i: (i, 0)),
        out_shape=jax.ShapeDtypeStruct((n_out, d), jnp.float32),
    )(acc, h2, dis, b2)


def kernel(x, edge_index, W1, b1, W2, b2):
    n, _ = x.shape
    e = edge_index.shape[1]
    d_h = W1.shape[1]
    d_out = W2.shape[1]

    n_pad = ((n + 80 * NS - 1) // (80 * NS)) * (80 * NS)
    rb = n_pad // 5
    assert rb % 8 == 0

    nchunks = -(-e // (NW * CHUNK))
    nchunks = max(2 * RING, ((nchunks + RING - 1) // RING) * RING)
    e_pad = NW * CHUNK * nchunks
    if e_pad > e and n_pad == n:
        n_pad += 80 * NS
    pad_len = e_pad - e
    sink = n + (jnp.arange(pad_len, dtype=jnp.int32) % (n_pad - n)) \
        if pad_len else jnp.zeros((0,), jnp.int32)
    src = jnp.concatenate([edge_index[0], sink]).reshape(NW, nchunks, CHUNK)
    dst_flat = jnp.concatenate([edge_index[1], sink])
    dst = dst_flat.reshape(NW, nchunks, CHUNK)

    x_pad = jnp.pad(x, ((0, n_pad - n), (0, 0)))
    zeros_tab = jnp.zeros((n_pad, d_h), jnp.float32)

    hist = _hist_sc(n_pad, nchunks * CHUNK)(dst_flat)
    hist2 = hist.reshape(NW, n_pad)

    dis, h1, g1 = _tc_dis_prescale(hist2, x_pad, W1, rb)

    acc1 = _edge_accumulate_sc(n_pad, d_h, nchunks)(g1, src, dst, zeros_tab)

    h2, g2 = _tc_layer_mid(acc1, h1, dis, b1.reshape(1, d_h), W2, rb)

    acc2 = _edge_accumulate_sc(n_pad, d_out, nchunks)(g2, src, dst, zeros_tab)

    rb_out = rb
    if n % rb:
        for div in (10, 8, 5, 4, 2, 1):
            if n % div == 0 and (n // div) % 8 == 0:
                rb_out = n // div
                break
    else:
        rb_out = rb if n % rb == 0 else n
    return _tc_layer_out(acc2, h2, dis, b2.reshape(1, d_out), n, rb_out)

# --- scband reference (transcript-rebuilt; emitter-appended) ---
"""Pipeline reference for scband-gcn-20744692039855 (READ-ONLY COPY).

The authoritative reference and input builder live on the scoring server;
editing this copy changes nothing except your own understanding.
"""

import jax, jax.numpy as jnp
import numpy as np

N = 10000
E = 320000
D_IN = 128
D_H = 128
D_OUT = 128


def setup_inputs(seed: int = 0) -> dict:
    key = jax.random.key(seed)
    ks = jax.random.split(key, 6)
    x = jax.random.normal(ks[0], (N, D_IN), dtype=jnp.float32)
    edge_index = jax.random.randint(ks[1], (2, E), 0, N, dtype=jnp.int32)
    W1 = jax.random.normal(ks[2], (D_IN, D_H), dtype=jnp.float32) * (1.0 / np.sqrt(D_IN))
    b1 = jnp.zeros((D_H,), dtype=jnp.float32)
    W2 = jax.random.normal(ks[3], (D_H, D_OUT), dtype=jnp.float32) * (1.0 / np.sqrt(D_H))
    b2 = jnp.zeros((D_OUT,), dtype=jnp.float32)
    return {"x": x, "edge_index": edge_index, "W1": W1, "b1": b1, "W2": W2, "b2": b2}


def gcn_conv(x, edge_index, W, b):
    # Faithful PyG GCNConv: add self-loops, symmetric normalization D^-1/2 A_hat D^-1/2, then linear.
    num_nodes = x.shape[0]
    loop = jnp.arange(num_nodes, dtype=edge_index.dtype)
    src = jnp.concatenate([edge_index[0], loop])
    dst = jnp.concatenate([edge_index[1], loop])
    deg = jnp.zeros((num_nodes,), dtype=x.dtype).at[dst].add(1.0)
    deg_inv_sqrt = jnp.where(deg > 0, deg ** -0.5, 0.0)
    norm = deg_inv_sqrt[src] * deg_inv_sqrt[dst]
    h = x @ W
    msgs = h[src] * norm[:, None]
    out = jnp.zeros((num_nodes, h.shape[1]), dtype=x.dtype).at[dst].add(msgs)
    return out + b


def reference(x, edge_index, W1, b1, W2, b2):
    h = jax.nn.relu(gcn_conv(x, edge_index, W1, b1))
    # dropout p=0.5 is identity in eval mode
    return gcn_conv(h, edge_index, W2, b2)

if __name__ == "__main__":
    import jax
    _d = setup_inputs()
    print(jax.jit(kernel)(*tuple(_d.values())))

</pallas_src>

<mosaic_0001>
#map = affine_map<(d0, d1) -> (0)>
#map1 = affine_map<(d0, d1) -> (0, 0, 0)>
module attributes {stable_mosaic.version = 14 : i64} {
  func.func @hist(%arg0: i32, %arg1: i32, %arg2: memref<326656xi32, #tpu.memory_space<hbm>>, %arg3: memref<2x16x10240xf32, #tpu.memory_space<hbm>>, %arg4: memref<10240xf32, #tpu.memory_space<vmem>>, %arg5: memref<10208xi32, #tpu.memory_space<vmem>>, %arg6: memref<!tpu.dma_semaphore, #tpu.memory_space<semaphore_mem>>) attributes {dimension_semantics = [#tpu.dimension_semantics<core_parallel>, #tpu.dimension_semantics<subcore_parallel>], iteration_bounds = array<i64: 2, 16>, scalar_prefetch = 0 : i64, scratch_operands = 3 : i64, tpu.core_type = #tpu.core_type<sc_vector_subcore>, window_params = [{transform_indices = #map}, {transform_indices = #map1}]} {
    %mul3A = arith.constant 16 : i32
    %mul3A_0 = arith.muli %arg0, %mul3A : i32
    %add3A = arith.addi %mul3A_0, %arg1 : i32
    %mul3A_1 = arith.constant 10208 : i32
    %mul3A_2 = arith.muli %add3A, %mul3A_1 : i32
    %dma_start3A = tpu.memref_slice %arg2[%mul3A_2] : memref<326656xi32, #tpu.memory_space<hbm>> -> memref<10208xi32, #tpu.memory_space<hbm>>
    %dma_start3A_3 = tpu.memref_slice %arg2[%mul3A_2] : memref<326656xi32, #tpu.memory_space<hbm>> -> memref<10208xi32, #tpu.memory_space<hbm>>
    tpu.enqueue_dma source(%dma_start3A_3 : memref<10208xi32, #tpu.memory_space<hbm>>) target(%arg5 : memref<10208xi32, #tpu.memory_space<vmem>>) target_semaphore(%arg6 : memref<!tpu.dma_semaphore, #tpu.memory_space<semaphore_mem>>)
    %broadcast_in_dim3A = arith.constant 0.000000e+00 : f32
    %broadcast_in_dim3A_4 = vector.broadcast %broadcast_in_dim3A : f32 to vector<16xf32>
    %scan3A = arith.constant 0 : i32
    %scan3A_5 = arith.constant 640 : i32
    %scan3A_6 = arith.addi %scan3A, %scan3A_5 : i32
    %scan3A_7 = arith.constant 1 : i32
    scf.for %scan3A_19 = %scan3A to %scan3A_6 step %scan3A_7  : i32 {
      %mul3A_20 = arith.constant 16 : i32
      %mul3A_21 = arith.muli %scan3A_19, %mul3A_20 : i32
      %add3A_22 = arith.constant 0 : i32
      %add3A_23 = arith.addi %add3A_22, %mul3A_21 : i32
      %swap3A = arith.index_cast %add3A_23 : i32 to index
      %swap3A_24 = tpu.vector_load %arg4[%swap3A] {strides = array<i32>} : memref<10240xf32, #tpu.memory_space<vmem>>, vector<16xf32>,
      tpu.vector_store %arg4[%swap3A], %broadcast_in_dim3A_4 {strides = array<i32>} : memref<10240xf32, #tpu.memory_space<vmem>>, vector<16xf32>,
    }
    %scan3A_8 = arith.constant 640 : i32
    %dma_wait3A = arith.constant 0 : i32
    %dma_wait3A_9 = tpu.memref_slice %arg2[%dma_wait3A] : memref<326656xi32, #tpu.memory_space<hbm>> -> memref<10208xi32, #tpu.memory_space<hbm>>
    %dma_wait3A_10 = arith.constant 0 : i32
    %dma_wait3A_11 = tpu.memref_slice %arg2[%dma_wait3A_10] : memref<326656xi32, #tpu.memory_space<hbm>> -> memref<10208xi32, #tpu.memory_space<hbm>>
    tpu.wait_dma2 semaphore(%arg6 : memref<!tpu.dma_semaphore, #tpu.memory_space<semaphore_mem>>) src(%dma_wait3A_11 : memref<10208xi32, #tpu.memory_space<hbm>>) dst(%arg5 : memref<10208xi32, #tpu.memory_space<vmem>>)
    %broadcast_in_dim3A_12 = arith.constant 1.000000e+00 : f32
    %broadcast_in_dim3A_13 = vector.broadcast %broadcast_in_dim3A_12 : f32 to vector<16xf32>
    %scan3A_14 = arith.constant 0 : i32
    %scan3A_15 = arith.constant 638 : i32
    %scan3A_16 = arith.addi %scan3A_14, %scan3A_15 : i32
    %scan3A_17 = arith.constant 1 : i32
    scf.for %scan3A_19 = %scan3A_14 to %scan3A_16 step %scan3A_17  : i32 {
      %mul3A_20 = arith.constant 16 : i32
      %mul3A_21 = arith.muli %scan3A_19, %mul3A_20 : i32
      %add3A_22 = arith.constant 0 : i32
      %add3A_23 = arith.addi %add3A_22, %mul3A_21 : i32
      %get3A = arith.index_cast %add3A_23 : i32 to index
      %get3A_24 = tpu.vector_load %arg5[%get3A] {strides = array<i32>} : memref<10208xi32, #tpu.memory_space<vmem>>, vector<16xi32>,
      tpu.vector_store_idx %arg4[%get3A_24], %broadcast_in_dim3A_13 {add = true} : memref<10240xf32, #tpu.memory_space<vmem>>[vector<16xi32>], vector<16xf32>,
    }
    %scan3A_18 = arith.constant 638 : i32
    "tpu.region"() ({
      %run_scoped3A = tpu.sem_alloc : memref<!tpu.dma_semaphore, #tpu.memory_space<semaphore_mem>>
      %dma_start3A_19 = arith.constant 0 : i32
      %dma_start3A_20 = arith.constant 0 : i32
      %dma_start3A_21 = tpu.memref_slice %arg3[%arg0, %dma_start3A_19, %dma_start3A_20] : memref<2x16x10240xf32, #tpu.memory_space<hbm>> -> memref<1x16x10240xf32, #tpu.memory_space<hbm>>
      %dma_start3A_22 = tpu.memref_squeeze %dma_start3A_21 : memref<1x16x10240xf32, #tpu.memory_space<hbm>> -> memref<16x10240xf32, #tpu.memory_space<hbm>>
      %dma_start3A_23 = arith.constant 0 : i32
      %dma_start3A_24 = tpu.memref_slice %dma_start3A_22[%arg1, %dma_start3A_23] : memref<16x10240xf32, #tpu.memory_space<hbm>> -> memref<1x10240xf32, #tpu.memory_space<hbm>>
      %dma_start3A_25 = tpu.memref_squeeze %dma_start3A_24 : memref<1x10240xf32, #tpu.memory_space<hbm>> -> memref<10240xf32, #tpu.memory_space<hbm>>
      %dma_start3A_26 = arith.constant 0 : i32
      %dma_start3A_27 = arith.constant 0 : i32
      %dma_start3A_28 = tpu.memref_slice %arg3[%arg0, %dma_start3A_26, %dma_start3A_27] : memref<2x16x10240xf32, #tpu.memory_space<hbm>> -> memref<1x16x10240xf32, #tpu.memory_space<hbm>>
      %dma_start3A_29 = tpu.memref_squeeze %dma_start3A_28 : memref<1x16x10240xf32, #tpu.memory_space<hbm>> -> memref<16x10240xf32, #tpu.memory_space<hbm>>
      %dma_start3A_30 = arith.constant 0 : i32
      %dma_start3A_31 = tpu.memref_slice %dma_start3A_29[%arg1, %dma_start3A_30] : memref<16x10240xf32, #tpu.memory_space<hbm>> -> memref<1x10240xf32, #tpu.memory_space<hbm>>
      %dma_start3A_32 = tpu.memref_squeeze %dma_start3A_31 : memref<1x10240xf32, #tpu.memory_space<hbm>> -> memref<10240xf32, #tpu.memory_space<hbm>>
      tpu.enqueue_dma source(%arg4 : memref<10240xf32, #tpu.memory_space<vmem>>) target(%dma_start3A_32 : memref<10240xf32, #tpu.memory_space<hbm>>) target_semaphore(%run_scoped3A : memref<!tpu.dma_semaphore, #tpu.memory_space<semaphore_mem>>)
      %dma_wait3A_33 = arith.constant 0 : i32
      %dma_wait3A_34 = arith.constant 0 : i32
      %dma_wait3A_35 = tpu.memref_slice %arg3[%arg0, %dma_wait3A_33, %dma_wait3A_34] : memref<2x16x10240xf32, #tpu.memory_space<hbm>> -> memref<1x16x10240xf32, #tpu.memory_space<hbm>>
      %dma_wait3A_36 = tpu.memref_squeeze %dma_wait3A_35 : memref<1x16x10240xf32, #tpu.memory_space<hbm>> -> memref<16x10240xf32, #tpu.memory_space<hbm>>
      %dma_wait3A_37 = arith.constant 0 : i32
      %dma_wait3A_38 = tpu.memref_slice %dma_wait3A_36[%arg1, %dma_wait3A_37] : memref<16x10240xf32, #tpu.memory_space<hbm>> -> memref<1x10240xf32, #tpu.memory_space<hbm>>
      %dma_wait3A_39 = tpu.memref_squeeze %dma_wait3A_38 : memref<1x10240xf32, #tpu.memory_space<hbm>> -> memref<10240xf32, #tpu.memory_space<hbm>>
      %dma_wait3A_40 = arith.constant 0 : i32
      %dma_wait3A_41 = arith.constant 0 : i32
      %dma_wait3A_42 = tpu.memref_slice %arg3[%arg0, %dma_wait3A_40, %dma_wait3A_41] : memref<2x16x10240xf32, #tpu.memory_space<hbm>> -> memref<1x16x10240xf32, #tpu.memory_space<hbm>>
      %dma_wait3A_43 = tpu.memref_squeeze %dma_wait3A_42 : memref<1x16x10240xf32, #tpu.memory_space<hbm>> -> memref<16x10240xf32, #tpu.memory_space<hbm>>
      %dma_wait3A_44 = arith.constant 0 : i32
      %dma_wait3A_45 = tpu.memref_slice %dma_wait3A_43[%arg1, %dma_wait3A_44] : memref<16x10240xf32, #tpu.memory_space<hbm>> -> memref<1x10240xf32, #tpu.memory_space<hbm>>
      %dma_wait3A_46 = tpu.memref_squeeze %dma_wait3A_45 : memref<1x10240xf32, #tpu.memory_space<hbm>> -> memref<10240xf32, #tpu.memory_space<hbm>>
      tpu.wait_dma2 semaphore(%run_scoped3A : memref<!tpu.dma_semaphore, #tpu.memory_space<semaphore_mem>>) src(%arg4 : memref<10240xf32, #tpu.memory_space<vmem>>) dst(%dma_wait3A_46 : memref<10240xf32, #tpu.memory_space<hbm>>)
      tpu.yield
    }) : () -> ()
    return
  }
}

#map = affine_map<(d0, d1) -> (0, 0)>
#map1 = affine_map<(d0, d1) -> (0, 0, 0)>
module attributes {stable_mosaic.version = 14 : i64} {
  func.func @accum(%arg0: i32, %arg1: i32, %arg2: memref<10240x128xf32, #tpu.memory_space<hbm>>, %arg3: memref<32x116x88xi32, #tpu.memory_space<hbm>>, %arg4: memref<32x116x88xi32, #tpu.memory_space<hbm>>, %arg5: memref<10240x128xf32, #tpu.memory_space<hbm>>, %arg6: memref<2x10240x128xf32, #tpu.memory_space<hbm>>, %arg7: memref<10240x128xf32, #tpu.memory_space<vmem_shared>>, %arg8: memref<4x88xi32, #tpu.memory_space<vmem>>, %arg9: memref<4x88xi32, #tpu.memory_space<vmem>>, %arg10: memref<88x128xf32, #tpu.memory_space<vmem>>, %arg11: memref<88x128xf32, #tpu.memory_space<vmem>>, %arg12: memref<88x128xf32, #tpu.memory_space<vmem>>, %arg13: memref<88x128xf32, #tpu.memory_space<vmem>>, %arg14: memref<!tpu.dma_semaphore, #tpu.memory_space<semaphore_mem>>, %arg15: memref<!tpu.dma_semaphore, #tpu.memory_space<semaphore_mem>>, %arg16: memref<!tpu.dma_semaphore, #tpu.memory_space<semaphore_mem>>, %arg17: memref<!tpu.dma_semaphore, #tpu.memory_space<semaphore_mem>>, %arg18: memref<!tpu.dma_semaphore, #tpu.memory_space<semaphore_mem>>, %arg19: memref<!tpu.dma_semaphore, #tpu.memory_space<semaphore_mem>>, %arg20: memref<!tpu.dma_semaphore, #tpu.memory_space<semaphore_mem>>, %arg21: memref<!tpu.dma_semaphore, #tpu.memory_space<semaphore_mem>>, %arg22: memref<!tpu.dma_semaphore, #tpu.memory_space<semaphore_mem>>, %arg23: memref<!tpu.dma_semaphore, #tpu.memory_space<semaphore_mem>>, %arg24: memref<!tpu.dma_semaphore, #tpu.memory_space<semaphore_mem>>, %arg25: memref<!tpu.dma_semaphore, #tpu.memory_space<semaphore_mem>>, %arg26: memref<!tpu.dma_semaphore, #tpu.memory_space<semaphore_mem>>) attributes {dimension_semantics = [#tpu.dimension_semantics<core_parallel>, #tpu.dimension_semantics<subcore_parallel>], iteration_bounds = array<i64: 2, 16>, scalar_prefetch = 0 : i64, scratch_operands = 20 : i64, tpu.core_type = #tpu.core_type<sc_vector_subcore>, window_params = [{transform_indices = #map}, {transform_indices = #map1}, {transform_indices = #map1}, {transform_indices = #map}, {transform_indices = #map1}]} {
    %mul3A = arith.constant 16 : i32
    %mul3A_0 = arith.muli %arg0, %mul3A : i32
    %add3A = arith.addi %mul3A_0, %arg1 : i32
    %mul3A_1 = arith.constant 640 : i32
    %mul3A_2 = arith.muli %arg1, %mul3A_1 : i32
    %dma_start3A = arith.constant 0 : i32
    %dma_start3A_3 = tpu.memref_slice %arg7[%mul3A_2, %dma_start3A] : memref<10240x128xf32, #tpu.memory_space<vmem_shared>> -> memref<640x128xf32, #tpu.memory_space<vmem_shared>>
    %dma_start3A_4 = arith.constant 0 : i32
    %dma_start3A_5 = tpu.memref_slice %arg5[%mul3A_2, %dma_start3A_4] : memref<10240x128xf32, #tpu.memory_space<hbm>> -> memref<640x128xf32, #tpu.memory_space<hbm>>
    tpu.enqueue_dma source(%dma_start3A_5 : memref<640x128xf32, #tpu.memory_space<hbm>>) target(%dma_start3A_3 : memref<640x128xf32, #tpu.memory_space<vmem_shared>>) target_semaphore(%arg26 : memref<!tpu.dma_semaphore, #tpu.memory_space<semaphore_mem>>)
    %dma_start3A_6 = arith.constant 0 : i32
    %dma_start3A_7 = arith.constant 0 : i32
    %dma_start3A_8 = arith.constant 0 : i32
    %dma_start3A_9 = tpu.memref_slice %arg8[%dma_start3A_7, %dma_start3A_8] : memref<4x88xi32, #tpu.memory_space<vmem>> -> memref<1x88xi32, #tpu.memory_space<vmem>>
    %dma_start3A_10 = tpu.memref_squeeze %dma_start3A_9 : memref<1x88xi32, #tpu.memory_space<vmem>> -> memref<88xi32, #tpu.memory_space<vmem>>
    %dma_start3A_11 = arith.constant 0 : i32
    %dma_start3A_12 = tpu.memref_slice %arg3[%add3A, %dma_start3A_6, %dma_start3A_11] : memref<32x116x88xi32, #tpu.memory_space<hbm>> -> memref<1x1x88xi32, #tpu.memory_space<hbm>>
    %dma_start3A_13 = tpu.memref_squeeze %dma_start3A_12 : memref<1x1x88xi32, #tpu.memory_space<hbm>> -> memref<88xi32, #tpu.memory_space<hbm>>
    %dma_start3A_14 = arith.constant 0 : i32
    %dma_start3A_15 = tpu.memref_slice %arg8[%dma_start3A_7, %dma_start3A_14] : memref<4x88xi32, #tpu.memory_space<vmem>> -> memref<1x88xi32, #tpu.memory_space<vmem>>
    %dma_start3A_16 = tpu.memref_squeeze %dma_start3A_15 : memref<1x88xi32, #tpu.memory_space<vmem>> -> memref<88xi32, #tpu.memory_space<vmem>>
    %dma_start3A_17 = arith.constant 0 : i32
    %dma_start3A_18 = tpu.memref_slice %arg3[%add3A, %dma_start3A_6, %dma_start3A_17] : memref<32x116x88xi32, #tpu.memory_space<hbm>> -> memref<1x1x88xi32, #tpu.memory_space<hbm>>
    %dma_start3A_19 = tpu.memref_squeeze %dma_start3A_18 : memref<1x1x88xi32, #tpu.memory_space<hbm>> -> memref<88xi32, #tpu.memory_space<hbm>>
    tpu.enqueue_dma source(%dma_start3A_19 : memref<88xi32, #tpu.memory_space<hbm>>) target(%dma_start3A_16 : memref<88xi32, #tpu.memory_space<vmem>>) target_semaphore(%arg14 : memref<!tpu.dma_semaphore, #tpu.memory_space<semaphore_mem>>)
    %dma_start3A_20 = arith.constant 0 : i32
    %dma_start3A_21 = arith.constant 0 : i32
    %dma_start3A_22 = arith.constant 0 : i32
    %dma_start3A_23 = tpu.memref_slice %arg9[%dma_start3A_21, %dma_start3A_22] : memref<4x88xi32, #tpu.memory_space<vmem>> -> memref<1x88xi32, #tpu.memory_space<vmem>>
    %dma_start3A_24 = tpu.memref_squeeze %dma_start3A_23 : memref<1x88xi32, #tpu.memory_space<vmem>> -> memref<88xi32, #tpu.memory_space<vmem>>
    %dma_start3A_25 = arith.constant 0 : i32
    %dma_start3A_26 = tpu.memref_slice %arg4[%add3A, %dma_start3A_20, %dma_start3A_25] : memref<32x116x88xi32, #tpu.memory_space<hbm>> -> memref<1x1x88xi32, #tpu.memory_space<hbm>>
    %dma_start3A_27 = tpu.memref_squeeze %dma_start3A_26 : memref<1x1x88xi32, #tpu.memory_space<hbm>> -> memref<88xi32, #tpu.memory_space<hbm>>
    %dma_start3A_28 = arith.constant 0 : i32
    %dma_start3A_29 = tpu.memref_slice %arg9[%dma_start3A_21, %dma_start3A_28] : memref<4x88xi32, #tpu.memory_space<vmem>> -> memref<1x88xi32, #tpu.memory_space<vmem>>
    %dma_start3A_30 = tpu.memref_squeeze %dma_start3A_29 : memref<1x88xi32, #tpu.memory_space<vmem>> -> memref<88xi32, #tpu.memory_space<vmem>>
    %dma_start3A_31 = arith.constant 0 : i32
    %dma_start3A_32 = tpu.memref_slice %arg4[%add3A, %dma_start3A_20, %dma_start3A_31] : memref<32x116x88xi32, #tpu.memory_space<hbm>> -> memref<1x1x88xi32, #tpu.memory_space<hbm>>
    %dma_start3A_33 = tpu.memref_squeeze %dma_start3A_32 : memref<1x1x88xi32, #tpu.memory_space<hbm>> -> memref<88xi32, #tpu.memory_space<hbm>>
    tpu.enqueue_dma source(%dma_start3A_33 : memref<88xi32, #tpu.memory_space<hbm>>) target(%dma_start3A_30 : memref<88xi32, #tpu.memory_space<vmem>>) target_semaphore(%arg14 : memref<!tpu.dma_semaphore, #tpu.memory_space<semaphore_mem>>)
    %dma_start3A_34 = arith.constant 1 : i32
    %dma_start3A_35 = arith.constant 1 : i32
    %dma_start3A_36 = arith.constant 0 : i32
    %dma_start3A_37 = tpu.memref_slice %arg8[%dma_start3A_35, %dma_start3A_36] : memref<4x88xi32, #tpu.memory_space<vmem>> -> memref<1x88xi32, #tpu.memory_space<vmem>>
    %dma_start3A_38 = tpu.memref_squeeze %dma_start3A_37 : memref<1x88xi32, #tpu.memory_space<vmem>> -> memref<88xi32, #tpu.memory_space<vmem>>
    %dma_start3A_39 = arith.constant 0 : i32
    %dma_start3A_40 = tpu.memref_slice %arg3[%add3A, %dma_start3A_34, %dma_start3A_39] : memref<32x116x88xi32, #tpu.memory_space<hbm>> -> memref<1x1x88xi32, #tpu.memory_space<hbm>>
    %dma_start3A_41 = tpu.memref_squeeze %dma_start3A_40 : memref<1x1x88xi32, #tpu.memory_space<hbm>> -> memref<88xi32, #tpu.memory_space<hbm>>
    %dma_start3A_42 = arith.constant 0 : i32
    %dma_start3A_43 = tpu.memref_slice %arg8[%dma_start3A_35, %dma_start3A_42] : memref<4x88xi32, #tpu.memory_space<vmem>> -> memref<1x88xi32, #tpu.memory_space<vmem>>
    %dma_start3A_44 = tpu.memref_squeeze %dma_start3A_43 : memref<1x88xi32, #tpu.memory_space<vmem>> -> memref<88xi32, #tpu.memory_space<vmem>>
    %dma_start3A_45 = arith.constant 0 : i32
    %dma_start3A_46 = tpu.memref_slice %arg3[%add3A, %dma_start3A_34, %dma_start3A_45] : memref<32x116x88xi32, #tpu.memory_space<hbm>> -> memref<1x1x88xi32, #tpu.memory_space<hbm>>
    %dma_start3A_47 = tpu.memref_squeeze %dma_start3A_46 : memref<1x1x88xi32, #tpu.memory_space<hbm>> -> memref<88xi32, #tpu.memory_space<hbm>>
    tpu.enqueue_dma source(%dma_start3A_47 : memref<88xi32, #tpu.memory_space<hbm>>) target(%dma_start3A_44 : memref<88xi32, #tpu.memory_space<vmem>>) target_semaphore(%arg15 : memref<!tpu.dma_semaphore, #tpu.memory_space<semaphore_mem>>)
    %dma_start3A_48 = arith.constant 1 : i32
    %dma_start3A_49 = arith.constant 1 : i32
    %dma_start3A_50 = arith.constant 0 : i32
    %dma_start3A_51 = tpu.memref_slice %arg9[%dma_start3A_49, %dma_start3A_50] : memref<4x88xi32, #tpu.memory_space<vmem>> -> memref<1x88xi32, #tpu.memory_space<vmem>>
    %dma_start3A_52 = tpu.memref_squeeze %dma_start3A_51 : memref<1x88xi32, #tpu.memory_space<vmem>> -> memref<88xi32, #tpu.memory_space<vmem>>
    %dma_start3A_53 = arith.constant 0 : i32
    %dma_start3A_54 = tpu.memref_slice %arg4[%add3A, %dma_start3A_48, %dma_start3A_53] : memref<32x116x88xi32, #tpu.memory_space<hbm>> -> memref<1x1x88xi32, #tpu.memory_space<hbm>>
    %dma_start3A_55 = tpu.memref_squeeze %dma_start3A_54 : memref<1x1x88xi32, #tpu.memory_space<hbm>> -> memref<88xi32, #tpu.memory_space<hbm>>
    %dma_start3A_56 = arith.constant 0 : i32
    %dma_start3A_57 = tpu.memref_slice %arg9[%dma_start3A_49, %dma_start3A_56] : memref<4x88xi32, #tpu.memory_space<vmem>> -> memref<1x88xi32, #tpu.memory_space<vmem>>
    %dma_start3A_58 = tpu.memref_squeeze %dma_start3A_57 : memref<1x88xi32, #tpu.memory_space<vmem>> -> memref<88xi32, #tpu.memory_space<vmem>>
    %dma_start3A_59 = arith.constant 0 : i32
    %dma_start3A_60 = tpu.memref_slice %arg4[%add3A, %dma_start3A_48, %dma_start3A_59] : memref<32x116x88xi32, #tpu.memory_space<hbm>> -> memref<1x1x88xi32, #tpu.memory_space<hbm>>
    %dma_start3A_61 = tpu.memref_squeeze %dma_start3A_60 : memref<1x1x88xi32, #tpu.memory_space<hbm>> -> memref<88xi32, #tpu.memory_space<hbm>>
    tpu.enqueue_dma source(%dma_start3A_61 : memref<88xi32, #tpu.memory_space<hbm>>) target(%dma_start3A_58 : memref<88xi32, #tpu.memory_space<vmem>>) target_semaphore(%arg15 : memref<!tpu.dma_semaphore, #tpu.memory_space<semaphore_mem>>)
    %dma_wait3A = arith.constant 0 : i32
    %dma_wait3A_62 = arith.constant 0 : i32
    %dma_wait3A_63 = arith.constant 0 : i32
    %dma_wait3A_64 = tpu.memref_slice %arg8[%dma_wait3A_62, %dma_wait3A_63] : memref<4x88xi32, #tpu.memory_space<vmem>> -> memref<1x88xi32, #tpu.memory_space<vmem>>
    %dma_wait3A_65 = tpu.memref_squeeze %dma_wait3A_64 : memref<1x88xi32, #tpu.memory_space<vmem>> -> memref<88xi32, #tpu.memory_space<vmem>>
    %dma_wait3A_66 = arith.constant 0 : i32
    %dma_wait3A_67 = tpu.memref_slice %arg3[%add3A, %dma_wait3A, %dma_wait3A_66] : memref<32x116x88xi32, #tpu.memory_space<hbm>> -> memref<1x1x88xi32, #tpu.memory_space<hbm>>
    %dma_wait3A_68 = tpu.memref_squeeze %dma_wait3A_67 : memref<1x1x88xi32, #tpu.memory_space<hbm>> -> memref<88xi32, #tpu.memory_space<hbm>>
    %dma_wait3A_69 = arith.constant 0 : i32
    %dma_wait3A_70 = tpu.memref_slice %arg8[%dma_wait3A_62, %dma_wait3A_69] : memref<4x88xi32, #tpu.memory_space<vmem>> -> memref<1x88xi32, #tpu.memory_space<vmem>>
    %dma_wait3A_71 = tpu.memref_squeeze %dma_wait3A_70 : memref<1x88xi32, #tpu.memory_space<vmem>> -> memref<88xi32, #tpu.memory_space<vmem>>
    %dma_wait3A_72 = arith.constant 0 : i32
    %dma_wait3A_73 = tpu.memref_slice %arg3[%add3A, %dma_wait3A, %dma_wait3A_72] : memref<32x116x88xi32, #tpu.memory_space<hbm>> -> memref<1x1x88xi32, #tpu.memory_space<hbm>>
    %dma_wait3A_74 = tpu.memref_squeeze %dma_wait3A_73 : memref<1x1x88xi32, #tpu.memory_space<hbm>> -> memref<88xi32, #tpu.memory_space<hbm>>
    tpu.wait_dma2 semaphore(%arg14 : memref<!tpu.dma_semaphore, #tpu.memory_space<semaphore_mem>>) src(%dma_wait3A_74 : memref<88xi32, #tpu.memory_space<hbm>>) dst(%dma_wait3A_71 : memref<88xi32, #tpu.memory_space<vmem>>)
    %dma_wait3A_75 = arith.constant 0 : i32
    %dma_wait3A_76 = arith.constant 0 : i32
    %dma_wait3A_77 = arith.constant 0 : i32
    %dma_wait3A_78 = tpu.memref_slice %arg9[%dma_wait3A_76, %dma_wait3A_77] : memref<4x88xi32, #tpu.memory_space<vmem>> -> memref<1x88xi32, #tpu.memory_space<vmem>>
    %dma_wait3A_79 = tpu.memref_squeeze %dma_wait3A_78 : memref<1x88xi32, #tpu.memory_space<vmem>> -> memref<88xi32, #tpu.memory_space<vmem>>
    %dma_wait3A_80 = arith.constant 0 : i32
    %dma_wait3A_81 = tpu.memref_slice %arg4[%add3A, %dma_wait3A_75, %dma_wait3A_80] : memref<32x116x88xi32, #tpu.memory_space<hbm>> -> memref<1x1x88xi32, #tpu.memory_space<hbm>>
    %dma_wait3A_82 = tpu.memref_squeeze %dma_wait3A_81 : memref<1x1x88xi32, #tpu.memory_space<hbm>> -> memref<88xi32, #tpu.memory_space<hbm>>
    %dma_wait3A_83 = arith.constant 0 : i32
    %dma_wait3A_84 = tpu.memref_slice %arg9[%dma_wait3A_76, %dma_wait3A_83] : memref<4x88xi32, #tpu.memory_space<vmem>> -> memref<1x88xi32, #tpu.memory_space<vmem>>
    %dma_wait3A_85 = tpu.memref_squeeze %dma_wait3A_84 : memref<1x88xi32, #tpu.memory_space<vmem>> -> memref<88xi32, #tpu.memory_space<vmem>>
    %dma_wait3A_86 = arith.constant 0 : i32
    %dma_wait3A_87 = tpu.memref_slice %arg4[%add3A, %dma_wait3A_75, %dma_wait3A_86] : memref<32x116x88xi32, #tpu.memory_space<hbm>> -> memref<1x1x88xi32, #tpu.memory_space<hbm>>
    %dma_wait3A_88 = tpu.memref_squeeze %dma_wait3A_87 : memref<1x1x88xi32, #tpu.memory_space<hbm>> -> memref<88xi32, #tpu.memory_space<hbm>>
    tpu.wait_dma2 semaphore(%arg14 : memref<!tpu.dma_semaphore, #tpu.memory_space<semaphore_mem>>) src(%dma_wait3A_88 : memref<88xi32, #tpu.memory_space<hbm>>) dst(%dma_wait3A_85 : memref<88xi32, #tpu.memory_space<vmem>>)
    %dma_start3A_89 = arith.constant 0 : i32
    %dma_start3A_90 = arith.constant 0 : i32
    %dma_start3A_91 = tpu.memref_slice %arg8[%dma_start3A_89, %dma_start3A_90] : memref<4x88xi32, #tpu.memory_space<vmem>> -> memref<1x88xi32, #tpu.memory_space<vmem>>
    %dma_start3A_92 = tpu.memref_squeeze %dma_start3A_91 : memref<1x88xi32, #tpu.memory_space<vmem>> -> memref<88xi32, #tpu.memory_space<vmem>>
    %dma_start3A_93 = arith.constant 0 : i32
    %dma_start3A_94 = arith.constant 0 : i32
    %dma_start3A_95 = tpu.memref_slice %arg2[%dma_start3A_93, %dma_start3A_94] : memref<10240x128xf32, #tpu.memory_space<hbm>> -> memref<10240x128xf32, #tpu.memory_space<hbm>>
    tpu.enqueue_indirect_dma source(%dma_start3A_95 : memref<10240x128xf32, #tpu.memory_space<hbm>>) target(%arg10 : memref<88x128xf32, #tpu.memory_space<vmem>>) offsets(%dma_start3A_92 : memref<88xi32, #tpu.memory_space<vmem>>) semaphore(%arg18 : memref<!tpu.dma_semaphore, #tpu.memory_space<semaphore_mem>>)
    %dma_wait3A_96 = arith.constant 0 : i32
    %dma_wait3A_97 = tpu.memref_slice %arg7[%mul3A_2, %dma_wait3A_96] : memref<10240x128xf32, #tpu.memory_space<vmem_shared>> -> memref<640x128xf32, #tpu.memory_space<vmem_shared>>
    %dma_wait3A_98 = arith.constant 0 : i32
    %dma_wait3A_99 = tpu.memref_slice %arg5[%mul3A_2, %dma_wait3A_98] : memref<10240x128xf32, #tpu.memory_space<hbm>> -> memref<640x128xf32, #tpu.memory_space<hbm>>
    tpu.wait_dma2 semaphore(%arg26 : memref<!tpu.dma_semaphore, #tpu.memory_space<semaphore_mem>>) src(%dma_wait3A_99 : memref<640x128xf32, #tpu.memory_space<hbm>>) dst(%dma_wait3A_97 : memref<640x128xf32, #tpu.memory_space<vmem_shared>>)
    %barrier3A = arith.constant 0 : index
    tpu.barrier barrier_id(%barrier3A)
    %dma_start3A_100 = arith.constant 2 : i32
    %dma_start3A_101 = arith.constant 2 : i32
    %dma_start3A_102 = arith.constant 0 : i32
    %dma_start3A_103 = tpu.memref_slice %arg8[%dma_start3A_101, %dma_start3A_102] : memref<4x88xi32, #tpu.memory_space<vmem>> -> memref<1x88xi32, #tpu.memory_space<vmem>>
    %dma_start3A_104 = tpu.memref_squeeze %dma_start3A_103 : memref<1x88xi32, #tpu.memory_space<vmem>> -> memref<88xi32, #tpu.memory_space<vmem>>
    %dma_start3A_105 = arith.constant 0 : i32
    %dma_start3A_106 = tpu.memref_slice %arg3[%add3A, %dma_start3A_100, %dma_start3A_105] : memref<32x116x88xi32, #tpu.memory_space<hbm>> -> memref<1x1x88xi32, #tpu.memory_space<hbm>>
    %dma_start3A_107 = tpu.memref_squeeze %dma_start3A_106 : memref<1x1x88xi32, #tpu.memory_space<hbm>> -> memref<88xi32, #tpu.memory_space<hbm>>
    %dma_start3A_108 = arith.constant 0 : i32
    %dma_start3A_109 = tpu.memref_slice %arg8[%dma_start3A_101, %dma_start3A_108] : memref<4x88xi32, #tpu.memory_space<vmem>> -> memref<1x88xi32, #tpu.memory_space<vmem>>
    %dma_start3A_110 = tpu.memref_squeeze %dma_start3A_109 : memref<1x88xi32, #tpu.memory_space<vmem>> -> memref<88xi32, #tpu.memory_space<vmem>>
    %dma_start3A_111 = arith.constant 0 : i32
    %dma_start3A_112 = tpu.memref_slice %arg3[%add3A, %dma_start3A_100, %dma_start3A_111] : memref<32x116x88xi32, #tpu.memory_space<hbm>> -> memref<1x1x88xi32, #tpu.memory_space<hbm>>
    %dma_start3A_113 = tpu.memref_squeeze %dma_start3A_112 : memref<1x1x88xi32, #tpu.memory_space<hbm>> -> memref<88xi32, #tpu.memory_space<hbm>>
    tpu.enqueue_dma source(%dma_start3A_113 : memref<88xi32, #tpu.memory_space<hbm>>) target(%dma_start3A_110 : memref<88xi32, #tpu.memory_space<vmem>>) target_semaphore(%arg16 : memref<!tpu.dma_semaphore, #tpu.memory_space<semaphore_mem>>)
    %dma_start3A_114 = arith.constant 2 : i32
    %dma_start3A_115 = arith.constant 2 : i32
    %dma_start3A_116 = arith.constant 0 : i32
    %dma_start3A_117 = tpu.memref_slice %arg9[%dma_start3A_115, %dma_start3A_116] : memref<4x88xi32, #tpu.memory_space<vmem>> -> memref<1x88xi32, #tpu.memory_space<vmem>>
    %dma_start3A_118 = tpu.memref_squeeze %dma_start3A_117 : memref<1x88xi32, #tpu.memory_space<vmem>> -> memref<88xi32, #tpu.memory_space<vmem>>
    %dma_start3A_119 = arith.constant 0 : i32
    %dma_start3A_120 = tpu.memref_slice %arg4[%add3A, %dma_start3A_114, %dma_start3A_119] : memref<32x116x88xi32, #tpu.memory_space<hbm>> -> memref<1x1x88xi32, #tpu.memory_space<hbm>>
    %dma_start3A_121 = tpu.memref_squeeze %dma_start3A_120 : memref<1x1x88xi32, #tpu.memory_space<hbm>> -> memref<88xi32, #tpu.memory_space<hbm>>
    %dma_start3A_122 = arith.constant 0 : i32
    %dma_start3A_123 = tpu.memref_slice %arg9[%dma_start3A_115, %dma_start3A_122] : memref<4x88xi32, #tpu.memory_space<vmem>> -> memref<1x88xi32, #tpu.memory_space<vmem>>
    %dma_start3A_124 = tpu.memref_squeeze %dma_start3A_123 : memref<1x88xi32, #tpu.memory_space<vmem>> -> memref<88xi32, #tpu.memory_space<vmem>>
    %dma_start3A_125 = arith.constant 0 : i32
    %dma_start3A_126 = tpu.memref_slice %arg4[%add3A, %dma_start3A_114, %dma_start3A_125] : memref<32x116x88xi32, #tpu.memory_space<hbm>> -> memref<1x1x88xi32, #tpu.memory_space<hbm>>
    %dma_start3A_127 = tpu.memref_squeeze %dma_start3A_126 : memref<1x1x88xi32, #tpu.memory_space<hbm>> -> memref<88xi32, #tpu.memory_space<hbm>>
    tpu.enqueue_dma source(%dma_start3A_127 : memref<88xi32, #tpu.memory_space<hbm>>) target(%dma_start3A_124 : memref<88xi32, #tpu.memory_space<vmem>>) target_semaphore(%arg16 : memref<!tpu.dma_semaphore, #tpu.memory_space<semaphore_mem>>)
    %dma_wait3A_128 = arith.constant 0 : i32
    %dma_wait3A_129 = arith.constant 1 : i32
    %dma_wait3A_130 = arith.constant 0 : i32
    %dma_wait3A_131 = tpu.memref_slice %arg8[%dma_wait3A_129, %dma_wait3A_130] : memref<4x88xi32, #tpu.memory_space<vmem>> -> memref<1x88xi32, #tpu.memory_space<vmem>>
    %dma_wait3A_132 = tpu.memref_squeeze %dma_wait3A_131 : memref<1x88xi32, #tpu.memory_space<vmem>> -> memref<88xi32, #tpu.memory_space<vmem>>
    %dma_wait3A_133 = arith.constant 0 : i32
    %dma_wait3A_134 = tpu.memref_slice %arg3[%add3A, %dma_wait3A_128, %dma_wait3A_133] : memref<32x116x88xi32, #tpu.memory_space<hbm>> -> memref<1x1x88xi32, #tpu.memory_space<hbm>>
    %dma_wait3A_135 = tpu.memref_squeeze %dma_wait3A_134 : memref<1x1x88xi32, #tpu.memory_space<hbm>> -> memref<88xi32, #tpu.memory_space<hbm>>
    %dma_wait3A_136 = arith.constant 0 : i32
    %dma_wait3A_137 = tpu.memref_slice %arg8[%dma_wait3A_129, %dma_wait3A_136] : memref<4x88xi32, #tpu.memory_space<vmem>> -> memref<1x88xi32, #tpu.memory_space<vmem>>
    %dma_wait3A_138 = tpu.memref_squeeze %dma_wait3A_137 : memref<1x88xi32, #tpu.memory_space<vmem>> -> memref<88xi32, #tpu.memory_space<vmem>>
    %dma_wait3A_139 = arith.constant 0 : i32
    %dma_wait3A_140 = tpu.memref_slice %arg3[%add3A, %dma_wait3A_128, %dma_wait3A_139] : memref<32x116x88xi32, #tpu.memory_space<hbm>> -> memref<1x1x88xi32, #tpu.memory_space<hbm>>
    %dma_wait3A_141 = tpu.memref_squeeze %dma_wait3A_140 : memref<1x1x88xi32, #tpu.memory_space<hbm>> -> memref<88xi32, #tpu.memory_space<hbm>>
    tpu.wait_dma2 semaphore(%arg15 : memref<!tpu.dma_semaphore, #tpu.memory_space<semaphore_mem>>) src(%dma_wait3A_141 : memref<88xi32, #tpu.memory_space<hbm>>) dst(%dma_wait3A_138 : memref<88xi32, #tpu.memory_space<vmem>>)
    %dma_wait3A_142 = arith.constant 0 : i32
    %dma_wait3A_143 = arith.constant 1 : i32
    %dma_wait3A_144 = arith.constant 0 : i32
    %dma_wait3A_145 = tpu.memref_slice %arg9[%dma_wait3A_143, %dma_wait3A_144] : memref<4x88xi32, #tpu.memory_space<vmem>> -> memref<1x88xi32, #tpu.memory_space<vmem>>
    %dma_wait3A_146 = tpu.memref_squeeze %dma_wait3A_145 : memref<1x88xi32, #tpu.memory_space<vmem>> -> memref<88xi32, #tpu.memory_space<vmem>>
    %dma_wait3A_147 = arith.constant 0 : i32
    %dma_wait3A_148 = tpu.memref_slice %arg4[%add3A, %dma_wait3A_142, %dma_wait3A_147] : memref<32x116x88xi32, #tpu.memory_space<hbm>> -> memref<1x1x88xi32, #tpu.memory_space<hbm>>
    %dma_wait3A_149 = tpu.memref_squeeze %dma_wait3A_148 : memref<1x1x88xi32, #tpu.memory_space<hbm>> -> memref<88xi32, #tpu.memory_space<hbm>>
    %dma_wait3A_150 = arith.constant 0 : i32
    %dma_wait3A_151 = tpu.memref_slice %arg9[%dma_wait3A_143, %dma_wait3A_150] : memref<4x88xi32, #tpu.memory_space<vmem>> -> memref<1x88xi32, #tpu.memory_space<vmem>>
    %dma_wait3A_152 = tpu.memref_squeeze %dma_wait3A_151 : memref<1x88xi32, #tpu.memory_space<vmem>> -> memref<88xi32, #tpu.memory_space<vmem>>
    %dma_wait3A_153 = arith.constant 0 : i32
    %dma_wait3A_154 = tpu.memref_slice %arg4[%add3A, %dma_wait3A_142, %dma_wait3A_153] : memref<32x116x88xi32, #tpu.memory_space<hbm>> -> memref<1x1x88xi32, #tpu.memory_space<hbm>>
    %dma_wait3A_155 = tpu.memref_squeeze %dma_wait3A_154 : memref<1x1x88xi32, #tpu.memory_space<hbm>> -> memref<88xi32, #tpu.memory_space<hbm>>
    tpu.wait_dma2 semaphore(%arg15 : memref<!tpu.dma_semaphore, #tpu.memory_space<semaphore_mem>>) src(%dma_wait3A_155 : memref<88xi32, #tpu.memory_space<hbm>>) dst(%dma_wait3A_152 : memref<88xi32, #tpu.memory_space<vmem>>)
    %dma_start3A_156 = arith.constant 1 : i32
    %dma_start3A_157 = arith.constant 0 : i32
    %dma_start3A_158 = tpu.memref_slice %arg8[%dma_start3A_156, %dma_start3A_157] : memref<4x88xi32, #tpu.memory_space<vmem>> -> memref<1x88xi32, #tpu.memory_space<vmem>>
    %dma_start3A_159 = tpu.memref_squeeze %dma_start3A_158 : memref<1x88xi32, #tpu.memory_space<vmem>> -> memref<88xi32, #tpu.memory_space<vmem>>
    %dma_start3A_160 = arith.constant 0 : i32
    %dma_start3A_161 = arith.constant 0 : i32
    %dma_start3A_162 = tpu.memref_slice %arg2[%dma_start3A_160, %dma_start3A_161] : memref<10240x128xf32, #tpu.memory_space<hbm>> -> memref<10240x128xf32, #tpu.memory_space<hbm>>
    tpu.enqueue_indirect_dma source(%dma_start3A_162 : memref<10240x128xf32, #tpu.memory_space<hbm>>) target(%arg11 : memref<88x128xf32, #tpu.memory_space<vmem>>) offsets(%dma_start3A_159 : memref<88xi32, #tpu.memory_space<vmem>>) semaphore(%arg19 : memref<!tpu.dma_semaphore, #tpu.memory_space<semaphore_mem>>)
    %dma_wait3A_163 = arith.constant 0 : i32
    %dma_wait3A_164 = arith.constant 0 : i32
    %dma_wait3A_165 = tpu.memref_slice %arg8[%dma_wait3A_163, %dma_wait3A_164] : memref<4x88xi32, #tpu.memory_space<vmem>> -> memref<1x88xi32, #tpu.memory_space<vmem>>
    %dma_wait3A_166 = tpu.memref_squeeze %dma_wait3A_165 : memref<1x88xi32, #tpu.memory_space<vmem>> -> memref<88xi32, #tpu.memory_space<vmem>>
    %dma_wait3A_167 = arith.constant 0 : i32
    %dma_wait3A_168 = arith.constant 0 : i32
    %dma_wait3A_169 = tpu.memref_slice %arg2[%dma_wait3A_167, %dma_wait3A_168] : memref<10240x128xf32, #tpu.memory_space<hbm>> -> memref<10240x128xf32, #tpu.memory_space<hbm>>
    tpu.wait_indirect_dma semaphore(%arg18 : memref<!tpu.dma_semaphore, #tpu.memory_space<semaphore_mem>>) src(%dma_wait3A_169 : memref<10240x128xf32, #tpu.memory_space<hbm>>) dst(%arg10 : memref<88x128xf32, #tpu.memory_space<vmem>>)
    %dma_start3A_170 = arith.constant 0 : i32
    %dma_start3A_171 = arith.constant 0 : i32
    %dma_start3A_172 = tpu.memref_slice %arg9[%dma_start3A_170, %dma_start3A_171] : memref<4x88xi32, #tpu.memory_space<vmem>> -> memref<1x88xi32, #tpu.memory_space<vmem>>
    %dma_start3A_173 = tpu.memref_squeeze %dma_start3A_172 : memref<1x88xi32, #tpu.memory_space<vmem>> -> memref<88xi32, #tpu.memory_space<vmem>>
    %dma_start3A_174 = arith.constant 0 : i32
    %dma_start3A_175 = arith.constant 0 : i32
    %dma_start3A_176 = tpu.memref_slice %arg7[%dma_start3A_174, %dma_start3A_175] : memref<10240x128xf32, #tpu.memory_space<vmem_shared>> -> memref<10240x128xf32, #tpu.memory_space<vmem_shared>>
    tpu.enqueue_indirect_dma source(%arg10 : memref<88x128xf32, #tpu.memory_space<vmem>>) target(%dma_start3A_176 : memref<10240x128xf32, #tpu.memory_space<vmem_shared>>) offsets(%dma_start3A_173 : memref<88xi32, #tpu.memory_space<vmem>>) semaphore(%arg22 : memref<!tpu.dma_semaphore, #tpu.memory_space<semaphore_mem>>) {add = true}
    %dma_start3A_177 = arith.constant 3 : i32
    %dma_start3A_178 = arith.constant 3 : i32
    %dma_start3A_179 = arith.constant 0 : i32
    %dma_start3A_180 = tpu.memref_slice %arg8[%dma_start3A_178, %dma_start3A_179] : memref<4x88xi32, #tpu.memory_space<vmem>> -> memref<1x88xi32, #tpu.memory_space<vmem>>
    %dma_start3A_181 = tpu.memref_squeeze %dma_start3A_180 : memref<1x88xi32, #tpu.memory_space<vmem>> -> memref<88xi32, #tpu.memory_space<vmem>>
    %dma_start3A_182 = arith.constant 0 : i32
    %dma_start3A_183 = tpu.memref_slice %arg3[%add3A, %dma_start3A_177, %dma_start3A_182] : memref<32x116x88xi32, #tpu.memory_space<hbm>> -> memref<1x1x88xi32, #tpu.memory_space<hbm>>
    %dma_start3A_184 = tpu.memref_squeeze %dma_start3A_183 : memref<1x1x88xi32, #tpu.memory_space<hbm>> -> memref<88xi32, #tpu.memory_space<hbm>>
    %dma_start3A_185 = arith.constant 0 : i32
    %dma_start3A_186 = tpu.memref_slice %arg8[%dma_start3A_178, %dma_start3A_185] : memref<4x88xi32, #tpu.memory_space<vmem>> -> memref<1x88xi32, #tpu.memory_space<vmem>>
    %dma_start3A_187 = tpu.memref_squeeze %dma_start3A_186 : memref<1x88xi32, #tpu.memory_space<vmem>> -> memref<88xi32, #tpu.memory_space<vmem>>
    %dma_start3A_188 = arith.constant 0 : i32
    %dma_start3A_189 = tpu.memref_slice %arg3[%add3A, %dma_start3A_177, %dma_start3A_188] : memref<32x116x88xi32, #tpu.memory_space<hbm>> -> memref<1x1x88xi32, #tpu.memory_space<hbm>>
    %dma_start3A_190 = tpu.memref_squeeze %dma_start3A_189 : memref<1x1x88xi32, #tpu.memory_space<hbm>> -> memref<88xi32, #tpu.memory_space<hbm>>
    tpu.enqueue_dma source(%dma_start3A_190 : memref<88xi32, #tpu.memory_space<hbm>>) target(%dma_start3A_187 : memref<88xi32, #tpu.memory_space<vmem>>) target_semaphore(%arg17 : memref<!tpu.dma_semaphore, #tpu.memory_space<semaphore_mem>>)
    %dma_start3A_191 = arith.constant 3 : i32
    %dma_start3A_192 = arith.constant 3 : i32
    %dma_start3A_193 = arith.constant 0 : i32
    %dma_start3A_194 = tpu.memref_slice %arg9[%dma_start3A_192, %dma_start3A_193] : memref<4x88xi32, #tpu.memory_space<vmem>> -> memref<1x88xi32, #tpu.memory_space<vmem>>
    %dma_start3A_195 = tpu.memref_squeeze %dma_start3A_194 : memref<1x88xi32, #tpu.memory_space<vmem>> -> memref<88xi32, #tpu.memory_space<vmem>>
    %dma_start3A_196 = arith.constant 0 : i32
    %dma_start3A_197 = tpu.memref_slice %arg4[%add3A, %dma_start3A_191, %dma_start3A_196] : memref<32x116x88xi32, #tpu.memory_space<hbm>> -> memref<1x1x88xi32, #tpu.memory_space<hbm>>
    %dma_start3A_198 = tpu.memref_squeeze %dma_start3A_197 : memref<1x1x88xi32, #tpu.memory_space<hbm>> -> memref<88xi32, #tpu.memory_space<hbm>>
    %dma_start3A_199 = arith.constant 0 : i32
    %dma_start3A_200 = tpu.memref_slice %arg9[%dma_start3A_192, %dma_start3A_199] : memref<4x88xi32, #tpu.memory_space<vmem>> -> memref<1x88xi32, #tpu.memory_space<vmem>>
    %dma_start3A_201 = tpu.memref_squeeze %dma_start3A_200 : memref<1x88xi32, #tpu.memory_space<vmem>> -> memref<88xi32, #tpu.memory_space<vmem>>
    %dma_start3A_202 = arith.constant 0 : i32
    %dma_start3A_203 = tpu.memref_slice %arg4[%add3A, %dma_start3A_191, %dma_start3A_202] : memref<32x116x88xi32, #tpu.memory_space<hbm>> -> memref<1x1x88xi32, #tpu.memory_space<hbm>>
    %dma_start3A_204 = tpu.memref_squeeze %dma_start3A_203 : memref<1x1x88xi32, #tpu.memory_space<hbm>> -> memref<88xi32, #tpu.memory_space<hbm>>
    tpu.enqueue_dma source(%dma_start3A_204 : memref<88xi32, #tpu.memory_space<hbm>>) target(%dma_start3A_201 : memref<88xi32, #tpu.memory_space<vmem>>) target_semaphore(%arg17 : memref<!tpu.dma_semaphore, #tpu.memory_space<semaphore_mem>>)
    %dma_wait3A_205 = arith.constant 0 : i32
    %dma_wait3A_206 = arith.constant 2 : i32
    %dma_wait3A_207 = arith.constant 0 : i32
    %dma_wait3A_208 = tpu.memref_slice %arg8[%dma_wait3A_206, %dma_wait3A_207] : memref<4x88xi32, #tpu.memory_space<vmem>> -> memref<1x88xi32, #tpu.memory_space<vmem>>
    %dma_wait3A_209 = tpu.memref_squeeze %dma_wait3A_208 : memref<1x88xi32, #tpu.memory_space<vmem>> -> memref<88xi32, #tpu.memory_space<vmem>>
    %dma_wait3A_210 = arith.constant 0 : i32
    %dma_wait3A_211 = tpu.memref_slice %arg3[%add3A, %dma_wait3A_205, %dma_wait3A_210] : memref<32x116x88xi32, #tpu.memory_space<hbm>> -> memref<1x1x88xi32, #tpu.memory_space<hbm>>
    %dma_wait3A_212 = tpu.memref_squeeze %dma_wait3A_211 : memref<1x1x88xi32, #tpu.memory_space<hbm>> -> memref<88xi32, #tpu.memory_space<hbm>>
    %dma_wait3A_213 = arith.constant 0 : i32
    %dma_wait3A_214 = tpu.memref_slice %arg8[%dma_wait3A_206, %dma_wait3A_213] : memref<4x88xi32, #tpu.memory_space<vmem>> -> memref<1x88xi32, #tpu.memory_space<vmem>>
    %dma_wait3A_215 = tpu.memref_squeeze %dma_wait3A_214 : memref<1x88xi32, #tpu.memory_space<vmem>> -> memref<88xi32, #tpu.memory_space<vmem>>
    %dma_wait3A_216 = arith.constant 0 : i32
    %dma_wait3A_217 = tpu.memref_slice %arg3[%add3A, %dma_wait3A_205, %dma_wait3A_216] : memref<32x116x88xi32, #tpu.memory_space<hbm>> -> memref<1x1x88xi32, #tpu.memory_space<hbm>>
    %dma_wait3A_218 = tpu.memref_squeeze %dma_wait3A_217 : memref<1x1x88xi32, #tpu.memory_space<hbm>> -> memref<88xi32, #tpu.memory_space<hbm>>
    tpu.wait_dma2 semaphore(%arg16 : memref<!tpu.dma_semaphore, #tpu.memory_space<semaphore_mem>>) src(%dma_wait3A_218 : memref<88xi32, #tpu.memory_space<hbm>>) dst(%dma_wait3A_215 : memref<88xi32, #tpu.memory_space<vmem>>)
    %dma_wait3A_219 = arith.constant 0 : i32
    %dma_wait3A_220 = arith.constant 2 : i32
    %dma_wait3A_221 = arith.constant 0 : i32
    %dma_wait3A_222 = tpu.memref_slice %arg9[%dma_wait3A_220, %dma_wait3A_221] : memref<4x88xi32, #tpu.memory_space<vmem>> -> memref<1x88xi32, #tpu.memory_space<vmem>>
    %dma_wait3A_223 = tpu.memref_squeeze %dma_wait3A_222 : memref<1x88xi32, #tpu.memory_space<vmem>> -> memref<88xi32, #tpu.memory_space<vmem>>
    %dma_wait3A_224 = arith.constant 0 : i32
    %dma_wait3A_225 = tpu.memref_slice %arg4[%add3A, %dma_wait3A_219, %dma_wait3A_224] : memref<32x116x88xi32, #tpu.memory_space<hbm>> -> memref<1x1x88xi32, #tpu.memory_space<hbm>>
    %dma_wait3A_226 = tpu.memref_squeeze %dma_wait3A_225 : memref<1x1x88xi32, #tpu.memory_space<hbm>> -> memref<88xi32, #tpu.memory_space<hbm>>
    %dma_wait3A_227 = arith.constant 0 : i32
    %dma_wait3A_228 = tpu.memref_slice %arg9[%dma_wait3A_220, %dma_wait3A_227] : memref<4x88xi32, #tpu.memory_space<vmem>> -> memref<1x88xi32, #tpu.memory_space<vmem>>
    %dma_wait3A_229 = tpu.memref_squeeze %dma_wait3A_228 : memref<1x88xi32, #tpu.memory_space<vmem>> -> memref<88xi32, #tpu.memory_space<vmem>>
    %dma_wait3A_230 = arith.constant 0 : i32
    %dma_wait3A_231 = tpu.memref_slice %arg4[%add3A, %dma_wait3A_219, %dma_wait3A_230] : memref<32x116x88xi32, #tpu.memory_space<hbm>> -> memref<1x1x88xi32, #tpu.memory_space<hbm>>
    %dma_wait3A_232 = tpu.memref_squeeze %dma_wait3A_231 : memref<1x1x88xi32, #tpu.memory_space<hbm>> -> memref<88xi32, #tpu.memory_space<hbm>>
    tpu.wait_dma2 semaphore(%arg16 : memref<!tpu.dma_semaphore, #tpu.memory_space<semaphore_mem>>) src(%dma_wait3A_232 : memref<88xi32, #tpu.memory_space<hbm>>) dst(%dma_wait3A_229 : memref<88xi32, #tpu.memory_space<vmem>>)
    %dma_start3A_233 = arith.constant 2 : i32
    %dma_start3A_234 = arith.constant 0 : i32
    %dma_start3A_235 = tpu.memref_slice %arg8[%dma_start3A_233, %dma_start3A_234] : memref<4x88xi32, #tpu.memory_space<vmem>> -> memref<1x88xi32, #tpu.memory_space<vmem>>
    %dma_start3A_236 = tpu.memref_squeeze %dma_start3A_235 : memref<1x88xi32, #tpu.memory_space<vmem>> -> memref<88xi32, #tpu.memory_space<vmem>>
    %dma_start3A_237 = arith.constant 0 : i32
    %dma_start3A_238 = arith.constant 0 : i32
    %dma_start3A_239 = tpu.memref_slice %arg2[%dma_start3A_237, %dma_start3A_238] : memref<10240x128xf32, #tpu.memory_space<hbm>> -> memref<10240x128xf32, #tpu.memory_space<hbm>>
    tpu.enqueue_indirect_dma source(%dma_start3A_239 : memref<10240x128xf32, #tpu.memory_space<hbm>>) target(%arg12 : memref<88x128xf32, #tpu.memory_space<vmem>>) offsets(%dma_start3A_236 : memref<88xi32, #tpu.memory_space<vmem>>) semaphore(%arg20 : memref<!tpu.dma_semaphore, #tpu.memory_space<semaphore_mem>>)
    %dma_wait3A_240 = arith.constant 0 : i32
    %dma_wait3A_241 = arith.constant 0 : i32
    %dma_wait3A_242 = tpu.memref_slice %arg8[%dma_wait3A_240, %dma_wait3A_241] : memref<4x88xi32, #tpu.memory_space<vmem>> -> memref<1x88xi32, #tpu.memory_space<vmem>>
    %dma_wait3A_243 = tpu.memref_squeeze %dma_wait3A_242 : memref<1x88xi32, #tpu.memory_space<vmem>> -> memref<88xi32, #tpu.memory_space<vmem>>
    %dma_wait3A_244 = arith.constant 0 : i32
    %dma_wait3A_245 = arith.constant 0 : i32
    %dma_wait3A_246 = tpu.memref_slice %arg2[%dma_wait3A_244, %dma_wait3A_245] : memref<10240x128xf32, #tpu.memory_space<hbm>> -> memref<10240x128xf32, #tpu.memory_space<hbm>>
    tpu.wait_indirect_dma semaphore(%arg19 : memref<!tpu.dma_semaphore, #tpu.memory_space<semaphore_mem>>) src(%dma_wait3A_246 : memref<10240x128xf32, #tpu.memory_space<hbm>>) dst(%arg11 : memref<88x128xf32, #tpu.memory_space<vmem>>)
    %dma_start3A_247 = arith.constant 1 : i32
    %dma_start3A_248 = arith.constant 0 : i32
    %dma_start3A_249 = tpu.memref_slice %arg9[%dma_start3A_247, %dma_start3A_248] : memref<4x88xi32, #tpu.memory_space<vmem>> -> memref<1x88xi32, #tpu.memory_space<vmem>>
    %dma_start3A_250 = tpu.memref_squeeze %dma_start3A_249 : memref<1x88xi32, #tpu.memory_space<vmem>> -> memref<88xi32, #tpu.memory_space<vmem>>
    %dma_start3A_251 = arith.constant 0 : i32
    %dma_start3A_252 = arith.constant 0 : i32
    %dma_start3A_253 = tpu.memref_slice %arg7[%dma_start3A_251, %dma_start3A_252] : memref<10240x128xf32, #tpu.memory_space<vmem_shared>> -> memref<10240x128xf32, #tpu.memory_space<vmem_shared>>
    tpu.enqueue_indirect_dma source(%arg11 : memref<88x128xf32, #tpu.memory_space<vmem>>) target(%dma_start3A_253 : memref<10240x128xf32, #tpu.memory_space<vmem_shared>>) offsets(%dma_start3A_250 : memref<88xi32, #tpu.memory_space<vmem>>) semaphore(%arg23 : memref<!tpu.dma_semaphore, #tpu.memory_space<semaphore_mem>>) {add = true}
    %scan3A = arith.constant 0 : i32
    %scan3A_254 = arith.constant 28 : i32
    %scan3A_255 = arith.addi %scan3A, %scan3A_254 : i32
    %scan3A_256 = arith.constant 1 : i32
    scf.for %scan3A_350 = %scan3A to %scan3A_255 step %scan3A_256  : i32 {
      %mul3A_351 = arith.constant 1 : i32
      %mul3A_352 = arith.muli %scan3A_350, %mul3A_351 : i32
      %add3A_353 = arith.constant 1 : i32
      %add3A_354 = arith.addi %add3A_353, %mul3A_352 : i32
      %dma_wait3A_355 = arith.constant 0 : i32
      %dma_wait3A_356 = arith.constant 0 : i32
      %dma_wait3A_357 = tpu.memref_slice %arg9[%dma_wait3A_355, %dma_wait3A_356] : memref<4x88xi32, #tpu.memory_space<vmem>> -> memref<1x88xi32, #tpu.memory_space<vmem>>
      %dma_wait3A_358 = tpu.memref_squeeze %dma_wait3A_357 : memref<1x88xi32, #tpu.memory_space<vmem>> -> memref<88xi32, #tpu.memory_space<vmem>>
      %dma_wait3A_359 = arith.constant 0 : i32
      %dma_wait3A_360 = arith.constant 0 : i32
      %dma_wait3A_361 = tpu.memref_slice %arg7[%dma_wait3A_359, %dma_wait3A_360] : memref<10240x128xf32, #tpu.memory_space<vmem_shared>> -> memref<10240x128xf32, #tpu.memory_space<vmem_shared>>
      tpu.wait_indirect_dma semaphore(%arg22 : memref<!tpu.dma_semaphore, #tpu.memory_space<semaphore_mem>>) src(%arg10 : memref<88x128xf32, #tpu.memory_space<vmem>>) dst(%dma_wait3A_361 : memref<10240x128xf32, #tpu.memory_space<vmem_shared>>)
      %mul3A_362 = arith.constant 4 : i32
      %mul3A_363 = arith.muli %add3A_354, %mul3A_362 : i32
      %add3A_364 = arith.constant 0 : i32
      %add3A_365 = arith.addi %mul3A_363, %add3A_364 : i32
      %dma_start3A_366 = arith.constant 0 : i32
      %dma_start3A_367 = arith.constant 0 : i32
      %dma_start3A_368 = tpu.memref_slice %arg8[%dma_start3A_366, %dma_start3A_367] : memref<4x88xi32, #tpu.memory_space<vmem>> -> memref<1x88xi32, #tpu.memory_space<vmem>>
      %dma_start3A_369 = tpu.memref_squeeze %dma_start3A_368 : memref<1x88xi32, #tpu.memory_space<vmem>> -> memref<88xi32, #tpu.memory_space<vmem>>
      %dma_start3A_370 = arith.constant 0 : i32
      %dma_start3A_371 = tpu.memref_slice %arg3[%add3A, %add3A_365, %dma_start3A_370] : memref<32x116x88xi32, #tpu.memory_space<hbm>> -> memref<1x1x88xi32, #tpu.memory_space<hbm>>
      %dma_start3A_372 = tpu.memref_squeeze %dma_start3A_371 : memref<1x1x88xi32, #tpu.memory_space<hbm>> -> memref<88xi32, #tpu.memory_space<hbm>>
      %dma_start3A_373 = arith.constant 0 : i32
      %dma_start3A_374 = tpu.memref_slice %arg8[%dma_start3A_366, %dma_start3A_373] : memref<4x88xi32, #tpu.memory_space<vmem>> -> memref<1x88xi32, #tpu.memory_space<vmem>>
      %dma_start3A_375 = tpu.memref_squeeze %dma_start3A_374 : memref<1x88xi32, #tpu.memory_space<vmem>> -> memref<88xi32, #tpu.memory_space<vmem>>
      %dma_start3A_376 = arith.constant 0 : i32
      %dma_start3A_377 = tpu.memref_slice %arg3[%add3A, %add3A_365, %dma_start3A_376] : memref<32x116x88xi32, #tpu.memory_space<hbm>> -> memref<1x1x88xi32, #tpu.memory_space<hbm>>
      %dma_start3A_378 = tpu.memref_squeeze %dma_start3A_377 : memref<1x1x88xi32, #tpu.memory_space<hbm>> -> memref<88xi32, #tpu.memory_space<hbm>>
      tpu.enqueue_dma source(%dma_start3A_378 : memref<88xi32, #tpu.memory_space<hbm>>) target(%dma_start3A_375 : memref<88xi32, #tpu.memory_space<vmem>>) target_semaphore(%arg14 : memref<!tpu.dma_semaphore, #tpu.memory_space<semaphore_mem>>)
      %mul3A_379 = arith.constant 4 : i32
      %mul3A_380 = arith.muli %add3A_354, %mul3A_379 : i32
      %add3A_381 = arith.constant 0 : i32
      %add3A_382 = arith.addi %mul3A_380, %add3A_381 : i32
      %dma_start3A_383 = arith.constant 0 : i32
      %dma_start3A_384 = arith.constant 0 : i32
      %dma_start3A_385 = tpu.memref_slice %arg9[%dma_start3A_383, %dma_start3A_384] : memref<4x88xi32, #tpu.memory_space<vmem>> -> memref<1x88xi32, #tpu.memory_space<vmem>>
      %dma_start3A_386 = tpu.memref_squeeze %dma_start3A_385 : memref<1x88xi32, #tpu.memory_space<vmem>> -> memref<88xi32, #tpu.memory_space<vmem>>
      %dma_start3A_387 = arith.constant 0 : i32
      %dma_start3A_388 = tpu.memref_slice %arg4[%add3A, %add3A_382, %dma_start3A_387] : memref<32x116x88xi32, #tpu.memory_space<hbm>> -> memref<1x1x88xi32, #tpu.memory_space<hbm>>
      %dma_start3A_389 = tpu.memref_squeeze %dma_start3A_388 : memref<1x1x88xi32, #tpu.memory_space<hbm>> -> memref<88xi32, #tpu.memory_space<hbm>>
      %dma_start3A_390 = arith.constant 0 : i32
      %dma_start3A_391 = tpu.memref_slice %arg9[%dma_start3A_383, %dma_start3A_390] : memref<4x88xi32, #tpu.memory_space<vmem>> -> memref<1x88xi32, #tpu.memory_space<vmem>>
      %dma_start3A_392 = tpu.memref_squeeze %dma_start3A_391 : memref<1x88xi32, #tpu.memory_space<vmem>> -> memref<88xi32, #tpu.memory_space<vmem>>
      %dma_start3A_393 = arith.constant 0 : i32
      %dma_start3A_394 = tpu.memref_slice %arg4[%add3A, %add3A_382, %dma_start3A_393] : memref<32x116x88xi32, #tpu.memory_space<hbm>> -> memref<1x1x88xi32, #tpu.memory_space<hbm>>
      %dma_start3A_395 = tpu.memref_squeeze %dma_start3A_394 : memref<1x1x88xi32, #tpu.memory_space<hbm>> -> memref<88xi32, #tpu.memory_space<hbm>>
      tpu.enqueue_dma source(%dma_start3A_395 : memref<88xi32, #tpu.memory_space<hbm>>) target(%dma_start3A_392 : memref<88xi32, #tpu.memory_space<vmem>>) target_semaphore(%arg14 : memref<!tpu.dma_semaphore, #tpu.memory_space<semaphore_mem>>)
      %dma_wait3A_396 = arith.constant 0 : i32
      %dma_wait3A_397 = arith.constant 3 : i32
      %dma_wait3A_398 = arith.constant 0 : i32
      %dma_wait3A_399 = tpu.memref_slice %arg8[%dma_wait3A_397, %dma_wait3A_398] : memref<4x88xi32, #tpu.memory_space<vmem>> -> memref<1x88xi32, #tpu.memory_space<vmem>>
      %dma_wait3A_400 = tpu.memref_squeeze %dma_wait3A_399 : memref<1x88xi32, #tpu.memory_space<vmem>> -> memref<88xi32, #tpu.memory_space<vmem>>
      %dma_wait3A_401 = arith.constant 0 : i32
      %dma_wait3A_402 = tpu.memref_slice %arg3[%add3A, %dma_wait3A_396, %dma_wait3A_401] : memref<32x116x88xi32, #tpu.memory_space<hbm>> -> memref<1x1x88xi32, #tpu.memory_space<hbm>>
      %dma_wait3A_403 = tpu.memref_squeeze %dma_wait3A_402 : memref<1x1x88xi32, #tpu.memory_space<hbm>> -> memref<88xi32, #tpu.memory_space<hbm>>
      %dma_wait3A_404 = arith.constant 0 : i32
      %dma_wait3A_405 = tpu.memref_slice %arg8[%dma_wait3A_397, %dma_wait3A_404] : memref<4x88xi32, #tpu.memory_space<vmem>> -> memref<1x88xi32, #tpu.memory_space<vmem>>
      %dma_wait3A_406 = tpu.memref_squeeze %dma_wait3A_405 : memref<1x88xi32, #tpu.memory_space<vmem>> -> memref<88xi32, #tpu.memory_space<vmem>>
      %dma_wait3A_407 = arith.constant 0 : i32
      %dma_wait3A_408 = tpu.memref_slice %arg3[%add3A, %dma_wait3A_396, %dma_wait3A_407] : memref<32x116x88xi32, #tpu.memory_space<hbm>> -> memref<1x1x88xi32, #tpu.memory_space<hbm>>
      %dma_wait3A_409 = tpu.memref_squeeze %dma_wait3A_408 : memref<1x1x88xi32, #tpu.memory_space<hbm>> -> memref<88xi32, #tpu.memory_space<hbm>>
      tpu.wait_dma2 semaphore(%arg17 : memref<!tpu.dma_semaphore, #tpu.memory_space<semaphore_mem>>) src(%dma_wait3A_409 : memref<88xi32, #tpu.memory_space<hbm>>) dst(%dma_wait3A_406 : memref<88xi32, #tpu.memory_space<vmem>>)
      %dma_wait3A_410 = arith.constant 0 : i32
      %dma_wait3A_411 = arith.constant 3 : i32
      %dma_wait3A_412 = arith.constant 0 : i32
      %dma_wait3A_413 = tpu.memref_slice %arg9[%dma_wait3A_411, %dma_wait3A_412] : memref<4x88xi32, #tpu.memory_space<vmem>> -> memref<1x88xi32, #tpu.memory_space<vmem>>
      %dma_wait3A_414 = tpu.memref_squeeze %dma_wait3A_413 : memref<1x88xi32, #tpu.memory_space<vmem>> -> memref<88xi32, #tpu.memory_space<vmem>>
      %dma_wait3A_415 = arith.constant 0 : i32
      %dma_wait3A_416 = tpu.memref_slice %arg4[%add3A, %dma_wait3A_410, %dma_wait3A_415] : memref<32x116x88xi32, #tpu.memory_space<hbm>> -> memref<1x1x88xi32, #tpu.memory_space<hbm>>
      %dma_wait3A_417 = tpu.memref_squeeze %dma_wait3A_416 : memref<1x1x88xi32, #tpu.memory_space<hbm>> -> memref<88xi32, #tpu.memory_space<hbm>>
      %dma_wait3A_418 = arith.constant 0 : i32
      %dma_wait3A_419 = tpu.memref_slice %arg9[%dma_wait3A_411, %dma_wait3A_418] : memref<4x88xi32, #tpu.memory_space<vmem>> -> memref<1x88xi32, #tpu.memory_space<vmem>>
      %dma_wait3A_420 = tpu.memref_squeeze %dma_wait3A_419 : memref<1x88xi32, #tpu.memory_space<vmem>> -> memref<88xi32, #tpu.memory_space<vmem>>
      %dma_wait3A_421 = arith.constant 0 : i32
      %dma_wait3A_422 = tpu.memref_slice %arg4[%add3A, %dma_wait3A_410, %dma_wait3A_421] : memref<32x116x88xi32, #tpu.memory_space<hbm>> -> memref<1x1x88xi32, #tpu.memory_space<hbm>>
      %dma_wait3A_423 = tpu.memref_squeeze %dma_wait3A_422 : memref<1x1x88xi32, #tpu.memory_space<hbm>> -> memref<88xi32, #tpu.memory_space<hbm>>
      tpu.wait_dma2 semaphore(%arg17 : memref<!tpu.dma_semaphore, #tpu.memory_space<semaphore_mem>>) src(%dma_wait3A_423 : memref<88xi32, #tpu.memory_space<hbm>>) dst(%dma_wait3A_420 : memref<88xi32, #tpu.memory_space<vmem>>)
      %dma_start3A_424 = arith.constant 3 : i32
      %dma_start3A_425 = arith.constant 0 : i32
      %dma_start3A_426 = tpu.memref_slice %arg8[%dma_start3A_424, %dma_start3A_425] : memref<4x88xi32, #tpu.memory_space<vmem>> -> memref<1x88xi32, #tpu.memory_space<vmem>>
      %dma_start3A_427 = tpu.memref_squeeze %dma_start3A_426 : memref<1x88xi32, #tpu.memory_space<vmem>> -> memref<88xi32, #tpu.memory_space<vmem>>
      %dma_start3A_428 = arith.constant 0 : i32
      %dma_start3A_429 = arith.constant 0 : i32
      %dma_start3A_430 = tpu.memref_slice %arg2[%dma_start3A_428, %dma_start3A_429] : memref<10240x128xf32, #tpu.memory_space<hbm>> -> memref<10240x128xf32, #tpu.memory_space<hbm>>
      tpu.enqueue_indirect_dma source(%dma_start3A_430 : memref<10240x128xf32, #tpu.memory_space<hbm>>) target(%arg13 : memref<88x128xf32, #tpu.memory_space<vmem>>) offsets(%dma_start3A_427 : memref<88xi32, #tpu.memory_space<vmem>>) semaphore(%arg21 : memref<!tpu.dma_semaphore, #tpu.memory_space<semaphore_mem>>)
      %dma_wait3A_431 = arith.constant 0 : i32
      %dma_wait3A_432 = arith.constant 0 : i32
      %dma_wait3A_433 = tpu.memref_slice %arg8[%dma_wait3A_431, %dma_wait3A_432] : memref<4x88xi32, #tpu.memory_space<vmem>> -> memref<1x88xi32, #tpu.memory_space<vmem>>
      %dma_wait3A_434 = tpu.memref_squeeze %dma_wait3A_433 : memref<1x88xi32, #tpu.memory_space<vmem>> -> memref<88xi32, #tpu.memory_space<vmem>>
      %dma_wait3A_435 = arith.constant 0 : i32
      %dma_wait3A_436 = arith.constant 0 : i32
      %dma_wait3A_437 = tpu.memref_slice %arg2[%dma_wait3A_435, %dma_wait3A_436] : memref<10240x128xf32, #tpu.memory_space<hbm>> -> memref<10240x128xf32, #tpu.memory_space<hbm>>
      tpu.wait_indirect_dma semaphore(%arg20 : memref<!tpu.dma_semaphore, #tpu.memory_space<semaphore_mem>>) src(%dma_wait3A_437 : memref<10240x128xf32, #tpu.memory_space<hbm>>) dst(%arg12 : memref<88x128xf32, #tpu.memory_space<vmem>>)
      %dma_start3A_438 = arith.constant 2 : i32
      %dma_start3A_439 = arith.constant 0 : i32
      %dma_start3A_440 = tpu.memref_slice %arg9[%dma_start3A_438, %dma_start3A_439] : memref<4x88xi32, #tpu.memory_space<vmem>> -> memref<1x88xi32, #tpu.memory_space<vmem>>
      %dma_start3A_441 = tpu.memref_squeeze %dma_start3A_440 : memref<1x88xi32, #tpu.memory_space<vmem>> -> memref<88xi32, #tpu.memory_space<vmem>>
      %dma_start3A_442 = arith.constant 0 : i32
      %dma_start3A_443 = arith.constant 0 : i32
      %dma_start3A_444 = tpu.memref_slice %arg7[%dma_start3A_442, %dma_start3A_443] : memref<10240x128xf32, #tpu.memory_space<vmem_shared>> -> memref<10240x128xf32, #tpu.memory_space<vmem_shared>>
      tpu.enqueue_indirect_dma source(%arg12 : memref<88x128xf32, #tpu.memory_space<vmem>>) target(%dma_start3A_444 : memref<10240x128xf32, #tpu.memory_space<vmem_shared>>) offsets(%dma_start3A_441 : memref<88xi32, #tpu.memory_space<vmem>>) semaphore(%arg24 : memref<!tpu.dma_semaphore, #tpu.memory_space<semaphore_mem>>) {add = true}
      %dma_wait3A_445 = arith.constant 0 : i32
      %dma_wait3A_446 = arith.constant 0 : i32
      %dma_wait3A_447 = tpu.memref_slice %arg9[%dma_wait3A_445, %dma_wait3A_446] : memref<4x88xi32, #tpu.memory_space<vmem>> -> memref<1x88xi32, #tpu.memory_space<vmem>>
      %dma_wait3A_448 = tpu.memref_squeeze %dma_wait3A_447 : memref<1x88xi32, #tpu.memory_space<vmem>> -> memref<88xi32, #tpu.memory_space<vmem>>
      %dma_wait3A_449 = arith.constant 0 : i32
      %dma_wait3A_450 = arith.constant 0 : i32
      %dma_wait3A_451 = tpu.memref_slice %arg7[%dma_wait3A_449, %dma_wait3A_450] : memref<10240x128xf32, #tpu.memory_space<vmem_shared>> -> memref<10240x128xf32, #tpu.memory_space<vmem_shared>>
      tpu.wait_indirect_dma semaphore(%arg23 : memref<!tpu.dma_semaphore, #tpu.memory_space<semaphore_mem>>) src(%arg11 : memref<88x128xf32, #tpu.memory_space<vmem>>) dst(%dma_wait3A_451 : memref<10240x128xf32, #tpu.memory_space<vmem_shared>>)
      %mul3A_452 = arith.constant 4 : i32
      %mul3A_453 = arith.muli %add3A_354, %mul3A_452 : i32
      %add3A_454 = arith.constant 1 : i32
      %add3A_455 = arith.addi %mul3A_453, %add3A_454 : i32
      %dma_start3A_456 = arith.constant 1 : i32
      %dma_start3A_457 = arith.constant 0 : i32
      %dma_start3A_458 = tpu.memref_slice %arg8[%dma_start3A_456, %dma_start3A_457] : memref<4x88xi32, #tpu.memory_space<vmem>> -> memref<1x88xi32, #tpu.memory_space<vmem>>
      %dma_start3A_459 = tpu.memref_squeeze %dma_start3A_458 : memref<1x88xi32, #tpu.memory_space<vmem>> -> memref<88xi32, #tpu.memory_space<vmem>>
      %dma_start3A_460 = arith.constant 0 : i32
      %dma_start3A_461 = tpu.memref_slice %arg3[%add3A, %add3A_455, %dma_start3A_460] : memref<32x116x88xi32, #tpu.memory_space<hbm>> -> memref<1x1x88xi32, #tpu.memory_space<hbm>>
      %dma_start3A_462 = tpu.memref_squeeze %dma_start3A_461 : memref<1x1x88xi32, #tpu.memory_space<hbm>> -> memref<88xi32, #tpu.memory_space<hbm>>
      %dma_start3A_463 = arith.constant 0 : i32
      %dma_start3A_464 = tpu.memref_slice %arg8[%dma_start3A_456, %dma_start3A_463] : memref<4x88xi32, #tpu.memory_space<vmem>> -> memref<1x88xi32, #tpu.memory_space<vmem>>
      %dma_start3A_465 = tpu.memref_squeeze %dma_start3A_464 : memref<1x88xi32, #tpu.memory_space<vmem>> -> memref<88xi32, #tpu.memory_space<vmem>>
      %dma_start3A_466 = arith.constant 0 : i32
      %dma_start3A_467 = tpu.memref_slice %arg3[%add3A, %add3A_455, %dma_start3A_466] : memref<32x116x88xi32, #tpu.memory_space<hbm>> -> memref<1x1x88xi32, #tpu.memory_space<hbm>>
      %dma_start3A_468 = tpu.memref_squeeze %dma_start3A_467 : memref<1x1x88xi32, #tpu.memory_space<hbm>> -> memref<88xi32, #tpu.memory_space<hbm>>
      tpu.enqueue_dma source(%dma_start3A_468 : memref<88xi32, #tpu.memory_space<hbm>>) target(%dma_start3A_465 : memref<88xi32, #tpu.memory_space<vmem>>) target_semaphore(%arg15 : memref<!tpu.dma_semaphore, #tpu.memory_space<semaphore_mem>>)
      %mul3A_469 = arith.constant 4 : i32
      %mul3A_470 = arith.muli %add3A_354, %mul3A_469 : i32
      %add3A_471 = arith.constant 1 : i32
      %add3A_472 = arith.addi %mul3A_470, %add3A_471 : i32
      %dma_start3A_473 = arith.constant 1 : i32
      %dma_start3A_474 = arith.constant 0 : i32
      %dma_start3A_475 = tpu.memref_slice %arg9[%dma_start3A_473, %dma_start3A_474] : memref<4x88xi32, #tpu.memory_space<vmem>> -> memref<1x88xi32, #tpu.memory_space<vmem>>
      %dma_start3A_476 = tpu.memref_squeeze %dma_start3A_475 : memref<1x88xi32, #tpu.memory_space<vmem>> -> memref<88xi32, #tpu.memory_space<vmem>>
      %dma_start3A_477 = arith.constant 0 : i32
      %dma_start3A_478 = tpu.memref_slice %arg4[%add3A, %add3A_472, %dma_start3A_477] : memref<32x116x88xi32, #tpu.memory_space<hbm>> -> memref<1x1x88xi32, #tpu.memory_space<hbm>>
      %dma_start3A_479 = tpu.memref_squeeze %dma_start3A_478 : memref<1x1x88xi32, #tpu.memory_space<hbm>> -> memref<88xi32, #tpu.memory_space<hbm>>
      %dma_start3A_480 = arith.constant 0 : i32
      %dma_start3A_481 = tpu.memref_slice %arg9[%dma_start3A_473, %dma_start3A_480] : memref<4x88xi32, #tpu.memory_space<vmem>> -> memref<1x88xi32, #tpu.memory_space<vmem>>
      %dma_start3A_482 = tpu.memref_squeeze %dma_start3A_481 : memref<1x88xi32, #tpu.memory_space<vmem>> -> memref<88xi32, #tpu.memory_space<vmem>>
      %dma_start3A_483 = arith.constant 0 : i32
      %dma_start3A_484 = tpu.memref_slice %arg4[%add3A, %add3A_472, %dma_start3A_483] : memref<32x116x88xi32, #tpu.memory_space<hbm>> -> memref<1x1x88xi32, #tpu.memory_space<hbm>>
      %dma_start3A_485 = tpu.memref_squeeze %dma_start3A_484 : memref<1x1x88xi32, #tpu.memory_space<hbm>> -> memref<88xi32, #tpu.memory_space<hbm>>
      tpu.enqueue_dma source(%dma_start3A_485 : memref<88xi32, #tpu.memory_space<hbm>>) target(%dma_start3A_482 : memref<88xi32, #tpu.memory_space<vmem>>) target_semaphore(%arg15 : memref<!tpu.dma_semaphore, #tpu.memory_space<semaphore_mem>>)
      %dma_wait3A_486 = arith.constant 0 : i32
      %dma_wait3A_487 = arith.constant 0 : i32
      %dma_wait3A_488 = arith.constant 0 : i32
      %dma_wait3A_489 = tpu.memref_slice %arg8[%dma_wait3A_487, %dma_wait3A_488] : memref<4x88xi32, #tpu.memory_space<vmem>> -> memref<1x88xi32, #tpu.memory_space<vmem>>
      %dma_wait3A_490 = tpu.memref_squeeze %dma_wait3A_489 : memref<1x88xi32, #tpu.memory_space<vmem>> -> memref<88xi32, #tpu.memory_space<vmem>>
      %dma_wait3A_491 = arith.constant 0 : i32
      %dma_wait3A_492 = tpu.memref_slice %arg3[%add3A, %dma_wait3A_486, %dma_wait3A_491] : memref<32x116x88xi32, #tpu.memory_space<hbm>> -> memref<1x1x88xi32, #tpu.memory_space<hbm>>
      %dma_wait3A_493 = tpu.memref_squeeze %dma_wait3A_492 : memref<1x1x88xi32, #tpu.memory_space<hbm>> -> memref<88xi32, #tpu.memory_space<hbm>>
      %dma_wait3A_494 = arith.constant 0 : i32
      %dma_wait3A_495 = tpu.memref_slice %arg8[%dma_wait3A_487, %dma_wait3A_494] : memref<4x88xi32, #tpu.memory_space<vmem>> -> memref<1x88xi32, #tpu.memory_space<vmem>>
      %dma_wait3A_496 = tpu.memref_squeeze %dma_wait3A_495 : memref<1x88xi32, #tpu.memory_space<vmem>> -> memref<88xi32, #tpu.memory_space<vmem>>
      %dma_wait3A_497 = arith.constant 0 : i32
      %dma_wait3A_498 = tpu.memref_slice %arg3[%add3A, %dma_wait3A_486, %dma_wait3A_497] : memref<32x116x88xi32, #tpu.memory_space<hbm>> -> memref<1x1x88xi32, #tpu.memory_space<hbm>>
      %dma_wait3A_499 = tpu.memref_squeeze %dma_wait3A_498 : memref<1x1x88xi32, #tpu.memory_space<hbm>> -> memref<88xi32, #tpu.memory_space<hbm>>
      tpu.wait_dma2 semaphore(%arg14 : memref<!tpu.dma_semaphore, #tpu.memory_space<semaphore_mem>>) src(%dma_wait3A_499 : memref<88xi32, #tpu.memory_space<hbm>>) dst(%dma_wait3A_496 : memref<88xi32, #tpu.memory_space<vmem>>)
      %dma_wait3A_500 = arith.constant 0 : i32
      %dma_wait3A_501 = arith.constant 0 : i32
      %dma_wait3A_502 = arith.constant 0 : i32
      %dma_wait3A_503 = tpu.memref_slice %arg9[%dma_wait3A_501, %dma_wait3A_502] : memref<4x88xi32, #tpu.memory_space<vmem>> -> memref<1x88xi32, #tpu.memory_space<vmem>>
      %dma_wait3A_504 = tpu.memref_squeeze %dma_wait3A_503 : memref<1x88xi32, #tpu.memory_space<vmem>> -> memref<88xi32, #tpu.memory_space<vmem>>
      %dma_wait3A_505 = arith.constant 0 : i32
      %dma_wait3A_506 = tpu.memref_slice %arg4[%add3A, %dma_wait3A_500, %dma_wait3A_505] : memref<32x116x88xi32, #tpu.memory_space<hbm>> -> memref<1x1x88xi32, #tpu.memory_space<hbm>>
      %dma_wait3A_507 = tpu.memref_squeeze %dma_wait3A_506 : memref<1x1x88xi32, #tpu.memory_space<hbm>> -> memref<88xi32, #tpu.memory_space<hbm>>
      %dma_wait3A_508 = arith.constant 0 : i32
      %dma_wait3A_509 = tpu.memref_slice %arg9[%dma_wait3A_501, %dma_wait3A_508] : memref<4x88xi32, #tpu.memory_space<vmem>> -> memref<1x88xi32, #tpu.memory_space<vmem>>
      %dma_wait3A_510 = tpu.memref_squeeze %dma_wait3A_509 : memref<1x88xi32, #tpu.memory_space<vmem>> -> memref<88xi32, #tpu.memory_space<vmem>>
      %dma_wait3A_511 = arith.constant 0 : i32
      %dma_wait3A_512 = tpu.memref_slice %arg4[%add3A, %dma_wait3A_500, %dma_wait3A_511] : memref<32x116x88xi32, #tpu.memory_space<hbm>> -> memref<1x1x88xi32, #tpu.memory_space<hbm>>
      %dma_wait3A_513 = tpu.memref_squeeze %dma_wait3A_512 : memref<1x1x88xi32, #tpu.memory_space<hbm>> -> memref<88xi32, #tpu.memory_space<hbm>>
      tpu.wait_dma2 semaphore(%arg14 : memref<!tpu.dma_semaphore, #tpu.memory_space<semaphore_mem>>) src(%dma_wait3A_513 : memref<88xi32, #tpu.memory_space<hbm>>) dst(%dma_wait3A_510 : memref<88xi32, #tpu.memory_space<vmem>>)
      %dma_start3A_514 = arith.constant 0 : i32
      %dma_start3A_515 = arith.constant 0 : i32
      %dma_start3A_516 = tpu.memref_slice %arg8[%dma_start3A_514, %dma_start3A_515] : memref<4x88xi32, #tpu.memory_space<vmem>> -> memref<1x88xi32, #tpu.memory_space<vmem>>
      %dma_start3A_517 = tpu.memref_squeeze %dma_start3A_516 : memref<1x88xi32, #tpu.memory_space<vmem>> -> memref<88xi32, #tpu.memory_space<vmem>>
      %dma_start3A_518 = arith.constant 0 : i32
      %dma_start3A_519 = arith.constant 0 : i32
      %dma_start3A_520 = tpu.memref_slice %arg2[%dma_start3A_518, %dma_start3A_519] : memref<10240x128xf32, #tpu.memory_space<hbm>> -> memref<10240x128xf32, #tpu.memory_space<hbm>>
      tpu.enqueue_indirect_dma source(%dma_start3A_520 : memref<10240x128xf32, #tpu.memory_space<hbm>>) target(%arg10 : memref<88x128xf32, #tpu.memory_space<vmem>>) offsets(%dma_start3A_517 : memref<88xi32, #tpu.memory_space<vmem>>) semaphore(%arg18 : memref<!tpu.dma_semaphore, #tpu.memory_space<semaphore_mem>>)
      %dma_wait3A_521 = arith.constant 0 : i32
      %dma_wait3A_522 = arith.constant 0 : i32
      %dma_wait3A_523 = tpu.memref_slice %arg8[%dma_wait3A_521, %dma_wait3A_522] : memref<4x88xi32, #tpu.memory_space<vmem>> -> memref<1x88xi32, #tpu.memory_space<vmem>>
      %dma_wait3A_524 = tpu.memref_squeeze %dma_wait3A_523 : memref<1x88xi32, #tpu.memory_space<vmem>> -> memref<88xi32, #tpu.memory_space<vmem>>
      %dma_wait3A_525 = arith.constant 0 : i32
      %dma_wait3A_526 = arith.constant 0 : i32
      %dma_wait3A_527 = tpu.memref_slice %arg2[%dma_wait3A_525, %dma_wait3A_526] : memref<10240x128xf32, #tpu.memory_space<hbm>> -> memref<10240x128xf32, #tpu.memory_space<hbm>>
      tpu.wait_indirect_dma semaphore(%arg21 : memref<!tpu.dma_semaphore, #tpu.memory_space<semaphore_mem>>) src(%dma_wait3A_527 : memref<10240x128xf32, #tpu.memory_space<hbm>>) dst(%arg13 : memref<88x128xf32, #tpu.memory_space<vmem>>)
      %dma_start3A_528 = arith.constant 3 : i32
      %dma_start3A_529 = arith.constant 0 : i32
      %dma_start3A_530 = tpu.memref_slice %arg9[%dma_start3A_528, %dma_start3A_529] : memref<4x88xi32, #tpu.memory_space<vmem>> -> memref<1x88xi32, #tpu.memory_space<vmem>>
      %dma_start3A_531 = tpu.memref_squeeze %dma_start3A_530 : memref<1x88xi32, #tpu.memory_space<vmem>> -> memref<88xi32, #tpu.memory_space<vmem>>
      %dma_start3A_532 = arith.constant 0 : i32
      %dma_start3A_533 = arith.constant 0 : i32
      %dma_start3A_534 = tpu.memref_slice %arg7[%dma_start3A_532, %dma_start3A_533] : memref<10240x128xf32, #tpu.memory_space<vmem_shared>> -> memref<10240x128xf32, #tpu.memory_space<vmem_shared>>
      tpu.enqueue_indirect_dma source(%arg13 : memref<88x128xf32, #tpu.memory_space<vmem>>) target(%dma_start3A_534 : memref<10240x128xf32, #tpu.memory_space<vmem_shared>>) offsets(%dma_start3A_531 : memref<88xi32, #tpu.memory_space<vmem>>) semaphore(%arg25 : memref<!tpu.dma_semaphore, #tpu.memory_space<semaphore_mem>>) {add = true}
      %dma_wait3A_535 = arith.constant 0 : i32
      %dma_wait3A_536 = arith.constant 0 : i32
      %dma_wait3A_537 = tpu.memref_slice %arg9[%dma_wait3A_535, %dma_wait3A_536] : memref<4x88xi32, #tpu.memory_space<vmem>> -> memref<1x88xi32, #tpu.memory_space<vmem>>
      %dma_wait3A_538 = tpu.memref_squeeze %dma_wait3A_537 : memref<1x88xi32, #tpu.memory_space<vmem>> -> memref<88xi32, #tpu.memory_space<vmem>>
      %dma_wait3A_539 = arith.constant 0 : i32
      %dma_wait3A_540 = arith.constant 0 : i32
      %dma_wait3A_541 = tpu.memref_slice %arg7[%dma_wait3A_539, %dma_wait3A_540] : memref<10240x128xf32, #tpu.memory_space<vmem_shared>> -> memref<10240x128xf32, #tpu.memory_space<vmem_shared>>
      tpu.wait_indirect_dma semaphore(%arg24 : memref<!tpu.dma_semaphore, #tpu.memory_space<semaphore_mem>>) src(%arg12 : memref<88x128xf32, #tpu.memory_space<vmem>>) dst(%dma_wait3A_541 : memref<10240x128xf32, #tpu.memory_space<vmem_shared>>)
      %mul3A_542 = arith.constant 4 : i32
      %mul3A_543 = arith.muli %add3A_354, %mul3A_542 : i32
      %add3A_544 = arith.constant 2 : i32
      %add3A_545 = arith.addi %mul3A_543, %add3A_544 : i32
      %dma_start3A_546 = arith.constant 2 : i32
      %dma_start3A_547 = arith.constant 0 : i32
      %dma_start3A_548 = tpu.memref_slice %arg8[%dma_start3A_546, %dma_start3A_547] : memref<4x88xi32, #tpu.memory_space<vmem>> -> memref<1x88xi32, #tpu.memory_space<vmem>>
      %dma_start3A_549 = tpu.memref_squeeze %dma_start3A_548 : memref<1x88xi32, #tpu.memory_space<vmem>> -> memref<88xi32, #tpu.memory_space<vmem>>
      %dma_start3A_550 = arith.constant 0 : i32
      %dma_start3A_551 = tpu.memref_slice %arg3[%add3A, %add3A_545, %dma_start3A_550] : memref<32x116x88xi32, #tpu.memory_space<hbm>> -> memref<1x1x88xi32, #tpu.memory_space<hbm>>
      %dma_start3A_552 = tpu.memref_squeeze %dma_start3A_551 : memref<1x1x88xi32, #tpu.memory_space<hbm>> -> memref<88xi32, #tpu.memory_space<hbm>>
      %dma_start3A_553 = arith.constant 0 : i32
      %dma_start3A_554 = tpu.memref_slice %arg8[%dma_start3A_546, %dma_start3A_553] : memref<4x88xi32, #tpu.memory_space<vmem>> -> memref<1x88xi32, #tpu.memory_space<vmem>>
      %dma_start3A_555 = tpu.memref_squeeze %dma_start3A_554 : memref<1x88xi32, #tpu.memory_space<vmem>> -> memref<88xi32, #tpu.memory_space<vmem>>
      %dma_start3A_556 = arith.constant 0 : i32
      %dma_start3A_557 = tpu.memref_slice %arg3[%add3A, %add3A_545, %dma_start3A_556] : memref<32x116x88xi32, #tpu.memory_space<hbm>> -> memref<1x1x88xi32, #tpu.memory_space<hbm>>
      %dma_start3A_558 = tpu.memref_squeeze %dma_start3A_557 : memref<1x1x88xi32, #tpu.memory_space<hbm>> -> memref<88xi32, #tpu.memory_space<hbm>>
      tpu.enqueue_dma source(%dma_start3A_558 : memref<88xi32, #tpu.memory_space<hbm>>) target(%dma_start3A_555 : memref<88xi32, #tpu.memory_space<vmem>>) target_semaphore(%arg16 : memref<!tpu.dma_semaphore, #tpu.memory_space<semaphore_mem>>)
      %mul3A_559 = arith.constant 4 : i32
      %mul3A_560 = arith.muli %add3A_354, %mul3A_559 : i32
      %add3A_561 = arith.constant 2 : i32
      %add3A_562 = arith.addi %mul3A_560, %add3A_561 : i32
      %dma_start3A_563 = arith.constant 2 : i32
      %dma_start3A_564 = arith.constant 0 : i32
      %dma_start3A_565 = tpu.memref_slice %arg9[%dma_start3A_563, %dma_start3A_564] : memref<4x88xi32, #tpu.memory_space<vmem>> -> memref<1x88xi32, #tpu.memory_space<vmem>>
      %dma_start3A_566 = tpu.memref_squeeze %dma_start3A_565 : memref<1x88xi32, #tpu.memory_space<vmem>> -> memref<88xi32, #tpu.memory_space<vmem>>
      %dma_start3A_567 = arith.constant 0 : i32
      %dma_start3A_568 = tpu.memref_slice %arg4[%add3A, %add3A_562, %dma_start3A_567] : memref<32x116x88xi32, #tpu.memory_space<hbm>> -> memref<1x1x88xi32, #tpu.memory_space<hbm>>
      %dma_start3A_569 = tpu.memref_squeeze %dma_start3A_568 : memref<1x1x88xi32, #tpu.memory_space<hbm>> -> memref<88xi32, #tpu.memory_space<hbm>>
      %dma_start3A_570 = arith.constant 0 : i32
      %dma_start3A_571 = tpu.memref_slice %arg9[%dma_start3A_563, %dma_start3A_570] : memref<4x88xi32, #tpu.memory_space<vmem>> -> memref<1x88xi32, #tpu.memory_space<vmem>>
      %dma_start3A_572 = tpu.memref_squeeze %dma_start3A_571 : memref<1x88xi32, #tpu.memory_space<vmem>> -> memref<88xi32, #tpu.memory_space<vmem>>
      %dma_start3A_573 = arith.constant 0 : i32
      %dma_start3A_574 = tpu.memref_slice %arg4[%add3A, %add3A_562, %dma_start3A_573] : memref<32x116x88xi32, #tpu.memory_space<hbm>> -> memref<1x1x88xi32, #tpu.memory_space<hbm>>
      %dma_start3A_575 = tpu.memref_squeeze %dma_start3A_574 : memref<1x1x88xi32, #tpu.memory_space<hbm>> -> memref<88xi32, #tpu.memory_space<hbm>>
      tpu.enqueue_dma source(%dma_start3A_575 : memref<88xi32, #tpu.memory_space<hbm>>) target(%dma_start3A_572 : memref<88xi32, #tpu.memory_space<vmem>>) target_semaphore(%arg16 : memref<!tpu.dma_semaphore, #tpu.memory_space<semaphore_mem>>)
      %dma_wait3A_576 = arith.constant 0 : i32
      %dma_wait3A_577 = arith.constant 1 : i32
      %dma_wait3A_578 = arith.constant 0 : i32
      %dma_wait3A_579 = tpu.memref_slice %arg8[%dma_wait3A_577, %dma_wait3A_578] : memref<4x88xi32, #tpu.memory_space<vmem>> -> memref<1x88xi32, #tpu.memory_space<vmem>>
      %dma_wait3A_580 = tpu.memref_squeeze %dma_wait3A_579 : memref<1x88xi32, #tpu.memory_space<vmem>> -> memref<88xi32, #tpu.memory_space<vmem>>
      %dma_wait3A_581 = arith.constant 0 : i32
      %dma_wait3A_582 = tpu.memref_slice %arg3[%add3A, %dma_wait3A_576, %dma_wait3A_581] : memref<32x116x88xi32, #tpu.memory_space<hbm>> -> memref<1x1x88xi32, #tpu.memory_space<hbm>>
      %dma_wait3A_583 = tpu.memref_squeeze %dma_wait3A_582 : memref<1x1x88xi32, #tpu.memory_space<hbm>> -> memref<88xi32, #tpu.memory_space<hbm>>
      %dma_wait3A_584 = arith.constant 0 : i32
      %dma_wait3A_585 = tpu.memref_slice %arg8[%dma_wait3A_577, %dma_wait3A_584] : memref<4x88xi32, #tpu.memory_space<vmem>> -> memref<1x88xi32, #tpu.memory_space<vmem>>
      %dma_wait3A_586 = tpu.memref_squeeze %dma_wait3A_585 : memref<1x88xi32, #tpu.memory_space<vmem>> -> memref<88xi32, #tpu.memory_space<vmem>>
      %dma_wait3A_587 = arith.constant 0 : i32
      %dma_wait3A_588 = tpu.memref_slice %arg3[%add3A, %dma_wait3A_576, %dma_wait3A_587] : memref<32x116x88xi32, #tpu.memory_space<hbm>> -> memref<1x1x88xi32, #tpu.memory_space<hbm>>
      %dma_wait3A_589 = tpu.memref_squeeze %dma_wait3A_588 : memref<1x1x88xi32, #tpu.memory_space<hbm>> -> memref<88xi32, #tpu.memory_space<hbm>>
      tpu.wait_dma2 semaphore(%arg15 : memref<!tpu.dma_semaphore, #tpu.memory_space<semaphore_mem>>) src(%dma_wait3A_589 : memref<88xi32, #tpu.memory_space<hbm>>) dst(%dma_wait3A_586 : memref<88xi32, #tpu.memory_space<vmem>>)
      %dma_wait3A_590 = arith.constant 0 : i32
      %dma_wait3A_591 = arith.constant 1 : i32
      %dma_wait3A_592 = arith.constant 0 : i32
      %dma_wait3A_593 = tpu.memref_slice %arg9[%dma_wait3A_591, %dma_wait3A_592] : memref<4x88xi32, #tpu.memory_space<vmem>> -> memref<1x88xi32, #tpu.memory_space<vmem>>
      %dma_wait3A_594 = tpu.memref_squeeze %dma_wait3A_593 : memref<1x88xi32, #tpu.memory_space<vmem>> -> memref<88xi32, #tpu.memory_space<vmem>>
      %dma_wait3A_595 = arith.constant 0 : i32
      %dma_wait3A_596 = tpu.memref_slice %arg4[%add3A, %dma_wait3A_590, %dma_wait3A_595] : memref<32x116x88xi32, #tpu.memory_space<hbm>> -> memref<1x1x88xi32, #tpu.memory_space<hbm>>
      %dma_wait3A_597 = tpu.memref_squeeze %dma_wait3A_596 : memref<1x1x88xi32, #tpu.memory_space<hbm>> -> memref<88xi32, #tpu.memory_space<hbm>>
      %dma_wait3A_598 = arith.constant 0 : i32
      %dma_wait3A_599 = tpu.memref_slice %arg9[%dma_wait3A_591, %dma_wait3A_598] : memref<4x88xi32, #tpu.memory_space<vmem>> -> memref<1x88xi32, #tpu.memory_space<vmem>>
      %dma_wait3A_600 = tpu.memref_squeeze %dma_wait3A_599 : memref<1x88xi32, #tpu.memory_space<vmem>> -> memref<88xi32, #tpu.memory_space<vmem>>
      %dma_wait3A_601 = arith.constant 0 : i32
      %dma_wait3A_602 = tpu.memref_slice %arg4[%add3A, %dma_wait3A_590, %dma_wait3A_601] : memref<32x116x88xi32, #tpu.memory_space<hbm>> -> memref<1x1x88xi32, #tpu.memory_space<hbm>>
      %dma_wait3A_603 = tpu.memref_squeeze %dma_wait3A_602 : memref<1x1x88xi32, #tpu.memory_space<hbm>> -> memref<88xi32, #tpu.memory_space<hbm>>
      tpu.wait_dma2 semaphore(%arg15 : memref<!tpu.dma_semaphore, #tpu.memory_space<semaphore_mem>>) src(%dma_wait3A_603 : memref<88xi32, #tpu.memory_space<hbm>>) dst(%dma_wait3A_600 : memref<88xi32, #tpu.memory_space<vmem>>)
      %dma_start3A_604 = arith.constant 1 : i32
      %dma_start3A_605 = arith.constant 0 : i32
      %dma_start3A_606 = tpu.memref_slice %arg8[%dma_start3A_604, %dma_start3A_605] : memref<4x88xi32, #tpu.memory_space<vmem>> -> memref<1x88xi32, #tpu.memory_space<vmem>>
      %dma_start3A_607 = tpu.memref_squeeze %dma_start3A_606 : memref<1x88xi32, #tpu.memory_space<vmem>> -> memref<88xi32, #tpu.memory_space<vmem>>
      %dma_start3A_608 = arith.constant 0 : i32
      %dma_start3A_609 = arith.constant 0 : i32
      %dma_start3A_610 = tpu.memref_slice %arg2[%dma_start3A_608, %dma_start3A_609] : memref<10240x128xf32, #tpu.memory_space<hbm>> -> memref<10240x128xf32, #tpu.memory_space<hbm>>
      tpu.enqueue_indirect_dma source(%dma_start3A_610 : memref<10240x128xf32, #tpu.memory_space<hbm>>) target(%arg11 : memref<88x128xf32, #tpu.memory_space<vmem>>) offsets(%dma_start3A_607 : memref<88xi32, #tpu.memory_space<vmem>>) semaphore(%arg19 : memref<!tpu.dma_semaphore, #tpu.memory_space<semaphore_mem>>)
      %dma_wait3A_611 = arith.constant 0 : i32
      %dma_wait3A_612 = arith.constant 0 : i32
      %dma_wait3A_613 = tpu.memref_slice %arg8[%dma_wait3A_611, %dma_wait3A_612] : memref<4x88xi32, #tpu.memory_space<vmem>> -> memref<1x88xi32, #tpu.memory_space<vmem>>
      %dma_wait3A_614 = tpu.memref_squeeze %dma_wait3A_613 : memref<1x88xi32, #tpu.memory_space<vmem>> -> memref<88xi32, #tpu.memory_space<vmem>>
      %dma_wait3A_615 = arith.constant 0 : i32
      %dma_wait3A_616 = arith.constant 0 : i32
      %dma_wait3A_617 = tpu.memref_slice %arg2[%dma_wait3A_615, %dma_wait3A_616] : memref<10240x128xf32, #tpu.memory_space<hbm>> -> memref<10240x128xf32, #tpu.memory_space<hbm>>
      tpu.wait_indirect_dma semaphore(%arg18 : memref<!tpu.dma_semaphore, #tpu.memory_space<semaphore_mem>>) src(%dma_wait3A_617 : memref<10240x128xf32, #tpu.memory_space<hbm>>) dst(%arg10 : memref<88x128xf32, #tpu.memory_space<vmem>>)
      %dma_start3A_618 = arith.constant 0 : i32
      %dma_start3A_619 = arith.constant 0 : i32
      %dma_start3A_620 = tpu.memref_slice %arg9[%dma_start3A_618, %dma_start3A_619] : memref<4x88xi32, #tpu.memory_space<vmem>> -> memref<1x88xi32, #tpu.memory_space<vmem>>
      %dma_start3A_621 = tpu.memref_squeeze %dma_start3A_620 : memref<1x88xi32, #tpu.memory_space<vmem>> -> memref<88xi32, #tpu.memory_space<vmem>>
      %dma_start3A_622 = arith.constant 0 : i32
      %dma_start3A_623 = arith.constant 0 : i32
      %dma_start3A_624 = tpu.memref_slice %arg7[%dma_start3A_622, %dma_start3A_623] : memref<10240x128xf32, #tpu.memory_space<vmem_shared>> -> memref<10240x128xf32, #tpu.memory_space<vmem_shared>>
      tpu.enqueue_indirect_dma source(%arg10 : memref<88x128xf32, #tpu.memory_space<vmem>>) target(%dma_start3A_624 : memref<10240x128xf32, #tpu.memory_space<vmem_shared>>) offsets(%dma_start3A_621 : memref<88xi32, #tpu.memory_space<vmem>>) semaphore(%arg22 : memref<!tpu.dma_semaphore, #tpu.memory_space<semaphore_mem>>) {add = true}
      %dma_wait3A_625 = arith.constant 0 : i32
      %dma_wait3A_626 = arith.constant 0 : i32
      %dma_wait3A_627 = tpu.memref_slice %arg9[%dma_wait3A_625, %dma_wait3A_626] : memref<4x88xi32, #tpu.memory_space<vmem>> -> memref<1x88xi32, #tpu.memory_space<vmem>>
      %dma_wait3A_628 = tpu.memref_squeeze %dma_wait3A_627 : memref<1x88xi32, #tpu.memory_space<vmem>> -> memref<88xi32, #tpu.memory_space<vmem>>
      %dma_wait3A_629 = arith.constant 0 : i32
      %dma_wait3A_630 = arith.constant 0 : i32
      %dma_wait3A_631 = tpu.memref_slice %arg7[%dma_wait3A_629, %dma_wait3A_630] : memref<10240x128xf32, #tpu.memory_space<vmem_shared>> -> memref<10240x128xf32, #tpu.memory_space<vmem_shared>>
      tpu.wait_indirect_dma semaphore(%arg25 : memref<!tpu.dma_semaphore, #tpu.memory_space<semaphore_mem>>) src(%arg13 : memref<88x128xf32, #tpu.memory_space<vmem>>) dst(%dma_wait3A_631 : memref<10240x128xf32, #tpu.memory_space<vmem_shared>>)
      %mul3A_632 = arith.constant 4 : i32
      %mul3A_633 = arith.muli %add3A_354, %mul3A_632 : i32
      %add3A_634 = arith.constant 3 : i32
      %add3A_635 = arith.addi %mul3A_633, %add3A_634 : i32
      %dma_start3A_636 = arith.constant 3 : i32
      %dma_start3A_637 = arith.constant 0 : i32
      %dma_start3A_638 = tpu.memref_slice %arg8[%dma_start3A_636, %dma_start3A_637] : memref<4x88xi32, #tpu.memory_space<vmem>> -> memref<1x88xi32, #tpu.memory_space<vmem>>
      %dma_start3A_639 = tpu.memref_squeeze %dma_start3A_638 : memref<1x88xi32, #tpu.memory_space<vmem>> -> memref<88xi32, #tpu.memory_space<vmem>>
      %dma_start3A_640 = arith.constant 0 : i32
      %dma_start3A_641 = tpu.memref_slice %arg3[%add3A, %add3A_635, %dma_start3A_640] : memref<32x116x88xi32, #tpu.memory_space<hbm>> -> memref<1x1x88xi32, #tpu.memory_space<hbm>>
      %dma_start3A_642 = tpu.memref_squeeze %dma_start3A_641 : memref<1x1x88xi32, #tpu.memory_space<hbm>> -> memref<88xi32, #tpu.memory_space<hbm>>
      %dma_start3A_643 = arith.constant 0 : i32
      %dma_start3A_644 = tpu.memref_slice %arg8[%dma_start3A_636, %dma_start3A_643] : memref<4x88xi32, #tpu.memory_space<vmem>> -> memref<1x88xi32, #tpu.memory_space<vmem>>
      %dma_start3A_645 = tpu.memref_squeeze %dma_start3A_644 : memref<1x88xi32, #tpu.memory_space<vmem>> -> memref<88xi32, #tpu.memory_space<vmem>>
      %dma_start3A_646 = arith.constant 0 : i32
      %dma_start3A_647 = tpu.memref_slice %arg3[%add3A, %add3A_635, %dma_start3A_646] : memref<32x116x88xi32, #tpu.memory_space<hbm>> -> memref<1x1x88xi32, #tpu.memory_space<hbm>>
      %dma_start3A_648 = tpu.memref_squeeze %dma_start3A_647 : memref<1x1x88xi32, #tpu.memory_space<hbm>> -> memref<88xi32, #tpu.memory_space<hbm>>
      tpu.enqueue_dma source(%dma_start3A_648 : memref<88xi32, #tpu.memory_space<hbm>>) target(%dma_start3A_645 : memref<88xi32, #tpu.memory_space<vmem>>) target_semaphore(%arg17 : memref<!tpu.dma_semaphore, #tpu.memory_space<semaphore_mem>>)
      %mul3A_649 = arith.constant 4 : i32
      %mul3A_650 = arith.muli %add3A_354, %mul3A_649 : i32
      %add3A_651 = arith.constant 3 : i32
      %add3A_652 = arith.addi %mul3A_650, %add3A_651 : i32
      %dma_start3A_653 = arith.constant 3 : i32
      %dma_start3A_654 = arith.constant 0 : i32
      %dma_start3A_655 = tpu.memref_slice %arg9[%dma_start3A_653, %dma_start3A_654] : memref<4x88xi32, #tpu.memory_space<vmem>> -> memref<1x88xi32, #tpu.memory_space<vmem>>
      %dma_start3A_656 = tpu.memref_squeeze %dma_start3A_655 : memref<1x88xi32, #tpu.memory_space<vmem>> -> memref<88xi32, #tpu.memory_space<vmem>>
      %dma_start3A_657 = arith.constant 0 : i32
      %dma_start3A_658 = tpu.memref_slice %arg4[%add3A, %add3A_652, %dma_start3A_657] : memref<32x116x88xi32, #tpu.memory_space<hbm>> -> memref<1x1x88xi32, #tpu.memory_space<hbm>>
      %dma_start3A_659 = tpu.memref_squeeze %dma_start3A_658 : memref<1x1x88xi32, #tpu.memory_space<hbm>> -> memref<88xi32, #tpu.memory_space<hbm>>
      %dma_start3A_660 = arith.constant 0 : i32
      %dma_start3A_661 = tpu.memref_slice %arg9[%dma_start3A_653, %dma_start3A_660] : memref<4x88xi32, #tpu.memory_space<vmem>> -> memref<1x88xi32, #tpu.memory_space<vmem>>
      %dma_start3A_662 = tpu.memref_squeeze %dma_start3A_661 : memref<1x88xi32, #tpu.memory_space<vmem>> -> memref<88xi32, #tpu.memory_space<vmem>>
      %dma_start3A_663 = arith.constant 0 : i32
      %dma_start3A_664 = tpu.memref_slice %arg4[%add3A, %add3A_652, %dma_start3A_663] : memref<32x116x88xi32, #tpu.memory_space<hbm>> -> memref<1x1x88xi32, #tpu.memory_space<hbm>>
      %dma_start3A_665 = tpu.memref_squeeze %dma_start3A_664 : memref<1x1x88xi32, #tpu.memory_space<hbm>> -> memref<88xi32, #tpu.memory_space<hbm>>
      tpu.enqueue_dma source(%dma_start3A_665 : memref<88xi32, #tpu.memory_space<hbm>>) target(%dma_start3A_662 : memref<88xi32, #tpu.memory_space<vmem>>) target_semaphore(%arg17 : memref<!tpu.dma_semaphore, #tpu.memory_space<semaphore_mem>>)
      %dma_wait3A_666 = arith.constant 0 : i32
      %dma_wait3A_667 = arith.constant 2 : i32
      %dma_wait3A_668 = arith.constant 0 : i32
      %dma_wait3A_669 = tpu.memref_slice %arg8[%dma_wait3A_667, %dma_wait3A_668] : memref<4x88xi32, #tpu.memory_space<vmem>> -> memref<1x88xi32, #tpu.memory_space<vmem>>
      %dma_wait3A_670 = tpu.memref_squeeze %dma_wait3A_669 : memref<1x88xi32, #tpu.memory_space<vmem>> -> memref<88xi32, #tpu.memory_space<vmem>>
      %dma_wait3A_671 = arith.constant 0 : i32
      %dma_wait3A_672 = tpu.memref_slice %arg3[%add3A, %dma_wait3A_666, %dma_wait3A_671] : memref<32x116x88xi32, #tpu.memory_space<hbm>> -> memref<1x1x88xi32, #tpu.memory_space<hbm>>
      %dma_wait3A_673 = tpu.memref_squeeze %dma_wait3A_672 : memref<1x1x88xi32, #tpu.memory_space<hbm>> -> memref<88xi32, #tpu.memory_space<hbm>>
      %dma_wait3A_674 = arith.constant 0 : i32
      %dma_wait3A_675 = tpu.memref_slice %arg8[%dma_wait3A_667, %dma_wait3A_674] : memref<4x88xi32, #tpu.memory_space<vmem>> -> memref<1x88xi32, #tpu.memory_space<vmem>>
      %dma_wait3A_676 = tpu.memref_squeeze %dma_wait3A_675 : memref<1x88xi32, #tpu.memory_space<vmem>> -> memref<88xi32, #tpu.memory_space<vmem>>
      %dma_wait3A_677 = arith.constant 0 : i32
      %dma_wait3A_678 = tpu.memref_slice %arg3[%add3A, %dma_wait3A_666, %dma_wait3A_677] : memref<32x116x88xi32, #tpu.memory_space<hbm>> -> memref<1x1x88xi32, #tpu.memory_space<hbm>>
      %dma_wait3A_679 = tpu.memref_squeeze %dma_wait3A_678 : memref<1x1x88xi32, #tpu.memory_space<hbm>> -> memref<88xi32, #tpu.memory_space<hbm>>
      tpu.wait_dma2 semaphore(%arg16 : memref<!tpu.dma_semaphore, #tpu.memory_space<semaphore_mem>>) src(%dma_wait3A_679 : memref<88xi32, #tpu.memory_space<hbm>>) dst(%dma_wait3A_676 : memref<88xi32, #tpu.memory_space<vmem>>)
      %dma_wait3A_680 = arith.constant 0 : i32
      %dma_wait3A_681 = arith.constant 2 : i32
      %dma_wait3A_682 = arith.constant 0 : i32
      %dma_wait3A_683 = tpu.memref_slice %arg9[%dma_wait3A_681, %dma_wait3A_682] : memref<4x88xi32, #tpu.memory_space<vmem>> -> memref<1x88xi32, #tpu.memory_space<vmem>>
      %dma_wait3A_684 = tpu.memref_squeeze %dma_wait3A_683 : memref<1x88xi32, #tpu.memory_space<vmem>> -> memref<88xi32, #tpu.memory_space<vmem>>
      %dma_wait3A_685 = arith.constant 0 : i32
      %dma_wait3A_686 = tpu.memref_slice %arg4[%add3A, %dma_wait3A_680, %dma_wait3A_685] : memref<32x116x88xi32, #tpu.memory_space<hbm>> -> memref<1x1x88xi32, #tpu.memory_space<hbm>>
      %dma_wait3A_687 = tpu.memref_squeeze %dma_wait3A_686 : memref<1x1x88xi32, #tpu.memory_space<hbm>> -> memref<88xi32, #tpu.memory_space<hbm>>
      %dma_wait3A_688 = arith.constant 0 : i32
      %dma_wait3A_689 = tpu.memref_slice %arg9[%dma_wait3A_681, %dma_wait3A_688] : memref<4x88xi32, #tpu.memory_space<vmem>> -> memref<1x88xi32, #tpu.memory_space<vmem>>
      %dma_wait3A_690 = tpu.memref_squeeze %dma_wait3A_689 : memref<1x88xi32, #tpu.memory_space<vmem>> -> memref<88xi32, #tpu.memory_space<vmem>>
      %dma_wait3A_691 = arith.constant 0 : i32
      %dma_wait3A_692 = tpu.memref_slice %arg4[%add3A, %dma_wait3A_680, %dma_wait3A_691] : memref<32x116x88xi32, #tpu.memory_space<hbm>> -> memref<1x1x88xi32, #tpu.memory_space<hbm>>
      %dma_wait3A_693 = tpu.memref_squeeze %dma_wait3A_692 : memref<1x1x88xi32, #tpu.memory_space<hbm>> -> memref<88xi32, #tpu.memory_space<hbm>>
      tpu.wait_dma2 semaphore(%arg16 : memref<!tpu.dma_semaphore, #tpu.memory_space<semaphore_mem>>) src(%dma_wait3A_693 : memref<88xi32, #tpu.memory_space<hbm>>) dst(%dma_wait3A_690 : memref<88xi32, #tpu.memory_space<vmem>>)
      %dma_start3A_694 = arith.constant 2 : i32
      %dma_start3A_695 = arith.constant 0 : i32
      %dma_start3A_696 = tpu.memref_slice %arg8[%dma_start3A_694, %dma_start3A_695] : memref<4x88xi32, #tpu.memory_space<vmem>> -> memref<1x88xi32, #tpu.memory_space<vmem>>
      %dma_start3A_697 = tpu.memref_squeeze %dma_start3A_696 : memref<1x88xi32, #tpu.memory_space<vmem>> -> memref<88xi32, #tpu.memory_space<vmem>>
      %dma_start3A_698 = arith.constant 0 : i32
      %dma_start3A_699 = arith.constant 0 : i32
      %dma_start3A_700 = tpu.memref_slice %arg2[%dma_start3A_698, %dma_start3A_699] : memref<10240x128xf32, #tpu.memory_space<hbm>> -> memref<10240x128xf32, #tpu.memory_space<hbm>>
      tpu.enqueue_indirect_dma source(%dma_start3A_700 : memref<10240x128xf32, #tpu.memory_space<hbm>>) target(%arg12 : memref<88x128xf32, #tpu.memory_space<vmem>>) offsets(%dma_start3A_697 : memref<88xi32, #tpu.memory_space<vmem>>) semaphore(%arg20 : memref<!tpu.dma_semaphore, #tpu.memory_space<semaphore_mem>>)
      %dma_wait3A_701 = arith.constant 0 : i32
      %dma_wait3A_702 = arith.constant 0 : i32
      %dma_wait3A_703 = tpu.memref_slice %arg8[%dma_wait3A_701, %dma_wait3A_702] : memref<4x88xi32, #tpu.memory_space<vmem>> -> memref<1x88xi32, #tpu.memory_space<vmem>>
      %dma_wait3A_704 = tpu.memref_squeeze %dma_wait3A_703 : memref<1x88xi32, #tpu.memory_space<vmem>> -> memref<88xi32, #tpu.memory_space<vmem>>
      %dma_wait3A_705 = arith.constant 0 : i32
      %dma_wait3A_706 = arith.constant 0 : i32
      %dma_wait3A_707 = tpu.memref_slice %arg2[%dma_wait3A_705, %dma_wait3A_706] : memref<10240x128xf32, #tpu.memory_space<hbm>> -> memref<10240x128xf32, #tpu.memory_space<hbm>>
      tpu.wait_indirect_dma semaphore(%arg19 : memref<!tpu.dma_semaphore, #tpu.memory_space<semaphore_mem>>) src(%dma_wait3A_707 : memref<10240x128xf32, #tpu.memory_space<hbm>>) dst(%arg11 : memref<88x128xf32, #tpu.memory_space<vmem>>)
      %dma_start3A_708 = arith.constant 1 : i32
      %dma_start3A_709 = arith.constant 0 : i32
      %dma_start3A_710 = tpu.memref_slice %arg9[%dma_start3A_708, %dma_start3A_709] : memref<4x88xi32, #tpu.memory_space<vmem>> -> memref<1x88xi32, #tpu.memory_space<vmem>>
      %dma_start3A_711 = tpu.memref_squeeze %dma_start3A_710 : memref<1x88xi32, #tpu.memory_space<vmem>> -> memref<88xi32, #tpu.memory_space<vmem>>
      %dma_start3A_712 = arith.constant 0 : i32
      %dma_start3A_713 = arith.constant 0 : i32
      %dma_start3A_714 = tpu.memref_slice %arg7[%dma_start3A_712, %dma_start3A_713] : memref<10240x128xf32, #tpu.memory_space<vmem_shared>> -> memref<10240x128xf32, #tpu.memory_space<vmem_shared>>
      tpu.enqueue_indirect_dma source(%arg11 : memref<88x128xf32, #tpu.memory_space<vmem>>) target(%dma_start3A_714 : memref<10240x128xf32, #tpu.memory_space<vmem_shared>>) offsets(%dma_start3A_711 : memref<88xi32, #tpu.memory_space<vmem>>) semaphore(%arg23 : memref<!tpu.dma_semaphore, #tpu.memory_space<semaphore_mem>>) {add = true}
    }
    %scan3A_257 = arith.constant 28 : i32
    %dma_wait3A_258 = arith.constant 0 : i32
    %dma_wait3A_259 = arith.constant 3 : i32
    %dma_wait3A_260 = arith.constant 0 : i32
    %dma_wait3A_261 = tpu.memref_slice %arg8[%dma_wait3A_259, %dma_wait3A_260] : memref<4x88xi32, #tpu.memory_space<vmem>> -> memref<1x88xi32, #tpu.memory_space<vmem>>
    %dma_wait3A_262 = tpu.memref_squeeze %dma_wait3A_261 : memref<1x88xi32, #tpu.memory_space<vmem>> -> memref<88xi32, #tpu.memory_space<vmem>>
    %dma_wait3A_263 = arith.constant 0 : i32
    %dma_wait3A_264 = tpu.memref_slice %arg3[%add3A, %dma_wait3A_258, %dma_wait3A_263] : memref<32x116x88xi32, #tpu.memory_space<hbm>> -> memref<1x1x88xi32, #tpu.memory_space<hbm>>
    %dma_wait3A_265 = tpu.memref_squeeze %dma_wait3A_264 : memref<1x1x88xi32, #tpu.memory_space<hbm>> -> memref<88xi32, #tpu.memory_space<hbm>>
    %dma_wait3A_266 = arith.constant 0 : i32
    %dma_wait3A_267 = tpu.memref_slice %arg8[%dma_wait3A_259, %dma_wait3A_266] : memref<4x88xi32, #tpu.memory_space<vmem>> -> memref<1x88xi32, #tpu.memory_space<vmem>>
    %dma_wait3A_268 = tpu.memref_squeeze %dma_wait3A_267 : memref<1x88xi32, #tpu.memory_space<vmem>> -> memref<88xi32, #tpu.memory_space<vmem>>
    %dma_wait3A_269 = arith.constant 0 : i32
    %dma_wait3A_270 = tpu.memref_slice %arg3[%add3A, %dma_wait3A_258, %dma_wait3A_269] : memref<32x116x88xi32, #tpu.memory_space<hbm>> -> memref<1x1x88xi32, #tpu.memory_space<hbm>>
    %dma_wait3A_271 = tpu.memref_squeeze %dma_wait3A_270 : memref<1x1x88xi32, #tpu.memory_space<hbm>> -> memref<88xi32, #tpu.memory_space<hbm>>
    tpu.wait_dma2 semaphore(%arg17 : memref<!tpu.dma_semaphore, #tpu.memory_space<semaphore_mem>>) src(%dma_wait3A_271 : memref<88xi32, #tpu.memory_space<hbm>>) dst(%dma_wait3A_268 : memref<88xi32, #tpu.memory_space<vmem>>)
    %dma_wait3A_272 = arith.constant 0 : i32
    %dma_wait3A_273 = arith.constant 3 : i32
    %dma_wait3A_274 = arith.constant 0 : i32
    %dma_wait3A_275 = tpu.memref_slice %arg9[%dma_wait3A_273, %dma_wait3A_274] : memref<4x88xi32, #tpu.memory_space<vmem>> -> memref<1x88xi32, #tpu.memory_space<vmem>>
    %dma_wait3A_276 = tpu.memref_squeeze %dma_wait3A_275 : memref<1x88xi32, #tpu.memory_space<vmem>> -> memref<88xi32, #tpu.memory_space<vmem>>
    %dma_wait3A_277 = arith.constant 0 : i32
    %dma_wait3A_278 = tpu.memref_slice %arg4[%add3A, %dma_wait3A_272, %dma_wait3A_277] : memref<32x116x88xi32, #tpu.memory_space<hbm>> -> memref<1x1x88xi32, #tpu.memory_space<hbm>>
    %dma_wait3A_279 = tpu.memref_squeeze %dma_wait3A_278 : memref<1x1x88xi32, #tpu.memory_space<hbm>> -> memref<88xi32, #tpu.memory_space<hbm>>
    %dma_wait3A_280 = arith.constant 0 : i32
    %dma_wait3A_281 = tpu.memref_slice %arg9[%dma_wait3A_273, %dma_wait3A_280] : memref<4x88xi32, #tpu.memory_space<vmem>> -> memref<1x88xi32, #tpu.memory_space<vmem>>
    %dma_wait3A_282 = tpu.memref_squeeze %dma_wait3A_281 : memref<1x88xi32, #tpu.memory_space<vmem>> -> memref<88xi32, #tpu.memory_space<vmem>>
    %dma_wait3A_283 = arith.constant 0 : i32
    %dma_wait3A_284 = tpu.memref_slice %arg4[%add3A, %dma_wait3A_272, %dma_wait3A_283] : memref<32x116x88xi32, #tpu.memory_space<hbm>> -> memref<1x1x88xi32, #tpu.memory_space<hbm>>
    %dma_wait3A_285 = tpu.memref_squeeze %dma_wait3A_284 : memref<1x1x88xi32, #tpu.memory_space<hbm>> -> memref<88xi32, #tpu.memory_space<hbm>>
    tpu.wait_dma2 semaphore(%arg17 : memref<!tpu.dma_semaphore, #tpu.memory_space<semaphore_mem>>) src(%dma_wait3A_285 : memref<88xi32, #tpu.memory_space<hbm>>) dst(%dma_wait3A_282 : memref<88xi32, #tpu.memory_space<vmem>>)
    %dma_start3A_286 = arith.constant 3 : i32
    %dma_start3A_287 = arith.constant 0 : i32
    %dma_start3A_288 = tpu.memref_slice %arg8[%dma_start3A_286, %dma_start3A_287] : memref<4x88xi32, #tpu.memory_space<vmem>> -> memref<1x88xi32, #tpu.memory_space<vmem>>
    %dma_start3A_289 = tpu.memref_squeeze %dma_start3A_288 : memref<1x88xi32, #tpu.memory_space<vmem>> -> memref<88xi32, #tpu.memory_space<vmem>>
    %dma_start3A_290 = arith.constant 0 : i32
    %dma_start3A_291 = arith.constant 0 : i32
    %dma_start3A_292 = tpu.memref_slice %arg2[%dma_start3A_290, %dma_start3A_291] : memref<10240x128xf32, #tpu.memory_space<hbm>> -> memref<10240x128xf32, #tpu.memory_space<hbm>>
    tpu.enqueue_indirect_dma source(%dma_start3A_292 : memref<10240x128xf32, #tpu.memory_space<hbm>>) target(%arg13 : memref<88x128xf32, #tpu.memory_space<vmem>>) offsets(%dma_start3A_289 : memref<88xi32, #tpu.memory_space<vmem>>) semaphore(%arg21 : memref<!tpu.dma_semaphore, #tpu.memory_space<semaphore_mem>>)
    %dma_wait3A_293 = arith.constant 0 : i32
    %dma_wait3A_294 = arith.constant 0 : i32
    %dma_wait3A_295 = tpu.memref_slice %arg8[%dma_wait3A_293, %dma_wait3A_294] : memref<4x88xi32, #tpu.memory_space<vmem>> -> memref<1x88xi32, #tpu.memory_space<vmem>>
    %dma_wait3A_296 = tpu.memref_squeeze %dma_wait3A_295 : memref<1x88xi32, #tpu.memory_space<vmem>> -> memref<88xi32, #tpu.memory_space<vmem>>
    %dma_wait3A_297 = arith.constant 0 : i32
    %dma_wait3A_298 = arith.constant 0 : i32
    %dma_wait3A_299 = tpu.memref_slice %arg2[%dma_wait3A_297, %dma_wait3A_298] : memref<10240x128xf32, #tpu.memory_space<hbm>> -> memref<10240x128xf32, #tpu.memory_space<hbm>>
    tpu.wait_indirect_dma semaphore(%arg20 : memref<!tpu.dma_semaphore, #tpu.memory_space<semaphore_mem>>) src(%dma_wait3A_299 : memref<10240x128xf32, #tpu.memory_space<hbm>>) dst(%arg12 : memref<88x128xf32, #tpu.memory_space<vmem>>)
    %dma_start3A_300 = arith.constant 2 : i32
    %dma_start3A_301 = arith.constant 0 : i32
    %dma_start3A_302 = tpu.memref_slice %arg9[%dma_start3A_300, %dma_start3A_301] : memref<4x88xi32, #tpu.memory_space<vmem>> -> memref<1x88xi32, #tpu.memory_space<vmem>>
    %dma_start3A_303 = tpu.memref_squeeze %dma_start3A_302 : memref<1x88xi32, #tpu.memory_space<vmem>> -> memref<88xi32, #tpu.memory_space<vmem>>
    %dma_start3A_304 = arith.constant 0 : i32
    %dma_start3A_305 = arith.constant 0 : i32
    %dma_start3A_306 = tpu.memref_slice %arg7[%dma_start3A_304, %dma_start3A_305] : memref<10240x128xf32, #tpu.memory_space<vmem_shared>> -> memref<10240x128xf32, #tpu.memory_space<vmem_shared>>
    tpu.enqueue_indirect_dma source(%arg12 : memref<88x128xf32, #tpu.memory_space<vmem>>) target(%dma_start3A_306 : memref<10240x128xf32, #tpu.memory_space<vmem_shared>>) offsets(%dma_start3A_303 : memref<88xi32, #tpu.memory_space<vmem>>) semaphore(%arg24 : memref<!tpu.dma_semaphore, #tpu.memory_space<semaphore_mem>>) {add = true}
    %dma_wait3A_307 = arith.constant 0 : i32
    %dma_wait3A_308 = arith.constant 0 : i32
    %dma_wait3A_309 = tpu.memref_slice %arg8[%dma_wait3A_307, %dma_wait3A_308] : memref<4x88xi32, #tpu.memory_space<vmem>> -> memref<1x88xi32, #tpu.memory_space<vmem>>
    %dma_wait3A_310 = tpu.memref_squeeze %dma_wait3A_309 : memref<1x88xi32, #tpu.memory_space<vmem>> -> memref<88xi32, #tpu.memory_space<vmem>>
    %dma_wait3A_311 = arith.constant 0 : i32
    %dma_wait3A_312 = arith.constant 0 : i32
    %dma_wait3A_313 = tpu.memref_slice %arg2[%dma_wait3A_311, %dma_wait3A_312] : memref<10240x128xf32, #tpu.memory_space<hbm>> -> memref<10240x128xf32, #tpu.memory_space<hbm>>
    tpu.wait_indirect_dma semaphore(%arg21 : memref<!tpu.dma_semaphore, #tpu.memory_space<semaphore_mem>>) src(%dma_wait3A_313 : memref<10240x128xf32, #tpu.memory_space<hbm>>) dst(%arg13 : memref<88x128xf32, #tpu.memory_space<vmem>>)
    %dma_start3A_314 = arith.constant 3 : i32
    %dma_start3A_315 = arith.constant 0 : i32
    %dma_start3A_316 = tpu.memref_slice %arg9[%dma_start3A_314, %dma_start3A_315] : memref<4x88xi32, #tpu.memory_space<vmem>> -> memref<1x88xi32, #tpu.memory_space<vmem>>
    %dma_start3A_317 = tpu.memref_squeeze %dma_start3A_316 : memref<1x88xi32, #tpu.memory_space<vmem>> -> memref<88xi32, #tpu.memory_space<vmem>>
    %dma_start3A_318 = arith.constant 0 : i32
    %dma_start3A_319 = arith.constant 0 : i32
    %dma_start3A_320 = tpu.memref_slice %arg7[%dma_start3A_318, %dma_start3A_319] : memref<10240x128xf32, #tpu.memory_space<vmem_shared>> -> memref<10240x128xf32, #tpu.memory_space<vmem_shared>>
    tpu.enqueue_indirect_dma source(%arg13 : memref<88x128xf32, #tpu.memory_space<vmem>>) target(%dma_start3A_320 : memref<10240x128xf32, #tpu.memory_space<vmem_shared>>) offsets(%dma_start3A_317 : memref<88xi32, #tpu.memory_space<vmem>>) semaphore(%arg25 : memref<!tpu.dma_semaphore, #tpu.memory_space<semaphore_mem>>) {add = true}
    %dma_wait3A_321 = arith.constant 0 : i32
    %dma_wait3A_322 = arith.constant 0 : i32
    %dma_wait3A_323 = tpu.memref_slice %arg9[%dma_wait3A_321, %dma_wait3A_322] : memref<4x88xi32, #tpu.memory_space<vmem>> -> memref<1x88xi32, #tpu.memory_space<vmem>>
    %dma_wait3A_324 = tpu.memref_squeeze %dma_wait3A_323 : memref<1x88xi32, #tpu.memory_space<vmem>> -> memref<88xi32, #tpu.memory_space<vmem>>
    %dma_wait3A_325 = arith.constant 0 : i32
    %dma_wait3A_326 = arith.constant 0 : i32
    %dma_wait3A_327 = tpu.memref_slice %arg7[%dma_wait3A_325, %dma_wait3A_326] : memref<10240x128xf32, #tpu.memory_space<vmem_shared>> -> memref<10240x128xf32, #tpu.memory_space<vmem_shared>>
    tpu.wait_indirect_dma semaphore(%arg22 : memref<!tpu.dma_semaphore, #tpu.memory_space<semaphore_mem>>) src(%arg10 : memref<88x128xf32, #tpu.memory_space<vmem>>) dst(%dma_wait3A_327 : memref<10240x128xf32, #tpu.memory_space<vmem_shared>>)
    %dma_wait3A_328 = arith.constant 0 : i32
    %dma_wait3A_329 = arith.constant 0 : i32
    %dma_wait3A_330 = tpu.memref_slice %arg9[%dma_wait3A_328, %dma_wait3A_329] : memref<4x88xi32, #tpu.memory_space<vmem>> -> memref<1x88xi32, #tpu.memory_space<vmem>>
    %dma_wait3A_331 = tpu.memref_squeeze %dma_wait3A_330 : memref<1x88xi32, #tpu.memory_space<vmem>> -> memref<88xi32, #tpu.memory_space<vmem>>
    %dma_wait3A_332 = arith.constant 0 : i32
    %dma_wait3A_333 = arith.constant 0 : i32
    %dma_wait3A_334 = tpu.memref_slice %arg7[%dma_wait3A_332, %dma_wait3A_333] : memref<10240x128xf32, #tpu.memory_space<vmem_shared>> -> memref<10240x128xf32, #tpu.memory_space<vmem_shared>>
    tpu.wait_indirect_dma semaphore(%arg23 : memref<!tpu.dma_semaphore, #tpu.memory_space<semaphore_mem>>) src(%arg11 : memref<88x128xf32, #tpu.memory_space<vmem>>) dst(%dma_wait3A_334 : memref<10240x128xf32, #tpu.memory_space<vmem_shared>>)
    %dma_wait3A_335 = arith.constant 0 : i32
    %dma_wait3A_336 = arith.constant 0 : i32
    %dma_wait3A_337 = tpu.memref_slice %arg9[%dma_wait3A_335, %dma_wait3A_336] : memref<4x88xi32, #tpu.memory_space<vmem>> -> memref<1x88xi32, #tpu.memory_space<vmem>>
    %dma_wait3A_338 = tpu.memref_squeeze %dma_wait3A_337 : memref<1x88xi32, #tpu.memory_space<vmem>> -> memref<88xi32, #tpu.memory_space<vmem>>
    %dma_wait3A_339 = arith.constant 0 : i32
    %dma_wait3A_340 = arith.constant 0 : i32
    %dma_wait3A_341 = tpu.memref_slice %arg7[%dma_wait3A_339, %dma_wait3A_340] : memref<10240x128xf32, #tpu.memory_space<vmem_shared>> -> memref<10240x128xf32, #tpu.memory_space<vmem_shared>>
    tpu.wait_indirect_dma semaphore(%arg24 : memref<!tpu.dma_semaphore, #tpu.memory_space<semaphore_mem>>) src(%arg12 : memref<88x128xf32, #tpu.memory_space<vmem>>) dst(%dma_wait3A_341 : memref<10240x128xf32, #tpu.memory_space<vmem_shared>>)
    %dma_wait3A_342 = arith.constant 0 : i32
    %dma_wait3A_343 = arith.constant 0 : i32
    %dma_wait3A_344 = tpu.memref_slice %arg9[%dma_wait3A_342, %dma_wait3A_343] : memref<4x88xi32, #tpu.memory_space<vmem>> -> memref<1x88xi32, #tpu.memory_space<vmem>>
    %dma_wait3A_345 = tpu.memref_squeeze %dma_wait3A_344 : memref<1x88xi32, #tpu.memory_space<vmem>> -> memref<88xi32, #tpu.memory_space<vmem>>
    %dma_wait3A_346 = arith.constant 0 : i32
    %dma_wait3A_347 = arith.constant 0 : i32
    %dma_wait3A_348 = tpu.memref_slice %arg7[%dma_wait3A_346, %dma_wait3A_347] : memref<10240x128xf32, #tpu.memory_space<vmem_shared>> -> memref<10240x128xf32, #tpu.memory_space<vmem_shared>>
    tpu.wait_indirect_dma semaphore(%arg25 : memref<!tpu.dma_semaphore, #tpu.memory_space<semaphore_mem>>) src(%arg13 : memref<88x128xf32, #tpu.memory_space<vmem>>) dst(%dma_wait3A_348 : memref<10240x128xf32, #tpu.memory_space<vmem_shared>>)
    %barrier3A_349 = arith.constant 0 : index
    tpu.barrier barrier_id(%barrier3A_349)
    "tpu.region"() ({
      %run_scoped3A = tpu.sem_alloc : memref<!tpu.dma_semaphore, #tpu.memory_space<semaphore_mem>>
      %dma_start3A_350 = arith.constant 0 : i32
      %dma_start3A_351 = arith.constant 0 : i32
      %dma_start3A_352 = tpu.memref_slice %arg6[%arg0, %dma_start3A_350, %dma_start3A_351] : memref<2x10240x128xf32, #tpu.memory_space<hbm>> -> memref<1x10240x128xf32, #tpu.memory_space<hbm>>
      %dma_start3A_353 = tpu.memref_squeeze %dma_start3A_352 : memref<1x10240x128xf32, #tpu.memory_space<hbm>> -> memref<10240x128xf32, #tpu.memory_space<hbm>>
      %dma_start3A_354 = arith.constant 0 : i32
      %dma_start3A_355 = tpu.memref_slice %dma_start3A_353[%mul3A_2, %dma_start3A_354] : memref<10240x128xf32, #tpu.memory_space<hbm>> -> memref<640x128xf32, #tpu.memory_space<hbm>>
      %dma_start3A_356 = arith.constant 0 : i32
      %dma_start3A_357 = tpu.memref_slice %arg7[%mul3A_2, %dma_start3A_356] : memref<10240x128xf32, #tpu.memory_space<vmem_shared>> -> memref<640x128xf32, #tpu.memory_space<vmem_shared>>
      tpu.enqueue_dma source(%dma_start3A_357 : memref<640x128xf32, #tpu.memory_space<vmem_shared>>) target(%dma_start3A_355 : memref<640x128xf32, #tpu.memory_space<hbm>>) target_semaphore(%run_scoped3A : memref<!tpu.dma_semaphore, #tpu.memory_space<semaphore_mem>>)
      %dma_wait3A_358 = arith.constant 0 : i32
      %dma_wait3A_359 = arith.constant 0 : i32
      %dma_wait3A_360 = tpu.memref_slice %arg6[%arg0, %dma_wait3A_358, %dma_wait3A_359] : memref<2x10240x128xf32, #tpu.memory_space<hbm>> -> memref<1x10240x128xf32, #tpu.memory_space<hbm>>
      %dma_wait3A_361 = tpu.memref_squeeze %dma_wait3A_360 : memref<1x10240x128xf32, #tpu.memory_space<hbm>> -> memref<10240x128xf32, #tpu.memory_space<hbm>>
      %dma_wait3A_362 = arith.constant 0 : i32
      %dma_wait3A_363 = tpu.memref_slice %dma_wait3A_361[%mul3A_2, %dma_wait3A_362] : memref<10240x128xf32, #tpu.memory_space<hbm>> -> memref<640x128xf32, #tpu.memory_space<hbm>>
      %dma_wait3A_364 = arith.constant 0 : i32
      %dma_wait3A_365 = tpu.memref_slice %arg7[%mul3A_2, %dma_wait3A_364] : memref<10240x128xf32, #tpu.memory_space<vmem_shared>> -> memref<640x128xf32, #tpu.memory_space<vmem_shared>>
      tpu.wait_dma2 semaphore(%run_scoped3A : memref<!tpu.dma_semaphore, #tpu.memory_space<semaphore_mem>>) src(%dma_wait3A_365 : memref<640x128xf32, #tpu.memory_space<vmem_shared>>) dst(%dma_wait3A_363 : memref<640x128xf32, #tpu.memory_space<hbm>>)
      tpu.yield
    }) : () -> ()
    return
  }
}

#map = affine_map<(d0, d1) -> (0, 0)>
#map1 = affine_map<(d0, d1) -> (0, 0, 0)>
module attributes {stable_mosaic.version = 14 : i64} {
  func.func @accum(%arg0: i32, %arg1: i32, %arg2: memref<10240x128xf32, #tpu.memory_space<hbm>>, %arg3: memref<32x116x88xi32, #tpu.memory_space<hbm>>, %arg4: memref<32x116x88xi32, #tpu.memory_space<hbm>>, %arg5: memref<10240x128xf32, #tpu.memory_space<hbm>>, %arg6: memref<2x10240x128xf32, #tpu.memory_space<hbm>>, %arg7: memref<10240x128xf32, #tpu.memory_space<vmem_shared>>, %arg8: memref<4x88xi32, #tpu.memory_space<vmem>>, %arg9: memref<4x88xi32, #tpu.memory_space<vmem>>, %arg10: memref<88x128xf32, #tpu.memory_space<vmem>>, %arg11: memref<88x128xf32, #tpu.memory_space<vmem>>, %arg12: memref<88x128xf32, #tpu.memory_space<vmem>>, %arg13: memref<88x128xf32, #tpu.memory_space<vmem>>, %arg14: memref<!tpu.dma_semaphore, #tpu.memory_space<semaphore_mem>>, %arg15: memref<!tpu.dma_semaphore, #tpu.memory_space<semaphore_mem>>, %arg16: memref<!tpu.dma_semaphore, #tpu.memory_space<semaphore_mem>>, %arg17: memref<!tpu.dma_semaphore, #tpu.memory_space<semaphore_mem>>, %arg18: memref<!tpu.dma_semaphore, #tpu.memory_space<semaphore_mem>>, %arg19: memref<!tpu.dma_semaphore, #tpu.memory_space<semaphore_mem>>, %arg20: memref<!tpu.dma_semaphore, #tpu.memory_space<semaphore_mem>>, %arg21: memref<!tpu.dma_semaphore, #tpu.memory_space<semaphore_mem>>, %arg22: memref<!tpu.dma_semaphore, #tpu.memory_space<semaphore_mem>>, %arg23: memref<!tpu.dma_semaphore, #tpu.memory_space<semaphore_mem>>, %arg24: memref<!tpu.dma_semaphore, #tpu.memory_space<semaphore_mem>>, %arg25: memref<!tpu.dma_semaphore, #tpu.memory_space<semaphore_mem>>, %arg26: memref<!tpu.dma_semaphore, #tpu.memory_space<semaphore_mem>>) attributes {dimension_semantics = [#tpu.dimension_semantics<core_parallel>, #tpu.dimension_semantics<subcore_parallel>], iteration_bounds = array<i64: 2, 16>, scalar_prefetch = 0 : i64, scratch_operands = 20 : i64, tpu.core_type = #tpu.core_type<sc_vector_subcore>, window_params = [{transform_indices = #map}, {transform_indices = #map1}, {transform_indices = #map1}, {transform_indices = #map}, {transform_indices = #map1}]} {
    %mul3A = arith.constant 16 : i32
    %mul3A_0 = arith.muli %arg0, %mul3A : i32
    %add3A = arith.addi %mul3A_0, %arg1 : i32
    %mul3A_1 = arith.constant 640 : i32
    %mul3A_2 = arith.muli %arg1, %mul3A_1 : i32
    %dma_start3A = arith.constant 0 : i32
    %dma_start3A_3 = tpu.memref_slice %arg7[%mul3A_2, %dma_start3A] : memref<10240x128xf32, #tpu.memory_space<vmem_shared>> -> memref<640x128xf32, #tpu.memory_space<vmem_shared>>
    %dma_start3A_4 = arith.constant 0 : i32
    %dma_start3A_5 = tpu.memref_slice %arg5[%mul3A_2, %dma_start3A_4] : memref<10240x128xf32, #tpu.memory_space<hbm>> -> memref<640x128xf32, #tpu.memory_space<hbm>>
    tpu.enqueue_dma source(%dma_start3A_5 : memref<640x128xf32, #tpu.memory_space<hbm>>) target(%dma_start3A_3 : memref<640x128xf32, #tpu.memory_space<vmem_shared>>) target_semaphore(%arg26 : memref<!tpu.dma_semaphore, #tpu.memory_space<semaphore_mem>>)
    %dma_start3A_6 = arith.constant 0 : i32
    %dma_start3A_7 = arith.constant 0 : i32
    %dma_start3A_8 = arith.constant 0 : i32
    %dma_start3A_9 = tpu.memref_slice %arg8[%dma_start3A_7, %dma_start3A_8] : memref<4x88xi32, #tpu.memory_space<vmem>> -> memref<1x88xi32, #tpu.memory_space<vmem>>
    %dma_start3A_10 = tpu.memref_squeeze %dma_start3A_9 : memref<1x88xi32, #tpu.memory_space<vmem>> -> memref<88xi32, #tpu.memory_space<vmem>>
    %dma_start3A_11 = arith.constant 0 : i32
    %dma_start3A_12 = tpu.memref_slice %arg3[%add3A, %dma_start3A_6, %dma_start3A_11] : memref<32x116x88xi32, #tpu.memory_space<hbm>> -> memref<1x1x88xi32, #tpu.memory_space<hbm>>
    %dma_start3A_13 = tpu.memref_squeeze %dma_start3A_12 : memref<1x1x88xi32, #tpu.memory_space<hbm>> -> memref<88xi32, #tpu.memory_space<hbm>>
    %dma_start3A_14 = arith.constant 0 : i32
    %dma_start3A_15 = tpu.memref_slice %arg8[%dma_start3A_7, %dma_start3A_14] : memref<4x88xi32, #tpu.memory_space<vmem>> -> memref<1x88xi32, #tpu.memory_space<vmem>>
    %dma_start3A_16 = tpu.memref_squeeze %dma_start3A_15 : memref<1x88xi32, #tpu.memory_space<vmem>> -> memref<88xi32, #tpu.memory_space<vmem>>
    %dma_start3A_17 = arith.constant 0 : i32
    %dma_start3A_18 = tpu.memref_slice %arg3[%add3A, %dma_start3A_6, %dma_start3A_17] : memref<32x116x88xi32, #tpu.memory_space<hbm>> -> memref<1x1x88xi32, #tpu.memory_space<hbm>>
    %dma_start3A_19 = tpu.memref_squeeze %dma_start3A_18 : memref<1x1x88xi32, #tpu.memory_space<hbm>> -> memref<88xi32, #tpu.memory_space<hbm>>
    tpu.enqueue_dma source(%dma_start3A_19 : memref<88xi32, #tpu.memory_space<hbm>>) target(%dma_start3A_16 : memref<88xi32, #tpu.memory_space<vmem>>) target_semaphore(%arg14 : memref<!tpu.dma_semaphore, #tpu.memory_space<semaphore_mem>>)
    %dma_start3A_20 = arith.constant 0 : i32
    %dma_start3A_21 = arith.constant 0 : i32
    %dma_start3A_22 = arith.constant 0 : i32
    %dma_start3A_23 = tpu.memref_slice %arg9[%dma_start3A_21, %dma_start3A_22] : memref<4x88xi32, #tpu.memory_space<vmem>> -> memref<1x88xi32, #tpu.memory_space<vmem>>
    %dma_start3A_24 = tpu.memref_squeeze %dma_start3A_23 : memref<1x88xi32, #tpu.memory_space<vmem>> -> memref<88xi32, #tpu.memory_space<vmem>>
    %dma_start3A_25 = arith.constant 0 : i32
    %dma_start3A_26 = tpu.memref_slice %arg4[%add3A, %dma_start3A_20, %dma_start3A_25] : memref<32x116x88xi32, #tpu.memory_space<hbm>> -> memref<1x1x88xi32, #tpu.memory_space<hbm>>
    %dma_start3A_27 = tpu.memref_squeeze %dma_start3A_26 : memref<1x1x88xi32, #tpu.memory_space<hbm>> -> memref<88xi32, #tpu.memory_space<hbm>>
    %dma_start3A_28 = arith.constant 0 : i32
    %dma_start3A_29 = tpu.memref_slice %arg9[%dma_start3A_21, %dma_start3A_28] : memref<4x88xi32, #tpu.memory_space<vmem>> -> memref<1x88xi32, #tpu.memory_space<vmem>>
    %dma_start3A_30 = tpu.memref_squeeze %dma_start3A_29 : memref<1x88xi32, #tpu.memory_space<vmem>> -> memref<88xi32, #tpu.memory_space<vmem>>
    %dma_start3A_31 = arith.constant 0 : i32
    %dma_start3A_32 = tpu.memref_slice %arg4[%add3A, %dma_start3A_20, %dma_start3A_31] : memref<32x116x88xi32, #tpu.memory_space<hbm>> -> memref<1x1x88xi32, #tpu.memory_space<hbm>>
    %dma_start3A_33 = tpu.memref_squeeze %dma_start3A_32 : memref<1x1x88xi32, #tpu.memory_space<hbm>> -> memref<88xi32, #tpu.memory_space<hbm>>
    tpu.enqueue_dma source(%dma_start3A_33 : memref<88xi32, #tpu.memory_space<hbm>>) target(%dma_start3A_30 : memref<88xi32, #tpu.memory_space<vmem>>) target_semaphore(%arg14 : memref<!tpu.dma_semaphore, #tpu.memory_space<semaphore_mem>>)
    %dma_start3A_34 = arith.constant 1 : i32
    %dma_start3A_35 = arith.constant 1 : i32
    %dma_start3A_36 = arith.constant 0 : i32
    %dma_start3A_37 = tpu.memref_slice %arg8[%dma_start3A_35, %dma_start3A_36] : memref<4x88xi32, #tpu.memory_space<vmem>> -> memref<1x88xi32, #tpu.memory_space<vmem>>
    %dma_start3A_38 = tpu.memref_squeeze %dma_start3A_37 : memref<1x88xi32, #tpu.memory_space<vmem>> -> memref<88xi32, #tpu.memory_space<vmem>>
    %dma_start3A_39 = arith.constant 0 : i32
    %dma_start3A_40 = tpu.memref_slice %arg3[%add3A, %dma_start3A_34, %dma_start3A_39] : memref<32x116x88xi32, #tpu.memory_space<hbm>> -> memref<1x1x88xi32, #tpu.memory_space<hbm>>
    %dma_start3A_41 = tpu.memref_squeeze %dma_start3A_40 : memref<1x1x88xi32, #tpu.memory_space<hbm>> -> memref<88xi32, #tpu.memory_space<hbm>>
    %dma_start3A_42 = arith.constant 0 : i32
    %dma_start3A_43 = tpu.memref_slice %arg8[%dma_start3A_35, %dma_start3A_42] : memref<4x88xi32, #tpu.memory_space<vmem>> -> memref<1x88xi32, #tpu.memory_space<vmem>>
    %dma_start3A_44 = tpu.memref_squeeze %dma_start3A_43 : memref<1x88xi32, #tpu.memory_space<vmem>> -> memref<88xi32, #tpu.memory_space<vmem>>
    %dma_start3A_45 = arith.constant 0 : i32
    %dma_start3A_46 = tpu.memref_slice %arg3[%add3A, %dma_start3A_34, %dma_start3A_45] : memref<32x116x88xi32, #tpu.memory_space<hbm>> -> memref<1x1x88xi32, #tpu.memory_space<hbm>>
    %dma_start3A_47 = tpu.memref_squeeze %dma_start3A_46 : memref<1x1x88xi32, #tpu.memory_space<hbm>> -> memref<88xi32, #tpu.memory_space<hbm>>
    tpu.enqueue_dma source(%dma_start3A_47 : memref<88xi32, #tpu.memory_space<hbm>>) target(%dma_start3A_44 : memref<88xi32, #tpu.memory_space<vmem>>) target_semaphore(%arg15 : memref<!tpu.dma_semaphore, #tpu.memory_space<semaphore_mem>>)
    %dma_start3A_48 = arith.constant 1 : i32
    %dma_start3A_49 = arith.constant 1 : i32
    %dma_start3A_50 = arith.constant 0 : i32
    %dma_start3A_51 = tpu.memref_slice %arg9[%dma_start3A_49, %dma_start3A_50] : memref<4x88xi32, #tpu.memory_space<vmem>> -> memref<1x88xi32, #tpu.memory_space<vmem>>
    %dma_start3A_52 = tpu.memref_squeeze %dma_start3A_51 : memref<1x88xi32, #tpu.memory_space<vmem>> -> memref<88xi32, #tpu.memory_space<vmem>>
    %dma_start3A_53 = arith.constant 0 : i32
    %dma_start3A_54 = tpu.memref_slice %arg4[%add3A, %dma_start3A_48, %dma_start3A_53] : memref<32x116x88xi32, #tpu.memory_space<hbm>> -> memref<1x1x88xi32, #tpu.memory_space<hbm>>
    %dma_start3A_55 = tpu.memref_squeeze %dma_start3A_54 : memref<1x1x88xi32, #tpu.memory_space<hbm>> -> memref<88xi32, #tpu.memory_space<hbm>>
    %dma_start3A_56 = arith.constant 0 : i32
    %dma_start3A_57 = tpu.memref_slice %arg9[%dma_start3A_49, %dma_start3A_56] : memref<4x88xi32, #tpu.memory_space<vmem>> -> memref<1x88xi32, #tpu.memory_space<vmem>>
    %dma_start3A_58 = tpu.memref_squeeze %dma_start3A_57 : memref<1x88xi32, #tpu.memory_space<vmem>> -> memref<88xi32, #tpu.memory_space<vmem>>
    %dma_start3A_59 = arith.constant 0 : i32
    %dma_start3A_60 = tpu.memref_slice %arg4[%add3A, %dma_start3A_48, %dma_start3A_59] : memref<32x116x88xi32, #tpu.memory_space<hbm>> -> memref<1x1x88xi32, #tpu.memory_space<hbm>>
    %dma_start3A_61 = tpu.memref_squeeze %dma_start3A_60 : memref<1x1x88xi32, #tpu.memory_space<hbm>> -> memref<88xi32, #tpu.memory_space<hbm>>
    tpu.enqueue_dma source(%dma_start3A_61 : memref<88xi32, #tpu.memory_space<hbm>>) target(%dma_start3A_58 : memref<88xi32, #tpu.memory_space<vmem>>) target_semaphore(%arg15 : memref<!tpu.dma_semaphore, #tpu.memory_space<semaphore_mem>>)
    %dma_wait3A = arith.constant 0 : i32
    %dma_wait3A_62 = arith.constant 0 : i32
    %dma_wait3A_63 = arith.constant 0 : i32
    %dma_wait3A_64 = tpu.memref_slice %arg8[%dma_wait3A_62, %dma_wait3A_63] : memref<4x88xi32, #tpu.memory_space<vmem>> -> memref<1x88xi32, #tpu.memory_space<vmem>>
    %dma_wait3A_65 = tpu.memref_squeeze %dma_wait3A_64 : memref<1x88xi32, #tpu.memory_space<vmem>> -> memref<88xi32, #tpu.memory_space<vmem>>
    %dma_wait3A_66 = arith.constant 0 : i32
    %dma_wait3A_67 = tpu.memref_slice %arg3[%add3A, %dma_wait3A, %dma_wait3A_66] : memref<32x116x88xi32, #tpu.memory_space<hbm>> -> memref<1x1x88xi32, #tpu.memory_space<hbm>>
    %dma_wait3A_68 = tpu.memref_squeeze %dma_wait3A_67 : memref<1x1x88xi32, #tpu.memory_space<hbm>> -> memref<88xi32, #tpu.memory_space<hbm>>
    %dma_wait3A_69 = arith.constant 0 : i32
    %dma_wait3A_70 = tpu.memref_slice %arg8[%dma_wait3A_62, %dma_wait3A_69] : memref<4x88xi32, #tpu.memory_space<vmem>> -> memref<1x88xi32, #tpu.memory_space<vmem>>
    %dma_wait3A_71 = tpu.memref_squeeze %dma_wait3A_70 : memref<1x88xi32, #tpu.memory_space<vmem>> -> memref<88xi32, #tpu.memory_space<vmem>>
    %dma_wait3A_72 = arith.constant 0 : i32
    %dma_wait3A_73 = tpu.memref_slice %arg3[%add3A, %dma_wait3A, %dma_wait3A_72] : memref<32x116x88xi32, #tpu.memory_space<hbm>> -> memref<1x1x88xi32, #tpu.memory_space<hbm>>
    %dma_wait3A_74 = tpu.memref_squeeze %dma_wait3A_73 : memref<1x1x88xi32, #tpu.memory_space<hbm>> -> memref<88xi32, #tpu.memory_space<hbm>>
    tpu.wait_dma2 semaphore(%arg14 : memref<!tpu.dma_semaphore, #tpu.memory_space<semaphore_mem>>) src(%dma_wait3A_74 : memref<88xi32, #tpu.memory_space<hbm>>) dst(%dma_wait3A_71 : memref<88xi32, #tpu.memory_space<vmem>>)
    %dma_wait3A_75 = arith.constant 0 : i32
    %dma_wait3A_76 = arith.constant 0 : i32
    %dma_wait3A_77 = arith.constant 0 : i32
    %dma_wait3A_78 = tpu.memref_slice %arg9[%dma_wait3A_76, %dma_wait3A_77] : memref<4x88xi32, #tpu.memory_space<vmem>> -> memref<1x88xi32, #tpu.memory_space<vmem>>
    %dma_wait3A_79 = tpu.memref_squeeze %dma_wait3A_78 : memref<1x88xi32, #tpu.memory_space<vmem>> -> memref<88xi32, #tpu.memory_space<vmem>>
    %dma_wait3A_80 = arith.constant 0 : i32
    %dma_wait3A_81 = tpu.memref_slice %arg4[%add3A, %dma_wait3A_75, %dma_wait3A_80] : memref<32x116x88xi32, #tpu.memory_space<hbm>> -> memref<1x1x88xi32, #tpu.memory_space<hbm>>
    %dma_wait3A_82 = tpu.memref_squeeze %dma_wait3A_81 : memref<1x1x88xi32, #tpu.memory_space<hbm>> -> memref<88xi32, #tpu.memory_space<hbm>>
    %dma_wait3A_83 = arith.constant 0 : i32
    %dma_wait3A_84 = tpu.memref_slice %arg9[%dma_wait3A_76, %dma_wait3A_83] : memref<4x88xi32, #tpu.memory_space<vmem>> -> memref<1x88xi32, #tpu.memory_space<vmem>>
    %dma_wait3A_85 = tpu.memref_squeeze %dma_wait3A_84 : memref<1x88xi32, #tpu.memory_space<vmem>> -> memref<88xi32, #tpu.memory_space<vmem>>
    %dma_wait3A_86 = arith.constant 0 : i32
    %dma_wait3A_87 = tpu.memref_slice %arg4[%add3A, %dma_wait3A_75, %dma_wait3A_86] : memref<32x116x88xi32, #tpu.memory_space<hbm>> -> memref<1x1x88xi32, #tpu.memory_space<hbm>>
    %dma_wait3A_88 = tpu.memref_squeeze %dma_wait3A_87 : memref<1x1x88xi32, #tpu.memory_space<hbm>> -> memref<88xi32, #tpu.memory_space<hbm>>
    tpu.wait_dma2 semaphore(%arg14 : memref<!tpu.dma_semaphore, #tpu.memory_space<semaphore_mem>>) src(%dma_wait3A_88 : memref<88xi32, #tpu.memory_space<hbm>>) dst(%dma_wait3A_85 : memref<88xi32, #tpu.memory_space<vmem>>)
    %dma_start3A_89 = arith.constant 0 : i32
    %dma_start3A_90 = arith.constant 0 : i32
    %dma_start3A_91 = tpu.memref_slice %arg8[%dma_start3A_89, %dma_start3A_90] : memref<4x88xi32, #tpu.memory_space<vmem>> -> memref<1x88xi32, #tpu.memory_space<vmem>>
    %dma_start3A_92 = tpu.memref_squeeze %dma_start3A_91 : memref<1x88xi32, #tpu.memory_space<vmem>> -> memref<88xi32, #tpu.memory_space<vmem>>
    %dma_start3A_93 = arith.constant 0 : i32
    %dma_start3A_94 = arith.constant 0 : i32
    %dma_start3A_95 = tpu.memref_slice %arg2[%dma_start3A_93, %dma_start3A_94] : memref<10240x128xf32, #tpu.memory_space<hbm>> -> memref<10240x128xf32, #tpu.memory_space<hbm>>
    tpu.enqueue_indirect_dma source(%dma_start3A_95 : memref<10240x128xf32, #tpu.memory_space<hbm>>) target(%arg10 : memref<88x128xf32, #tpu.memory_space<vmem>>) offsets(%dma_start3A_92 : memref<88xi32, #tpu.memory_space<vmem>>) semaphore(%arg18 : memref<!tpu.dma_semaphore, #tpu.memory_space<semaphore_mem>>)
    %dma_wait3A_96 = arith.constant 0 : i32
    %dma_wait3A_97 = tpu.memref_slice %arg7[%mul3A_2, %dma_wait3A_96] : memref<10240x128xf32, #tpu.memory_space<vmem_shared>> -> memref<640x128xf32, #tpu.memory_space<vmem_shared>>
    %dma_wait3A_98 = arith.constant 0 : i32
    %dma_wait3A_99 = tpu.memref_slice %arg5[%mul3A_2, %dma_wait3A_98] : memref<10240x128xf32, #tpu.memory_space<hbm>> -> memref<640x128xf32, #tpu.memory_space<hbm>>
    tpu.wait_dma2 semaphore(%arg26 : memref<!tpu.dma_semaphore, #tpu.memory_space<semaphore_mem>>) src(%dma_wait3A_99 : memref<640x128xf32, #tpu.memory_space<hbm>>) dst(%dma_wait3A_97 : memref<640x128xf32, #tpu.memory_space<vmem_shared>>)
    %barrier3A = arith.constant 0 : index
    tpu.barrier barrier_id(%barrier3A)
    %dma_start3A_100 = arith.constant 2 : i32
    %dma_start3A_101 = arith.constant 2 : i32
    %dma_start3A_102 = arith.constant 0 : i32
    %dma_start3A_103 = tpu.memref_slice %arg8[%dma_start3A_101, %dma_start3A_102] : memref<4x88xi32, #tpu.memory_space<vmem>> -> memref<1x88xi32, #tpu.memory_space<vmem>>
    %dma_start3A_104 = tpu.memref_squeeze %dma_start3A_103 : memref<1x88xi32, #tpu.memory_space<vmem>> -> memref<88xi32, #tpu.memory_space<vmem>>
    %dma_start3A_105 = arith.constant 0 : i32
    %dma_start3A_106 = tpu.memref_slice %arg3[%add3A, %dma_start3A_100, %dma_start3A_105] : memref<32x116x88xi32, #tpu.memory_space<hbm>> -> memref<1x1x88xi32, #tpu.memory_space<hbm>>
    %dma_start3A_107 = tpu.memref_squeeze %dma_start3A_106 : memref<1x1x88xi32, #tpu.memory_space<hbm>> -> memref<88xi32, #tpu.memory_space<hbm>>
    %dma_start3A_108 = arith.constant 0 : i32
    %dma_start3A_109 = tpu.memref_slice %arg8[%dma_start3A_101, %dma_start3A_108] : memref<4x88xi32, #tpu.memory_space<vmem>> -> memref<1x88xi32, #tpu.memory_space<vmem>>
    %dma_start3A_110 = tpu.memref_squeeze %dma_start3A_109 : memref<1x88xi32, #tpu.memory_space<vmem>> -> memref<88xi32, #tpu.memory_space<vmem>>
    %dma_start3A_111 = arith.constant 0 : i32
    %dma_start3A_112 = tpu.memref_slice %arg3[%add3A, %dma_start3A_100, %dma_start3A_111] : memref<32x116x88xi32, #tpu.memory_space<hbm>> -> memref<1x1x88xi32, #tpu.memory_space<hbm>>
    %dma_start3A_113 = tpu.memref_squeeze %dma_start3A_112 : memref<1x1x88xi32, #tpu.memory_space<hbm>> -> memref<88xi32, #tpu.memory_space<hbm>>
    tpu.enqueue_dma source(%dma_start3A_113 : memref<88xi32, #tpu.memory_space<hbm>>) target(%dma_start3A_110 : memref<88xi32, #tpu.memory_space<vmem>>) target_semaphore(%arg16 : memref<!tpu.dma_semaphore, #tpu.memory_space<semaphore_mem>>)
    %dma_start3A_114 = arith.constant 2 : i32
    %dma_start3A_115 = arith.constant 2 : i32
    %dma_start3A_116 = arith.constant 0 : i32
    %dma_start3A_117 = tpu.memref_slice %arg9[%dma_start3A_115, %dma_start3A_116] : memref<4x88xi32, #tpu.memory_space<vmem>> -> memref<1x88xi32, #tpu.memory_space<vmem>>
    %dma_start3A_118 = tpu.memref_squeeze %dma_start3A_117 : memref<1x88xi32, #tpu.memory_space<vmem>> -> memref<88xi32, #tpu.memory_space<vmem>>
    %dma_start3A_119 = arith.constant 0 : i32
    %dma_start3A_120 = tpu.memref_slice %arg4[%add3A, %dma_start3A_114, %dma_start3A_119] : memref<32x116x88xi32, #tpu.memory_space<hbm>> -> memref<1x1x88xi32, #tpu.memory_space<hbm>>
    %dma_start3A_121 = tpu.memref_squeeze %dma_start3A_120 : memref<1x1x88xi32, #tpu.memory_space<hbm>> -> memref<88xi32, #tpu.memory_space<hbm>>
    %dma_start3A_122 = arith.constant 0 : i32
    %dma_start3A_123 = tpu.memref_slice %arg9[%dma_start3A_115, %dma_start3A_122] : memref<4x88xi32, #tpu.memory_space<vmem>> -> memref<1x88xi32, #tpu.memory_space<vmem>>
    %dma_start3A_124 = tpu.memref_squeeze %dma_start3A_123 : memref<1x88xi32, #tpu.memory_space<vmem>> -> memref<88xi32, #tpu.memory_space<vmem>>
    %dma_start3A_125 = arith.constant 0 : i32
    %dma_start3A_126 = tpu.memref_slice %arg4[%add3A, %dma_start3A_114, %dma_start3A_125] : memref<32x116x88xi32, #tpu.memory_space<hbm>> -> memref<1x1x88xi32, #tpu.memory_space<hbm>>
    %dma_start3A_127 = tpu.memref_squeeze %dma_start3A_126 : memref<1x1x88xi32, #tpu.memory_space<hbm>> -> memref<88xi32, #tpu.memory_space<hbm>>
    tpu.enqueue_dma source(%dma_start3A_127 : memref<88xi32, #tpu.memory_space<hbm>>) target(%dma_start3A_124 : memref<88xi32, #tpu.memory_space<vmem>>) target_semaphore(%arg16 : memref<!tpu.dma_semaphore, #tpu.memory_space<semaphore_mem>>)
    %dma_wait3A_128 = arith.constant 0 : i32
    %dma_wait3A_129 = arith.constant 1 : i32
    %dma_wait3A_130 = arith.constant 0 : i32
    %dma_wait3A_131 = tpu.memref_slice %arg8[%dma_wait3A_129, %dma_wait3A_130] : memref<4x88xi32, #tpu.memory_space<vmem>> -> memref<1x88xi32, #tpu.memory_space<vmem>>
    %dma_wait3A_132 = tpu.memref_squeeze %dma_wait3A_131 : memref<1x88xi32, #tpu.memory_space<vmem>> -> memref<88xi32, #tpu.memory_space<vmem>>
    %dma_wait3A_133 = arith.constant 0 : i32
    %dma_wait3A_134 = tpu.memref_slice %arg3[%add3A, %dma_wait3A_128, %dma_wait3A_133] : memref<32x116x88xi32, #tpu.memory_space<hbm>> -> memref<1x1x88xi32, #tpu.memory_space<hbm>>
    %dma_wait3A_135 = tpu.memref_squeeze %dma_wait3A_134 : memref<1x1x88xi32, #tpu.memory_space<hbm>> -> memref<88xi32, #tpu.memory_space<hbm>>
    %dma_wait3A_136 = arith.constant 0 : i32
    %dma_wait3A_137 = tpu.memref_slice %arg8[%dma_wait3A_129, %dma_wait3A_136] : memref<4x88xi32, #tpu.memory_space<vmem>> -> memref<1x88xi32, #tpu.memory_space<vmem>>
    %dma_wait3A_138 = tpu.memref_squeeze %dma_wait3A_137 : memref<1x88xi32, #tpu.memory_space<vmem>> -> memref<88xi32, #tpu.memory_space<vmem>>
    %dma_wait3A_139 = arith.constant 0 : i32
    %dma_wait3A_140 = tpu.memref_slice %arg3[%add3A, %dma_wait3A_128, %dma_wait3A_139] : memref<32x116x88xi32, #tpu.memory_space<hbm>> -> memref<1x1x88xi32, #tpu.memory_space<hbm>>
    %dma_wait3A_141 = tpu.memref_squeeze %dma_wait3A_140 : memref<1x1x88xi32, #tpu.memory_space<hbm>> -> memref<88xi32, #tpu.memory_space<hbm>>
    tpu.wait_dma2 semaphore(%arg15 : memref<!tpu.dma_semaphore, #tpu.memory_space<semaphore_mem>>) src(%dma_wait3A_141 : memref<88xi32, #tpu.memory_space<hbm>>) dst(%dma_wait3A_138 : memref<88xi32, #tpu.memory_space<vmem>>)
    %dma_wait3A_142 = arith.constant 0 : i32
    %dma_wait3A_143 = arith.constant 1 : i32
    %dma_wait3A_144 = arith.constant 0 : i32
    %dma_wait3A_145 = tpu.memref_slice %arg9[%dma_wait3A_143, %dma_wait3A_144] : memref<4x88xi32, #tpu.memory_space<vmem>> -> memref<1x88xi32, #tpu.memory_space<vmem>>
    %dma_wait3A_146 = tpu.memref_squeeze %dma_wait3A_145 : memref<1x88xi32, #tpu.memory_space<vmem>> -> memref<88xi32, #tpu.memory_space<vmem>>
    %dma_wait3A_147 = arith.constant 0 : i32
    %dma_wait3A_148 = tpu.memref_slice %arg4[%add3A, %dma_wait3A_142, %dma_wait3A_147] : memref<32x116x88xi32, #tpu.memory_space<hbm>> -> memref<1x1x88xi32, #tpu.memory_space<hbm>>
    %dma_wait3A_149 = tpu.memref_squeeze %dma_wait3A_148 : memref<1x1x88xi32, #tpu.memory_space<hbm>> -> memref<88xi32, #tpu.memory_space<hbm>>
    %dma_wait3A_150 = arith.constant 0 : i32
    %dma_wait3A_151 = tpu.memref_slice %arg9[%dma_wait3A_143, %dma_wait3A_150] : memref<4x88xi32, #tpu.memory_space<vmem>> -> memref<1x88xi32, #tpu.memory_space<vmem>>
    %dma_wait3A_152 = tpu.memref_squeeze %dma_wait3A_151 : memref<1x88xi32, #tpu.memory_space<vmem>> -> memref<88xi32, #tpu.memory_space<vmem>>
    %dma_wait3A_153 = arith.constant 0 : i32
    %dma_wait3A_154 = tpu.memref_slice %arg4[%add3A, %dma_wait3A_142, %dma_wait3A_153] : memref<32x116x88xi32, #tpu.memory_space<hbm>> -> memref<1x1x88xi32, #tpu.memory_space<hbm>>
    %dma_wait3A_155 = tpu.memref_squeeze %dma_wait3A_154 : memref<1x1x88xi32, #tpu.memory_space<hbm>> -> memref<88xi32, #tpu.memory_space<hbm>>
    tpu.wait_dma2 semaphore(%arg15 : memref<!tpu.dma_semaphore, #tpu.memory_space<semaphore_mem>>) src(%dma_wait3A_155 : memref<88xi32, #tpu.memory_space<hbm>>) dst(%dma_wait3A_152 : memref<88xi32, #tpu.memory_space<vmem>>)
    %dma_start3A_156 = arith.constant 1 : i32
    %dma_start3A_157 = arith.constant 0 : i32
    %dma_start3A_158 = tpu.memref_slice %arg8[%dma_start3A_156, %dma_start3A_157] : memref<4x88xi32, #tpu.memory_space<vmem>> -> memref<1x88xi32, #tpu.memory_space<vmem>>
    %dma_start3A_159 = tpu.memref_squeeze %dma_start3A_158 : memref<1x88xi32, #tpu.memory_space<vmem>> -> memref<88xi32, #tpu.memory_space<vmem>>
    %dma_start3A_160 = arith.constant 0 : i32
    %dma_start3A_161 = arith.constant 0 : i32
    %dma_start3A_162 = tpu.memref_slice %arg2[%dma_start3A_160, %dma_start3A_161] : memref<10240x128xf32, #tpu.memory_space<hbm>> -> memref<10240x128xf32, #tpu.memory_space<hbm>>
    tpu.enqueue_indirect_dma source(%dma_start3A_162 : memref<10240x128xf32, #tpu.memory_space<hbm>>) target(%arg11 : memref<88x128xf32, #tpu.memory_space<vmem>>) offsets(%dma_start3A_159 : memref<88xi32, #tpu.memory_space<vmem>>) semaphore(%arg19 : memref<!tpu.dma_semaphore, #tpu.memory_space<semaphore_mem>>)
    %dma_wait3A_163 = arith.constant 0 : i32
    %dma_wait3A_164 = arith.constant 0 : i32
    %dma_wait3A_165 = tpu.memref_slice %arg8[%dma_wait3A_163, %dma_wait3A_164] : memref<4x88xi32, #tpu.memory_space<vmem>> -> memref<1x88xi32, #tpu.memory_space<vmem>>
    %dma_wait3A_166 = tpu.memref_squeeze %dma_wait3A_165 : memref<1x88xi32, #tpu.memory_space<vmem>> -> memref<88xi32, #tpu.memory_space<vmem>>
    %dma_wait3A_167 = arith.constant 0 : i32
    %dma_wait3A_168 = arith.constant 0 : i32
    %dma_wait3A_169 = tpu.memref_slice %arg2[%dma_wait3A_167, %dma_wait3A_168] : memref<10240x128xf32, #tpu.memory_space<hbm>> -> memref<10240x128xf32, #tpu.memory_space<hbm>>
    tpu.wait_indirect_dma semaphore(%arg18 : memref<!tpu.dma_semaphore, #tpu.memory_space<semaphore_mem>>) src(%dma_wait3A_169 : memref<10240x128xf32, #tpu.memory_space<hbm>>) dst(%arg10 : memref<88x128xf32, #tpu.memory_space<vmem>>)
    %dma_start3A_170 = arith.constant 0 : i32
    %dma_start3A_171 = arith.constant 0 : i32
    %dma_start3A_172 = tpu.memref_slice %arg9[%dma_start3A_170, %dma_start3A_171] : memref<4x88xi32, #tpu.memory_space<vmem>> -> memref<1x88xi32, #tpu.memory_space<vmem>>
    %dma_start3A_173 = tpu.memref_squeeze %dma_start3A_172 : memref<1x88xi32, #tpu.memory_space<vmem>> -> memref<88xi32, #tpu.memory_space<vmem>>
    %dma_start3A_174 = arith.constant 0 : i32
    %dma_start3A_175 = arith.constant 0 : i32
    %dma_start3A_176 = tpu.memref_slice %arg7[%dma_start3A_174, %dma_start3A_175] : memref<10240x128xf32, #tpu.memory_space<vmem_shared>> -> memref<10240x128xf32, #tpu.memory_space<vmem_shared>>
    tpu.enqueue_indirect_dma source(%arg10 : memref<88x128xf32, #tpu.memory_space<vmem>>) target(%dma_start3A_176 : memref<10240x128xf32, #tpu.memory_space<vmem_shared>>) offsets(%dma_start3A_173 : memref<88xi32, #tpu.memory_space<vmem>>) semaphore(%arg22 : memref<!tpu.dma_semaphore, #tpu.memory_space<semaphore_mem>>) {add = true}
    %dma_start3A_177 = arith.constant 3 : i32
    %dma_start3A_178 = arith.constant 3 : i32
    %dma_start3A_179 = arith.constant 0 : i32
    %dma_start3A_180 = tpu.memref_slice %arg8[%dma_start3A_178, %dma_start3A_179] : memref<4x88xi32, #tpu.memory_space<vmem>> -> memref<1x88xi32, #tpu.memory_space<vmem>>
    %dma_start3A_181 = tpu.memref_squeeze %dma_start3A_180 : memref<1x88xi32, #tpu.memory_space<vmem>> -> memref<88xi32, #tpu.memory_space<vmem>>
    %dma_start3A_182 = arith.constant 0 : i32
    %dma_start3A_183 = tpu.memref_slice %arg3[%add3A, %dma_start3A_177, %dma_start3A_182] : memref<32x116x88xi32, #tpu.memory_space<hbm>> -> memref<1x1x88xi32, #tpu.memory_space<hbm>>
    %dma_start3A_184 = tpu.memref_squeeze %dma_start3A_183 : memref<1x1x88xi32, #tpu.memory_space<hbm>> -> memref<88xi32, #tpu.memory_space<hbm>>
    %dma_start3A_185 = arith.constant 0 : i32
    %dma_start3A_186 = tpu.memref_slice %arg8[%dma_start3A_178, %dma_start3A_185] : memref<4x88xi32, #tpu.memory_space<vmem>> -> memref<1x88xi32, #tpu.memory_space<vmem>>
    %dma_start3A_187 = tpu.memref_squeeze %dma_start3A_186 : memref<1x88xi32, #tpu.memory_space<vmem>> -> memref<88xi32, #tpu.memory_space<vmem>>
    %dma_start3A_188 = arith.constant 0 : i32
    %dma_start3A_189 = tpu.memref_slice %arg3[%add3A, %dma_start3A_177, %dma_start3A_188] : memref<32x116x88xi32, #tpu.memory_space<hbm>> -> memref<1x1x88xi32, #tpu.memory_space<hbm>>
    %dma_start3A_190 = tpu.memref_squeeze %dma_start3A_189 : memref<1x1x88xi32, #tpu.memory_space<hbm>> -> memref<88xi32, #tpu.memory_space<hbm>>
    tpu.enqueue_dma source(%dma_start3A_190 : memref<88xi32, #tpu.memory_space<hbm>>) target(%dma_start3A_187 : memref<88xi32, #tpu.memory_space<vmem>>) target_semaphore(%arg17 : memref<!tpu.dma_semaphore, #tpu.memory_space<semaphore_mem>>)
    %dma_start3A_191 = arith.constant 3 : i32
    %dma_start3A_192 = arith.constant 3 : i32
    %dma_start3A_193 = arith.constant 0 : i32
    %dma_start3A_194 = tpu.memref_slice %arg9[%dma_start3A_192, %dma_start3A_193] : memref<4x88xi32, #tpu.memory_space<vmem>> -> memref<1x88xi32, #tpu.memory_space<vmem>>
    %dma_start3A_195 = tpu.memref_squeeze %dma_start3A_194 : memref<1x88xi32, #tpu.memory_space<vmem>> -> memref<88xi32, #tpu.memory_space<vmem>>
    %dma_start3A_196 = arith.constant 0 : i32
    %dma_start3A_197 = tpu.memref_slice %arg4[%add3A, %dma_start3A_191, %dma_start3A_196] : memref<32x116x88xi32, #tpu.memory_space<hbm>> -> memref<1x1x88xi32, #tpu.memory_space<hbm>>
    %dma_start3A_198 = tpu.memref_squeeze %dma_start3A_197 : memref<1x1x88xi32, #tpu.memory_space<hbm>> -> memref<88xi32, #tpu.memory_space<hbm>>
    %dma_start3A_199 = arith.constant 0 : i32
    %dma_start3A_200 = tpu.memref_slice %arg9[%dma_start3A_192, %dma_start3A_199] : memref<4x88xi32, #tpu.memory_space<vmem>> -> memref<1x88xi32, #tpu.memory_space<vmem>>
    %dma_start3A_201 = tpu.memref_squeeze %dma_start3A_200 : memref<1x88xi32, #tpu.memory_space<vmem>> -> memref<88xi32, #tpu.memory_space<vmem>>
    %dma_start3A_202 = arith.constant 0 : i32
    %dma_start3A_203 = tpu.memref_slice %arg4[%add3A, %dma_start3A_191, %dma_start3A_202] : memref<32x116x88xi32, #tpu.memory_space<hbm>> -> memref<1x1x88xi32, #tpu.memory_space<hbm>>
    %dma_start3A_204 = tpu.memref_squeeze %dma_start3A_203 : memref<1x1x88xi32, #tpu.memory_space<hbm>> -> memref<88xi32, #tpu.memory_space<hbm>>
    tpu.enqueue_dma source(%dma_start3A_204 : memref<88xi32, #tpu.memory_space<hbm>>) target(%dma_start3A_201 : memref<88xi32, #tpu.memory_space<vmem>>) target_semaphore(%arg17 : memref<!tpu.dma_semaphore, #tpu.memory_space<semaphore_mem>>)
    %dma_wait3A_205 = arith.constant 0 : i32
    %dma_wait3A_206 = arith.constant 2 : i32
    %dma_wait3A_207 = arith.constant 0 : i32
    %dma_wait3A_208 = tpu.memref_slice %arg8[%dma_wait3A_206, %dma_wait3A_207] : memref<4x88xi32, #tpu.memory_space<vmem>> -> memref<1x88xi32, #tpu.memory_space<vmem>>
    %dma_wait3A_209 = tpu.memref_squeeze %dma_wait3A_208 : memref<1x88xi32, #tpu.memory_space<vmem>> -> memref<88xi32, #tpu.memory_space<vmem>>
    %dma_wait3A_210 = arith.constant 0 : i32
    %dma_wait3A_211 = tpu.memref_slice %arg3[%add3A, %dma_wait3A_205, %dma_wait3A_210] : memref<32x116x88xi32, #tpu.memory_space<hbm>> -> memref<1x1x88xi32, #tpu.memory_space<hbm>>
    %dma_wait3A_212 = tpu.memref_squeeze %dma_wait3A_211 : memref<1x1x88xi32, #tpu.memory_space<hbm>> -> memref<88xi32, #tpu.memory_space<hbm>>
    %dma_wait3A_213 = arith.constant 0 : i32
    %dma_wait3A_214 = tpu.memref_slice %arg8[%dma_wait3A_206, %dma_wait3A_213] : memref<4x88xi32, #tpu.memory_space<vmem>> -> memref<1x88xi32, #tpu.memory_space<vmem>>
    %dma_wait3A_215 = tpu.memref_squeeze %dma_wait3A_214 : memref<1x88xi32, #tpu.memory_space<vmem>> -> memref<88xi32, #tpu.memory_space<vmem>>
    %dma_wait3A_216 = arith.constant 0 : i32
    %dma_wait3A_217 = tpu.memref_slice %arg3[%add3A, %dma_wait3A_205, %dma_wait3A_216] : memref<32x116x88xi32, #tpu.memory_space<hbm>> -> memref<1x1x88xi32, #tpu.memory_space<hbm>>
    %dma_wait3A_218 = tpu.memref_squeeze %dma_wait3A_217 : memref<1x1x88xi32, #tpu.memory_space<hbm>> -> memref<88xi32, #tpu.memory_space<hbm>>
    tpu.wait_dma2 semaphore(%arg16 : memref<!tpu.dma_semaphore, #tpu.memory_space<semaphore_mem>>) src(%dma_wait3A_218 : memref<88xi32, #tpu.memory_space<hbm>>) dst(%dma_wait3A_215 : memref<88xi32, #tpu.memory_space<vmem>>)
    %dma_wait3A_219 = arith.constant 0 : i32
    %dma_wait3A_220 = arith.constant 2 : i32
    %dma_wait3A_221 = arith.constant 0 : i32
    %dma_wait3A_222 = tpu.memref_slice %arg9[%dma_wait3A_220, %dma_wait3A_221] : memref<4x88xi32, #tpu.memory_space<vmem>> -> memref<1x88xi32, #tpu.memory_space<vmem>>
    %dma_wait3A_223 = tpu.memref_squeeze %dma_wait3A_222 : memref<1x88xi32, #tpu.memory_space<vmem>> -> memref<88xi32, #tpu.memory_space<vmem>>
    %dma_wait3A_224 = arith.constant 0 : i32
    %dma_wait3A_225 = tpu.memref_slice %arg4[%add3A, %dma_wait3A_219, %dma_wait3A_224] : memref<32x116x88xi32, #tpu.memory_space<hbm>> -> memref<1x1x88xi32, #tpu.memory_space<hbm>>
    %dma_wait3A_226 = tpu.memref_squeeze %dma_wait3A_225 : memref<1x1x88xi32, #tpu.memory_space<hbm>> -> memref<88xi32, #tpu.memory_space<hbm>>
    %dma_wait3A_227 = arith.constant 0 : i32
    %dma_wait3A_228 = tpu.memref_slice %arg9[%dma_wait3A_220, %dma_wait3A_227] : memref<4x88xi32, #tpu.memory_space<vmem>> -> memref<1x88xi32, #tpu.memory_space<vmem>>
    %dma_wait3A_229 = tpu.memref_squeeze %dma_wait3A_228 : memref<1x88xi32, #tpu.memory_space<vmem>> -> memref<88xi32, #tpu.memory_space<vmem>>
    %dma_wait3A_230 = arith.constant 0 : i32
    %dma_wait3A_231 = tpu.memref_slice %arg4[%add3A, %dma_wait3A_219, %dma_wait3A_230] : memref<32x116x88xi32, #tpu.memory_space<hbm>> -> memref<1x1x88xi32, #tpu.memory_space<hbm>>
    %dma_wait3A_232 = tpu.memref_squeeze %dma_wait3A_231 : memref<1x1x88xi32, #tpu.memory_space<hbm>> -> memref<88xi32, #tpu.memory_space<hbm>>
    tpu.wait_dma2 semaphore(%arg16 : memref<!tpu.dma_semaphore, #tpu.memory_space<semaphore_mem>>) src(%dma_wait3A_232 : memref<88xi32, #tpu.memory_space<hbm>>) dst(%dma_wait3A_229 : memref<88xi32, #tpu.memory_space<vmem>>)
    %dma_start3A_233 = arith.constant 2 : i32
    %dma_start3A_234 = arith.constant 0 : i32
    %dma_start3A_235 = tpu.memref_slice %arg8[%dma_start3A_233, %dma_start3A_234] : memref<4x88xi32, #tpu.memory_space<vmem>> -> memref<1x88xi32, #tpu.memory_space<vmem>>
    %dma_start3A_236 = tpu.memref_squeeze %dma_start3A_235 : memref<1x88xi32, #tpu.memory_space<vmem>> -> memref<88xi32, #tpu.memory_space<vmem>>
    %dma_start3A_237 = arith.constant 0 : i32
    %dma_start3A_238 = arith.constant 0 : i32
    %dma_start3A_239 = tpu.memref_slice %arg2[%dma_start3A_237, %dma_start3A_238] : memref<10240x128xf32, #tpu.memory_space<hbm>> -> memref<10240x128xf32, #tpu.memory_space<hbm>>
    tpu.enqueue_indirect_dma source(%dma_start3A_239 : memref<10240x128xf32, #tpu.memory_space<hbm>>) target(%arg12 : memref<88x128xf32, #tpu.memory_space<vmem>>) offsets(%dma_start3A_236 : memref<88xi32, #tpu.memory_space<vmem>>) semaphore(%arg20 : memref<!tpu.dma_semaphore, #tpu.memory_space<semaphore_mem>>)
    %dma_wait3A_240 = arith.constant 0 : i32
    %dma_wait3A_241 = arith.constant 0 : i32
    %dma_wait3A_242 = tpu.memref_slice %arg8[%dma_wait3A_240, %dma_wait3A_241] : memref<4x88xi32, #tpu.memory_space<vmem>> -> memref<1x88xi32, #tpu.memory_space<vmem>>
    %dma_wait3A_243 = tpu.memref_squeeze %dma_wait3A_242 : memref<1x88xi32, #tpu.memory_space<vmem>> -> memref<88xi32, #tpu.memory_space<vmem>>
    %dma_wait3A_244 = arith.constant 0 : i32
    %dma_wait3A_245 = arith.constant 0 : i32
    %dma_wait3A_246 = tpu.memref_slice %arg2[%dma_wait3A_244, %dma_wait3A_245] : memref<10240x128xf32, #tpu.memory_space<hbm>> -> memref<10240x128xf32, #tpu.memory_space<hbm>>
    tpu.wait_indirect_dma semaphore(%arg19 : memref<!tpu.dma_semaphore, #tpu.memory_space<semaphore_mem>>) src(%dma_wait3A_246 : memref<10240x128xf32, #tpu.memory_space<hbm>>) dst(%arg11 : memref<88x128xf32, #tpu.memory_space<vmem>>)
    %dma_start3A_247 = arith.constant 1 : i32
    %dma_start3A_248 = arith.constant 0 : i32
    %dma_start3A_249 = tpu.memref_slice %arg9[%dma_start3A_247, %dma_start3A_248] : memref<4x88xi32, #tpu.memory_space<vmem>> -> memref<1x88xi32, #tpu.memory_space<vmem>>
    %dma_start3A_250 = tpu.memref_squeeze %dma_start3A_249 : memref<1x88xi32, #tpu.memory_space<vmem>> -> memref<88xi32, #tpu.memory_space<vmem>>
    %dma_start3A_251 = arith.constant 0 : i32
    %dma_start3A_252 = arith.constant 0 : i32
    %dma_start3A_253 = tpu.memref_slice %arg7[%dma_start3A_251, %dma_start3A_252] : memref<10240x128xf32, #tpu.memory_space<vmem_shared>> -> memref<10240x128xf32, #tpu.memory_space<vmem_shared>>
    tpu.enqueue_indirect_dma source(%arg11 : memref<88x128xf32, #tpu.memory_space<vmem>>) target(%dma_start3A_253 : memref<10240x128xf32, #tpu.memory_space<vmem_shared>>) offsets(%dma_start3A_250 : memref<88xi32, #tpu.memory_space<vmem>>) semaphore(%arg23 : memref<!tpu.dma_semaphore, #tpu.memory_space<semaphore_mem>>) {add = true}
    %scan3A = arith.constant 0 : i32
    %scan3A_254 = arith.constant 28 : i32
    %scan3A_255 = arith.addi %scan3A, %scan3A_254 : i32
    %scan3A_256 = arith.constant 1 : i32
    scf.for %scan3A_350 = %scan3A to %scan3A_255 step %scan3A_256  : i32 {
      %mul3A_351 = arith.constant 1 : i32
      %mul3A_352 = arith.muli %scan3A_350, %mul3A_351 : i32
      %add3A_353 = arith.constant 1 : i32
      %add3A_354 = arith.addi %add3A_353, %mul3A_352 : i32
      %dma_wait3A_355 = arith.constant 0 : i32
      %dma_wait3A_356 = arith.constant 0 : i32
      %dma_wait3A_357 = tpu.memref_slice %arg9[%dma_wait3A_355, %dma_wait3A_356] : memref<4x88xi32, #tpu.memory_space<vmem>> -> memref<1x88xi32, #tpu.memory_space<vmem>>
      %dma_wait3A_358 = tpu.memref_squeeze %dma_wait3A_357 : memref<1x88xi32, #tpu.memory_space<vmem>> -> memref<88xi32, #tpu.memory_space<vmem>>
      %dma_wait3A_359 = arith.constant 0 : i32
      %dma_wait3A_360 = arith.constant 0 : i32
      %dma_wait3A_361 = tpu.memref_slice %arg7[%dma_wait3A_359, %dma_wait3A_360] : memref<10240x128xf32, #tpu.memory_space<vmem_shared>> -> memref<10240x128xf32, #tpu.memory_space<vmem_shared>>
      tpu.wait_indirect_dma semaphore(%arg22 : memref<!tpu.dma_semaphore, #tpu.memory_space<semaphore_mem>>) src(%arg10 : memref<88x128xf32, #tpu.memory_space<vmem>>) dst(%dma_wait3A_361 : memref<10240x128xf32, #tpu.memory_space<vmem_shared>>)
      %mul3A_362 = arith.constant 4 : i32
      %mul3A_363 = arith.muli %add3A_354, %mul3A_362 : i32
      %add3A_364 = arith.constant 0 : i32
      %add3A_365 = arith.addi %mul3A_363, %add3A_364 : i32
      %dma_start3A_366 = arith.constant 0 : i32
      %dma_start3A_367 = arith.constant 0 : i32
      %dma_start3A_368 = tpu.memref_slice %arg8[%dma_start3A_366, %dma_start3A_367] : memref<4x88xi32, #tpu.memory_space<vmem>> -> memref<1x88xi32, #tpu.memory_space<vmem>>
      %dma_start3A_369 = tpu.memref_squeeze %dma_start3A_368 : memref<1x88xi32, #tpu.memory_space<vmem>> -> memref<88xi32, #tpu.memory_space<vmem>>
      %dma_start3A_370 = arith.constant 0 : i32
      %dma_start3A_371 = tpu.memref_slice %arg3[%add3A, %add3A_365, %dma_start3A_370] : memref<32x116x88xi32, #tpu.memory_space<hbm>> -> memref<1x1x88xi32, #tpu.memory_space<hbm>>
      %dma_start3A_372 = tpu.memref_squeeze %dma_start3A_371 : memref<1x1x88xi32, #tpu.memory_space<hbm>> -> memref<88xi32, #tpu.memory_space<hbm>>
      %dma_start3A_373 = arith.constant 0 : i32
      %dma_start3A_374 = tpu.memref_slice %arg8[%dma_start3A_366, %dma_start3A_373] : memref<4x88xi32, #tpu.memory_space<vmem>> -> memref<1x88xi32, #tpu.memory_space<vmem>>
      %dma_start3A_375 = tpu.memref_squeeze %dma_start3A_374 : memref<1x88xi32, #tpu.memory_space<vmem>> -> memref<88xi32, #tpu.memory_space<vmem>>
      %dma_start3A_376 = arith.constant 0 : i32
      %dma_start3A_377 = tpu.memref_slice %arg3[%add3A, %add3A_365, %dma_start3A_376] : memref<32x116x88xi32, #tpu.memory_space<hbm>> -> memref<1x1x88xi32, #tpu.memory_space<hbm>>
      %dma_start3A_378 = tpu.memref_squeeze %dma_start3A_377 : memref<1x1x88xi32, #tpu.memory_space<hbm>> -> memref<88xi32, #tpu.memory_space<hbm>>
      tpu.enqueue_dma source(%dma_start3A_378 : memref<88xi32, #tpu.memory_space<hbm>>) target(%dma_start3A_375 : memref<88xi32, #tpu.memory_space<vmem>>) target_semaphore(%arg14 : memref<!tpu.dma_semaphore, #tpu.memory_space<semaphore_mem>>)
      %mul3A_379 = arith.constant 4 : i32
      %mul3A_380 = arith.muli %add3A_354, %mul3A_379 : i32
      %add3A_381 = arith.constant 0 : i32
      %add3A_382 = arith.addi %mul3A_380, %add3A_381 : i32
      %dma_start3A_383 = arith.constant 0 : i32
      %dma_start3A_384 = arith.constant 0 : i32
      %dma_start3A_385 = tpu.memref_slice %arg9[%dma_start3A_383, %dma_start3A_384] : memref<4x88xi32, #tpu.memory_space<vmem>> -> memref<1x88xi32, #tpu.memory_space<vmem>>
      %dma_start3A_386 = tpu.memref_squeeze %dma_start3A_385 : memref<1x88xi32, #tpu.memory_space<vmem>> -> memref<88xi32, #tpu.memory_space<vmem>>
      %dma_start3A_387 = arith.constant 0 : i32
      %dma_start3A_388 = tpu.memref_slice %arg4[%add3A, %add3A_382, %dma_start3A_387] : memref<32x116x88xi32, #tpu.memory_space<hbm>> -> memref<1x1x88xi32, #tpu.memory_space<hbm>>
      %dma_start3A_389 = tpu.memref_squeeze %dma_start3A_388 : memref<1x1x88xi32, #tpu.memory_space<hbm>> -> memref<88xi32, #tpu.memory_space<hbm>>
      %dma_start3A_390 = arith.constant 0 : i32
      %dma_start3A_391 = tpu.memref_slice %arg9[%dma_start3A_383, %dma_start3A_390] : memref<4x88xi32, #tpu.memory_space<vmem>> -> memref<1x88xi32, #tpu.memory_space<vmem>>
      %dma_start3A_392 = tpu.memref_squeeze %dma_start3A_391 : memref<1x88xi32, #tpu.memory_space<vmem>> -> memref<88xi32, #tpu.memory_space<vmem>>
      %dma_start3A_393 = arith.constant 0 : i32
      %dma_start3A_394 = tpu.memref_slice %arg4[%add3A, %add3A_382, %dma_start3A_393] : memref<32x116x88xi32, #tpu.memory_space<hbm>> -> memref<1x1x88xi32, #tpu.memory_space<hbm>>
      %dma_start3A_395 = tpu.memref_squeeze %dma_start3A_394 : memref<1x1x88xi32, #tpu.memory_space<hbm>> -> memref<88xi32, #tpu.memory_space<hbm>>
      tpu.enqueue_dma source(%dma_start3A_395 : memref<88xi32, #tpu.memory_space<hbm>>) target(%dma_start3A_392 : memref<88xi32, #tpu.memory_space<vmem>>) target_semaphore(%arg14 : memref<!tpu.dma_semaphore, #tpu.memory_space<semaphore_mem>>)
      %dma_wait3A_396 = arith.constant 0 : i32
      %dma_wait3A_397 = arith.constant 3 : i32
      %dma_wait3A_398 = arith.constant 0 : i32
      %dma_wait3A_399 = tpu.memref_slice %arg8[%dma_wait3A_397, %dma_wait3A_398] : memref<4x88xi32, #tpu.memory_space<vmem>> -> memref<1x88xi32, #tpu.memory_space<vmem>>
      %dma_wait3A_400 = tpu.memref_squeeze %dma_wait3A_399 : memref<1x88xi32, #tpu.memory_space<vmem>> -> memref<88xi32, #tpu.memory_space<vmem>>
      %dma_wait3A_401 = arith.constant 0 : i32
      %dma_wait3A_402 = tpu.memref_slice %arg3[%add3A, %dma_wait3A_396, %dma_wait3A_401] : memref<32x116x88xi32, #tpu.memory_space<hbm>> -> memref<1x1x88xi32, #tpu.memory_space<hbm>>
      %dma_wait3A_403 = tpu.memref_squeeze %dma_wait3A_402 : memref<1x1x88xi32, #tpu.memory_space<hbm>> -> memref<88xi32, #tpu.memory_space<hbm>>
      %dma_wait3A_404 = arith.constant 0 : i32
      %dma_wait3A_405 = tpu.memref_slice %arg8[%dma_wait3A_397, %dma_wait3A_404] : memref<4x88xi32, #tpu.memory_space<vmem>> -> memref<1x88xi32, #tpu.memory_space<vmem>>
      %dma_wait3A_406 = tpu.memref_squeeze %dma_wait3A_405 : memref<1x88xi32, #tpu.memory_space<vmem>> -> memref<88xi32, #tpu.memory_space<vmem>>
      %dma_wait3A_407 = arith.constant 0 : i32
      %dma_wait3A_408 = tpu.memref_slice %arg3[%add3A, %dma_wait3A_396, %dma_wait3A_407] : memref<32x116x88xi32, #tpu.memory_space<hbm>> -> memref<1x1x88xi32, #tpu.memory_space<hbm>>
      %dma_wait3A_409 = tpu.memref_squeeze %dma_wait3A_408 : memref<1x1x88xi32, #tpu.memory_space<hbm>> -> memref<88xi32, #tpu.memory_space<hbm>>
      tpu.wait_dma2 semaphore(%arg17 : memref<!tpu.dma_semaphore, #tpu.memory_space<semaphore_mem>>) src(%dma_wait3A_409 : memref<88xi32, #tpu.memory_space<hbm>>) dst(%dma_wait3A_406 : memref<88xi32, #tpu.memory_space<vmem>>)
      %dma_wait3A_410 = arith.constant 0 : i32
      %dma_wait3A_411 = arith.constant 3 : i32
      %dma_wait3A_412 = arith.constant 0 : i32
      %dma_wait3A_413 = tpu.memref_slice %arg9[%dma_wait3A_411, %dma_wait3A_412] : memref<4x88xi32, #tpu.memory_space<vmem>> -> memref<1x88xi32, #tpu.memory_space<vmem>>
      %dma_wait3A_414 = tpu.memref_squeeze %dma_wait3A_413 : memref<1x88xi32, #tpu.memory_space<vmem>> -> memref<88xi32, #tpu.memory_space<vmem>>
      %dma_wait3A_415 = arith.constant 0 : i32
      %dma_wait3A_416 = tpu.memref_slice %arg4[%add3A, %dma_wait3A_410, %dma_wait3A_415] : memref<32x116x88xi32, #tpu.memory_space<hbm>> -> memref<1x1x88xi32, #tpu.memory_space<hbm>>
      %dma_wait3A_417 = tpu.memref_squeeze %dma_wait3A_416 : memref<1x1x88xi32, #tpu.memory_space<hbm>> -> memref<88xi32, #tpu.memory_space<hbm>>
      %dma_wait3A_418 = arith.constant 0 : i32
      %dma_wait3A_419 = tpu.memref_slice %arg9[%dma_wait3A_411, %dma_wait3A_418] : memref<4x88xi32, #tpu.memory_space<vmem>> -> memref<1x88xi32, #tpu.memory_space<vmem>>
      %dma_wait3A_420 = tpu.memref_squeeze %dma_wait3A_419 : memref<1x88xi32, #tpu.memory_space<vmem>> -> memref<88xi32, #tpu.memory_space<vmem>>
      %dma_wait3A_421 = arith.constant 0 : i32
      %dma_wait3A_422 = tpu.memref_slice %arg4[%add3A, %dma_wait3A_410, %dma_wait3A_421] : memref<32x116x88xi32, #tpu.memory_space<hbm>> -> memref<1x1x88xi32, #tpu.memory_space<hbm>>
      %dma_wait3A_423 = tpu.memref_squeeze %dma_wait3A_422 : memref<1x1x88xi32, #tpu.memory_space<hbm>> -> memref<88xi32, #tpu.memory_space<hbm>>
      tpu.wait_dma2 semaphore(%arg17 : memref<!tpu.dma_semaphore, #tpu.memory_space<semaphore_mem>>) src(%dma_wait3A_423 : memref<88xi32, #tpu.memory_space<hbm>>) dst(%dma_wait3A_420 : memref<88xi32, #tpu.memory_space<vmem>>)
      %dma_start3A_424 = arith.constant 3 : i32
      %dma_start3A_425 = arith.constant 0 : i32
      %dma_start3A_426 = tpu.memref_slice %arg8[%dma_start3A_424, %dma_start3A_425] : memref<4x88xi32, #tpu.memory_space<vmem>> -> memref<1x88xi32, #tpu.memory_space<vmem>>
      %dma_start3A_427 = tpu.memref_squeeze %dma_start3A_426 : memref<1x88xi32, #tpu.memory_space<vmem>> -> memref<88xi32, #tpu.memory_space<vmem>>
      %dma_start3A_428 = arith.constant 0 : i32
      %dma_start3A_429 = arith.constant 0 : i32
      %dma_start3A_430 = tpu.memref_slice %arg2[%dma_start3A_428, %dma_start3A_429] : memref<10240x128xf32, #tpu.memory_space<hbm>> -> memref<10240x128xf32, #tpu.memory_space<hbm>>
      tpu.enqueue_indirect_dma source(%dma_start3A_430 : memref<10240x128xf32, #tpu.memory_space<hbm>>) target(%arg13 : memref<88x128xf32, #tpu.memory_space<vmem>>) offsets(%dma_start3A_427 : memref<88xi32, #tpu.memory_space<vmem>>) semaphore(%arg21 : memref<!tpu.dma_semaphore, #tpu.memory_space<semaphore_mem>>)
      %dma_wait3A_431 = arith.constant 0 : i32
      %dma_wait3A_432 = arith.constant 0 : i32
      %dma_wait3A_433 = tpu.memref_slice %arg8[%dma_wait3A_431, %dma_wait3A_432] : memref<4x88xi32, #tpu.memory_space<vmem>> -> memref<1x88xi32, #tpu.memory_space<vmem>>
      %dma_wait3A_434 = tpu.memref_squeeze %dma_wait3A_433 : memref<1x88xi32, #tpu.memory_space<vmem>> -> memref<88xi32, #tpu.memory_space<vmem>>
      %dma_wait3A_435 = arith.constant 0 : i32
      %dma_wait3A_436 = arith.constant 0 : i32
      %dma_wait3A_437 = tpu.memref_slice %arg2[%dma_wait3A_435, %dma_wait3A_436] : memref<10240x128xf32, #tpu.memory_space<hbm>> -> memref<10240x128xf32, #tpu.memory_space<hbm>>
      tpu.wait_indirect_dma semaphore(%arg20 : memref<!tpu.dma_semaphore, #tpu.memory_space<semaphore_mem>>) src(%dma_wait3A_437 : memref<10240x128xf32, #tpu.memory_space<hbm>>) dst(%arg12 : memref<88x128xf32, #tpu.memory_space<vmem>>)
      %dma_start3A_438 = arith.constant 2 : i32
      %dma_start3A_439 = arith.constant 0 : i32
      %dma_start3A_440 = tpu.memref_slice %arg9[%dma_start3A_438, %dma_start3A_439] : memref<4x88xi32, #tpu.memory_space<vmem>> -> memref<1x88xi32, #tpu.memory_space<vmem>>
      %dma_start3A_441 = tpu.memref_squeeze %dma_start3A_440 : memref<1x88xi32, #tpu.memory_space<vmem>> -> memref<88xi32, #tpu.memory_space<vmem>>
      %dma_start3A_442 = arith.constant 0 : i32
      %dma_start3A_443 = arith.constant 0 : i32
      %dma_start3A_444 = tpu.memref_slice %arg7[%dma_start3A_442, %dma_start3A_443] : memref<10240x128xf32, #tpu.memory_space<vmem_shared>> -> memref<10240x128xf32, #tpu.memory_space<vmem_shared>>
      tpu.enqueue_indirect_dma source(%arg12 : memref<88x128xf32, #tpu.memory_space<vmem>>) target(%dma_start3A_444 : memref<10240x128xf32, #tpu.memory_space<vmem_shared>>) offsets(%dma_start3A_441 : memref<88xi32, #tpu.memory_space<vmem>>) semaphore(%arg24 : memref<!tpu.dma_semaphore, #tpu.memory_space<semaphore_mem>>) {add = true}
      %dma_wait3A_445 = arith.constant 0 : i32
      %dma_wait3A_446 = arith.constant 0 : i32
      %dma_wait3A_447 = tpu.memref_slice %arg9[%dma_wait3A_445, %dma_wait3A_446] : memref<4x88xi32, #tpu.memory_space<vmem>> -> memref<1x88xi32, #tpu.memory_space<vmem>>
      %dma_wait3A_448 = tpu.memref_squeeze %dma_wait3A_447 : memref<1x88xi32, #tpu.memory_space<vmem>> -> memref<88xi32, #tpu.memory_space<vmem>>
      %dma_wait3A_449 = arith.constant 0 : i32
      %dma_wait3A_450 = arith.constant 0 : i32
      %dma_wait3A_451 = tpu.memref_slice %arg7[%dma_wait3A_449, %dma_wait3A_450] : memref<10240x128xf32, #tpu.memory_space<vmem_shared>> -> memref<10240x128xf32, #tpu.memory_space<vmem_shared>>
      tpu.wait_indirect_dma semaphore(%arg23 : memref<!tpu.dma_semaphore, #tpu.memory_space<semaphore_mem>>) src(%arg11 : memref<88x128xf32, #tpu.memory_space<vmem>>) dst(%dma_wait3A_451 : memref<10240x128xf32, #tpu.memory_space<vmem_shared>>)
      %mul3A_452 = arith.constant 4 : i32
      %mul3A_453 = arith.muli %add3A_354, %mul3A_452 : i32
      %add3A_454 = arith.constant 1 : i32
      %add3A_455 = arith.addi %mul3A_453, %add3A_454 : i32
      %dma_start3A_456 = arith.constant 1 : i32
      %dma_start3A_457 = arith.constant 0 : i32
      %dma_start3A_458 = tpu.memref_slice %arg8[%dma_start3A_456, %dma_start3A_457] : memref<4x88xi32, #tpu.memory_space<vmem>> -> memref<1x88xi32, #tpu.memory_space<vmem>>
      %dma_start3A_459 = tpu.memref_squeeze %dma_start3A_458 : memref<1x88xi32, #tpu.memory_space<vmem>> -> memref<88xi32, #tpu.memory_space<vmem>>
      %dma_start3A_460 = arith.constant 0 : i32
      %dma_start3A_461 = tpu.memref_slice %arg3[%add3A, %add3A_455, %dma_start3A_460] : memref<32x116x88xi32, #tpu.memory_space<hbm>> -> memref<1x1x88xi32, #tpu.memory_space<hbm>>
      %dma_start3A_462 = tpu.memref_squeeze %dma_start3A_461 : memref<1x1x88xi32, #tpu.memory_space<hbm>> -> memref<88xi32, #tpu.memory_space<hbm>>
      %dma_start3A_463 = arith.constant 0 : i32
      %dma_start3A_464 = tpu.memref_slice %arg8[%dma_start3A_456, %dma_start3A_463] : memref<4x88xi32, #tpu.memory_space<vmem>> -> memref<1x88xi32, #tpu.memory_space<vmem>>
      %dma_start3A_465 = tpu.memref_squeeze %dma_start3A_464 : memref<1x88xi32, #tpu.memory_space<vmem>> -> memref<88xi32, #tpu.memory_space<vmem>>
      %dma_start3A_466 = arith.constant 0 : i32
      %dma_start3A_467 = tpu.memref_slice %arg3[%add3A, %add3A_455, %dma_start3A_466] : memref<32x116x88xi32, #tpu.memory_space<hbm>> -> memref<1x1x88xi32, #tpu.memory_space<hbm>>
      %dma_start3A_468 = tpu.memref_squeeze %dma_start3A_467 : memref<1x1x88xi32, #tpu.memory_space<hbm>> -> memref<88xi32, #tpu.memory_space<hbm>>
      tpu.enqueue_dma source(%dma_start3A_468 : memref<88xi32, #tpu.memory_space<hbm>>) target(%dma_start3A_465 : memref<88xi32, #tpu.memory_space<vmem>>) target_semaphore(%arg15 : memref<!tpu.dma_semaphore, #tpu.memory_space<semaphore_mem>>)
      %mul3A_469 = arith.constant 4 : i32
      %mul3A_470 = arith.muli %add3A_354, %mul3A_469 : i32
      %add3A_471 = arith.constant 1 : i32
      %add3A_472 = arith.addi %mul3A_470, %add3A_471 : i32
      %dma_start3A_473 = arith.constant 1 : i32
      %dma_start3A_474 = arith.constant 0 : i32
      %dma_start3A_475 = tpu.memref_slice %arg9[%dma_start3A_473, %dma_start3A_474] : memref<4x88xi32, #tpu.memory_space<vmem>> -> memref<1x88xi32, #tpu.memory_space<vmem>>
      %dma_start3A_476 = tpu.memref_squeeze %dma_start3A_475 : memref<1x88xi32, #tpu.memory_space<vmem>> -> memref<88xi32, #tpu.memory_space<vmem>>
      %dma_start3A_477 = arith.constant 0 : i32
      %dma_start3A_478 = tpu.memref_slice %arg4[%add3A, %add3A_472, %dma_start3A_477] : memref<32x116x88xi32, #tpu.memory_space<hbm>> -> memref<1x1x88xi32, #tpu.memory_space<hbm>>
      %dma_start3A_479 = tpu.memref_squeeze %dma_start3A_478 : memref<1x1x88xi32, #tpu.memory_space<hbm>> -> memref<88xi32, #tpu.memory_space<hbm>>
      %dma_start3A_480 = arith.constant 0 : i32
      %dma_start3A_481 = tpu.memref_slice %arg9[%dma_start3A_473, %dma_start3A_480] : memref<4x88xi32, #tpu.memory_space<vmem>> -> memref<1x88xi32, #tpu.memory_space<vmem>>
      %dma_start3A_482 = tpu.memref_squeeze %dma_start3A_481 : memref<1x88xi32, #tpu.memory_space<vmem>> -> memref<88xi32, #tpu.memory_space<vmem>>
      %dma_start3A_483 = arith.constant 0 : i32
      %dma_start3A_484 = tpu.memref_slice %arg4[%add3A, %add3A_472, %dma_start3A_483] : memref<32x116x88xi32, #tpu.memory_space<hbm>> -> memref<1x1x88xi32, #tpu.memory_space<hbm>>
      %dma_start3A_485 = tpu.memref_squeeze %dma_start3A_484 : memref<1x1x88xi32, #tpu.memory_space<hbm>> -> memref<88xi32, #tpu.memory_space<hbm>>
      tpu.enqueue_dma source(%dma_start3A_485 : memref<88xi32, #tpu.memory_space<hbm>>) target(%dma_start3A_482 : memref<88xi32, #tpu.memory_space<vmem>>) target_semaphore(%arg15 : memref<!tpu.dma_semaphore, #tpu.memory_space<semaphore_mem>>)
      %dma_wait3A_486 = arith.constant 0 : i32
      %dma_wait3A_487 = arith.constant 0 : i32
      %dma_wait3A_488 = arith.constant 0 : i32
      %dma_wait3A_489 = tpu.memref_slice %arg8[%dma_wait3A_487, %dma_wait3A_488] : memref<4x88xi32, #tpu.memory_space<vmem>> -> memref<1x88xi32, #tpu.memory_space<vmem>>
      %dma_wait3A_490 = tpu.memref_squeeze %dma_wait3A_489 : memref<1x88xi32, #tpu.memory_space<vmem>> -> memref<88xi32, #tpu.memory_space<vmem>>
      %dma_wait3A_491 = arith.constant 0 : i32
      %dma_wait3A_492 = tpu.memref_slice %arg3[%add3A, %dma_wait3A_486, %dma_wait3A_491] : memref<32x116x88xi32, #tpu.memory_space<hbm>> -> memref<1x1x88xi32, #tpu.memory_space<hbm>>
      %dma_wait3A_493 = tpu.memref_squeeze %dma_wait3A_492 : memref<1x1x88xi32, #tpu.memory_space<hbm>> -> memref<88xi32, #tpu.memory_space<hbm>>
      %dma_wait3A_494 = arith.constant 0 : i32
      %dma_wait3A_495 = tpu.memref_slice %arg8[%dma_wait3A_487, %dma_wait3A_494] : memref<4x88xi32, #tpu.memory_space<vmem>> -> memref<1x88xi32, #tpu.memory_space<vmem>>
      %dma_wait3A_496 = tpu.memref_squeeze %dma_wait3A_495 : memref<1x88xi32, #tpu.memory_space<vmem>> -> memref<88xi32, #tpu.memory_space<vmem>>
      %dma_wait3A_497 = arith.constant 0 : i32
      %dma_wait3A_498 = tpu.memref_slice %arg3[%add3A, %dma_wait3A_486, %dma_wait3A_497] : memref<32x116x88xi32, #tpu.memory_space<hbm>> -> memref<1x1x88xi32, #tpu.memory_space<hbm>>
      %dma_wait3A_499 = tpu.memref_squeeze %dma_wait3A_498 : memref<1x1x88xi32, #tpu.memory_space<hbm>> -> memref<88xi32, #tpu.memory_space<hbm>>
      tpu.wait_dma2 semaphore(%arg14 : memref<!tpu.dma_semaphore, #tpu.memory_space<semaphore_mem>>) src(%dma_wait3A_499 : memref<88xi32, #tpu.memory_space<hbm>>) dst(%dma_wait3A_496 : memref<88xi32, #tpu.memory_space<vmem>>)
      %dma_wait3A_500 = arith.constant 0 : i32
      %dma_wait3A_501 = arith.constant 0 : i32
      %dma_wait3A_502 = arith.constant 0 : i32
      %dma_wait3A_503 = tpu.memref_slice %arg9[%dma_wait3A_501, %dma_wait3A_502] : memref<4x88xi32, #tpu.memory_space<vmem>> -> memref<1x88xi32, #tpu.memory_space<vmem>>
      %dma_wait3A_504 = tpu.memref_squeeze %dma_wait3A_503 : memref<1x88xi32, #tpu.memory_space<vmem>> -> memref<88xi32, #tpu.memory_space<vmem>>
      %dma_wait3A_505 = arith.constant 0 : i32
      %dma_wait3A_506 = tpu.memref_slice %arg4[%add3A, %dma_wait3A_500, %dma_wait3A_505] : memref<32x116x88xi32, #tpu.memory_space<hbm>> -> memref<1x1x88xi32, #tpu.memory_space<hbm>>
      %dma_wait3A_507 = tpu.memref_squeeze %dma_wait3A_506 : memref<1x1x88xi32, #tpu.memory_space<hbm>> -> memref<88xi32, #tpu.memory_space<hbm>>
      %dma_wait3A_508 = arith.constant 0 : i32
      %dma_wait3A_509 = tpu.memref_slice %arg9[%dma_wait3A_501, %dma_wait3A_508] : memref<4x88xi32, #tpu.memory_space<vmem>> -> memref<1x88xi32, #tpu.memory_space<vmem>>
      %dma_wait3A_510 = tpu.memref_squeeze %dma_wait3A_509 : memref<1x88xi32, #tpu.memory_space<vmem>> -> memref<88xi32, #tpu.memory_space<vmem>>
      %dma_wait3A_511 = arith.constant 0 : i32
      %dma_wait3A_512 = tpu.memref_slice %arg4[%add3A, %dma_wait3A_500, %dma_wait3A_511] : memref<32x116x88xi32, #tpu.memory_space<hbm>> -> memref<1x1x88xi32, #tpu.memory_space<hbm>>
      %dma_wait3A_513 = tpu.memref_squeeze %dma_wait3A_512 : memref<1x1x88xi32, #tpu.memory_space<hbm>> -> memref<88xi32, #tpu.memory_space<hbm>>
      tpu.wait_dma2 semaphore(%arg14 : memref<!tpu.dma_semaphore, #tpu.memory_space<semaphore_mem>>) src(%dma_wait3A_513 : memref<88xi32, #tpu.memory_space<hbm>>) dst(%dma_wait3A_510 : memref<88xi32, #tpu.memory_space<vmem>>)
      %dma_start3A_514 = arith.constant 0 : i32
      %dma_start3A_515 = arith.constant 0 : i32
      %dma_start3A_516 = tpu.memref_slice %arg8[%dma_start3A_514, %dma_start3A_515] : memref<4x88xi32, #tpu.memory_space<vmem>> -> memref<1x88xi32, #tpu.memory_space<vmem>>
      %dma_start3A_517 = tpu.memref_squeeze %dma_start3A_516 : memref<1x88xi32, #tpu.memory_space<vmem>> -> memref<88xi32, #tpu.memory_space<vmem>>
      %dma_start3A_518 = arith.constant 0 : i32
      %dma_start3A_519 = arith.constant 0 : i32
      %dma_start3A_520 = tpu.memref_slice %arg2[%dma_start3A_518, %dma_start3A_519] : memref<10240x128xf32, #tpu.memory_space<hbm>> -> memref<10240x128xf32, #tpu.memory_space<hbm>>
      tpu.enqueue_indirect_dma source(%dma_start3A_520 : memref<10240x128xf32, #tpu.memory_space<hbm>>) target(%arg10 : memref<88x128xf32, #tpu.memory_space<vmem>>) offsets(%dma_start3A_517 : memref<88xi32, #tpu.memory_space<vmem>>) semaphore(%arg18 : memref<!tpu.dma_semaphore, #tpu.memory_space<semaphore_mem>>)
      %dma_wait3A_521 = arith.constant 0 : i32
      %dma_wait3A_522 = arith.constant 0 : i32
      %dma_wait3A_523 = tpu.memref_slice %arg8[%dma_wait3A_521, %dma_wait3A_522] : memref<4x88xi32, #tpu.memory_space<vmem>> -> memref<1x88xi32, #tpu.memory_space<vmem>>
      %dma_wait3A_524 = tpu.memref_squeeze %dma_wait3A_523 : memref<1x88xi32, #tpu.memory_space<vmem>> -> memref<88xi32, #tpu.memory_space<vmem>>
      %dma_wait3A_525 = arith.constant 0 : i32
      %dma_wait3A_526 = arith.constant 0 : i32
      %dma_wait3A_527 = tpu.memref_slice %arg2[%dma_wait3A_525, %dma_wait3A_526] : memref<10240x128xf32, #tpu.memory_space<hbm>> -> memref<10240x128xf32, #tpu.memory_space<hbm>>
      tpu.wait_indirect_dma semaphore(%arg21 : memref<!tpu.dma_semaphore, #tpu.memory_space<semaphore_mem>>) src(%dma_wait3A_527 : memref<10240x128xf32, #tpu.memory_space<hbm>>) dst(%arg13 : memref<88x128xf32, #tpu.memory_space<vmem>>)
      %dma_start3A_528 = arith.constant 3 : i32
      %dma_start3A_529 = arith.constant 0 : i32
      %dma_start3A_530 = tpu.memref_slice %arg9[%dma_start3A_528, %dma_start3A_529] : memref<4x88xi32, #tpu.memory_space<vmem>> -> memref<1x88xi32, #tpu.memory_space<vmem>>
      %dma_start3A_531 = tpu.memref_squeeze %dma_start3A_530 : memref<1x88xi32, #tpu.memory_space<vmem>> -> memref<88xi32, #tpu.memory_space<vmem>>
      %dma_start3A_532 = arith.constant 0 : i32
      %dma_start3A_533 = arith.constant 0 : i32
      %dma_start3A_534 = tpu.memref_slice %arg7[%dma_start3A_532, %dma_start3A_533] : memref<10240x128xf32, #tpu.memory_space<vmem_shared>> -> memref<10240x128xf32, #tpu.memory_space<vmem_shared>>
      tpu.enqueue_indirect_dma source(%arg13 : memref<88x128xf32, #tpu.memory_space<vmem>>) target(%dma_start3A_534 : memref<10240x128xf32, #tpu.memory_space<vmem_shared>>) offsets(%dma_start3A_531 : memref<88xi32, #tpu.memory_space<vmem>>) semaphore(%arg25 : memref<!tpu.dma_semaphore, #tpu.memory_space<semaphore_mem>>) {add = true}
      %dma_wait3A_535 = arith.constant 0 : i32
      %dma_wait3A_536 = arith.constant 0 : i32
      %dma_wait3A_537 = tpu.memref_slice %arg9[%dma_wait3A_535, %dma_wait3A_536] : memref<4x88xi32, #tpu.memory_space<vmem>> -> memref<1x88xi32, #tpu.memory_space<vmem>>
      %dma_wait3A_538 = tpu.memref_squeeze %dma_wait3A_537 : memref<1x88xi32, #tpu.memory_space<vmem>> -> memref<88xi32, #tpu.memory_space<vmem>>
      %dma_wait3A_539 = arith.constant 0 : i32
      %dma_wait3A_540 = arith.constant 0 : i32
      %dma_wait3A_541 = tpu.memref_slice %arg7[%dma_wait3A_539, %dma_wait3A_540] : memref<10240x128xf32, #tpu.memory_space<vmem_shared>> -> memref<10240x128xf32, #tpu.memory_space<vmem_shared>>
      tpu.wait_indirect_dma semaphore(%arg24 : memref<!tpu.dma_semaphore, #tpu.memory_space<semaphore_mem>>) src(%arg12 : memref<88x128xf32, #tpu.memory_space<vmem>>) dst(%dma_wait3A_541 : memref<10240x128xf32, #tpu.memory_space<vmem_shared>>)
      %mul3A_542 = arith.constant 4 : i32
      %mul3A_543 = arith.muli %add3A_354, %mul3A_542 : i32
      %add3A_544 = arith.constant 2 : i32
      %add3A_545 = arith.addi %mul3A_543, %add3A_544 : i32
      %dma_start3A_546 = arith.constant 2 : i32
      %dma_start3A_547 = arith.constant 0 : i32
      %dma_start3A_548 = tpu.memref_slice %arg8[%dma_start3A_546, %dma_start3A_547] : memref<4x88xi32, #tpu.memory_space<vmem>> -> memref<1x88xi32, #tpu.memory_space<vmem>>
      %dma_start3A_549 = tpu.memref_squeeze %dma_start3A_548 : memref<1x88xi32, #tpu.memory_space<vmem>> -> memref<88xi32, #tpu.memory_space<vmem>>
      %dma_start3A_550 = arith.constant 0 : i32
      %dma_start3A_551 = tpu.memref_slice %arg3[%add3A, %add3A_545, %dma_start3A_550] : memref<32x116x88xi32, #tpu.memory_space<hbm>> -> memref<1x1x88xi32, #tpu.memory_space<hbm>>
      %dma_start3A_552 = tpu.memref_squeeze %dma_start3A_551 : memref<1x1x88xi32, #tpu.memory_space<hbm>> -> memref<88xi32, #tpu.memory_space<hbm>>
      %dma_start3A_553 = arith.constant 0 : i32
      %dma_start3A_554 = tpu.memref_slice %arg8[%dma_start3A_546, %dma_start3A_553] : memref<4x88xi32, #tpu.memory_space<vmem>> -> memref<1x88xi32, #tpu.memory_space<vmem>>
      %dma_start3A_555 = tpu.memref_squeeze %dma_start3A_554 : memref<1x88xi32, #tpu.memory_space<vmem>> -> memref<88xi32, #tpu.memory_space<vmem>>
      %dma_start3A_556 = arith.constant 0 : i32
      %dma_start3A_557 = tpu.memref_slice %arg3[%add3A, %add3A_545, %dma_start3A_556] : memref<32x116x88xi32, #tpu.memory_space<hbm>> -> memref<1x1x88xi32, #tpu.memory_space<hbm>>
      %dma_start3A_558 = tpu.memref_squeeze %dma_start3A_557 : memref<1x1x88xi32, #tpu.memory_space<hbm>> -> memref<88xi32, #tpu.memory_space<hbm>>
      tpu.enqueue_dma source(%dma_start3A_558 : memref<88xi32, #tpu.memory_space<hbm>>) target(%dma_start3A_555 : memref<88xi32, #tpu.memory_space<vmem>>) target_semaphore(%arg16 : memref<!tpu.dma_semaphore, #tpu.memory_space<semaphore_mem>>)
      %mul3A_559 = arith.constant 4 : i32
      %mul3A_560 = arith.muli %add3A_354, %mul3A_559 : i32
      %add3A_561 = arith.constant 2 : i32
      %add3A_562 = arith.addi %mul3A_560, %add3A_561 : i32
      %dma_start3A_563 = arith.constant 2 : i32
      %dma_start3A_564 = arith.constant 0 : i32
      %dma_start3A_565 = tpu.memref_slice %arg9[%dma_start3A_563, %dma_start3A_564] : memref<4x88xi32, #tpu.memory_space<vmem>> -> memref<1x88xi32, #tpu.memory_space<vmem>>
      %dma_start3A_566 = tpu.memref_squeeze %dma_start3A_565 : memref<1x88xi32, #tpu.memory_space<vmem>> -> memref<88xi32, #tpu.memory_space<vmem>>
      %dma_start3A_567 = arith.constant 0 : i32
      %dma_start3A_568 = tpu.memref_slice %arg4[%add3A, %add3A_562, %dma_start3A_567] : memref<32x116x88xi32, #tpu.memory_space<hbm>> -> memref<1x1x88xi32, #tpu.memory_space<hbm>>
      %dma_start3A_569 = tpu.memref_squeeze %dma_start3A_568 : memref<1x1x88xi32, #tpu.memory_space<hbm>> -> memref<88xi32, #tpu.memory_space<hbm>>
      %dma_start3A_570 = arith.constant 0 : i32
      %dma_start3A_571 = tpu.memref_slice %arg9[%dma_start3A_563, %dma_start3A_570] : memref<4x88xi32, #tpu.memory_space<vmem>> -> memref<1x88xi32, #tpu.memory_space<vmem>>
      %dma_start3A_572 = tpu.memref_squeeze %dma_start3A_571 : memref<1x88xi32, #tpu.memory_space<vmem>> -> memref<88xi32, #tpu.memory_space<vmem>>
      %dma_start3A_573 = arith.constant 0 : i32
      %dma_start3A_574 = tpu.memref_slice %arg4[%add3A, %add3A_562, %dma_start3A_573] : memref<32x116x88xi32, #tpu.memory_space<hbm>> -> memref<1x1x88xi32, #tpu.memory_space<hbm>>
      %dma_start3A_575 = tpu.memref_squeeze %dma_start3A_574 : memref<1x1x88xi32, #tpu.memory_space<hbm>> -> memref<88xi32, #tpu.memory_space<hbm>>
      tpu.enqueue_dma source(%dma_start3A_575 : memref<88xi32, #tpu.memory_space<hbm>>) target(%dma_start3A_572 : memref<88xi32, #tpu.memory_space<vmem>>) target_semaphore(%arg16 : memref<!tpu.dma_semaphore, #tpu.memory_space<semaphore_mem>>)
      %dma_wait3A_576 = arith.constant 0 : i32
      %dma_wait3A_577 = arith.constant 1 : i32
      %dma_wait3A_578 = arith.constant 0 : i32
      %dma_wait3A_579 = tpu.memref_slice %arg8[%dma_wait3A_577, %dma_wait3A_578] : memref<4x88xi32, #tpu.memory_space<vmem>> -> memref<1x88xi32, #tpu.memory_space<vmem>>
      %dma_wait3A_580 = tpu.memref_squeeze %dma_wait3A_579 : memref<1x88xi32, #tpu.memory_space<vmem>> -> memref<88xi32, #tpu.memory_space<vmem>>
      %dma_wait3A_581 = arith.constant 0 : i32
      %dma_wait3A_582 = tpu.memref_slice %arg3[%add3A, %dma_wait3A_576, %dma_wait3A_581] : memref<32x116x88xi32, #tpu.memory_space<hbm>> -> memref<1x1x88xi32, #tpu.memory_space<hbm>>
      %dma_wait3A_583 = tpu.memref_squeeze %dma_wait3A_582 : memref<1x1x88xi32, #tpu.memory_space<hbm>> -> memref<88xi32, #tpu.memory_space<hbm>>
      %dma_wait3A_584 = arith.constant 0 : i32
      %dma_wait3A_585 = tpu.memref_slice %arg8[%dma_wait3A_577, %dma_wait3A_584] : memref<4x88xi32, #tpu.memory_space<vmem>> -> memref<1x88xi32, #tpu.memory_space<vmem>>
      %dma_wait3A_586 = tpu.memref_squeeze %dma_wait3A_585 : memref<1x88xi32, #tpu.memory_space<vmem>> -> memref<88xi32, #tpu.memory_space<vmem>>
      %dma_wait3A_587 = arith.constant 0 : i32
      %dma_wait3A_588 = tpu.memref_slice %arg3[%add3A, %dma_wait3A_576, %dma_wait3A_587] : memref<32x116x88xi32, #tpu.memory_space<hbm>> -> memref<1x1x88xi32, #tpu.memory_space<hbm>>
      %dma_wait3A_589 = tpu.memref_squeeze %dma_wait3A_588 : memref<1x1x88xi32, #tpu.memory_space<hbm>> -> memref<88xi32, #tpu.memory_space<hbm>>
      tpu.wait_dma2 semaphore(%arg15 : memref<!tpu.dma_semaphore, #tpu.memory_space<semaphore_mem>>) src(%dma_wait3A_589 : memref<88xi32, #tpu.memory_space<hbm>>) dst(%dma_wait3A_586 : memref<88xi32, #tpu.memory_space<vmem>>)
      %dma_wait3A_590 = arith.constant 0 : i32
      %dma_wait3A_591 = arith.constant 1 : i32
      %dma_wait3A_592 = arith.constant 0 : i32
      %dma_wait3A_593 = tpu.memref_slice %arg9[%dma_wait3A_591, %dma_wait3A_592] : memref<4x88xi32, #tpu.memory_space<vmem>> -> memref<1x88xi32, #tpu.memory_space<vmem>>
      %dma_wait3A_594 = tpu.memref_squeeze %dma_wait3A_593 : memref<1x88xi32, #tpu.memory_space<vmem>> -> memref<88xi32, #tpu.memory_space<vmem>>
      %dma_wait3A_595 = arith.constant 0 : i32
      %dma_wait3A_596 = tpu.memref_slice %arg4[%add3A, %dma_wait3A_590, %dma_wait3A_595] : memref<32x116x88xi32, #tpu.memory_space<hbm>> -> memref<1x1x88xi32, #tpu.memory_space<hbm>>
      %dma_wait3A_597 = tpu.memref_squeeze %dma_wait3A_596 : memref<1x1x88xi32, #tpu.memory_space<hbm>> -> memref<88xi32, #tpu.memory_space<hbm>>
      %dma_wait3A_598 = arith.constant 0 : i32
      %dma_wait3A_599 = tpu.memref_slice %arg9[%dma_wait3A_591, %dma_wait3A_598] : memref<4x88xi32, #tpu.memory_space<vmem>> -> memref<1x88xi32, #tpu.memory_space<vmem>>
      %dma_wait3A_600 = tpu.memref_squeeze %dma_wait3A_599 : memref<1x88xi32, #tpu.memory_space<vmem>> -> memref<88xi32, #tpu.memory_space<vmem>>
      %dma_wait3A_601 = arith.constant 0 : i32
      %dma_wait3A_602 = tpu.memref_slice %arg4[%add3A, %dma_wait3A_590, %dma_wait3A_601] : memref<32x116x88xi32, #tpu.memory_space<hbm>> -> memref<1x1x88xi32, #tpu.memory_space<hbm>>
      %dma_wait3A_603 = tpu.memref_squeeze %dma_wait3A_602 : memref<1x1x88xi32, #tpu.memory_space<hbm>> -> memref<88xi32, #tpu.memory_space<hbm>>
      tpu.wait_dma2 semaphore(%arg15 : memref<!tpu.dma_semaphore, #tpu.memory_space<semaphore_mem>>) src(%dma_wait3A_603 : memref<88xi32, #tpu.memory_space<hbm>>) dst(%dma_wait3A_600 : memref<88xi32, #tpu.memory_space<vmem>>)
      %dma_start3A_604 = arith.constant 1 : i32
      %dma_start3A_605 = arith.constant 0 : i32
      %dma_start3A_606 = tpu.memref_slice %arg8[%dma_start3A_604, %dma_start3A_605] : memref<4x88xi32, #tpu.memory_space<vmem>> -> memref<1x88xi32, #tpu.memory_space<vmem>>
      %dma_start3A_607 = tpu.memref_squeeze %dma_start3A_606 : memref<1x88xi32, #tpu.memory_space<vmem>> -> memref<88xi32, #tpu.memory_space<vmem>>
      %dma_start3A_608 = arith.constant 0 : i32
      %dma_start3A_609 = arith.constant 0 : i32
      %dma_start3A_610 = tpu.memref_slice %arg2[%dma_start3A_608, %dma_start3A_609] : memref<10240x128xf32, #tpu.memory_space<hbm>> -> memref<10240x128xf32, #tpu.memory_space<hbm>>
      tpu.enqueue_indirect_dma source(%dma_start3A_610 : memref<10240x128xf32, #tpu.memory_space<hbm>>) target(%arg11 : memref<88x128xf32, #tpu.memory_space<vmem>>) offsets(%dma_start3A_607 : memref<88xi32, #tpu.memory_space<vmem>>) semaphore(%arg19 : memref<!tpu.dma_semaphore, #tpu.memory_space<semaphore_mem>>)
      %dma_wait3A_611 = arith.constant 0 : i32
      %dma_wait3A_612 = arith.constant 0 : i32
      %dma_wait3A_613 = tpu.memref_slice %arg8[%dma_wait3A_611, %dma_wait3A_612] : memref<4x88xi32, #tpu.memory_space<vmem>> -> memref<1x88xi32, #tpu.memory_space<vmem>>
      %dma_wait3A_614 = tpu.memref_squeeze %dma_wait3A_613 : memref<1x88xi32, #tpu.memory_space<vmem>> -> memref<88xi32, #tpu.memory_space<vmem>>
      %dma_wait3A_615 = arith.constant 0 : i32
      %dma_wait3A_616 = arith.constant 0 : i32
      %dma_wait3A_617 = tpu.memref_slice %arg2[%dma_wait3A_615, %dma_wait3A_616] : memref<10240x128xf32, #tpu.memory_space<hbm>> -> memref<10240x128xf32, #tpu.memory_space<hbm>>
      tpu.wait_indirect_dma semaphore(%arg18 : memref<!tpu.dma_semaphore, #tpu.memory_space<semaphore_mem>>) src(%dma_wait3A_617 : memref<10240x128xf32, #tpu.memory_space<hbm>>) dst(%arg10 : memref<88x128xf32, #tpu.memory_space<vmem>>)
      %dma_start3A_618 = arith.constant 0 : i32
      %dma_start3A_619 = arith.constant 0 : i32
      %dma_start3A_620 = tpu.memref_slice %arg9[%dma_start3A_618, %dma_start3A_619] : memref<4x88xi32, #tpu.memory_space<vmem>> -> memref<1x88xi32, #tpu.memory_space<vmem>>
      %dma_start3A_621 = tpu.memref_squeeze %dma_start3A_620 : memref<1x88xi32, #tpu.memory_space<vmem>> -> memref<88xi32, #tpu.memory_space<vmem>>
      %dma_start3A_622 = arith.constant 0 : i32
      %dma_start3A_623 = arith.constant 0 : i32
      %dma_start3A_624 = tpu.memref_slice %arg7[%dma_start3A_622, %dma_start3A_623] : memref<10240x128xf32, #tpu.memory_space<vmem_shared>> -> memref<10240x128xf32, #tpu.memory_space<vmem_shared>>
      tpu.enqueue_indirect_dma source(%arg10 : memref<88x128xf32, #tpu.memory_space<vmem>>) target(%dma_start3A_624 : memref<10240x128xf32, #tpu.memory_space<vmem_shared>>) offsets(%dma_start3A_621 : memref<88xi32, #tpu.memory_space<vmem>>) semaphore(%arg22 : memref<!tpu.dma_semaphore, #tpu.memory_space<semaphore_mem>>) {add = true}
      %dma_wait3A_625 = arith.constant 0 : i32
      %dma_wait3A_626 = arith.constant 0 : i32
      %dma_wait3A_627 = tpu.memref_slice %arg9[%dma_wait3A_625, %dma_wait3A_626] : memref<4x88xi32, #tpu.memory_space<vmem>> -> memref<1x88xi32, #tpu.memory_space<vmem>>
      %dma_wait3A_628 = tpu.memref_squeeze %dma_wait3A_627 : memref<1x88xi32, #tpu.memory_space<vmem>> -> memref<88xi32, #tpu.memory_space<vmem>>
      %dma_wait3A_629 = arith.constant 0 : i32
      %dma_wait3A_630 = arith.constant 0 : i32
      %dma_wait3A_631 = tpu.memref_slice %arg7[%dma_wait3A_629, %dma_wait3A_630] : memref<10240x128xf32, #tpu.memory_space<vmem_shared>> -> memref<10240x128xf32, #tpu.memory_space<vmem_shared>>
      tpu.wait_indirect_dma semaphore(%arg25 : memref<!tpu.dma_semaphore, #tpu.memory_space<semaphore_mem>>) src(%arg13 : memref<88x128xf32, #tpu.memory_space<vmem>>) dst(%dma_wait3A_631 : memref<10240x128xf32, #tpu.memory_space<vmem_shared>>)
      %mul3A_632 = arith.constant 4 : i32
      %mul3A_633 = arith.muli %add3A_354, %mul3A_632 : i32
      %add3A_634 = arith.constant 3 : i32
      %add3A_635 = arith.addi %mul3A_633, %add3A_634 : i32
      %dma_start3A_636 = arith.constant 3 : i32
      %dma_start3A_637 = arith.constant 0 : i32
      %dma_start3A_638 = tpu.memref_slice %arg8[%dma_start3A_636, %dma_start3A_637] : memref<4x88xi32, #tpu.memory_space<vmem>> -> memref<1x88xi32, #tpu.memory_space<vmem>>
      %dma_start3A_639 = tpu.memref_squeeze %dma_start3A_638 : memref<1x88xi32, #tpu.memory_space<vmem>> -> memref<88xi32, #tpu.memory_space<vmem>>
      %dma_start3A_640 = arith.constant 0 : i32
      %dma_start3A_641 = tpu.memref_slice %arg3[%add3A, %add3A_635, %dma_start3A_640] : memref<32x116x88xi32, #tpu.memory_space<hbm>> -> memref<1x1x88xi32, #tpu.memory_space<hbm>>
      %dma_start3A_642 = tpu.memref_squeeze %dma_start3A_641 : memref<1x1x88xi32, #tpu.memory_space<hbm>> -> memref<88xi32, #tpu.memory_space<hbm>>
      %dma_start3A_643 = arith.constant 0 : i32
      %dma_start3A_644 = tpu.memref_slice %arg8[%dma_start3A_636, %dma_start3A_643] : memref<4x88xi32, #tpu.memory_space<vmem>> -> memref<1x88xi32, #tpu.memory_space<vmem>>
      %dma_start3A_645 = tpu.memref_squeeze %dma_start3A_644 : memref<1x88xi32, #tpu.memory_space<vmem>> -> memref<88xi32, #tpu.memory_space<vmem>>
      %dma_start3A_646 = arith.constant 0 : i32
      %dma_start3A_647 = tpu.memref_slice %arg3[%add3A, %add3A_635, %dma_start3A_646] : memref<32x116x88xi32, #tpu.memory_space<hbm>> -> memref<1x1x88xi32, #tpu.memory_space<hbm>>
      %dma_start3A_648 = tpu.memref_squeeze %dma_start3A_647 : memref<1x1x88xi32, #tpu.memory_space<hbm>> -> memref<88xi32, #tpu.memory_space<hbm>>
      tpu.enqueue_dma source(%dma_start3A_648 : memref<88xi32, #tpu.memory_space<hbm>>) target(%dma_start3A_645 : memref<88xi32, #tpu.memory_space<vmem>>) target_semaphore(%arg17 : memref<!tpu.dma_semaphore, #tpu.memory_space<semaphore_mem>>)
      %mul3A_649 = arith.constant 4 : i32
      %mul3A_650 = arith.muli %add3A_354, %mul3A_649 : i32
      %add3A_651 = arith.constant 3 : i32
      %add3A_652 = arith.addi %mul3A_650, %add3A_651 : i32
      %dma_start3A_653 = arith.constant 3 : i32
      %dma_start3A_654 = arith.constant 0 : i32
      %dma_start3A_655 = tpu.memref_slice %arg9[%dma_start3A_653, %dma_start3A_654] : memref<4x88xi32, #tpu.memory_space<vmem>> -> memref<1x88xi32, #tpu.memory_space<vmem>>
      %dma_start3A_656 = tpu.memref_squeeze %dma_start3A_655 : memref<1x88xi32, #tpu.memory_space<vmem>> -> memref<88xi32, #tpu.memory_space<vmem>>
      %dma_start3A_657 = arith.constant 0 : i32
      %dma_start3A_658 = tpu.memref_slice %arg4[%add3A, %add3A_652, %dma_start3A_657] : memref<32x116x88xi32, #tpu.memory_space<hbm>> -> memref<1x1x88xi32, #tpu.memory_space<hbm>>
      %dma_start3A_659 = tpu.memref_squeeze %dma_start3A_658 : memref<1x1x88xi32, #tpu.memory_space<hbm>> -> memref<88xi32, #tpu.memory_space<hbm>>
      %dma_start3A_660 = arith.constant 0 : i32
      %dma_start3A_661 = tpu.memref_slice %arg9[%dma_start3A_653, %dma_start3A_660] : memref<4x88xi32, #tpu.memory_space<vmem>> -> memref<1x88xi32, #tpu.memory_space<vmem>>
      %dma_start3A_662 = tpu.memref_squeeze %dma_start3A_661 : memref<1x88xi32, #tpu.memory_space<vmem>> -> memref<88xi32, #tpu.memory_space<vmem>>
      %dma_start3A_663 = arith.constant 0 : i32
      %dma_start3A_664 = tpu.memref_slice %arg4[%add3A, %add3A_652, %dma_start3A_663] : memref<32x116x88xi32, #tpu.memory_space<hbm>> -> memref<1x1x88xi32, #tpu.memory_space<hbm>>
      %dma_start3A_665 = tpu.memref_squeeze %dma_start3A_664 : memref<1x1x88xi32, #tpu.memory_space<hbm>> -> memref<88xi32, #tpu.memory_space<hbm>>
      tpu.enqueue_dma source(%dma_start3A_665 : memref<88xi32, #tpu.memory_space<hbm>>) target(%dma_start3A_662 : memref<88xi32, #tpu.memory_space<vmem>>) target_semaphore(%arg17 : memref<!tpu.dma_semaphore, #tpu.memory_space<semaphore_mem>>)
      %dma_wait3A_666 = arith.constant 0 : i32
      %dma_wait3A_667 = arith.constant 2 : i32
      %dma_wait3A_668 = arith.constant 0 : i32
      %dma_wait3A_669 = tpu.memref_slice %arg8[%dma_wait3A_667, %dma_wait3A_668] : memref<4x88xi32, #tpu.memory_space<vmem>> -> memref<1x88xi32, #tpu.memory_space<vmem>>
      %dma_wait3A_670 = tpu.memref_squeeze %dma_wait3A_669 : memref<1x88xi32, #tpu.memory_space<vmem>> -> memref<88xi32, #tpu.memory_space<vmem>>
      %dma_wait3A_671 = arith.constant 0 : i32
      %dma_wait3A_672 = tpu.memref_slice %arg3[%add3A, %dma_wait3A_666, %dma_wait3A_671] : memref<32x116x88xi32, #tpu.memory_space<hbm>> -> memref<1x1x88xi32, #tpu.memory_space<hbm>>
      %dma_wait3A_673 = tpu.memref_squeeze %dma_wait3A_672 : memref<1x1x88xi32, #tpu.memory_space<hbm>> -> memref<88xi32, #tpu.memory_space<hbm>>
      %dma_wait3A_674 = arith.constant 0 : i32
      %dma_wait3A_675 = tpu.memref_slice %arg8[%dma_wait3A_667, %dma_wait3A_674] : memref<4x88xi32, #tpu.memory_space<vmem>> -> memref<1x88xi32, #tpu.memory_space<vmem>>
      %dma_wait3A_676 = tpu.memref_squeeze %dma_wait3A_675 : memref<1x88xi32, #tpu.memory_space<vmem>> -> memref<88xi32, #tpu.memory_space<vmem>>
      %dma_wait3A_677 = arith.constant 0 : i32
      %dma_wait3A_678 = tpu.memref_slice %arg3[%add3A, %dma_wait3A_666, %dma_wait3A_677] : memref<32x116x88xi32, #tpu.memory_space<hbm>> -> memref<1x1x88xi32, #tpu.memory_space<hbm>>
      %dma_wait3A_679 = tpu.memref_squeeze %dma_wait3A_678 : memref<1x1x88xi32, #tpu.memory_space<hbm>> -> memref<88xi32, #tpu.memory_space<hbm>>
      tpu.wait_dma2 semaphore(%arg16 : memref<!tpu.dma_semaphore, #tpu.memory_space<semaphore_mem>>) src(%dma_wait3A_679 : memref<88xi32, #tpu.memory_space<hbm>>) dst(%dma_wait3A_676 : memref<88xi32, #tpu.memory_space<vmem>>)
      %dma_wait3A_680 = arith.constant 0 : i32
      %dma_wait3A_681 = arith.constant 2 : i32
      %dma_wait3A_682 = arith.constant 0 : i32
      %dma_wait3A_683 = tpu.memref_slice %arg9[%dma_wait3A_681, %dma_wait3A_682] : memref<4x88xi32, #tpu.memory_space<vmem>> -> memref<1x88xi32, #tpu.memory_space<vmem>>
      %dma_wait3A_684 = tpu.memref_squeeze %dma_wait3A_683 : memref<1x88xi32, #tpu.memory_space<vmem>> -> memref<88xi32, #tpu.memory_space<vmem>>
      %dma_wait3A_685 = arith.constant 0 : i32
      %dma_wait3A_686 = tpu.memref_slice %arg4[%add3A, %dma_wait3A_680, %dma_wait3A_685] : memref<32x116x88xi32, #tpu.memory_space<hbm>> -> memref<1x1x88xi32, #tpu.memory_space<hbm>>
      %dma_wait3A_687 = tpu.memref_squeeze %dma_wait3A_686 : memref<1x1x88xi32, #tpu.memory_space<hbm>> -> memref<88xi32, #tpu.memory_space<hbm>>
      %dma_wait3A_688 = arith.constant 0 : i32
      %dma_wait3A_689 = tpu.memref_slice %arg9[%dma_wait3A_681, %dma_wait3A_688] : memref<4x88xi32, #tpu.memory_space<vmem>> -> memref<1x88xi32, #tpu.memory_space<vmem>>
      %dma_wait3A_690 = tpu.memref_squeeze %dma_wait3A_689 : memref<1x88xi32, #tpu.memory_space<vmem>> -> memref<88xi32, #tpu.memory_space<vmem>>
      %dma_wait3A_691 = arith.constant 0 : i32
      %dma_wait3A_692 = tpu.memref_slice %arg4[%add3A, %dma_wait3A_680, %dma_wait3A_691] : memref<32x116x88xi32, #tpu.memory_space<hbm>> -> memref<1x1x88xi32, #tpu.memory_space<hbm>>
      %dma_wait3A_693 = tpu.memref_squeeze %dma_wait3A_692 : memref<1x1x88xi32, #tpu.memory_space<hbm>> -> memref<88xi32, #tpu.memory_space<hbm>>
      tpu.wait_dma2 semaphore(%arg16 : memref<!tpu.dma_semaphore, #tpu.memory_space<semaphore_mem>>) src(%dma_wait3A_693 : memref<88xi32, #tpu.memory_space<hbm>>) dst(%dma_wait3A_690 : memref<88xi32, #tpu.memory_space<vmem>>)
      %dma_start3A_694 = arith.constant 2 : i32
      %dma_start3A_695 = arith.constant 0 : i32
      %dma_start3A_696 = tpu.memref_slice %arg8[%dma_start3A_694, %dma_start3A_695] : memref<4x88xi32, #tpu.memory_space<vmem>> -> memref<1x88xi32, #tpu.memory_space<vmem>>
      %dma_start3A_697 = tpu.memref_squeeze %dma_start3A_696 : memref<1x88xi32, #tpu.memory_space<vmem>> -> memref<88xi32, #tpu.memory_space<vmem>>
      %dma_start3A_698 = arith.constant 0 : i32
      %dma_start3A_699 = arith.constant 0 : i32
      %dma_start3A_700 = tpu.memref_slice %arg2[%dma_start3A_698, %dma_start3A_699] : memref<10240x128xf32, #tpu.memory_space<hbm>> -> memref<10240x128xf32, #tpu.memory_space<hbm>>
      tpu.enqueue_indirect_dma source(%dma_start3A_700 : memref<10240x128xf32, #tpu.memory_space<hbm>>) target(%arg12 : memref<88x128xf32, #tpu.memory_space<vmem>>) offsets(%dma_start3A_697 : memref<88xi32, #tpu.memory_space<vmem>>) semaphore(%arg20 : memref<!tpu.dma_semaphore, #tpu.memory_space<semaphore_mem>>)
      %dma_wait3A_701 = arith.constant 0 : i32
      %dma_wait3A_702 = arith.constant 0 : i32
      %dma_wait3A_703 = tpu.memref_slice %arg8[%dma_wait3A_701, %dma_wait3A_702] : memref<4x88xi32, #tpu.memory_space<vmem>> -> memref<1x88xi32, #tpu.memory_space<vmem>>
      %dma_wait3A_704 = tpu.memref_squeeze %dma_wait3A_703 : memref<1x88xi32, #tpu.memory_space<vmem>> -> memref<88xi32, #tpu.memory_space<vmem>>
      %dma_wait3A_705 = arith.constant 0 : i32
      %dma_wait3A_706 = arith.constant 0 : i32
      %dma_wait3A_707 = tpu.memref_slice %arg2[%dma_wait3A_705, %dma_wait3A_706] : memref<10240x128xf32, #tpu.memory_space<hbm>> -> memref<10240x128xf32, #tpu.memory_space<hbm>>
      tpu.wait_indirect_dma semaphore(%arg19 : memref<!tpu.dma_semaphore, #tpu.memory_space<semaphore_mem>>) src(%dma_wait3A_707 : memref<10240x128xf32, #tpu.memory_space<hbm>>) dst(%arg11 : memref<88x128xf32, #tpu.memory_space<vmem>>)
      %dma_start3A_708 = arith.constant 1 : i32
      %dma_start3A_709 = arith.constant 0 : i32
      %dma_start3A_710 = tpu.memref_slice %arg9[%dma_start3A_708, %dma_start3A_709] : memref<4x88xi32, #tpu.memory_space<vmem>> -> memref<1x88xi32, #tpu.memory_space<vmem>>
      %dma_start3A_711 = tpu.memref_squeeze %dma_start3A_710 : memref<1x88xi32, #tpu.memory_space<vmem>> -> memref<88xi32, #tpu.memory_space<vmem>>
      %dma_start3A_712 = arith.constant 0 : i32
      %dma_start3A_713 = arith.constant 0 : i32
      %dma_start3A_714 = tpu.memref_slice %arg7[%dma_start3A_712, %dma_start3A_713] : memref<10240x128xf32, #tpu.memory_space<vmem_shared>> -> memref<10240x128xf32, #tpu.memory_space<vmem_shared>>
      tpu.enqueue_indirect_dma source(%arg11 : memref<88x128xf32, #tpu.memory_space<vmem>>) target(%dma_start3A_714 : memref<10240x128xf32, #tpu.memory_space<vmem_shared>>) offsets(%dma_start3A_711 : memref<88xi32, #tpu.memory_space<vmem>>) semaphore(%arg23 : memref<!tpu.dma_semaphore, #tpu.memory_space<semaphore_mem>>) {add = true}
    }
    %scan3A_257 = arith.constant 28 : i32
    %dma_wait3A_258 = arith.constant 0 : i32
    %dma_wait3A_259 = arith.constant 3 : i32
    %dma_wait3A_260 = arith.constant 0 : i32
    %dma_wait3A_261 = tpu.memref_slice %arg8[%dma_wait3A_259, %dma_wait3A_260] : memref<4x88xi32, #tpu.memory_space<vmem>> -> memref<1x88xi32, #tpu.memory_space<vmem>>
    %dma_wait3A_262 = tpu.memref_squeeze %dma_wait3A_261 : memref<1x88xi32, #tpu.memory_space<vmem>> -> memref<88xi32, #tpu.memory_space<vmem>>
    %dma_wait3A_263 = arith.constant 0 : i32
    %dma_wait3A_264 = tpu.memref_slice %arg3[%add3A, %dma_wait3A_258, %dma_wait3A_263] : memref<32x116x88xi32, #tpu.memory_space<hbm>> -> memref<1x1x88xi32, #tpu.memory_space<hbm>>
    %dma_wait3A_265 = tpu.memref_squeeze %dma_wait3A_264 : memref<1x1x88xi32, #tpu.memory_space<hbm>> -> memref<88xi32, #tpu.memory_space<hbm>>
    %dma_wait3A_266 = arith.constant 0 : i32
    %dma_wait3A_267 = tpu.memref_slice %arg8[%dma_wait3A_259, %dma_wait3A_266] : memref<4x88xi32, #tpu.memory_space<vmem>> -> memref<1x88xi32, #tpu.memory_space<vmem>>
    %dma_wait3A_268 = tpu.memref_squeeze %dma_wait3A_267 : memref<1x88xi32, #tpu.memory_space<vmem>> -> memref<88xi32, #tpu.memory_space<vmem>>
    %dma_wait3A_269 = arith.constant 0 : i32
    %dma_wait3A_270 = tpu.memref_slice %arg3[%add3A, %dma_wait3A_258, %dma_wait3A_269] : memref<32x116x88xi32, #tpu.memory_space<hbm>> -> memref<1x1x88xi32, #tpu.memory_space<hbm>>
    %dma_wait3A_271 = tpu.memref_squeeze %dma_wait3A_270 : memref<1x1x88xi32, #tpu.memory_space<hbm>> -> memref<88xi32, #tpu.memory_space<hbm>>
    tpu.wait_dma2 semaphore(%arg17 : memref<!tpu.dma_semaphore, #tpu.memory_space<semaphore_mem>>) src(%dma_wait3A_271 : memref<88xi32, #tpu.memory_space<hbm>>) dst(%dma_wait3A_268 : memref<88xi32, #tpu.memory_space<vmem>>)
    %dma_wait3A_272 = arith.constant 0 : i32
    %dma_wait3A_273 = arith.constant 3 : i32
    %dma_wait3A_274 = arith.constant 0 : i32
    %dma_wait3A_275 = tpu.memref_slice %arg9[%dma_wait3A_273, %dma_wait3A_274] : memref<4x88xi32, #tpu.memory_space<vmem>> -> memref<1x88xi32, #tpu.memory_space<vmem>>
    %dma_wait3A_276 = tpu.memref_squeeze %dma_wait3A_275 : memref<1x88xi32, #tpu.memory_space<vmem>> -> memref<88xi32, #tpu.memory_space<vmem>>
    %dma_wait3A_277 = arith.constant 0 : i32
    %dma_wait3A_278 = tpu.memref_slice %arg4[%add3A, %dma_wait3A_272, %dma_wait3A_277] : memref<32x116x88xi32, #tpu.memory_space<hbm>> -> memref<1x1x88xi32, #tpu.memory_space<hbm>>
    %dma_wait3A_279 = tpu.memref_squeeze %dma_wait3A_278 : memref<1x1x88xi32, #tpu.memory_space<hbm>> -> memref<88xi32, #tpu.memory_space<hbm>>
    %dma_wait3A_280 = arith.constant 0 : i32
    %dma_wait3A_281 = tpu.memref_slice %arg9[%dma_wait3A_273, %dma_wait3A_280] : memref<4x88xi32, #tpu.memory_space<vmem>> -> memref<1x88xi32, #tpu.memory_space<vmem>>
    %dma_wait3A_282 = tpu.memref_squeeze %dma_wait3A_281 : memref<1x88xi32, #tpu.memory_space<vmem>> -> memref<88xi32, #tpu.memory_space<vmem>>
    %dma_wait3A_283 = arith.constant 0 : i32
    %dma_wait3A_284 = tpu.memref_slice %arg4[%add3A, %dma_wait3A_272, %dma_wait3A_283] : memref<32x116x88xi32, #tpu.memory_space<hbm>> -> memref<1x1x88xi32, #tpu.memory_space<hbm>>
    %dma_wait3A_285 = tpu.memref_squeeze %dma_wait3A_284 : memref<1x1x88xi32, #tpu.memory_space<hbm>> -> memref<88xi32, #tpu.memory_space<hbm>>
    tpu.wait_dma2 semaphore(%arg17 : memref<!tpu.dma_semaphore, #tpu.memory_space<semaphore_mem>>) src(%dma_wait3A_285 : memref<88xi32, #tpu.memory_space<hbm>>) dst(%dma_wait3A_282 : memref<88xi32, #tpu.memory_space<vmem>>)
    %dma_start3A_286 = arith.constant 3 : i32
    %dma_start3A_287 = arith.constant 0 : i32
    %dma_start3A_288 = tpu.memref_slice %arg8[%dma_start3A_286, %dma_start3A_287] : memref<4x88xi32, #tpu.memory_space<vmem>> -> memref<1x88xi32, #tpu.memory_space<vmem>>
    %dma_start3A_289 = tpu.memref_squeeze %dma_start3A_288 : memref<1x88xi32, #tpu.memory_space<vmem>> -> memref<88xi32, #tpu.memory_space<vmem>>
    %dma_start3A_290 = arith.constant 0 : i32
    %dma_start3A_291 = arith.constant 0 : i32
    %dma_start3A_292 = tpu.memref_slice %arg2[%dma_start3A_290, %dma_start3A_291] : memref<10240x128xf32, #tpu.memory_space<hbm>> -> memref<10240x128xf32, #tpu.memory_space<hbm>>
    tpu.enqueue_indirect_dma source(%dma_start3A_292 : memref<10240x128xf32, #tpu.memory_space<hbm>>) target(%arg13 : memref<88x128xf32, #tpu.memory_space<vmem>>) offsets(%dma_start3A_289 : memref<88xi32, #tpu.memory_space<vmem>>) semaphore(%arg21 : memref<!tpu.dma_semaphore, #tpu.memory_space<semaphore_mem>>)
    %dma_wait3A_293 = arith.constant 0 : i32
    %dma_wait3A_294 = arith.constant 0 : i32
    %dma_wait3A_295 = tpu.memref_slice %arg8[%dma_wait3A_293, %dma_wait3A_294] : memref<4x88xi32, #tpu.memory_space<vmem>> -> memref<1x88xi32, #tpu.memory_space<vmem>>
    %dma_wait3A_296 = tpu.memref_squeeze %dma_wait3A_295 : memref<1x88xi32, #tpu.memory_space<vmem>> -> memref<88xi32, #tpu.memory_space<vmem>>
    %dma_wait3A_297 = arith.constant 0 : i32
    %dma_wait3A_298 = arith.constant 0 : i32
    %dma_wait3A_299 = tpu.memref_slice %arg2[%dma_wait3A_297, %dma_wait3A_298] : memref<10240x128xf32, #tpu.memory_space<hbm>> -> memref<10240x128xf32, #tpu.memory_space<hbm>>
    tpu.wait_indirect_dma semaphore(%arg20 : memref<!tpu.dma_semaphore, #tpu.memory_space<semaphore_mem>>) src(%dma_wait3A_299 : memref<10240x128xf32, #tpu.memory_space<hbm>>) dst(%arg12 : memref<88x128xf32, #tpu.memory_space<vmem>>)
    %dma_start3A_300 = arith.constant 2 : i32
    %dma_start3A_301 = arith.constant 0 : i32
    %dma_start3A_302 = tpu.memref_slice %arg9[%dma_start3A_300, %dma_start3A_301] : memref<4x88xi32, #tpu.memory_space<vmem>> -> memref<1x88xi32, #tpu.memory_space<vmem>>
    %dma_start3A_303 = tpu.memref_squeeze %dma_start3A_302 : memref<1x88xi32, #tpu.memory_space<vmem>> -> memref<88xi32, #tpu.memory_space<vmem>>
    %dma_start3A_304 = arith.constant 0 : i32
    %dma_start3A_305 = arith.constant 0 : i32
    %dma_start3A_306 = tpu.memref_slice %arg7[%dma_start3A_304, %dma_start3A_305] : memref<10240x128xf32, #tpu.memory_space<vmem_shared>> -> memref<10240x128xf32, #tpu.memory_space<vmem_shared>>
    tpu.enqueue_indirect_dma source(%arg12 : memref<88x128xf32, #tpu.memory_space<vmem>>) target(%dma_start3A_306 : memref<10240x128xf32, #tpu.memory_space<vmem_shared>>) offsets(%dma_start3A_303 : memref<88xi32, #tpu.memory_space<vmem>>) semaphore(%arg24 : memref<!tpu.dma_semaphore, #tpu.memory_space<semaphore_mem>>) {add = true}
    %dma_wait3A_307 = arith.constant 0 : i32
    %dma_wait3A_308 = arith.constant 0 : i32
    %dma_wait3A_309 = tpu.memref_slice %arg8[%dma_wait3A_307, %dma_wait3A_308] : memref<4x88xi32, #tpu.memory_space<vmem>> -> memref<1x88xi32, #tpu.memory_space<vmem>>
    %dma_wait3A_310 = tpu.memref_squeeze %dma_wait3A_309 : memref<1x88xi32, #tpu.memory_space<vmem>> -> memref<88xi32, #tpu.memory_space<vmem>>
    %dma_wait3A_311 = arith.constant 0 : i32
    %dma_wait3A_312 = arith.constant 0 : i32
    %dma_wait3A_313 = tpu.memref_slice %arg2[%dma_wait3A_311, %dma_wait3A_312] : memref<10240x128xf32, #tpu.memory_space<hbm>> -> memref<10240x128xf32, #tpu.memory_space<hbm>>
    tpu.wait_indirect_dma semaphore(%arg21 : memref<!tpu.dma_semaphore, #tpu.memory_space<semaphore_mem>>) src(%dma_wait3A_313 : memref<10240x128xf32, #tpu.memory_space<hbm>>) dst(%arg13 : memref<88x128xf32, #tpu.memory_space<vmem>>)
    %dma_start3A_314 = arith.constant 3 : i32
    %dma_start3A_315 = arith.constant 0 : i32
    %dma_start3A_316 = tpu.memref_slice %arg9[%dma_start3A_314, %dma_start3A_315] : memref<4x88xi32, #tpu.memory_space<vmem>> -> memref<1x88xi32, #tpu.memory_space<vmem>>
    %dma_start3A_317 = tpu.memref_squeeze %dma_start3A_316 : memref<1x88xi32, #tpu.memory_space<vmem>> -> memref<88xi32, #tpu.memory_space<vmem>>
    %dma_start3A_318 = arith.constant 0 : i32
    %dma_start3A_319 = arith.constant 0 : i32
    %dma_start3A_320 = tpu.memref_slice %arg7[%dma_start3A_318, %dma_start3A_319] : memref<10240x128xf32, #tpu.memory_space<vmem_shared>> -> memref<10240x128xf32, #tpu.memory_space<vmem_shared>>
    tpu.enqueue_indirect_dma source(%arg13 : memref<88x128xf32, #tpu.memory_space<vmem>>) target(%dma_start3A_320 : memref<10240x128xf32, #tpu.memory_space<vmem_shared>>) offsets(%dma_start3A_317 : memref<88xi32, #tpu.memory_space<vmem>>) semaphore(%arg25 : memref<!tpu.dma_semaphore, #tpu.memory_space<semaphore_mem>>) {add = true}
    %dma_wait3A_321 = arith.constant 0 : i32
    %dma_wait3A_322 = arith.constant 0 : i32
    %dma_wait3A_323 = tpu.memref_slice %arg9[%dma_wait3A_321, %dma_wait3A_322] : memref<4x88xi32, #tpu.memory_space<vmem>> -> memref<1x88xi32, #tpu.memory_space<vmem>>
    %dma_wait3A_324 = tpu.memref_squeeze %dma_wait3A_323 : memref<1x88xi32, #tpu.memory_space<vmem>> -> memref<88xi32, #tpu.memory_space<vmem>>
    %dma_wait3A_325 = arith.constant 0 : i32
    %dma_wait3A_326 = arith.constant 0 : i32
    %dma_wait3A_327 = tpu.memref_slice %arg7[%dma_wait3A_325, %dma_wait3A_326] : memref<10240x128xf32, #tpu.memory_space<vmem_shared>> -> memref<10240x128xf32, #tpu.memory_space<vmem_shared>>
    tpu.wait_indirect_dma semaphore(%arg22 : memref<!tpu.dma_semaphore, #tpu.memory_space<semaphore_mem>>) src(%arg10 : memref<88x128xf32, #tpu.memory_space<vmem>>) dst(%dma_wait3A_327 : memref<10240x128xf32, #tpu.memory_space<vmem_shared>>)
    %dma_wait3A_328 = arith.constant 0 : i32
    %dma_wait3A_329 = arith.constant 0 : i32
    %dma_wait3A_330 = tpu.memref_slice %arg9[%dma_wait3A_328, %dma_wait3A_329] : memref<4x88xi32, #tpu.memory_space<vmem>> -> memref<1x88xi32, #tpu.memory_space<vmem>>
    %dma_wait3A_331 = tpu.memref_squeeze %dma_wait3A_330 : memref<1x88xi32, #tpu.memory_space<vmem>> -> memref<88xi32, #tpu.memory_space<vmem>>
    %dma_wait3A_332 = arith.constant 0 : i32
    %dma_wait3A_333 = arith.constant 0 : i32
    %dma_wait3A_334 = tpu.memref_slice %arg7[%dma_wait3A_332, %dma_wait3A_333] : memref<10240x128xf32, #tpu.memory_space<vmem_shared>> -> memref<10240x128xf32, #tpu.memory_space<vmem_shared>>
    tpu.wait_indirect_dma semaphore(%arg23 : memref<!tpu.dma_semaphore, #tpu.memory_space<semaphore_mem>>) src(%arg11 : memref<88x128xf32, #tpu.memory_space<vmem>>) dst(%dma_wait3A_334 : memref<10240x128xf32, #tpu.memory_space<vmem_shared>>)
    %dma_wait3A_335 = arith.constant 0 : i32
    %dma_wait3A_336 = arith.constant 0 : i32
    %dma_wait3A_337 = tpu.memref_slice %arg9[%dma_wait3A_335, %dma_wait3A_336] : memref<4x88xi32, #tpu.memory_space<vmem>> -> memref<1x88xi32, #tpu.memory_space<vmem>>
    %dma_wait3A_338 = tpu.memref_squeeze %dma_wait3A_337 : memref<1x88xi32, #tpu.memory_space<vmem>> -> memref<88xi32, #tpu.memory_space<vmem>>
    %dma_wait3A_339 = arith.constant 0 : i32
    %dma_wait3A_340 = arith.constant 0 : i32
    %dma_wait3A_341 = tpu.memref_slice %arg7[%dma_wait3A_339, %dma_wait3A_340] : memref<10240x128xf32, #tpu.memory_space<vmem_shared>> -> memref<10240x128xf32, #tpu.memory_space<vmem_shared>>
    tpu.wait_indirect_dma semaphore(%arg24 : memref<!tpu.dma_semaphore, #tpu.memory_space<semaphore_mem>>) src(%arg12 : memref<88x128xf32, #tpu.memory_space<vmem>>) dst(%dma_wait3A_341 : memref<10240x128xf32, #tpu.memory_space<vmem_shared>>)
    %dma_wait3A_342 = arith.constant 0 : i32
    %dma_wait3A_343 = arith.constant 0 : i32
    %dma_wait3A_344 = tpu.memref_slice %arg9[%dma_wait3A_342, %dma_wait3A_343] : memref<4x88xi32, #tpu.memory_space<vmem>> -> memref<1x88xi32, #tpu.memory_space<vmem>>
    %dma_wait3A_345 = tpu.memref_squeeze %dma_wait3A_344 : memref<1x88xi32, #tpu.memory_space<vmem>> -> memref<88xi32, #tpu.memory_space<vmem>>
    %dma_wait3A_346 = arith.constant 0 : i32
    %dma_wait3A_347 = arith.constant 0 : i32
    %dma_wait3A_348 = tpu.memref_slice %arg7[%dma_wait3A_346, %dma_wait3A_347] : memref<10240x128xf32, #tpu.memory_space<vmem_shared>> -> memref<10240x128xf32, #tpu.memory_space<vmem_shared>>
    tpu.wait_indirect_dma semaphore(%arg25 : memref<!tpu.dma_semaphore, #tpu.memory_space<semaphore_mem>>) src(%arg13 : memref<88x128xf32, #tpu.memory_space<vmem>>) dst(%dma_wait3A_348 : memref<10240x128xf32, #tpu.memory_space<vmem_shared>>)
    %barrier3A_349 = arith.constant 0 : index
    tpu.barrier barrier_id(%barrier3A_349)
    "tpu.region"() ({
      %run_scoped3A = tpu.sem_alloc : memref<!tpu.dma_semaphore, #tpu.memory_space<semaphore_mem>>
      %dma_start3A_350 = arith.constant 0 : i32
      %dma_start3A_351 = arith.constant 0 : i32
      %dma_start3A_352 = tpu.memref_slice %arg6[%arg0, %dma_start3A_350, %dma_start3A_351] : memref<2x10240x128xf32, #tpu.memory_space<hbm>> -> memref<1x10240x128xf32, #tpu.memory_space<hbm>>
      %dma_start3A_353 = tpu.memref_squeeze %dma_start3A_352 : memref<1x10240x128xf32, #tpu.memory_space<hbm>> -> memref<10240x128xf32, #tpu.memory_space<hbm>>
      %dma_start3A_354 = arith.constant 0 : i32
      %dma_start3A_355 = tpu.memref_slice %dma_start3A_353[%mul3A_2, %dma_start3A_354] : memref<10240x128xf32, #tpu.memory_space<hbm>> -> memref<640x128xf32, #tpu.memory_space<hbm>>
      %dma_start3A_356 = arith.constant 0 : i32
      %dma_start3A_357 = tpu.memref_slice %arg7[%mul3A_2, %dma_start3A_356] : memref<10240x128xf32, #tpu.memory_space<vmem_shared>> -> memref<640x128xf32, #tpu.memory_space<vmem_shared>>
      tpu.enqueue_dma source(%dma_start3A_357 : memref<640x128xf32, #tpu.memory_space<vmem_shared>>) target(%dma_start3A_355 : memref<640x128xf32, #tpu.memory_space<hbm>>) target_semaphore(%run_scoped3A : memref<!tpu.dma_semaphore, #tpu.memory_space<semaphore_mem>>)
      %dma_wait3A_358 = arith.constant 0 : i32
      %dma_wait3A_359 = arith.constant 0 : i32
      %dma_wait3A_360 = tpu.memref_slice %arg6[%arg0, %dma_wait3A_358, %dma_wait3A_359] : memref<2x10240x128xf32, #tpu.memory_space<hbm>> -> memref<1x10240x128xf32, #tpu.memory_space<hbm>>
      %dma_wait3A_361 = tpu.memref_squeeze %dma_wait3A_360 : memref<1x10240x128xf32, #tpu.memory_space<hbm>> -> memref<10240x128xf32, #tpu.memory_space<hbm>>
      %dma_wait3A_362 = arith.constant 0 : i32
      %dma_wait3A_363 = tpu.memref_slice %dma_wait3A_361[%mul3A_2, %dma_wait3A_362] : memref<10240x128xf32, #tpu.memory_space<hbm>> -> memref<640x128xf32, #tpu.memory_space<hbm>>
      %dma_wait3A_364 = arith.constant 0 : i32
      %dma_wait3A_365 = tpu.memref_slice %arg7[%mul3A_2, %dma_wait3A_364] : memref<10240x128xf32, #tpu.memory_space<vmem_shared>> -> memref<640x128xf32, #tpu.memory_space<vmem_shared>>
      tpu.wait_dma2 semaphore(%run_scoped3A : memref<!tpu.dma_semaphore, #tpu.memory_space<semaphore_mem>>) src(%dma_wait3A_365 : memref<640x128xf32, #tpu.memory_space<vmem_shared>>) dst(%dma_wait3A_363 : memref<640x128xf32, #tpu.memory_space<hbm>>)
      tpu.yield
    }) : () -> ()
    return
  }
}

module attributes {stable_mosaic.version = 14 : i64} {
  func.func @body(%arg0: i32, %arg1: memref<32x2048xf32, #tpu.memory_space<vmem>>, %arg2: memref<2048x128xf32, #tpu.memory_space<vmem>>, %arg3: memref<128x128xf32, #tpu.memory_space<vmem>>, %arg4: memref<2048x1xf32, #tpu.memory_space<vmem>>, %arg5: memref<2048x128xf32, #tpu.memory_space<vmem>>, %arg6: memref<2048x128xf32, #tpu.memory_space<vmem>>) attributes {dimension_semantics = [#tpu.dimension_semantics<arbitrary>], iteration_bounds = array<i64: 5>, scalar_prefetch = 0 : i64, scratch_operands = 0 : i64, tpu.core_type = #tpu.core_type<tc>, window_params = [{transform_indices = @transform_0, window_bounds = array<i64: 32, 2048>}, {transform_indices = @transform_1, window_bounds = array<i64: 2048, 128>}, {pipeline_mode = #tpu.pipeline_mode<synchronous>, transform_indices = @transform_2, window_bounds = array<i64: 128, 128>}, {transform_indices = @transform_3, window_bounds = array<i64: 2048, 1>}, {transform_indices = @transform_4, window_bounds = array<i64: 2048, 128>}, {transform_indices = @transform_5, window_bounds = array<i64: 2048, 128>}]} {
    %get3A = arith.constant 0 : index
    %get3A_0 = arith.constant 0 : index
    %get3A_1 = vector.load %arg1[%get3A, %get3A_0] : memref<32x2048xf32, #tpu.memory_space<vmem>>, vector<32x2048xf32>
    %reduce_sum3A = arith.constant dense<0.000000e+00> : vector<2048xf32>
    %reduce_sum3A_2 = vector.multi_reduction <add>, %get3A_1, %reduce_sum3A [0] : vector<32x2048xf32> to vector<2048xf32>
    %add3A = arith.constant 1.000000e+00 : f32
    %add3A_3 = vector.broadcast %add3A : f32 to vector<2048xf32>
    %add3A_4 = arith.addf %reduce_sum3A_2, %add3A_3 : vector<2048xf32>
    %rsqrt3A = math.rsqrt %add3A_4 : vector<2048xf32>
    %reshape3A = vector.shape_cast %rsqrt3A : vector<2048xf32> to vector<2048x1xf32>
    %swap3A = arith.constant 0 : index
    %swap3A_5 = arith.constant 0 : index
    %swap3A_6 = vector.load %arg4[%swap3A, %swap3A_5] : memref<2048x1xf32, #tpu.memory_space<vmem>>, vector<2048x1xf32>
    tpu.vector_store %arg4[%swap3A, %swap3A_5], %reshape3A {strides = array<i32>} : memref<2048x1xf32, #tpu.memory_space<vmem>>, vector<2048x1xf32>,
    %get3A_7 = arith.constant 0 : index
    %get3A_8 = arith.constant 0 : index
    %get3A_9 = vector.load %arg2[%get3A_7, %get3A_8] : memref<2048x128xf32, #tpu.memory_space<vmem>>, vector<2048x128xf32>
    %get3A_10 = arith.constant 0 : index
    %get3A_11 = arith.constant 0 : index
    %get3A_12 = vector.load %arg3[%get3A_10, %get3A_11] : memref<128x128xf32, #tpu.memory_space<vmem>>, vector<128x128xf32>
    %dot_general3A = arith.constant dense<0.000000e+00> : vector<2048x128xf32>
    %dot_general3A_13 = tpu.matmul %get3A_9, %get3A_12, %dot_general3A {dimension_numbers = #tpu.dot_dimension_numbers<[1], [0], [0], [1], [0, 0, 1, 1], [], []>, transpose_lhs_hint = false} : vector<2048x128xf32>, vector<128x128xf32>, vector<2048x128xf32> -> vector<2048x128xf32>
    %swap3A_14 = arith.constant 0 : index
    %swap3A_15 = arith.constant 0 : index
    %swap3A_16 = vector.load %arg5[%swap3A_14, %swap3A_15] : memref<2048x128xf32, #tpu.memory_space<vmem>>, vector<2048x128xf32>
    tpu.vector_store %arg5[%swap3A_14, %swap3A_15], %dot_general3A_13 {strides = array<i32>} : memref<2048x128xf32, #tpu.memory_space<vmem>>, vector<2048x128xf32>,
    %mul3A = vector.broadcast %reshape3A : vector<2048x1xf32> to vector<2048x128xf32>
    %mul3A_17 = arith.mulf %dot_general3A_13, %mul3A : vector<2048x128xf32>
    %swap3A_18 = arith.constant 0 : index
    %swap3A_19 = arith.constant 0 : index
    %swap3A_20 = vector.load %arg6[%swap3A_18, %swap3A_19] : memref<2048x128xf32, #tpu.memory_space<vmem>>, vector<2048x128xf32>
    tpu.vector_store %arg6[%swap3A_18, %swap3A_19], %mul3A_17 {strides = array<i32>} : memref<2048x128xf32, #tpu.memory_space<vmem>>, vector<2048x128xf32>,
    return
  }
  func.func @transform_0(%arg0: i32) -> (i32, i32) {
    %c0_i32 = arith.constant 0 : i32
    %c0_i32_0 = arith.constant 0 : i32
    return %c0_i32, %arg0 : i32, i32
  }
  func.func @transform_1(%arg0: i32) -> (i32, i32) {
    %c0_i32 = arith.constant 0 : i32
    %c0_i32_0 = arith.constant 0 : i32
    return %arg0, %c0_i32 : i32, i32
  }
  func.func @transform_2(%arg0: i32) -> (i32, i32) {
    %c0_i32 = arith.constant 0 : i32
    %c0_i32_0 = arith.constant 0 : i32
    %c0_i32_1 = arith.constant 0 : i32
    return %c0_i32, %c0_i32_0 : i32, i32
  }
  func.func @transform_3(%arg0: i32) -> (i32, i32) {
    %c0_i32 = arith.constant 0 : i32
    %c0_i32_0 = arith.constant 0 : i32
    return %arg0, %c0_i32 : i32, i32
  }
  func.func @transform_4(%arg0: i32) -> (i32, i32) {
    %c0_i32 = arith.constant 0 : i32
    %c0_i32_0 = arith.constant 0 : i32
    return %arg0, %c0_i32 : i32, i32
  }
  func.func @transform_5(%arg0: i32) -> (i32, i32) {
    %c0_i32 = arith.constant 0 : i32
    %c0_i32_0 = arith.constant 0 : i32
    return %arg0, %c0_i32 : i32, i32
  }
}

module attributes {stable_mosaic.version = 14 : i64} {
  func.func @body(%arg0: i32, %arg1: memref<2x2048x128xf32, #tpu.memory_space<vmem>>, %arg2: memref<2048x128xf32, #tpu.memory_space<vmem>>, %arg3: memref<2048x1xf32, #tpu.memory_space<vmem>>, %arg4: memref<1x128xf32, #tpu.memory_space<vmem>>, %arg5: memref<128x128xf32, #tpu.memory_space<vmem>>, %arg6: memref<2048x128xf32, #tpu.memory_space<vmem>>, %arg7: memref<2048x128xf32, #tpu.memory_space<vmem>>) attributes {dimension_semantics = [#tpu.dimension_semantics<arbitrary>], iteration_bounds = array<i64: 5>, scalar_prefetch = 0 : i64, scratch_operands = 0 : i64, tpu.core_type = #tpu.core_type<tc>, window_params = [{transform_indices = @transform_0, window_bounds = array<i64: 2, 2048, 128>}, {transform_indices = @transform_1, window_bounds = array<i64: 2048, 128>}, {transform_indices = @transform_2, window_bounds = array<i64: 2048, 1>}, {pipeline_mode = #tpu.pipeline_mode<synchronous>, transform_indices = @transform_3, window_bounds = array<i64: 1, 128>}, {pipeline_mode = #tpu.pipeline_mode<synchronous>, transform_indices = @transform_4, window_bounds = array<i64: 128, 128>}, {transform_indices = @transform_5, window_bounds = array<i64: 2048, 128>}, {transform_indices = @transform_6, window_bounds = array<i64: 2048, 128>}]} {
    %get3A = arith.constant 0 : index
    %get3A_0 = arith.constant 0 : index
    %get3A_1 = vector.load %arg3[%get3A, %get3A_0] : memref<2048x1xf32, #tpu.memory_space<vmem>>, vector<2048x1xf32>
    %get3A_2 = arith.constant 0 : index
    %get3A_3 = arith.constant 0 : index
    %get3A_4 = arith.constant 0 : index
    %get3A_5 = vector.load %arg1[%get3A_2, %get3A_3, %get3A_4] : memref<2x2048x128xf32, #tpu.memory_space<vmem>>, vector<1x2048x128xf32>
    %get3A_6 = vector.shape_cast %get3A_5 : vector<1x2048x128xf32> to vector<2048x128xf32>
    %get3A_7 = arith.constant 1 : index
    %get3A_8 = arith.constant 0 : index
    %get3A_9 = arith.constant 0 : index
    %get3A_10 = vector.load %arg1[%get3A_7, %get3A_8, %get3A_9] : memref<2x2048x128xf32, #tpu.memory_space<vmem>>, vector<1x2048x128xf32>
    %get3A_11 = vector.shape_cast %get3A_10 : vector<1x2048x128xf32> to vector<2048x128xf32>
    %add3A = arith.addf %get3A_6, %get3A_11 : vector<2048x128xf32>
    %mul3A = vector.broadcast %get3A_1 : vector<2048x1xf32> to vector<2048x128xf32>
    %mul3A_12 = arith.mulf %mul3A, %add3A : vector<2048x128xf32>
    %mul3A_13 = arith.mulf %get3A_1, %get3A_1 : vector<2048x1xf32>
    %get3A_14 = arith.constant 0 : index
    %get3A_15 = arith.constant 0 : index
    %get3A_16 = vector.load %arg2[%get3A_14, %get3A_15] : memref<2048x128xf32, #tpu.memory_space<vmem>>, vector<2048x128xf32>
    %mul3A_17 = vector.broadcast %mul3A_13 : vector<2048x1xf32> to vector<2048x128xf32>
    %mul3A_18 = arith.mulf %mul3A_17, %get3A_16 : vector<2048x128xf32>
    %add3A_19 = arith.addf %mul3A_12, %mul3A_18 : vector<2048x128xf32>
    %get3A_20 = arith.constant 0 : index
    %get3A_21 = arith.constant 0 : index
    %get3A_22 = vector.load %arg4[%get3A_20, %get3A_21] : memref<1x128xf32, #tpu.memory_space<vmem>>, vector<1x128xf32>
    %add3A_23 = vector.broadcast %get3A_22 : vector<1x128xf32> to vector<2048x128xf32>
    %add3A_24 = arith.addf %add3A_19, %add3A_23 : vector<2048x128xf32>
    %max3A = arith.constant 0.000000e+00 : f32
    %max3A_25 = vector.broadcast %max3A : f32 to vector<2048x128xf32>
    %max3A_26 = arith.maximumf %add3A_24, %max3A_25 : vector<2048x128xf32>
    %get3A_27 = arith.constant 0 : index
    %get3A_28 = arith.constant 0 : index
    %get3A_29 = vector.load %arg5[%get3A_27, %get3A_28] : memref<128x128xf32, #tpu.memory_space<vmem>>, vector<128x128xf32>
    %dot_general3A = arith.constant dense<0.000000e+00> : vector<2048x128xf32>
    %dot_general3A_30 = tpu.matmul %max3A_26, %get3A_29, %dot_general3A {dimension_numbers = #tpu.dot_dimension_numbers<[1], [0], [0], [1], [0, 0, 1, 1], [], []>, transpose_lhs_hint = false} : vector<2048x128xf32>, vector<128x128xf32>, vector<2048x128xf32> -> vector<2048x128xf32>
    %swap3A = arith.constant 0 : index
    %swap3A_31 = arith.constant 0 : index
    %swap3A_32 = vector.load %arg6[%swap3A, %swap3A_31] : memref<2048x128xf32, #tpu.memory_space<vmem>>, vector<2048x128xf32>
    tpu.vector_store %arg6[%swap3A, %swap3A_31], %dot_general3A_30 {strides = array<i32>} : memref<2048x128xf32, #tpu.memory_space<vmem>>, vector<2048x128xf32>,
    %mul3A_33 = vector.broadcast %get3A_1 : vector<2048x1xf32> to vector<2048x128xf32>
    %mul3A_34 = arith.mulf %dot_general3A_30, %mul3A_33 : vector<2048x128xf32>
    %swap3A_35 = arith.constant 0 : index
    %swap3A_36 = arith.constant 0 : index
    %swap3A_37 = vector.load %arg7[%swap3A_35, %swap3A_36] : memref<2048x128xf32, #tpu.memory_space<vmem>>, vector<2048x128xf32>
    tpu.vector_store %arg7[%swap3A_35, %swap3A_36], %mul3A_34 {strides = array<i32>} : memref<2048x128xf32, #tpu.memory_space<vmem>>, vector<2048x128xf32>,
    return
  }
  func.func @transform_0(%arg0: i32) -> (i32, i32, i32) {
    %c0_i32 = arith.constant 0 : i32
    %c0_i32_0 = arith.constant 0 : i32
    %c0_i32_1 = arith.constant 0 : i32
    return %c0_i32, %arg0, %c0_i32_0 : i32, i32, i32
  }
  func.func @transform_1(%arg0: i32) -> (i32, i32) {
    %c0_i32 = arith.constant 0 : i32
    %c0_i32_0 = arith.constant 0 : i32
    return %arg0, %c0_i32 : i32, i32
  }
  func.func @transform_2(%arg0: i32) -> (i32, i32) {
    %c0_i32 = arith.constant 0 : i32
    %c0_i32_0 = arith.constant 0 : i32
    return %arg0, %c0_i32 : i32, i32
  }
  func.func @transform_3(%arg0: i32) -> (i32, i32) {
    %c0_i32 = arith.constant 0 : i32
    %c0_i32_0 = arith.constant 0 : i32
    %c0_i32_1 = arith.constant 0 : i32
    return %c0_i32, %c0_i32_0 : i32, i32
  }
  func.func @transform_4(%arg0: i32) -> (i32, i32) {
    %c0_i32 = arith.constant 0 : i32
    %c0_i32_0 = arith.constant 0 : i32
    %c0_i32_1 = arith.constant 0 : i32
    return %c0_i32, %c0_i32_0 : i32, i32
  }
  func.func @transform_5(%arg0: i32) -> (i32, i32) {
    %c0_i32 = arith.constant 0 : i32
    %c0_i32_0 = arith.constant 0 : i32
    return %arg0, %c0_i32 : i32, i32
  }
  func.func @transform_6(%arg0: i32) -> (i32, i32) {
    %c0_i32 = arith.constant 0 : i32
    %c0_i32_0 = arith.constant 0 : i32
    return %arg0, %c0_i32 : i32, i32
  }
}

module attributes {stable_mosaic.version = 14 : i64} {
  func.func @body(%arg0: i32, %arg1: memref<2x1000x128xf32, #tpu.memory_space<vmem>>, %arg2: memref<1000x128xf32, #tpu.memory_space<vmem>>, %arg3: memref<1000x1xf32, #tpu.memory_space<vmem>>, %arg4: memref<1x128xf32, #tpu.memory_space<vmem>>, %arg5: memref<1000x128xf32, #tpu.memory_space<vmem>>) attributes {dimension_semantics = [#tpu.dimension_semantics<arbitrary>], iteration_bounds = array<i64: 10>, scalar_prefetch = 0 : i64, scratch_operands = 0 : i64, tpu.core_type = #tpu.core_type<tc>, window_params = [{transform_indices = @transform_0, window_bounds = array<i64: 2, 1000, 128>}, {transform_indices = @transform_1, window_bounds = array<i64: 1000, 128>}, {transform_indices = @transform_2, window_bounds = array<i64: 1000, 1>}, {pipeline_mode = #tpu.pipeline_mode<synchronous>, transform_indices = @transform_3, window_bounds = array<i64: 1, 128>}, {transform_indices = @transform_4, window_bounds = array<i64: 1000, 128>}]} {
    %get3A = arith.constant 0 : index
    %get3A_0 = arith.constant 0 : index
    %get3A_1 = vector.load %arg3[%get3A, %get3A_0] : memref<1000x1xf32, #tpu.memory_space<vmem>>, vector<1000x1xf32>
    %get3A_2 = arith.constant 0 : index
    %get3A_3 = arith.constant 0 : index
    %get3A_4 = arith.constant 0 : index
    %get3A_5 = vector.load %arg1[%get3A_2, %get3A_3, %get3A_4] : memref<2x1000x128xf32, #tpu.memory_space<vmem>>, vector<1x1000x128xf32>
    %get3A_6 = vector.shape_cast %get3A_5 : vector<1x1000x128xf32> to vector<1000x128xf32>
    %get3A_7 = arith.constant 1 : index
    %get3A_8 = arith.constant 0 : index
    %get3A_9 = arith.constant 0 : index
    %get3A_10 = vector.load %arg1[%get3A_7, %get3A_8, %get3A_9] : memref<2x1000x128xf32, #tpu.memory_space<vmem>>, vector<1x1000x128xf32>
    %get3A_11 = vector.shape_cast %get3A_10 : vector<1x1000x128xf32> to vector<1000x128xf32>
    %add3A = arith.addf %get3A_6, %get3A_11 : vector<1000x128xf32>
    %mul3A = vector.broadcast %get3A_1 : vector<1000x1xf32> to vector<1000x128xf32>
    %mul3A_12 = arith.mulf %mul3A, %add3A : vector<1000x128xf32>
    %mul3A_13 = arith.mulf %get3A_1, %get3A_1 : vector<1000x1xf32>
    %get3A_14 = arith.constant 0 : index
    %get3A_15 = arith.constant 0 : index
    %get3A_16 = vector.load %arg2[%get3A_14, %get3A_15] : memref<1000x128xf32, #tpu.memory_space<vmem>>, vector<1000x128xf32>
    %mul3A_17 = vector.broadcast %mul3A_13 : vector<1000x1xf32> to vector<1000x128xf32>
    %mul3A_18 = arith.mulf %mul3A_17, %get3A_16 : vector<1000x128xf32>
    %add3A_19 = arith.addf %mul3A_12, %mul3A_18 : vector<1000x128xf32>
    %get3A_20 = arith.constant 0 : index
    %get3A_21 = arith.constant 0 : index
    %get3A_22 = vector.load %arg4[%get3A_20, %get3A_21] : memref<1x128xf32, #tpu.memory_space<vmem>>, vector<1x128xf32>
    %add3A_23 = vector.broadcast %get3A_22 : vector<1x128xf32> to vector<1000x128xf32>
    %add3A_24 = arith.addf %add3A_19, %add3A_23 : vector<1000x128xf32>
    %swap3A = arith.constant 0 : index
    %swap3A_25 = arith.constant 0 : index
    %swap3A_26 = vector.load %arg5[%swap3A, %swap3A_25] : memref<1000x128xf32, #tpu.memory_space<vmem>>, vector<1000x128xf32>
    tpu.vector_store %arg5[%swap3A, %swap3A_25], %add3A_24 {strides = array<i32>} : memref<1000x128xf32, #tpu.memory_space<vmem>>, vector<1000x128xf32>,
    return
  }
  func.func @transform_0(%arg0: i32) -> (i32, i32, i32) {
    %c0_i32 = arith.constant 0 : i32
    %c0_i32_0 = arith.constant 0 : i32
    %c0_i32_1 = arith.constant 0 : i32
    return %c0_i32, %arg0, %c0_i32_0 : i32, i32, i32
  }
  func.func @transform_1(%arg0: i32) -> (i32, i32) {
    %c0_i32 = arith.constant 0 : i32
    %c0_i32_0 = arith.constant 0 : i32
    return %arg0, %c0_i32 : i32, i32
  }
  func.func @transform_2(%arg0: i32) -> (i32, i32) {
    %c0_i32 = arith.constant 0 : i32
    %c0_i32_0 = arith.constant 0 : i32
    return %arg0, %c0_i32 : i32, i32
  }
  func.func @transform_3(%arg0: i32) -> (i32, i32) {
    %c0_i32 = arith.constant 0 : i32
    %c0_i32_0 = arith.constant 0 : i32
    %c0_i32_1 = arith.constant 0 : i32
    return %c0_i32, %c0_i32_0 : i32, i32
  }
  func.func @transform_4(%arg0: i32) -> (i32, i32) {
    %c0_i32 = arith.constant 0 : i32
    %c0_i32_0 = arith.constant 0 : i32
    return %arg0, %c0_i32 : i32, i32
  }
}

</mosaic_0001>

<sc_bundles>
// kernel: kernel.11.cloned.1.call-start
scs
__scs_entry_jumppad:
0x0: {  	(pc) =	sbr.rel $0x88, $3  }
0x1: {  	(tag) =	ssettag $0x0;
	lr =	simm.s32 $0x1  }
0x2: {  	[smem:$0x3F9B] =	sst lr;
	_ =	strace $0xD0000000  }
0x3: {  	_ = 	snop  }
0x4: {  	_ = 	snop  }
0x5: {  	_ = 	snop  }
0x6: {  	_ = 	snop  }
0x7: {  	_ = 	snop  }
__scs_overlays_trampoline_lowered:
0x8: {  	[smem:$0x3FAA] =	sst s0  }
0x9: {  	[smem:$0x3FAB] =	sst s1  }
0xa: {  	[smem:$0x3FAC] =	sst s2  }
0xb: {  	[smem:$0x3FAD] =	sst s3  }
0xc: {  	[smem:$0x3FAE] =	sst s4  }
0xd: {  	[smem:$0x3FAF] =	sst s5  }
0xe: {  	[smem:$0x3FB0] =	sst s6  }
0xf: {  	[smem:$0x3FB1] =	sst s7  }
0x10: {  	[smem:$0x3FB2] =	sst s8  }
0x11: {  	[smem:$0x3FB3] =	sst s9;
	s0 =	simm.s32 @!p0 $0x0  }
0x12: {  	s1 =	sld [smem:$0x3F99];
	s0 =	simm.s32 @p0 $0x1  }
0x13: {  	[smem:$0x3FB4] =	sst s0;
	s0 =	simm.s32 @!p1 $0x0  }
0x14: {  	s2 =	sld [smem:$0x3F98];
	s0 =	simm.s32 @p1 $0x1  }
0x15: {  	[smem:$0x3FB5] =	sst s0;
	s0 =	simm.s32 @!p2 $0x0  }
0x16: {  	s3 =	sld [smem:$0x3FDB];
	s0 =	simm.s32 @p2 $0x1  }
0x17: {  	s4 =	simm.s32 $0x1BF5;
	[smem:$0x3FB7] =	sst s0  }
0x18: {  	s0 =	sld [smem:$0x3F9A];
	_ =	swait.ge [sflag:s4], $0x0  }
0x19: {  	s7 =	sld [smem:$0x3F9B]  }
0x1a: {  	s8 =	sadd.s32 $0xFFFFE003, lr  }
0x1b: {  	s9 =	sadd.s32 $0xFFFFFEF7, lr;
	s5 =	simm.s32 $0xFFFFFFFF;
	p2 =	slt.u32 s8, $0xFFFFF086  }
0x1c: {  	p1 =	slt.u32 s9, $0xF7A;
	s5 =	simm.s32 @!p2 $0x0  }
0x1d: {  	s5 =	simm.s32 @p1 $0x1;
	p0 =	seq.s32 s7, s2  }
0x1e: {  	s7 =	smul.u32 @!p0 $0xF7A, s2;
	p2 =	seq.s32 @!p0 s5, $0x0  }
0x1f: {  	s9 =	smul.u32 $0xF7A, s1;
	s8 =	simm.s32 @!p0 $0x1BF5;
	p2 =	por !p2, p0  }
0x20: {  	[sflag:s8] =	ssyncset.s32 @!p0 $0xFFFFF086;
	s6 =	sadd.s32 @!p0 s3, s7;
	s7 =	simm.s32 @!p0 $0x108  }
0x21: {  	s3 =	sadd.s32 s3, s9;
	s6 =	sadd.s32 @!p0 $0x88, s6;
	s7 =	simm.s32 @p2 $0x1082  }
0x22: {  	[simem:s7], [sflag:s8] =	dma.local @!p0 [hbm:s6], $0xF7A  }
0x23: {  	s9 =	sor.u32 $0xD0000000, s2;
	s6 =	simm.s32 $0x108;
	_ =	swait.ge @!p0 [sflag:s8], $0x0  }
0x24: {  	s3 =	sadd.s32 $0x88, s3;
	s6 =	simm.s32 @!p1 $0x1082;
	[sflag:s4] =	ssyncset.s32 $0xFFFFF086  }
0x25: {  	[simem:s6], [sflag:s4] =	dma.local [hbm:s3], $0xF7A  }
0x26: {  	[smem:$0x3F9B] =	sst s1;
	(tag) =	ssettag s2;
	_ =	strace s9  }
0x27: {  	s1 =	sld [smem:$0x3FAB]  }
0x28: {  	s2 =	sld [smem:$0x3FAC]  }
0x29: {  	s4 =	sld [smem:$0x3FAE]  }
0x2a: {  	p0 =	seq.s32 s5, $0x0;
	s5 =	sld [smem:$0x3FAF]  }
0x2b: {  	s6 =	sld [smem:$0x3FB0]  }
0x2c: {  	s7 =	sld [smem:$0x3FB1]  }
0x2d: {  	s3 =	simm.s32 $0x108;
	s8 =	sld [smem:$0x3FB2]  }
0x2e: {  	s3 =	simm.s32 @!p0 $0x1082;
	s9 =	sld [smem:$0x3FB3]  }
0x2f: {  	lr =	sadd.s32 s0, s3;
	s0 =	sld [smem:$0x3FAA]  }
0x30: {  	s3 =	sld [smem:$0x3FAD]  }
0x31: {  	[smem:$0x3FB6] =	sst s10  }
0x32: {  	s10 =	sld [smem:$0x3FB4];
	_ =	sdelay $0x3  }
0x33: {  	p0 =	seq.s32 s10, $0x1;
	s10 =	sld [smem:$0x3FB6];
	_ =	sdelay $0x3  }
0x34: {  	[smem:$0x3FB6] =	sst s10  }
0x35: {  	s10 =	sld [smem:$0x3FB5];
	_ =	sdelay $0x3  }
0x36: {  	p1 =	seq.s32 s10, $0x1;
	s10 =	sld [smem:$0x3FB6];
	_ =	sdelay $0x3  }
0x37: {  	[smem:$0x3FB6] =	sst s10  }
0x38: {  	s10 =	sld [smem:$0x3FB7]  }
0x39: {  	_ = 	snop;
	(pc) =	sbr.ind lr, $3  }
0x3a: {  	_ = 	snop  }
0x3b: {  	_ = 	snop  }
0x3c: {  	p2 =	seq.s32 s10, $0x1;
	s10 =	sld [smem:$0x3FB6]  }
0x3d: {  	_ =	shalt  }
0x3e: {  	_ =	shalt  }
0x3f: {  	_ =	shalt  }
0x40: {  	_ =	shalt  }
0x41: {  	_ =	shalt  }
0x42: {  	_ =	shalt  }
0x43: {  	_ =	shalt  }
0x44: {  	_ =	shalt  }
0x45: {  	_ =	shalt  }
0x46: {  	_ =	shalt  }
0x47: {  	_ =	shalt  }
0x48: {  	_ =	shalt  }
0x49: {  	_ =	shalt  }
0x4a: {  	_ =	shalt  }
0x4b: {  	_ =	shalt  }
0x4c: {  	_ =	shalt  }
0x4d: {  	_ =	shalt  }
0x4e: {  	_ =	shalt  }
0x4f: {  	_ =	shalt  }
0x50: {  	_ =	shalt  }
0x51: {  	_ =	shalt  }
0x52: {  	_ =	shalt  }
0x53: {  	_ =	shalt  }
0x54: {  	_ =	shalt  }
0x55: {  	_ =	shalt  }
0x56: {  	_ =	shalt  }
0x57: {  	_ =	shalt  }
0x58: {  	_ =	shalt  }
0x59: {  	_ =	shalt  }
0x5a: {  	_ =	shalt  }
0x5b: {  	_ =	shalt  }
0x5c: {  	_ =	shalt  }
0x5d: {  	_ =	shalt  }
0x5e: {  	_ =	shalt  }
0x5f: {  	_ =	shalt  }
0x60: {  	_ =	shalt  }
0x61: {  	_ =	shalt  }
0x62: {  	_ =	shalt  }
0x63: {  	_ =	shalt  }
0x64: {  	_ =	shalt  }
0x65: {  	_ =	shalt  }
0x66: {  	_ =	shalt  }
0x67: {  	_ =	shalt  }
0x68: {  	_ =	shalt  }
0x69: {  	_ =	shalt  }
0x6a: {  	_ =	shalt  }
0x6b: {  	_ =	shalt  }
0x6c: {  	_ =	shalt  }
0x6d: {  	_ =	shalt  }
0x6e: {  	_ =	shalt  }
0x6f: {  	_ =	shalt  }
0x70: {  	_ =	shalt  }
0x71: {  	_ =	shalt  }
0x72: {  	_ =	shalt  }
0x73: {  	_ =	shalt  }
0x74: {  	_ =	shalt  }
0x75: {  	_ =	shalt  }
0x76: {  	_ =	shalt  }
0x77: {  	_ =	shalt  }
0x78: {  	_ =	shalt  }
0x79: {  	_ =	shalt  }
0x7a: {  	_ =	shalt  }
0x7b: {  	_ =	shalt  }
0x7c: {  	_ =	shalt  }
0x7d: {  	_ =	shalt  }
0x7e: {  	_ =	shalt  }
0x7f: {  	_ =	shalt  }
0x80: {  	_ =	shalt  }
0x81: {  	_ =	shalt  }
0x82: {  	_ =	shalt  }
0x83: {  	_ =	shalt  }
0x84: {  	_ =	shalt  }
0x85: {  	_ =	shalt  }
0x86: {  	_ =	shalt  }
0x87: {  	_ =	shalt  }
.Lfunc_end0:
.L_simem_size_0:
called_computation.1_lowered:
.L_overlay_start_0:
0x88: {  	s2 =	sld [smem:$0x3FD9]  }
0x89: {  	s3 =	sld [smem:$0x3FFE];
	_ =	sdelay $0x1  }
0x8a: {  	s1 =	srdreg.scid  }
0x8b: {  	s0 =	sand.u32 $0x1, s1  }
0x8c: {  	s17 =	sshll.u32 s0, $0xA;
	s2 =	sadd.s32 s3, s2  }
0x8d: {  	s2 =	sadd.s32 s2, s17  }
0x8e: {  	[smem:$0x3FC2] =	sst s2  }
0x8f: {  	_ = 	snop  }
0x90: {  	s2 =	sld [smem:$0x3FD0];
	(tm) =	ssettm $0x1  }
0x91: {  	s18 =	sld [smem:$0x3FFB];
	_ =	sdelay $0x3  }
0x92: {  	_ =	strace s18  }
0x93: {  	s3 =	sld [smem:$0x3FFC];
	_ =	sdelay $0x3  }
0x94: {  	_ =	strace s3  }
0x95: {  	s3 =	sld [smem:$0x3FFD];
	_ =	sdelay $0x3  }
0x96: {  	_ =	strace s3  }
0x97: {  	_ =	strace $0x8FFFFFFF  }
0x98: {  	s19 =	sld [smem:$0x3FDB];
	_ =	sdelay $0x1  }
0x99: {  	s4 =	simm.s32 $_scs_section_size  }
0x9a: {  	s5 =	simm.s32 $_size__tile_overlayer_lowered;
	s6 =	simm.s32 $_tile_overlayer_lowered  }
0x9b: {  	s22 =	simm.s32 $0x1BFF;
	s21 =	sshll.u32 s6, $0x1;
	s3 =	sadd.s32 s4, s19  }
0x9c: {  	s7 =	simm.s32 $0x0;
	s20 =	sshll.u32 s5, $0x1;
	s5 =	sadd.s32 s21, s3  }
0x9d: {  	[timem:s7], [sflag:s22] =	dma.local [hbm:s5], s20  }
0x9e: {  	_ =	swait.ge [sflag:s22], s20  }
0x9f: {  	s4 =	ssub.s32 $0x0, s20;
	[sflag:s22] =	ssyncset.done $0x0  }
0xa0: {  	[sflag:s22] =	ssyncadd.s32 s4;
	_ =	sdelay $0x1  }
0xa1: {  	s23 =	simm.s32 $0x1B8B  }
0xa2: {  	_ =	swait.ge [sflag:s23], $0x1  }
0xa3: {  	[sflag:s23] =	ssyncset.done $0x0  }
0xa4: {  	s25 =	simm.s32 $0x1B8E;
	s24 =	sld [smem:$0x3FFE];
	[sflag:s23] =	ssyncadd.s32 $0xFFFFFFFF  }
0xa5: {  	s26 =	simm.s32 $execute0_lowered;
	[smem:$0x3FD2] =	sst s25  }
0xa6: {  	s5 =	sshll.u32 s26, $0x1;
	_ =	strace $0x80000049;
	[dreg:$0x1] =	wrdreg $0xFFFFFFFF  }
0xa7: {  	s28 =	simm.s32 $_size_execute0_lowered;
	s3 =	sadd.s32 s3, s5;
	[dreg:$0x0] =	wrdreg $0x0  }
0xa8: {  	s5 =	sshll.u32 s28, $0x1;
	[dreg:$0x2] =	wrdreg s3  }
0xa9: {  	[dreg:$0x3] =	wrdreg s5  }
0xaa: {  	[dreg:$0x4] =	wrdreg $0xC0  }
0xab: {  	_ =	task [dreg:s7], $0x5FFFF  }
0xac: {  	[dreg:$0x1] =	wrdreg $0xFFFFFFFF  }
0xad: {  	[dreg:$0x0] =	wrdreg $0x60  }
0xae: {  	[dreg:$0x2] =	wrdreg s24  }
0xaf: {  	[dreg:$0x3] =	wrdreg s2  }
0xb0: {  	[dreg:$0x4] =	wrdreg $0x0  }
0xb1: {  	[dreg:$0x5] =	wrdreg $0x9  }
0xb2: {  	_ =	task.clear_ibuf [dreg:s7], $0x6FFFF;
	_ =	strace $0x90000049  }
0xb3: {  	s29 =	simm.s32 $0x9;
	_ =	strace $0x8000004B  }
0xb4: {  	_ =	swait.ge [sflag:s29], $0x1  }
0xb5: {  	[sflag:s29] =	ssyncadd.s32 $0xFFFFFFFF  }
0xb6: {  	_ =	strace $0x9000004B  }
0xb7: {  	_ =	sfence  }
0xb8: {  	s30 =	sld [smem:$0x0];
	_ =	sdelay $0x2  }
0xb9: {  	s31 =	sshll.u32 s1, $0xD;
	s1 =	sshrl.u32 s1, $0x2  }
0xba: {  	s3 =	sand.u32 $0x4000, s31;
	s1 =	sadd.s32 s1, s30  }
0xbb: {  	s0 =	sor.u32 s3, s0;
	s1 =	sshll.u32 s1, $0x11  }
0xbc: {  	s0 =	sor.u32 s1, s0  }
0xbd: {  	s0 =	sadd.s32 $0x8F2B, s0  }
0xbe: {  	[sflag:s0] =	ssyncadd.remote.s32 $0x1  }
0xbf: {  	_ =	sfence.sel $0xFFFF  }
0xc0: {  	[dreg:$0x0] =	wrdreg $0xFFFFFFFF;
	(pc) =	sbr.abs _section_cstart, $3  }
0xc1: {  	[dreg:$0x1] =	wrdreg $0xFFFFFFFF  }
0xc2: {  	_ =	task.clear_ibuf [dreg:s7], $0x2FFFF;
	_ =	strace $0x9FFFFFFF  }
0xc3: {  	(tm) =	ssettm $0x7FFFFFFF  }
tec
execute0_lowered:
.L_overlay_start_1:
0x0: {  	(tag) =	ssettag $0x1  }
0x1: {  	s0 =	rddreg [dreg:$0x0]  }
0x2: {  	s1 =	rddreg [dreg:$0x1]  }
0x3: {  	s2 =	rddreg [dreg:$0x2]  }
0x4: {  	s4 =	simm.s32 $0x0;
	s13 =	stileid.u32;
	s3 =	srdreg.scid  }
0x5: {  	s28 =	simm.s32 $0x58;
	s17 =	simm.s32 $0x4;
	s18 =	simm.s32 $0x7  }
0x6: {  	s19 =	simm.s32 $0xA;
	[smem:$0x7FF] =	sst s4;
	s5 =	sadd.s32 $0x25400, s0  }
0x7: {  	s7 =	smul.u32 $0x2800, s13;
	s3 =	sand.u32 $0x1, s3;
	s6 =	sadd.s32 $0x16400, s0  }
0x8: {  	s10 =	smul.u32 $0x50000, s13;
	s21 =	sshll.u32 s13, $0x6;
	_ =	strace $0x8000004A  }
0x9: {  	s8 =	smul.u32 $0x28000, s3;
	s9 =	sshll.u32 s3, $0x4;
	s3 =	ssub.s32 $0x2, s3  }
0xa: {  	[dreg:$0x5] =	wrdreg s21;
	s9 =	sor.u32 s13, s9;
	s11 =	sadd.s32 s7, s0  }
0xb: {  	s12 =	sshrl.u32 s3, $0x1;
	s20 =	sshrl.u32 s10, $0x2;
	s10 =	sor.u32 $0x1C0D, s21  }
0xc: {  	s9 =	smul.u32 $0x3C00, s9;
	s11 =	sadd.s32 $0x4D400, s11;
	[dreg:$0x7] =	wrdreg s10  }
0xd: {  	s0 =	sadd.s32 s8, s0;
	s3 =	ssub.s32 s3, s12;
	[dreg:$0x6] =	wrdreg s11  }
0xe: {  	s8 =	sadd.s32 s20, s2;
	s3 =	smax.u32 s3, $0x1;
	[dreg:$0x4] =	wrdreg s9  }
0xf: {  	s0 =	sadd.s32 $0x75400, s0;
	s21 =	sshrl.u32 s8, $0x3;
	[dreg:$0x10] =	wrdreg s3  }
0x10: {  	s9 =	sshrl.u32 s9, $0x3;
	s0 =	sadd.s32 s7, s0;
	[dreg:$0x11] =	wrdreg s21  }
0x11: {  	s30 =	simm.s32 $0xB;
	s23 =	sadd.s32 s1, s9;
	[dreg:$0x12] =	wrdreg s0  }
0x12: {  	s22 =	sor.u32 $0x10, s9;
	s24 =	sadd.s32 s6, s9;
	[dreg:$0x8] =	wrdreg s23  }
0x13: {  	s13 =	simm.s32 $0x3;
	[dreg:$0x9] =	wrdreg s24;
	s25 =	sadd.s32 s1, s22  }
0x14: {  	s26 =	sor.u32 $0x20, s9;
	s10 =	sadd.s32 s6, s22;
	[dreg:$0xa] =	wrdreg s25  }
0x15: {  	s9 =	sor.u32 $0x30, s9;
	s29 =	sadd.s32 s1, s26;
	[dreg:$0xb] =	wrdreg s10  }
0x16: {  	s20 =	simm.s32 $0xC;
	s31 =	sadd.s32 s1, s9;
	[dreg:$0xc] =	wrdreg s29  }
0x17: {  	s8 =	simm.s32 $0x0;
	s9 =	sadd.s32 s6, s9;
	[dreg:$0xe] =	wrdreg s31  }
0x18: {  	s3 =	simm.s32 $0x2;
	s10 =	sadd.s32 s6, s26;
	[dreg:$0xf] =	wrdreg s9  }
0x19: {  	s24 =	simm.s32 $0x8;
	s26 =	simm.s32 $0x1;
	[dreg:$0xd] =	wrdreg s10  }
.LBB2_1:
0x1a: {  	[dreg:$0x13] =	wrdreg s8  }
0x1b: {  	s0 =	rddreg [dreg:$0x6]  }
0x1c: {  	s7 =	rddreg [dreg:$0x7]  }
0x1d: {  	[spmem:s21], [sflag:s7] =	dma.local [hbm:s0], $0x2800  }
0x1e: {  	s23 =	simm.s32 $0x14000;
	s0 =	rddreg [dreg:$0x8]  }
0x1f: {  	[tilespmem:s23], [sflag:$0x1] =	stream.linear.gather [hbm4b:s0+s4], $0x80, $0x38;
	[tilespmem:$0x1F400] =	vst v63  }
0x20: {  	s9 =	simm.s32 $0x14200;
	s12 =	rddreg [dreg:$0x9]  }
0x21: {  	[tilespmem:s9], [sflag:$0x1] =	stream.linear.gather [hbm4b:s12+s4], $0x80, $0x38;
	[tilespmem:$0x1F400] =	vst v63  }
0x22: {  	s25 =	simm.s32 $0x14080;
	s14 =	rddreg [dreg:$0xa]  }
0x23: {  	[tilespmem:s25], [sflag:$0x2] =	stream.linear.gather [hbm4b:s14+s4], $0x80, $0x38;
	[tilespmem:$0x1F400] =	vst v63  }
0x24: {  	s11 =	simm.s32 $0x14280;
	s15 =	rddreg [dreg:$0xb]  }
0x25: {  	[tilespmem:s11], [sflag:$0x2] =	stream.linear.gather [hbm4b:s15+s4], $0x80, $0x38;
	[tilespmem:$0x1F400] =	vst v63  }
0x26: {  	_ =	swait.ge [sflag:s26], $0x80  }
0x27: {  	[sflag:s26] =	ssyncset.done $0x0  }
0x28: {  	[sflag:s26] =	ssyncadd.s32 $0xFFFFFF80  }
0x29: {  	_ =	swait.ge [sflag:s26], $0x80  }
0x2a: {  	[sflag:s26] =	ssyncset.done $0x0  }
0x2b: {  	s16 =	simm.s32 $0xD;
	s12 =	simm.s32 $0x14400;
	[sflag:s26] =	ssyncadd.s32 $0xFFFFFF80  }
0x2c: {  	[tilespmem:s12], [sflag:$0x5] =	stream.indirect.gather [hbm4b:s5+s28], $0x80, s23, s28, $0xb8;
	[tilespmem:$0x1F400] =	vst v63  }
0x2d: {  	_ =	swait.ge [sflag:s16], $0x2800  }
0x2e: {  	[sflag:s16] =	ssyncset.done $0x0  }
0x2f: {  	[sflag:s16] =	ssyncadd.s32 $0xFFFFD800  }
0x30: {  	[bflag:$0x0] =	sbarrier.arrive $0xFFFF  }
0x31: {  	s29 =	simm.s32 $0x14100;
	s21 =	rddreg [dreg:$0xc]  }
0x32: {  	[tilespmem:s29], [sflag:$0x3] =	stream.linear.gather [hbm4b:s21+s4], $0x80, $0x38;
	[tilespmem:$0x1F400] =	vst v63  }
0x33: {  	s31 =	simm.s32 $0x14300;
	s22 =	rddreg [dreg:$0xd]  }
0x34: {  	[tilespmem:s31], [sflag:$0x3] =	stream.linear.gather [hbm4b:s22+s4], $0x80, $0x38;
	[tilespmem:$0x1F400] =	vst v63  }
0x35: {  	_ =	swait.ge [sflag:s3], $0x80  }
0x36: {  	[sflag:s3] =	ssyncset.done $0x0  }
0x37: {  	[sflag:s3] =	ssyncadd.s32 $0xFFFFFF80  }
0x38: {  	_ =	swait.ge [sflag:s3], $0x80  }
0x39: {  	[sflag:s3] =	ssyncset.done $0x0  }
0x3a: {  	s8 =	simm.s32 $0x17000;
	s14 =	simm.s32 $0x5;
	[sflag:s3] =	ssyncadd.s32 $0xFFFFFF80  }
0x3b: {  	[tilespmem:s8], [sflag:$0x6] =	stream.indirect.gather [hbm4b:s5+s28], $0x80, s25, s28, $0xb8;
	[tilespmem:$0x1F400] =	vst v63  }
0x3c: {  	_ =	swait.ge [sflag:s14], $0x2C00  }
0x3d: {  	[sflag:s14] =	ssyncset.done $0x0  }
0x3e: {  	[sflag:s14] =	ssyncadd.s32 $0xFFFFD400  }
0x3f: {  	[spmem:s2] =	stream.indirect.scatter.add.f32 [tilespmem:s12], [sflag:$0x9], $0x80, s9, s28, $0xb8;
	[tilespmem:$0x1F400] =	vst v63  }
0x40: {  	s10 =	simm.s32 $0x14180;
	s7 =	rddreg [dreg:$0xe]  }
0x41: {  	[tilespmem:s10], [sflag:$0x4] =	stream.linear.gather [hbm4b:s7+s4], $0x80, $0x38;
	[tilespmem:$0x1F400] =	vst v63  }
0x42: {  	s16 =	simm.s32 $0x14380;
	s15 =	rddreg [dreg:$0xf]  }
0x43: {  	[tilespmem:s16], [sflag:$0x4] =	stream.linear.gather [hbm4b:s15+s4], $0x80, $0x38;
	[tilespmem:$0x1F400] =	vst v63  }
0x44: {  	_ =	swait.ge [sflag:s13], $0x80  }
0x45: {  	[sflag:s13] =	ssyncset.done $0x0  }
0x46: {  	[sflag:s13] =	ssyncadd.s32 $0xFFFFFF80  }
0x47: {  	_ =	swait.ge [sflag:s13], $0x80  }
0x48: {  	s21 =	simm.s32 $0x6;
	[sflag:s13] =	ssyncset.done $0x0  }
0x49: {  	s22 =	simm.s32 $0x200;
	s15 =	simm.s32 $0x19C00;
	[sflag:s13] =	ssyncadd.s32 $0xFFFFFF80  }
0x4a: {  	[tilespmem:s15], [sflag:$0x7] =	stream.indirect.gather [hbm4b:s5+s28], $0x80, s29, s28, $0xb8;
	[tilespmem:$0x1F400] =	vst v63  }
0x4b: {  	s0 =	sand.u32 $0x7C00, s22;
	_ =	swait.ge [sflag:s21], $0x2C00  }
0x4c: {  	s7 =	sand.u32 $0x200, s22;
	[sflag:s21] =	ssyncset.done $0x0;
	s22 =	rddreg [dreg:$0x4]  }
0x4d: {  	[sflag:s21] =	ssyncadd.s32 $0xFFFFD400;
	s21 =	sadd.s32 s22, s0  }
0x4e: {  	[spmem:s2] =	stream.indirect.scatter.add.f32 [tilespmem:s8], [sflag:$0xA], $0x80, s11, s28, $0xb8;
	[tilespmem:$0x1F400] =	vst v63  }
0x4f: {  	s7 =	sor.u32 s7, s21;
	s21 =	simm.s32 $0x9  }
0x50: {  	_ =	swait.ge [sflag:s21], $0x2C00  }
0x51: {  	s7 =	sshrl.u32 s7, $0x3;
	[sflag:s21] =	ssyncset.done $0x0  }
0x52: {  	s22 =	sadd.s32 s1, s7;
	[sflag:s21] =	ssyncadd.s32 $0xFFFFD400  }
0x53: {  	[tilespmem:s23], [sflag:$0x1] =	stream.linear.gather [hbm4b:s22+s4], $0x80, $0x38;
	[tilespmem:$0x1F400] =	vst v63  }
0x54: {  	s0 =	sadd.s32 s6, s7  }
0x55: {  	[tilespmem:s9], [sflag:$0x1] =	stream.linear.gather [hbm4b:s0+s4], $0x80, $0x38;
	[tilespmem:$0x1F400] =	vst v63  }
0x56: {  	_ =	swait.ge [sflag:s17], $0x80  }
0x57: {  	[sflag:s17] =	ssyncset.done $0x0  }
0x58: {  	[sflag:s17] =	ssyncadd.s32 $0xFFFFFF80  }
0x59: {  	_ =	swait.ge [sflag:s17], $0x80  }
0x5a: {  	[sflag:s17] =	ssyncset.done $0x0  }
0x5b: {  	s0 =	simm.s32 $0x1C800;
	[sflag:s17] =	ssyncadd.s32 $0xFFFFFF80  }
0x5c: {  	[tilespmem:s0], [sflag:$0x8] =	stream.indirect.gather [hbm4b:s5+s28], $0x80, s10, s28, $0xb8;
	[tilespmem:$0x1F400] =	vst v63  }
0x5d: {  	_ =	swait.ge [sflag:s18], $0x2C00  }
0x5e: {  	[sflag:s18] =	ssyncset.done $0x0  }
0x5f: {  	[sflag:s18] =	ssyncadd.s32 $0xFFFFD400  }
0x60: {  	[spmem:s2] =	stream.indirect.scatter.add.f32 [tilespmem:s15], [sflag:$0xB], $0x80, s31, s28, $0xb8;
	[tilespmem:$0x1F400] =	vst v63  }
0x61: {  	_ =	swait.ge [sflag:s19], $0x2C00  }
0x62: {  	s21 =	sor.u32 $0x10, s7;
	[sflag:s19] =	ssyncset.done $0x0  }
0x63: {  	s22 =	sadd.s32 s1, s21;
	[sflag:s19] =	ssyncadd.s32 $0xFFFFD400  }
0x64: {  	[tilespmem:s25], [sflag:$0x2] =	stream.linear.gather [hbm4b:s22+s4], $0x80, $0x38;
	[tilespmem:$0x1F400] =	vst v63  }
0x65: {  	s21 =	sadd.s32 s6, s21  }
0x66: {  	[tilespmem:s11], [sflag:$0x2] =	stream.linear.gather [hbm4b:s21+s4], $0x80, $0x38;
	[tilespmem:$0x1F400] =	vst v63  }
0x67: {  	_ =	swait.ge [sflag:s26], $0x80  }
0x68: {  	[sflag:s26] =	ssyncset.done $0x0  }
0x69: {  	[sflag:s26] =	ssyncadd.s32 $0xFFFFFF80  }
0x6a: {  	_ =	swait.ge [sflag:s26], $0x80  }
0x6b: {  	[sflag:s26] =	ssyncset.done $0x0  }
0x6c: {  	[sflag:s26] =	ssyncadd.s32 $0xFFFFFF80  }
0x6d: {  	[tilespmem:s12], [sflag:$0x5] =	stream.indirect.gather [hbm4b:s5+s28], $0x80, s23, s28, $0xb8;
	[tilespmem:$0x1F400] =	vst v63  }
0x6e: {  	_ =	swait.ge [sflag:s24], $0x2C00  }
0x6f: {  	[sflag:s24] =	ssyncset.done $0x0  }
0x70: {  	[sflag:s24] =	ssyncadd.s32 $0xFFFFD400  }
0x71: {  	[spmem:s2] =	stream.indirect.scatter.add.f32 [tilespmem:s0], [sflag:$0xC], $0x80, s16, s28, $0xb8;
	[tilespmem:$0x1F400] =	vst v63  }
0x72: {  	_ =	swait.ge [sflag:s30], $0x2C00  }
0x73: {  	s11 =	sor.u32 $0x20, s7;
	[sflag:s30] =	ssyncset.done $0x0  }
0x74: {  	s23 =	sadd.s32 s1, s11;
	[sflag:s30] =	ssyncadd.s32 $0xFFFFD400  }
0x75: {  	[tilespmem:s29], [sflag:$0x3] =	stream.linear.gather [hbm4b:s23+s4], $0x80, $0x38;
	[tilespmem:$0x1F400] =	vst v63  }
0x76: {  	s21 =	sadd.s32 s6, s11  }
0x77: {  	[tilespmem:s31], [sflag:$0x3] =	stream.linear.gather [hbm4b:s21+s4], $0x80, $0x38;
	[tilespmem:$0x1F400] =	vst v63  }
0x78: {  	_ =	swait.ge [sflag:s3], $0x80  }
0x79: {  	[sflag:s3] =	ssyncset.done $0x0  }
0x7a: {  	[sflag:s3] =	ssyncadd.s32 $0xFFFFFF80  }
0x7b: {  	_ =	swait.ge [sflag:s3], $0x80  }
0x7c: {  	[sflag:s3] =	ssyncset.done $0x0  }
0x7d: {  	[sflag:s3] =	ssyncadd.s32 $0xFFFFFF80  }
0x7e: {  	[tilespmem:s8], [sflag:$0x6] =	stream.indirect.gather [hbm4b:s5+s28], $0x80, s25, s28, $0xb8;
	[tilespmem:$0x1F400] =	vst v63  }
0x7f: {  	_ =	swait.ge [sflag:s14], $0x2C00  }
0x80: {  	[sflag:s14] =	ssyncset.done $0x0  }
0x81: {  	[sflag:s14] =	ssyncadd.s32 $0xFFFFD400  }
0x82: {  	[spmem:s2] =	stream.indirect.scatter.add.f32 [tilespmem:s12], [sflag:$0x9], $0x80, s9, s28, $0xb8;
	[tilespmem:$0x1F400] =	vst v63  }
0x83: {  	_ =	swait.ge [sflag:s20], $0x2C00  }
0x84: {  	s7 =	sor.u32 $0x30, s7;
	[sflag:s20] =	ssyncset.done $0x0  }
0x85: {  	s25 =	sadd.s32 s1, s7;
	[sflag:s20] =	ssyncadd.s32 $0xFFFFD400  }
0x86: {  	[tilespmem:s10], [sflag:$0x4] =	stream.linear.gather [hbm4b:s25+s4], $0x80, $0x38;
	[tilespmem:$0x1F400] =	vst v63  }
0x87: {  	s7 =	sadd.s32 s6, s7  }
0x88: {  	[tilespmem:s16], [sflag:$0x4] =	stream.linear.gather [hbm4b:s7+s4], $0x80, $0x38;
	[tilespmem:$0x1F400] =	vst v63  }
0x89: {  	_ =	swait.ge [sflag:s13], $0x80  }
0x8a: {  	[sflag:s13] =	ssyncset.done $0x0  }
0x8b: {  	[sflag:s13] =	ssyncadd.s32 $0xFFFFFF80  }
0x8c: {  	_ =	swait.ge [sflag:s13], $0x80  }
0x8d: {  	s23 =	simm.s32 $0x600;
	s31 =	simm.s32 $0x400;
	[sflag:s13] =	ssyncset.done $0x0  }
0x8e: {  	s22 =	sand.u32 $0x7C00, s31;
	s7 =	sand.u32 $0x200, s31;
	[sflag:s13] =	ssyncadd.s32 $0xFFFFFF80  }
0x8f: {  	[tilespmem:s15], [sflag:$0x7] =	stream.indirect.gather [hbm4b:s5+s28], $0x80, s29, s28, $0xb8;
	[tilespmem:$0x1F400] =	vst v63  }
.LBB2_2:
0x90: {  	s29 =	sand.u32 $0x200, s23  }
0x91: {  	s0 =	rddreg [dreg:$0x4];
	s12 =	simm.s32 $0x6;
	s21 =	sadd.s32 $0x200, s23  }
0x92: {  	p0 =	sne.s32 s23, $0x3800;
	s8 =	simm.s32 $0x17000;
	_ =	swait.ge [sflag:s12], $0x2C00  }
0x93: {  	s9 =	simm.s32 $0x9;
	s25 =	sadd.s32 s0, s22;
	[sflag:s12] =	ssyncset.done $0x0  }
0x94: {  	s7 =	sor.u32 s7, s25;
	[sflag:s12] =	ssyncadd.s32 $0xFFFFD400;
	s12 =	simm.s32 $0x14280  }
0x95: {  	[spmem:s2] =	stream.indirect.scatter.add.f32 [tilespmem:s8], [sflag:$0xA], $0x80, s12, s28, $0xb8;
	[tilespmem:$0x1F400] =	vst v63  }
0x96: {  	s22 =	smov.u32 s23;
	s31 =	sshrl.u32 s7, $0x3;
	_ =	swait.ge [sflag:s9], $0x2C00  }
0x97: {  	s0 =	sor.u32 $0x10, s31;
	s25 =	sor.u32 $0x20, s31;
	[sflag:s9] =	ssyncset.done $0x0  }
0x98: {  	s14 =	sadd.s32 s1, s31;
	[sflag:s9] =	ssyncadd.s32 $0xFFFFD400;
	s9 =	simm.s32 $0x14000  }
0x99: {  	[tilespmem:s9], [sflag:$0x1] =	stream.linear.gather [hbm4b:s14+s4], $0x80, $0x38;
	[tilespmem:$0x1F400] =	vst v63  }
0x9a: {  	s23 =	sor.u32 $0x30, s31;
	s15 =	sadd.s32 s6, s31;
	s31 =	simm.s32 $0x14200  }
0x9b: {  	[tilespmem:s31], [sflag:$0x1] =	stream.linear.gather [hbm4b:s15+s4], $0x80, $0x38;
	[tilespmem:$0x1F400] =	vst v63  }
0x9c: {  	_ =	swait.ge [sflag:s17], $0x80  }
0x9d: {  	[sflag:s17] =	ssyncset.done $0x0  }
0x9e: {  	[sflag:s17] =	ssyncadd.s32 $0xFFFFFF80  }
0x9f: {  	_ =	swait.ge [sflag:s17], $0x80  }
0xa0: {  	[sflag:s17] =	ssyncset.done $0x0  }
0xa1: {  	s10 =	simm.s32 $0x14180;
	s16 =	simm.s32 $0x1C800;
	[sflag:s17] =	ssyncadd.s32 $0xFFFFFF80  }
0xa2: {  	[tilespmem:s16], [sflag:$0x8] =	stream.indirect.gather [hbm4b:s5+s28], $0x80, s10, s28, $0xb8;
	[tilespmem:$0x1F400] =	vst v63  }
0xa3: {  	_ =	swait.ge [sflag:s18], $0x2C00  }
0xa4: {  	[sflag:s18] =	ssyncset.done $0x0  }
0xa5: {  	s14 =	simm.s32 $0x14300;
	s15 =	simm.s32 $0x19C00;
	[sflag:s18] =	ssyncadd.s32 $0xFFFFD400  }
0xa6: {  	[spmem:s2] =	stream.indirect.scatter.add.f32 [tilespmem:s15], [sflag:$0xB], $0x80, s14, s28, $0xb8;
	[tilespmem:$0x1F400] =	vst v63  }
0xa7: {  	_ =	swait.ge [sflag:s19], $0x2C00  }
0xa8: {  	s11 =	simm.s32 $0x14080;
	[sflag:s19] =	ssyncset.done $0x0  }
0xa9: {  	s7 =	smov.u32 s29;
	s29 =	sadd.s32 s1, s0;
	[sflag:s19] =	ssyncadd.s32 $0xFFFFD400  }
0xaa: {  	[tilespmem:s11], [sflag:$0x2] =	stream.linear.gather [hbm4b:s29+s4], $0x80, $0x38;
	[tilespmem:$0x1F400] =	vst v63  }
0xab: {  	s0 =	sadd.s32 s6, s0  }
0xac: {  	[tilespmem:s12], [sflag:$0x2] =	stream.linear.gather [hbm4b:s0+s4], $0x80, $0x38;
	[tilespmem:$0x1F400] =	vst v63  }
0xad: {  	_ =	swait.ge [sflag:s26], $0x80  }
0xae: {  	[sflag:s26] =	ssyncset.done $0x0  }
0xaf: {  	[sflag:s26] =	ssyncadd.s32 $0xFFFFFF80  }
0xb0: {  	_ =	swait.ge [sflag:s26], $0x80  }
0xb1: {  	[sflag:s26] =	ssyncset.done $0x0  }
0xb2: {  	s12 =	simm.s32 $0x14400;
	[sflag:s26] =	ssyncadd.s32 $0xFFFFFF80  }
0xb3: {  	[tilespmem:s12], [sflag:$0x5] =	stream.indirect.gather [hbm4b:s5+s28], $0x80, s9, s28, $0xb8;
	[tilespmem:$0x1F400] =	vst v63  }
0xb4: {  	_ =	swait.ge [sflag:s24], $0x2C00  }
0xb5: {  	[sflag:s24] =	ssyncset.done $0x0  }
0xb6: {  	s29 =	simm.s32 $0x14380;
	[sflag:s24] =	ssyncadd.s32 $0xFFFFD400  }
0xb7: {  	[spmem:s2] =	stream.indirect.scatter.add.f32 [tilespmem:s16], [sflag:$0xC], $0x80, s29, s28, $0xb8;
	[tilespmem:$0x1F400] =	vst v63  }
0xb8: {  	_ =	swait.ge [sflag:s30], $0x2C00  }
0xb9: {  	[sflag:s30] =	ssyncset.done $0x0  }
0xba: {  	s9 =	simm.s32 $0x14100;
	s16 =	sadd.s32 s1, s25;
	[sflag:s30] =	ssyncadd.s32 $0xFFFFD400  }
0xbb: {  	[tilespmem:s9], [sflag:$0x3] =	stream.linear.gather [hbm4b:s16+s4], $0x80, $0x38;
	[tilespmem:$0x1F400] =	vst v63  }
0xbc: {  	s25 =	sadd.s32 s6, s25  }
0xbd: {  	[tilespmem:s14], [sflag:$0x3] =	stream.linear.gather [hbm4b:s25+s4], $0x80, $0x38;
	[tilespmem:$0x1F400] =	vst v63  }
0xbe: {  	_ =	swait.ge [sflag:s3], $0x80  }
0xbf: {  	[sflag:s3] =	ssyncset.done $0x0  }
0xc0: {  	[sflag:s3] =	ssyncadd.s32 $0xFFFFFF80  }
0xc1: {  	_ =	swait.ge [sflag:s3], $0x80  }
0xc2: {  	[sflag:s3] =	ssyncset.done $0x0  }
0xc3: {  	s16 =	simm.s32 $0x5;
	[sflag:s3] =	ssyncadd.s32 $0xFFFFFF80  }
0xc4: {  	[tilespmem:s8], [sflag:$0x6] =	stream.indirect.gather [hbm4b:s5+s28], $0x80, s11, s28, $0xb8;
	[tilespmem:$0x1F400] =	vst v63  }
0xc5: {  	_ =	swait.ge [sflag:s16], $0x2C00  }
0xc6: {  	[sflag:s16] =	ssyncset.done $0x0  }
0xc7: {  	[sflag:s16] =	ssyncadd.s32 $0xFFFFD400  }
0xc8: {  	[spmem:s2] =	stream.indirect.scatter.add.f32 [tilespmem:s12], [sflag:$0x9], $0x80, s31, s28, $0xb8;
	[tilespmem:$0x1F400] =	vst v63  }
0xc9: {  	_ =	swait.ge [sflag:s20], $0x2C00  }
0xca: {  	[sflag:s20] =	ssyncset.done $0x0  }
0xcb: {  	s25 =	sadd.s32 s1, s23;
	[sflag:s20] =	ssyncadd.s32 $0xFFFFD400  }
0xcc: {  	[tilespmem:s10], [sflag:$0x4] =	stream.linear.gather [hbm4b:s25+s4], $0x80, $0x38;
	[tilespmem:$0x1F400] =	vst v63  }
0xcd: {  	s31 =	sadd.s32 s6, s23  }
0xce: {  	[tilespmem:s29], [sflag:$0x4] =	stream.linear.gather [hbm4b:s31+s4], $0x80, $0x38;
	[tilespmem:$0x1F400] =	vst v63  }
0xcf: {  	_ =	swait.ge [sflag:s13], $0x80  }
0xd0: {  	[sflag:s13] =	ssyncset.done $0x0  }
.Ltmp0:
0xd1: {  	[sflag:s13] =	ssyncadd.s32 $0xFFFFFF80;
	(pc) =	sbr.rel @p0 .LBB2_2-.Ltmp0, $4  }
0xd2: {  	_ =	swait.ge [sflag:s13], $0x80  }
0xd3: {  	[sflag:s13] =	ssyncset.done $0x0  }
0xd4: {  	s22 =	sand.u32 $0x7C00, s22;
	s23 =	smov.u32 s21;
	[sflag:s13] =	ssyncadd.s32 $0xFFFFFF80  }
0xd5: {  	[tilespmem:s15], [sflag:$0x7] =	stream.indirect.gather [hbm4b:s5+s28], $0x80, s9, s28, $0xb8;
	[tilespmem:$0x1F400] =	vst v63  }
0xd6: {  	s29 =	simm.s32 $0x6  }
0xd7: {  	s23 =	simm.s32 $0x14280;
	_ =	swait.ge [sflag:s29], $0x2C00  }
0xd8: {  	s8 =	simm.s32 $0x17000;
	[sflag:s29] =	ssyncset.done $0x0;
	s0 =	rddreg [dreg:$0x4]  }
0xd9: {  	s16 =	simm.s32 $0x9;
	s0 =	sadd.s32 s0, s22;
	[sflag:s29] =	ssyncadd.s32 $0xFFFFD400  }
0xda: {  	[spmem:s2] =	stream.indirect.scatter.add.f32 [tilespmem:s8], [sflag:$0xA], $0x80, s23, s28, $0xb8;
	[tilespmem:$0x1F400] =	vst v63  }
0xdb: {  	s0 =	sor.u32 s7, s0;
	_ =	swait.ge [sflag:s16], $0x2C00  }
0xdc: {  	s0 =	sshrl.u32 s0, $0x3;
	[sflag:s16] =	ssyncset.done $0x0  }
0xdd: {  	s9 =	simm.s32 $0x14000;
	s11 =	sadd.s32 s1, s0;
	[sflag:s16] =	ssyncadd.s32 $0xFFFFD400  }
0xde: {  	[tilespmem:s9], [sflag:$0x1] =	stream.linear.gather [hbm4b:s11+s4], $0x80, $0x38;
	[tilespmem:$0x1F400] =	vst v63  }
0xdf: {  	s22 =	simm.s32 $0x14200;
	s12 =	sadd.s32 s6, s0  }
0xe0: {  	[tilespmem:s22], [sflag:$0x1] =	stream.linear.gather [hbm4b:s12+s4], $0x80, $0x38;
	[tilespmem:$0x1F400] =	vst v63  }
0xe1: {  	_ =	swait.ge [sflag:s17], $0x80  }
0xe2: {  	[sflag:s17] =	ssyncset.done $0x0  }
0xe3: {  	[sflag:s17] =	ssyncadd.s32 $0xFFFFFF80  }
0xe4: {  	_ =	swait.ge [sflag:s17], $0x80  }
0xe5: {  	[sflag:s17] =	ssyncset.done $0x0  }
0xe6: {  	s10 =	simm.s32 $0x14180;
	s31 =	simm.s32 $0x1C800;
	[sflag:s17] =	ssyncadd.s32 $0xFFFFFF80  }
0xe7: {  	[tilespmem:s31], [sflag:$0x8] =	stream.indirect.gather [hbm4b:s5+s28], $0x80, s10, s28, $0xb8;
	[tilespmem:$0x1F400] =	vst v63  }
0xe8: {  	_ =	swait.ge [sflag:s18], $0x2C00  }
0xe9: {  	[sflag:s18] =	ssyncset.done $0x0  }
0xea: {  	s25 =	simm.s32 $0x14300;
	s15 =	simm.s32 $0x19C00;
	[sflag:s18] =	ssyncadd.s32 $0xFFFFD400  }
0xeb: {  	[spmem:s2] =	stream.indirect.scatter.add.f32 [tilespmem:s15], [sflag:$0xB], $0x80, s25, s28, $0xb8;
	[tilespmem:$0x1F400] =	vst v63  }
0xec: {  	_ =	swait.ge [sflag:s19], $0x2C00  }
0xed: {  	s14 =	sor.u32 $0x10, s0;
	[sflag:s19] =	ssyncset.done $0x0  }
0xee: {  	s21 =	sadd.s32 s1, s14;
	s11 =	simm.s32 $0x14080;
	[sflag:s19] =	ssyncadd.s32 $0xFFFFD400  }
0xef: {  	[tilespmem:s11], [sflag:$0x2] =	stream.linear.gather [hbm4b:s21+s4], $0x80, $0x38;
	[tilespmem:$0x1F400] =	vst v63  }
0xf0: {  	s7 =	sadd.s32 s6, s14  }
0xf1: {  	[tilespmem:s23], [sflag:$0x2] =	stream.linear.gather [hbm4b:s7+s4], $0x80, $0x38;
	[tilespmem:$0x1F400] =	vst v63  }
0xf2: {  	_ =	swait.ge [sflag:s26], $0x80  }
0xf3: {  	[sflag:s26] =	ssyncset.done $0x0  }
0xf4: {  	[sflag:s26] =	ssyncadd.s32 $0xFFFFFF80  }
0xf5: {  	_ =	swait.ge [sflag:s26], $0x80  }
0xf6: {  	[sflag:s26] =	ssyncset.done $0x0  }
0xf7: {  	s12 =	simm.s32 $0x14400;
	[sflag:s26] =	ssyncadd.s32 $0xFFFFFF80  }
0xf8: {  	[tilespmem:s12], [sflag:$0x5] =	stream.indirect.gather [hbm4b:s5+s28], $0x80, s9, s28, $0xb8;
	[tilespmem:$0x1F400] =	vst v63  }
0xf9: {  	_ =	swait.ge [sflag:s24], $0x2C00  }
0xfa: {  	[sflag:s24] =	ssyncset.done $0x0  }
0xfb: {  	s14 =	simm.s32 $0x14380;
	[sflag:s24] =	ssyncadd.s32 $0xFFFFD400  }
0xfc: {  	[spmem:s2] =	stream.indirect.scatter.add.f32 [tilespmem:s31], [sflag:$0xC], $0x80, s14, s28, $0xb8;
	[tilespmem:$0x1F400] =	vst v63  }
0xfd: {  	_ =	swait.ge [sflag:s30], $0x2C00  }
0xfe: {  	s7 =	sor.u32 $0x20, s0;
	[sflag:s30] =	ssyncset.done $0x0  }
0xff: {  	s21 =	sadd.s32 s1, s7;
	s9 =	simm.s32 $0x14100;
	[sflag:s30] =	ssyncadd.s32 $0xFFFFD400  }
0x100: {  	[tilespmem:s9], [sflag:$0x3] =	stream.linear.gather [hbm4b:s21+s4], $0x80, $0x38;
	[tilespmem:$0x1F400] =	vst v63  }
0x101: {  	s7 =	sadd.s32 s6, s7  }
0x102: {  	[tilespmem:s25], [sflag:$0x3] =	stream.linear.gather [hbm4b:s7+s4], $0x80, $0x38;
	[tilespmem:$0x1F400] =	vst v63  }
0x103: {  	_ =	swait.ge [sflag:s3], $0x80  }
0x104: {  	[sflag:s3] =	ssyncset.done $0x0  }
0x105: {  	[sflag:s3] =	ssyncadd.s32 $0xFFFFFF80  }
0x106: {  	_ =	swait.ge [sflag:s3], $0x80  }
0x107: {  	[sflag:s3] =	ssyncset.done $0x0  }
0x108: {  	[sflag:s3] =	ssyncadd.s32 $0xFFFFFF80  }
0x109: {  	[tilespmem:s8], [sflag:$0x6] =	stream.indirect.gather [hbm4b:s5+s28], $0x80, s11, s28, $0xb8;
	[tilespmem:$0x1F400] =	vst v63  }
0x10a: {  	s11 =	simm.s32 $0x5  }
0x10b: {  	_ =	swait.ge [sflag:s11], $0x2C00  }
0x10c: {  	[sflag:s11] =	ssyncset.done $0x0  }
0x10d: {  	[sflag:s11] =	ssyncadd.s32 $0xFFFFD400  }
0x10e: {  	[spmem:s2] =	stream.indirect.scatter.add.f32 [tilespmem:s12], [sflag:$0x9], $0x80, s22, s28, $0xb8;
	[tilespmem:$0x1F400] =	vst v63  }
0x10f: {  	_ =	swait.ge [sflag:s20], $0x2C00  }
0x110: {  	s0 =	sor.u32 $0x30, s0;
	[sflag:s20] =	ssyncset.done $0x0  }
0x111: {  	s21 =	sadd.s32 s1, s0;
	[sflag:s20] =	ssyncadd.s32 $0xFFFFD400  }
0x112: {  	[tilespmem:s10], [sflag:$0x4] =	stream.linear.gather [hbm4b:s21+s4], $0x80, $0x38;
	[tilespmem:$0x1F400] =	vst v63  }
0x113: {  	s0 =	sadd.s32 s6, s0  }
0x114: {  	[tilespmem:s14], [sflag:$0x4] =	stream.linear.gather [hbm4b:s0+s4], $0x80, $0x38;
	[tilespmem:$0x1F400] =	vst v63  }
0x115: {  	_ =	swait.ge [sflag:s13], $0x80  }
0x116: {  	[sflag:s13] =	ssyncset.done $0x0  }
0x117: {  	[sflag:s13] =	ssyncadd.s32 $0xFFFFFF80  }
0x118: {  	_ =	swait.ge [sflag:s13], $0x80  }
0x119: {  	[sflag:s13] =	ssyncset.done $0x0  }
0x11a: {  	[sflag:s13] =	ssyncadd.s32 $0xFFFFFF80  }
0x11b: {  	[tilespmem:s15], [sflag:$0x7] =	stream.indirect.gather [hbm4b:s5+s28], $0x80, s9, s28, $0xb8;
	[tilespmem:$0x1F400] =	vst v63  }
0x11c: {  	_ =	swait.ge [sflag:s29], $0x2C00  }
0x11d: {  	[sflag:s29] =	ssyncset.done $0x0  }
0x11e: {  	[sflag:s29] =	ssyncadd.s32 $0xFFFFD400  }
0x11f: {  	[spmem:s2] =	stream.indirect.scatter.add.f32 [tilespmem:s8], [sflag:$0xA], $0x80, s23, s28, $0xb8;
	[tilespmem:$0x1F400] =	vst v63  }
0x120: {  	_ =	swait.ge [sflag:s17], $0x80  }
0x121: {  	[sflag:s17] =	ssyncset.done $0x0  }
0x122: {  	[sflag:s17] =	ssyncadd.s32 $0xFFFFFF80  }
0x123: {  	_ =	swait.ge [sflag:s17], $0x80  }
0x124: {  	[sflag:s17] =	ssyncset.done $0x0  }
0x125: {  	[sflag:s17] =	ssyncadd.s32 $0xFFFFFF80  }
0x126: {  	[tilespmem:s31], [sflag:$0x8] =	stream.indirect.gather [hbm4b:s5+s28], $0x80, s10, s28, $0xb8;
	[tilespmem:$0x1F400] =	vst v63  }
0x127: {  	_ =	swait.ge [sflag:s18], $0x2C00  }
0x128: {  	[sflag:s18] =	ssyncset.done $0x0  }
0x129: {  	[sflag:s18] =	ssyncadd.s32 $0xFFFFD400  }
0x12a: {  	[spmem:s2] =	stream.indirect.scatter.add.f32 [tilespmem:s15], [sflag:$0xB], $0x80, s25, s28, $0xb8;
	[tilespmem:$0x1F400] =	vst v63  }
0x12b: {  	_ =	swait.ge [sflag:s24], $0x2C00  }
0x12c: {  	[sflag:s24] =	ssyncset.done $0x0  }
0x12d: {  	[sflag:s24] =	ssyncadd.s32 $0xFFFFD400  }
0x12e: {  	[spmem:s2] =	stream.indirect.scatter.add.f32 [tilespmem:s31], [sflag:$0xC], $0x80, s14, s28, $0xb8;
	[tilespmem:$0x1F400] =	vst v63  }
0x12f: {  	_ =	swait.ge [sflag:s16], $0x2C00  }
0x130: {  	[sflag:s16] =	ssyncset.done $0x0  }
0x131: {  	[sflag:s16] =	ssyncadd.s32 $0xFFFFD400  }
0x132: {  	_ =	swait.ge [sflag:s19], $0x2C00  }
0x133: {  	[sflag:s19] =	ssyncset.done $0x0  }
0x134: {  	[sflag:s19] =	ssyncadd.s32 $0xFFFFD400  }
0x135: {  	_ =	swait.ge [sflag:s30], $0x2C00  }
0x136: {  	[sflag:s30] =	ssyncset.done $0x0  }
0x137: {  	[sflag:s30] =	ssyncadd.s32 $0xFFFFD400  }
0x138: {  	_ =	swait.ge [sflag:s20], $0x2C00  }
0x139: {  	[sflag:s20] =	ssyncset.done $0x0  }
0x13a: {  	[sflag:s20] =	ssyncadd.s32 $0xFFFFD400  }
0x13b: {  	[bflag:$0x0] =	sbarrier.arrive $0xFFFF  }
0x13c: {  	s22 =	rddreg [dreg:$0x5]  }
0x13d: {  	s21 =	rddreg [dreg:$0x11]  }
0x13e: {  	s25 =	simm.s32 $0xE;
	s23 =	rddreg [dreg:$0x12];
	s0 =	sor.u32 $0x1C0E, s22  }
0x13f: {  	[hbm:s23], [sflag:s0] =	dma.local [spmem:s21], $0x2800  }
0x140: {  	_ =	swait.ge [sflag:s25], $0x2800  }
0x141: {  	s29 =	rddreg [dreg:$0x13]  }
0x142: {  	s31 =	rddreg [dreg:$0x10];
	s8 =	sadd.s32 $0x1, s29  }
0x143: {  	p0 =	sne.s32 s8, s31  }
.Ltmp1:
0x144: {  	_ = 	snop;
	(pc) =	sbr.rel @p0 .LBB2_1-.Ltmp1, $3  }
0x145: {  	_ =	sdelay $0x1  }
0x146: {  	[sflag:s25] =	ssyncset.done $0x0  }
0x147: {  	[sflag:s25] =	ssyncadd.s32 $0xFFFFD800  }
0x148: {  	_ =	sfence.sel $0x180000  }
0x149: {  	[bflag:$0x0] =	sbarrier.arrive $0xFFFF  }
0x14a: {  	_ =	strace $0x9000004A  }
0x14b: {  	s0 =	stileid.u32;
	[bflag:$0x2] =	sbarrier.arrive $0xFFFF  }
0x14c: {  	p0 =	sne.s32 s0, $0x0;
	s0 =	rddreg [dreg:$0x3]  }
0x14d: {  	s0 =	sadd.s32 @!p0 $0x100000, s0  }
0x14e: {  	[sflag:s0] =	ssyncadd.tile.s32 @!p0 $0x1;
	_ =	shalt  }
.Lfunc_end2:
_tile_overlayer_lowered:
.L_overlay_start_2:
0x14f: {  	(tag) =	ssettag $0x2  }
0x150: {  	s0 =	rddreg [dreg:$0x0];
	s2 =	stileid.u32  }
0x151: {  	s1 =	rddreg [dreg:$0x1];
	p0 =	sne.s32 s2, $0x0  }
0x152: {  	s3 =	rddreg [dreg:$0x2];
	[bflag:$0x3] =	sbarrier.arrive $0xFFFF;
	s2 =	simm.s32 @!p0 $0x1C0E  }
0x153: {  	[timem:s3], [sflag:s2] =	dma.local @!p0 [hbm:s0], s1  }
0x154: {  	s0 =	simm.s32 @!p0 $0xE  }
0x155: {  	_ =	swait.ge @!p0 [sflag:s0], s1  }
0x156: {  	s1 =	ssub.s32 @!p0 $0x0, s1;
	[sflag:s0] =	ssyncset.done @!p0 $0x0  }
0x157: {  	[sflag:s0] =	ssyncadd.s32 @!p0 s1  }
0x158: {  	[bflag:$0x3] =	sbarrier.arrive $0xFFFF  }
0x159: {  	_ =	shalt  }

// kernel: kernel.14.cloned.1.call-start
scs
__scs_entry_jumppad:
0x0: {  	(pc) =	sbr.rel $0x88, $3  }
0x1: {  	(tag) =	ssettag $0x0;
	lr =	simm.s32 $0x1  }
0x2: {  	[smem:$0x3F9B] =	sst lr;
	_ =	strace $0xD0000000  }
0x3: {  	_ = 	snop  }
0x4: {  	_ = 	snop  }
0x5: {  	_ = 	snop  }
0x6: {  	_ = 	snop  }
0x7: {  	_ = 	snop  }
__scs_overlays_trampoline_lowered:
0x8: {  	[smem:$0x3FAA] =	sst s0  }
0x9: {  	[smem:$0x3FAB] =	sst s1  }
0xa: {  	[smem:$0x3FAC] =	sst s2  }
0xb: {  	[smem:$0x3FAD] =	sst s3  }
0xc: {  	[smem:$0x3FAE] =	sst s4  }
0xd: {  	[smem:$0x3FAF] =	sst s5  }
0xe: {  	[smem:$0x3FB0] =	sst s6  }
0xf: {  	[smem:$0x3FB1] =	sst s7  }
0x10: {  	[smem:$0x3FB2] =	sst s8  }
0x11: {  	[smem:$0x3FB3] =	sst s9;
	s0 =	simm.s32 @!p0 $0x0  }
0x12: {  	s1 =	sld [smem:$0x3F99];
	s0 =	simm.s32 @p0 $0x1  }
0x13: {  	[smem:$0x3FB4] =	sst s0;
	s0 =	simm.s32 @!p1 $0x0  }
0x14: {  	s2 =	sld [smem:$0x3F98];
	s0 =	simm.s32 @p1 $0x1  }
0x15: {  	[smem:$0x3FB5] =	sst s0;
	s0 =	simm.s32 @!p2 $0x0  }
0x16: {  	s3 =	sld [smem:$0x3FDB];
	s0 =	simm.s32 @p2 $0x1  }
0x17: {  	s4 =	simm.s32 $0x1BF5;
	[smem:$0x3FB7] =	sst s0  }
0x18: {  	s0 =	sld [smem:$0x3F9A];
	_ =	swait.ge [sflag:s4], $0x0  }
0x19: {  	s7 =	sld [smem:$0x3F9B]  }
0x1a: {  	s8 =	sadd.s32 $0xFFFFE003, lr  }
0x1b: {  	s9 =	sadd.s32 $0xFFFFFEF7, lr;
	s5 =	simm.s32 $0xFFFFFFFF;
	p2 =	slt.u32 s8, $0xFFFFF086  }
0x1c: {  	p1 =	slt.u32 s9, $0xF7A;
	s5 =	simm.s32 @!p2 $0x0  }
0x1d: {  	s5 =	simm.s32 @p1 $0x1;
	p0 =	seq.s32 s7, s2  }
0x1e: {  	s7 =	smul.u32 @!p0 $0xF7A, s2;
	p2 =	seq.s32 @!p0 s5, $0x0  }
0x1f: {  	s9 =	smul.u32 $0xF7A, s1;
	s8 =	simm.s32 @!p0 $0x1BF5;
	p2 =	por !p2, p0  }
0x20: {  	[sflag:s8] =	ssyncset.s32 @!p0 $0xFFFFF086;
	s6 =	sadd.s32 @!p0 s3, s7;
	s7 =	simm.s32 @!p0 $0x108  }
0x21: {  	s3 =	sadd.s32 s3, s9;
	s6 =	sadd.s32 @!p0 $0x88, s6;
	s7 =	simm.s32 @p2 $0x1082  }
0x22: {  	[simem:s7], [sflag:s8] =	dma.local @!p0 [hbm:s6], $0xF7A  }
0x23: {  	s9 =	sor.u32 $0xD0000000, s2;
	s6 =	simm.s32 $0x108;
	_ =	swait.ge @!p0 [sflag:s8], $0x0  }
0x24: {  	s3 =	sadd.s32 $0x88, s3;
	s6 =	simm.s32 @!p1 $0x1082;
	[sflag:s4] =	ssyncset.s32 $0xFFFFF086  }
0x25: {  	[simem:s6], [sflag:s4] =	dma.local [hbm:s3], $0xF7A  }
0x26: {  	[smem:$0x3F9B] =	sst s1;
	(tag) =	ssettag s2;
	_ =	strace s9  }
0x27: {  	s1 =	sld [smem:$0x3FAB]  }
0x28: {  	s2 =	sld [smem:$0x3FAC]  }
0x29: {  	s4 =	sld [smem:$0x3FAE]  }
0x2a: {  	p0 =	seq.s32 s5, $0x0;
	s5 =	sld [smem:$0x3FAF]  }
0x2b: {  	s6 =	sld [smem:$0x3FB0]  }
0x2c: {  	s7 =	sld [smem:$0x3FB1]  }
0x2d: {  	s3 =	simm.s32 $0x108;
	s8 =	sld [smem:$0x3FB2]  }
0x2e: {  	s3 =	simm.s32 @!p0 $0x1082;
	s9 =	sld [smem:$0x3FB3]  }
0x2f: {  	lr =	sadd.s32 s0, s3;
	s0 =	sld [smem:$0x3FAA]  }
0x30: {  	s3 =	sld [smem:$0x3FAD]  }
0x31: {  	[smem:$0x3FB6] =	sst s10  }
0x32: {  	s10 =	sld [smem:$0x3FB4];
	_ =	sdelay $0x3  }
0x33: {  	p0 =	seq.s32 s10, $0x1;
	s10 =	sld [smem:$0x3FB6];
	_ =	sdelay $0x3  }
0x34: {  	[smem:$0x3FB6] =	sst s10  }
0x35: {  	s10 =	sld [smem:$0x3FB5];
	_ =	sdelay $0x3  }
0x36: {  	p1 =	seq.s32 s10, $0x1;
	s10 =	sld [smem:$0x3FB6];
	_ =	sdelay $0x3  }
0x37: {  	[smem:$0x3FB6] =	sst s10  }
0x38: {  	s10 =	sld [smem:$0x3FB7]  }
0x39: {  	_ = 	snop;
	(pc) =	sbr.ind lr, $3  }
0x3a: {  	_ = 	snop  }
0x3b: {  	_ = 	snop  }
0x3c: {  	p2 =	seq.s32 s10, $0x1;
	s10 =	sld [smem:$0x3FB6]  }
0x3d: {  	_ =	shalt  }
0x3e: {  	_ =	shalt  }
0x3f: {  	_ =	shalt  }
0x40: {  	_ =	shalt  }
0x41: {  	_ =	shalt  }
0x42: {  	_ =	shalt  }
0x43: {  	_ =	shalt  }
0x44: {  	_ =	shalt  }
0x45: {  	_ =	shalt  }
0x46: {  	_ =	shalt  }
0x47: {  	_ =	shalt  }
0x48: {  	_ =	shalt  }
0x49: {  	_ =	shalt  }
0x4a: {  	_ =	shalt  }
0x4b: {  	_ =	shalt  }
0x4c: {  	_ =	shalt  }
0x4d: {  	_ =	shalt  }
0x4e: {  	_ =	shalt  }
0x4f: {  	_ =	shalt  }
0x50: {  	_ =	shalt  }
0x51: {  	_ =	shalt  }
0x52: {  	_ =	shalt  }
0x53: {  	_ =	shalt  }
0x54: {  	_ =	shalt  }
0x55: {  	_ =	shalt  }
0x56: {  	_ =	shalt  }
0x57: {  	_ =	shalt  }
0x58: {  	_ =	shalt  }
0x59: {  	_ =	shalt  }
0x5a: {  	_ =	shalt  }
0x5b: {  	_ =	shalt  }
0x5c: {  	_ =	shalt  }
0x5d: {  	_ =	shalt  }
0x5e: {  	_ =	shalt  }
0x5f: {  	_ =	shalt  }
0x60: {  	_ =	shalt  }
0x61: {  	_ =	shalt  }
0x62: {  	_ =	shalt  }
0x63: {  	_ =	shalt  }
0x64: {  	_ =	shalt  }
0x65: {  	_ =	shalt  }
0x66: {  	_ =	shalt  }
0x67: {  	_ =	shalt  }
0x68: {  	_ =	shalt  }
0x69: {  	_ =	shalt  }
0x6a: {  	_ =	shalt  }
0x6b: {  	_ =	shalt  }
0x6c: {  	_ =	shalt  }
0x6d: {  	_ =	shalt  }
0x6e: {  	_ =	shalt  }
0x6f: {  	_ =	shalt  }
0x70: {  	_ =	shalt  }
0x71: {  	_ =	shalt  }
0x72: {  	_ =	shalt  }
0x73: {  	_ =	shalt  }
0x74: {  	_ =	shalt  }
0x75: {  	_ =	shalt  }
0x76: {  	_ =	shalt  }
0x77: {  	_ =	shalt  }
0x78: {  	_ =	shalt  }
0x79: {  	_ =	shalt  }
0x7a: {  	_ =	shalt  }
0x7b: {  	_ =	shalt  }
0x7c: {  	_ =	shalt  }
0x7d: {  	_ =	shalt  }
0x7e: {  	_ =	shalt  }
0x7f: {  	_ =	shalt  }
0x80: {  	_ =	shalt  }
0x81: {  	_ =	shalt  }
0x82: {  	_ =	shalt  }
0x83: {  	_ =	shalt  }
0x84: {  	_ =	shalt  }
0x85: {  	_ =	shalt  }
0x86: {  	_ =	shalt  }
0x87: {  	_ =	shalt  }
.Lfunc_end0:
.L_simem_size_0:
called_computation.2_lowered:
.L_overlay_start_0:
0x88: {  	s2 =	sld [smem:$0x3FD9]  }
0x89: {  	s3 =	sld [smem:$0x3FFE];
	_ =	sdelay $0x1  }
0x8a: {  	s1 =	srdreg.scid  }
0x8b: {  	s0 =	sand.u32 $0x1, s1  }
0x8c: {  	s17 =	sshll.u32 s0, $0xA;
	s2 =	sadd.s32 s3, s2  }
0x8d: {  	s2 =	sadd.s32 s2, s17  }
0x8e: {  	[smem:$0x3FC2] =	sst s2  }
0x8f: {  	_ = 	snop  }
0x90: {  	s2 =	sld [smem:$0x3FD0];
	(tm) =	ssettm $0x1  }
0x91: {  	s18 =	sld [smem:$0x3FFB];
	_ =	sdelay $0x3  }
0x92: {  	_ =	strace s18  }
0x93: {  	s3 =	sld [smem:$0x3FFC];
	_ =	sdelay $0x3  }
0x94: {  	_ =	strace s3  }
0x95: {  	s3 =	sld [smem:$0x3FFD];
	_ =	sdelay $0x3  }
0x96: {  	_ =	strace s3  }
0x97: {  	_ =	strace $0x8FFFFFFF  }
0x98: {  	s19 =	sld [smem:$0x3FDB];
	_ =	sdelay $0x1  }
0x99: {  	s4 =	simm.s32 $_scs_section_size  }
0x9a: {  	s5 =	simm.s32 $_size__tile_overlayer_lowered;
	s6 =	simm.s32 $_tile_overlayer_lowered  }
0x9b: {  	s22 =	simm.s32 $0x1BFF;
	s21 =	sshll.u32 s6, $0x1;
	s3 =	sadd.s32 s4, s19  }
0x9c: {  	s7 =	simm.s32 $0x0;
	s20 =	sshll.u32 s5, $0x1;
	s5 =	sadd.s32 s21, s3  }
0x9d: {  	[timem:s7], [sflag:s22] =	dma.local [hbm:s5], s20  }
0x9e: {  	_ =	swait.ge [sflag:s22], s20  }
0x9f: {  	s4 =	ssub.s32 $0x0, s20;
	[sflag:s22] =	ssyncset.done $0x0  }
0xa0: {  	[sflag:s22] =	ssyncadd.s32 s4;
	_ =	sdelay $0x1  }
0xa1: {  	s23 =	simm.s32 $0x1B8B  }
0xa2: {  	_ =	swait.ge [sflag:s23], $0x1  }
0xa3: {  	[sflag:s23] =	ssyncset.done $0x0  }
0xa4: {  	s25 =	simm.s32 $0x1B8E;
	s24 =	sld [smem:$0x3FFE];
	[sflag:s23] =	ssyncadd.s32 $0xFFFFFFFF  }
0xa5: {  	s26 =	simm.s32 $execute0_lowered;
	[smem:$0x3FD2] =	sst s25  }
0xa6: {  	s5 =	sshll.u32 s26, $0x1;
	_ =	strace $0x8000004C;
	[dreg:$0x1] =	wrdreg $0xFFFFFFFF  }
0xa7: {  	s28 =	simm.s32 $_size_execute0_lowered;
	s3 =	sadd.s32 s3, s5;
	[dreg:$0x0] =	wrdreg $0x0  }
0xa8: {  	s5 =	sshll.u32 s28, $0x1;
	[dreg:$0x2] =	wrdreg s3  }
0xa9: {  	[dreg:$0x3] =	wrdreg s5  }
0xaa: {  	[dreg:$0x4] =	wrdreg $0xC0  }
0xab: {  	_ =	task [dreg:s7], $0x5FFFF  }
0xac: {  	[dreg:$0x1] =	wrdreg $0xFFFFFFFF  }
0xad: {  	[dreg:$0x0] =	wrdreg $0x60  }
0xae: {  	[dreg:$0x2] =	wrdreg s24  }
0xaf: {  	[dreg:$0x3] =	wrdreg s2  }
0xb0: {  	[dreg:$0x4] =	wrdreg $0x0  }
0xb1: {  	[dreg:$0x5] =	wrdreg $0x9  }
0xb2: {  	_ =	task.clear_ibuf [dreg:s7], $0x6FFFF;
	_ =	strace $0x9000004C  }
0xb3: {  	s29 =	simm.s32 $0x9;
	_ =	strace $0x8000004E  }
0xb4: {  	_ =	swait.ge [sflag:s29], $0x1  }
0xb5: {  	[sflag:s29] =	ssyncadd.s32 $0xFFFFFFFF  }
0xb6: {  	_ =	strace $0x9000004E  }
0xb7: {  	_ =	sfence  }
0xb8: {  	s30 =	sld [smem:$0x0];
	_ =	sdelay $0x2  }
0xb9: {  	s31 =	sshll.u32 s1, $0xD;
	s1 =	sshrl.u32 s1, $0x2  }
0xba: {  	s3 =	sand.u32 $0x4000, s31;
	s1 =	sadd.s32 s1, s30  }
0xbb: {  	s0 =	sor.u32 s3, s0;
	s1 =	sshll.u32 s1, $0x11  }
0xbc: {  	s0 =	sor.u32 s1, s0  }
0xbd: {  	s0 =	sadd.s32 $0x8F2B, s0  }
0xbe: {  	[sflag:s0] =	ssyncadd.remote.s32 $0x1  }
0xbf: {  	_ =	sfence.sel $0xFFFF  }
0xc0: {  	[dreg:$0x0] =	wrdreg $0xFFFFFFFF;
	(pc) =	sbr.abs _section_cstart, $3  }
0xc1: {  	[dreg:$0x1] =	wrdreg $0xFFFFFFFF  }
0xc2: {  	_ =	task.clear_ibuf [dreg:s7], $0x2FFFF;
	_ =	strace $0x9FFFFFFF  }
0xc3: {  	(tm) =	ssettm $0x7FFFFFFF  }
tec
execute0_lowered:
.L_overlay_start_1:
0x0: {  	(tag) =	ssettag $0x1  }
0x1: {  	s0 =	rddreg [dreg:$0x0]  }
0x2: {  	s1 =	rddreg [dreg:$0x1]  }
0x3: {  	s2 =	rddreg [dreg:$0x2]  }
0x4: {  	s4 =	simm.s32 $0x0;
	s13 =	stileid.u32;
	s3 =	srdreg.scid  }
0x5: {  	s28 =	simm.s32 $0x58;
	s17 =	simm.s32 $0x4;
	s18 =	simm.s32 $0x7  }
0x6: {  	s19 =	simm.s32 $0xA;
	[smem:$0x7FF] =	sst s4;
	s5 =	sadd.s32 $0x25400, s0  }
0x7: {  	s7 =	smul.u32 $0x2800, s13;
	s3 =	sand.u32 $0x1, s3;
	s6 =	sadd.s32 $0x16400, s0  }
0x8: {  	s10 =	smul.u32 $0x50000, s13;
	s21 =	sshll.u32 s13, $0x6;
	_ =	strace $0x8000004D  }
0x9: {  	s8 =	smul.u32 $0x28000, s3;
	s9 =	sshll.u32 s3, $0x4;
	s3 =	ssub.s32 $0x2, s3  }
0xa: {  	[dreg:$0x5] =	wrdreg s21;
	s9 =	sor.u32 s13, s9;
	s11 =	sadd.s32 s7, s0  }
0xb: {  	s12 =	sshrl.u32 s3, $0x1;
	s20 =	sshrl.u32 s10, $0x2;
	s10 =	sor.u32 $0x1C0D, s21  }
0xc: {  	s9 =	smul.u32 $0x3C00, s9;
	s11 =	sadd.s32 $0x4D400, s11;
	[dreg:$0x7] =	wrdreg s10  }
0xd: {  	s0 =	sadd.s32 s8, s0;
	s3 =	ssub.s32 s3, s12;
	[dreg:$0x6] =	wrdreg s11  }
0xe: {  	s8 =	sadd.s32 s20, s2;
	s3 =	smax.u32 s3, $0x1;
	[dreg:$0x4] =	wrdreg s9  }
0xf: {  	s0 =	sadd.s32 $0x75400, s0;
	s21 =	sshrl.u32 s8, $0x3;
	[dreg:$0x10] =	wrdreg s3  }
0x10: {  	s9 =	sshrl.u32 s9, $0x3;
	s0 =	sadd.s32 s7, s0;
	[dreg:$0x11] =	wrdreg s21  }
0x11: {  	s30 =	simm.s32 $0xB;
	s23 =	sadd.s32 s1, s9;
	[dreg:$0x12] =	wrdreg s0  }
0x12: {  	s22 =	sor.u32 $0x10, s9;
	s24 =	sadd.s32 s6, s9;
	[dreg:$0x8] =	wrdreg s23  }
0x13: {  	s13 =	simm.s32 $0x3;
	[dreg:$0x9] =	wrdreg s24;
	s25 =	sadd.s32 s1, s22  }
0x14: {  	s26 =	sor.u32 $0x20, s9;
	s10 =	sadd.s32 s6, s22;
	[dreg:$0xa] =	wrdreg s25  }
0x15: {  	s9 =	sor.u32 $0x30, s9;
	s29 =	sadd.s32 s1, s26;
	[dreg:$0xb] =	wrdreg s10  }
0x16: {  	s20 =	simm.s32 $0xC;
	s31 =	sadd.s32 s1, s9;
	[dreg:$0xc] =	wrdreg s29  }
0x17: {  	s8 =	simm.s32 $0x0;
	s9 =	sadd.s32 s6, s9;
	[dreg:$0xe] =	wrdreg s31  }
0x18: {  	s3 =	simm.s32 $0x2;
	s10 =	sadd.s32 s6, s26;
	[dreg:$0xf] =	wrdreg s9  }
0x19: {  	s24 =	simm.s32 $0x8;
	s26 =	simm.s32 $0x1;
	[dreg:$0xd] =	wrdreg s10  }
.LBB2_1:
0x1a: {  	[dreg:$0x13] =	wrdreg s8  }
0x1b: {  	s0 =	rddreg [dreg:$0x6]  }
0x1c: {  	s7 =	rddreg [dreg:$0x7]  }
0x1d: {  	[spmem:s21], [sflag:s7] =	dma.local [hbm:s0], $0x2800  }
0x1e: {  	s23 =	simm.s32 $0x14000;
	s0 =	rddreg [dreg:$0x8]  }
0x1f: {  	[tilespmem:s23], [sflag:$0x1] =	stream.linear.gather [hbm4b:s0+s4], $0x80, $0x38;
	[tilespmem:$0x1F400] =	vst v63  }
0x20: {  	s9 =	simm.s32 $0x14200;
	s12 =	rddreg [dreg:$0x9]  }
0x21: {  	[tilespmem:s9], [sflag:$0x1] =	stream.linear.gather [hbm4b:s12+s4], $0x80, $0x38;
	[tilespmem:$0x1F400] =	vst v63  }
0x22: {  	s25 =	simm.s32 $0x14080;
	s14 =	rddreg [dreg:$0xa]  }
0x23: {  	[tilespmem:s25], [sflag:$0x2] =	stream.linear.gather [hbm4b:s14+s4], $0x80, $0x38;
	[tilespmem:$0x1F400] =	vst v63  }
0x24: {  	s11 =	simm.s32 $0x14280;
	s15 =	rddreg [dreg:$0xb]  }
0x25: {  	[tilespmem:s11], [sflag:$0x2] =	stream.linear.gather [hbm4b:s15+s4], $0x80, $0x38;
	[tilespmem:$0x1F400] =	vst v63  }
0x26: {  	_ =	swait.ge [sflag:s26], $0x80  }
0x27: {  	[sflag:s26] =	ssyncset.done $0x0  }
0x28: {  	[sflag:s26] =	ssyncadd.s32 $0xFFFFFF80  }
0x29: {  	_ =	swait.ge [sflag:s26], $0x80  }
0x2a: {  	[sflag:s26] =	ssyncset.done $0x0  }
0x2b: {  	s16 =	simm.s32 $0xD;
	s12 =	simm.s32 $0x14400;
	[sflag:s26] =	ssyncadd.s32 $0xFFFFFF80  }
0x2c: {  	[tilespmem:s12], [sflag:$0x5] =	stream.indirect.gather [hbm4b:s5+s28], $0x80, s23, s28, $0xb8;
	[tilespmem:$0x1F400] =	vst v63  }
0x2d: {  	_ =	swait.ge [sflag:s16], $0x2800  }
0x2e: {  	[sflag:s16] =	ssyncset.done $0x0  }
0x2f: {  	[sflag:s16] =	ssyncadd.s32 $0xFFFFD800  }
0x30: {  	[bflag:$0x0] =	sbarrier.arrive $0xFFFF  }
0x31: {  	s29 =	simm.s32 $0x14100;
	s21 =	rddreg [dreg:$0xc]  }
0x32: {  	[tilespmem:s29], [sflag:$0x3] =	stream.linear.gather [hbm4b:s21+s4], $0x80, $0x38;
	[tilespmem:$0x1F400] =	vst v63  }
0x33: {  	s31 =	simm.s32 $0x14300;
	s22 =	rddreg [dreg:$0xd]  }
0x34: {  	[tilespmem:s31], [sflag:$0x3] =	stream.linear.gather [hbm4b:s22+s4], $0x80, $0x38;
	[tilespmem:$0x1F400] =	vst v63  }
0x35: {  	_ =	swait.ge [sflag:s3], $0x80  }
0x36: {  	[sflag:s3] =	ssyncset.done $0x0  }
0x37: {  	[sflag:s3] =	ssyncadd.s32 $0xFFFFFF80  }
0x38: {  	_ =	swait.ge [sflag:s3], $0x80  }
0x39: {  	[sflag:s3] =	ssyncset.done $0x0  }
0x3a: {  	s8 =	simm.s32 $0x17000;
	s14 =	simm.s32 $0x5;
	[sflag:s3] =	ssyncadd.s32 $0xFFFFFF80  }
0x3b: {  	[tilespmem:s8], [sflag:$0x6] =	stream.indirect.gather [hbm4b:s5+s28], $0x80, s25, s28, $0xb8;
	[tilespmem:$0x1F400] =	vst v63  }
0x3c: {  	_ =	swait.ge [sflag:s14], $0x2C00  }
0x3d: {  	[sflag:s14] =	ssyncset.done $0x0  }
0x3e: {  	[sflag:s14] =	ssyncadd.s32 $0xFFFFD400  }
0x3f: {  	[spmem:s2] =	stream.indirect.scatter.add.f32 [tilespmem:s12], [sflag:$0x9], $0x80, s9, s28, $0xb8;
	[tilespmem:$0x1F400] =	vst v63  }
0x40: {  	s10 =	simm.s32 $0x14180;
	s7 =	rddreg [dreg:$0xe]  }
0x41: {  	[tilespmem:s10], [sflag:$0x4] =	stream.linear.gather [hbm4b:s7+s4], $0x80, $0x38;
	[tilespmem:$0x1F400] =	vst v63  }
0x42: {  	s16 =	simm.s32 $0x14380;
	s15 =	rddreg [dreg:$0xf]  }
0x43: {  	[tilespmem:s16], [sflag:$0x4] =	stream.linear.gather [hbm4b:s15+s4], $0x80, $0x38;
	[tilespmem:$0x1F400] =	vst v63  }
0x44: {  	_ =	swait.ge [sflag:s13], $0x80  }
0x45: {  	[sflag:s13] =	ssyncset.done $0x0  }
0x46: {  	[sflag:s13] =	ssyncadd.s32 $0xFFFFFF80  }
0x47: {  	_ =	swait.ge [sflag:s13], $0x80  }
0x48: {  	s21 =	simm.s32 $0x6;
	[sflag:s13] =	ssyncset.done $0x0  }
0x49: {  	s22 =	simm.s32 $0x200;
	s15 =	simm.s32 $0x19C00;
	[sflag:s13] =	ssyncadd.s32 $0xFFFFFF80  }
0x4a: {  	[tilespmem:s15], [sflag:$0x7] =	stream.indirect.gather [hbm4b:s5+s28], $0x80, s29, s28, $0xb8;
	[tilespmem:$0x1F400] =	vst v63  }
0x4b: {  	s0 =	sand.u32 $0x7C00, s22;
	_ =	swait.ge [sflag:s21], $0x2C00  }
0x4c: {  	s7 =	sand.u32 $0x200, s22;
	[sflag:s21] =	ssyncset.done $0x0;
	s22 =	rddreg [dreg:$0x4]  }
0x4d: {  	[sflag:s21] =	ssyncadd.s32 $0xFFFFD400;
	s21 =	sadd.s32 s22, s0  }
0x4e: {  	[spmem:s2] =	stream.indirect.scatter.add.f32 [tilespmem:s8], [sflag:$0xA], $0x80, s11, s28, $0xb8;
	[tilespmem:$0x1F400] =	vst v63  }
0x4f: {  	s7 =	sor.u32 s7, s21;
	s21 =	simm.s32 $0x9  }
0x50: {  	_ =	swait.ge [sflag:s21], $0x2C00  }
0x51: {  	s7 =	sshrl.u32 s7, $0x3;
	[sflag:s21] =	ssyncset.done $0x0  }
0x52: {  	s22 =	sadd.s32 s1, s7;
	[sflag:s21] =	ssyncadd.s32 $0xFFFFD400  }
0x53: {  	[tilespmem:s23], [sflag:$0x1] =	stream.linear.gather [hbm4b:s22+s4], $0x80, $0x38;
	[tilespmem:$0x1F400] =	vst v63  }
0x54: {  	s0 =	sadd.s32 s6, s7  }
0x55: {  	[tilespmem:s9], [sflag:$0x1] =	stream.linear.gather [hbm4b:s0+s4], $0x80, $0x38;
	[tilespmem:$0x1F400] =	vst v63  }
0x56: {  	_ =	swait.ge [sflag:s17], $0x80  }
0x57: {  	[sflag:s17] =	ssyncset.done $0x0  }
0x58: {  	[sflag:s17] =	ssyncadd.s32 $0xFFFFFF80  }
0x59: {  	_ =	swait.ge [sflag:s17], $0x80  }
0x5a: {  	[sflag:s17] =	ssyncset.done $0x0  }
0x5b: {  	s0 =	simm.s32 $0x1C800;
	[sflag:s17] =	ssyncadd.s32 $0xFFFFFF80  }
0x5c: {  	[tilespmem:s0], [sflag:$0x8] =	stream.indirect.gather [hbm4b:s5+s28], $0x80, s10, s28, $0xb8;
	[tilespmem:$0x1F400] =	vst v63  }
0x5d: {  	_ =	swait.ge [sflag:s18], $0x2C00  }
0x5e: {  	[sflag:s18] =	ssyncset.done $0x0  }
0x5f: {  	[sflag:s18] =	ssyncadd.s32 $0xFFFFD400  }
0x60: {  	[spmem:s2] =	stream.indirect.scatter.add.f32 [tilespmem:s15], [sflag:$0xB], $0x80, s31, s28, $0xb8;
	[tilespmem:$0x1F400] =	vst v63  }
0x61: {  	_ =	swait.ge [sflag:s19], $0x2C00  }
0x62: {  	s21 =	sor.u32 $0x10, s7;
	[sflag:s19] =	ssyncset.done $0x0  }
0x63: {  	s22 =	sadd.s32 s1, s21;
	[sflag:s19] =	ssyncadd.s32 $0xFFFFD400  }
0x64: {  	[tilespmem:s25], [sflag:$0x2] =	stream.linear.gather [hbm4b:s22+s4], $0x80, $0x38;
	[tilespmem:$0x1F400] =	vst v63  }
0x65: {  	s21 =	sadd.s32 s6, s21  }
0x66: {  	[tilespmem:s11], [sflag:$0x2] =	stream.linear.gather [hbm4b:s21+s4], $0x80, $0x38;
	[tilespmem:$0x1F400] =	vst v63  }
0x67: {  	_ =	swait.ge [sflag:s26], $0x80  }
0x68: {  	[sflag:s26] =	ssyncset.done $0x0  }
0x69: {  	[sflag:s26] =	ssyncadd.s32 $0xFFFFFF80  }
0x6a: {  	_ =	swait.ge [sflag:s26], $0x80  }
0x6b: {  	[sflag:s26] =	ssyncset.done $0x0  }
0x6c: {  	[sflag:s26] =	ssyncadd.s32 $0xFFFFFF80  }
0x6d: {  	[tilespmem:s12], [sflag:$0x5] =	stream.indirect.gather [hbm4b:s5+s28], $0x80, s23, s28, $0xb8;
	[tilespmem:$0x1F400] =	vst v63  }
0x6e: {  	_ =	swait.ge [sflag:s24], $0x2C00  }
0x6f: {  	[sflag:s24] =	ssyncset.done $0x0  }
0x70: {  	[sflag:s24] =	ssyncadd.s32 $0xFFFFD400  }
0x71: {  	[spmem:s2] =	stream.indirect.scatter.add.f32 [tilespmem:s0], [sflag:$0xC], $0x80, s16, s28, $0xb8;
	[tilespmem:$0x1F400] =	vst v63  }
0x72: {  	_ =	swait.ge [sflag:s30], $0x2C00  }
0x73: {  	s11 =	sor.u32 $0x20, s7;
	[sflag:s30] =	ssyncset.done $0x0  }
0x74: {  	s23 =	sadd.s32 s1, s11;
	[sflag:s30] =	ssyncadd.s32 $0xFFFFD400  }
0x75: {  	[tilespmem:s29], [sflag:$0x3] =	stream.linear.gather [hbm4b:s23+s4], $0x80, $0x38;
	[tilespmem:$0x1F400] =	vst v63  }
0x76: {  	s21 =	sadd.s32 s6, s11  }
0x77: {  	[tilespmem:s31], [sflag:$0x3] =	stream.linear.gather [hbm4b:s21+s4], $0x80, $0x38;
	[tilespmem:$0x1F400] =	vst v63  }
0x78: {  	_ =	swait.ge [sflag:s3], $0x80  }
0x79: {  	[sflag:s3] =	ssyncset.done $0x0  }
0x7a: {  	[sflag:s3] =	ssyncadd.s32 $0xFFFFFF80  }
0x7b: {  	_ =	swait.ge [sflag:s3], $0x80  }
0x7c: {  	[sflag:s3] =	ssyncset.done $0x0  }
0x7d: {  	[sflag:s3] =	ssyncadd.s32 $0xFFFFFF80  }
0x7e: {  	[tilespmem:s8], [sflag:$0x6] =	stream.indirect.gather [hbm4b:s5+s28], $0x80, s25, s28, $0xb8;
	[tilespmem:$0x1F400] =	vst v63  }
0x7f: {  	_ =	swait.ge [sflag:s14], $0x2C00  }
0x80: {  	[sflag:s14] =	ssyncset.done $0x0  }
0x81: {  	[sflag:s14] =	ssyncadd.s32 $0xFFFFD400  }
0x82: {  	[spmem:s2] =	stream.indirect.scatter.add.f32 [tilespmem:s12], [sflag:$0x9], $0x80, s9, s28, $0xb8;
	[tilespmem:$0x1F400] =	vst v63  }
0x83: {  	_ =	swait.ge [sflag:s20], $0x2C00  }
0x84: {  	s7 =	sor.u32 $0x30, s7;
	[sflag:s20] =	ssyncset.done $0x0  }
0x85: {  	s25 =	sadd.s32 s1, s7;
	[sflag:s20] =	ssyncadd.s32 $0xFFFFD400  }
0x86: {  	[tilespmem:s10], [sflag:$0x4] =	stream.linear.gather [hbm4b:s25+s4], $0x80, $0x38;
	[tilespmem:$0x1F400] =	vst v63  }
0x87: {  	s7 =	sadd.s32 s6, s7  }
0x88: {  	[tilespmem:s16], [sflag:$0x4] =	stream.linear.gather [hbm4b:s7+s4], $0x80, $0x38;
	[tilespmem:$0x1F400] =	vst v63  }
0x89: {  	_ =	swait.ge [sflag:s13], $0x80  }
0x8a: {  	[sflag:s13] =	ssyncset.done $0x0  }
0x8b: {  	[sflag:s13] =	ssyncadd.s32 $0xFFFFFF80  }
0x8c: {  	_ =	swait.ge [sflag:s13], $0x80  }
0x8d: {  	s23 =	simm.s32 $0x600;
	s31 =	simm.s32 $0x400;
	[sflag:s13] =	ssyncset.done $0x0  }
0x8e: {  	s22 =	sand.u32 $0x7C00, s31;
	s7 =	sand.u32 $0x200, s31;
	[sflag:s13] =	ssyncadd.s32 $0xFFFFFF80  }
0x8f: {  	[tilespmem:s15], [sflag:$0x7] =	stream.indirect.gather [hbm4b:s5+s28], $0x80, s29, s28, $0xb8;
	[tilespmem:$0x1F400] =	vst v63  }
.LBB2_2:
0x90: {  	s29 =	sand.u32 $0x200, s23  }
0x91: {  	s0 =	rddreg [dreg:$0x4];
	s12 =	simm.s32 $0x6;
	s21 =	sadd.s32 $0x200, s23  }
0x92: {  	p0 =	sne.s32 s23, $0x3800;
	s8 =	simm.s32 $0x17000;
	_ =	swait.ge [sflag:s12], $0x2C00  }
0x93: {  	s9 =	simm.s32 $0x9;
	s25 =	sadd.s32 s0, s22;
	[sflag:s12] =	ssyncset.done $0x0  }
0x94: {  	s7 =	sor.u32 s7, s25;
	[sflag:s12] =	ssyncadd.s32 $0xFFFFD400;
	s12 =	simm.s32 $0x14280  }
0x95: {  	[spmem:s2] =	stream.indirect.scatter.add.f32 [tilespmem:s8], [sflag:$0xA], $0x80, s12, s28, $0xb8;
	[tilespmem:$0x1F400] =	vst v63  }
0x96: {  	s22 =	smov.u32 s23;
	s31 =	sshrl.u32 s7, $0x3;
	_ =	swait.ge [sflag:s9], $0x2C00  }
0x97: {  	s0 =	sor.u32 $0x10, s31;
	s25 =	sor.u32 $0x20, s31;
	[sflag:s9] =	ssyncset.done $0x0  }
0x98: {  	s14 =	sadd.s32 s1, s31;
	[sflag:s9] =	ssyncadd.s32 $0xFFFFD400;
	s9 =	simm.s32 $0x14000  }
0x99: {  	[tilespmem:s9], [sflag:$0x1] =	stream.linear.gather [hbm4b:s14+s4], $0x80, $0x38;
	[tilespmem:$0x1F400] =	vst v63  }
0x9a: {  	s23 =	sor.u32 $0x30, s31;
	s15 =	sadd.s32 s6, s31;
	s31 =	simm.s32 $0x14200  }
0x9b: {  	[tilespmem:s31], [sflag:$0x1] =	stream.linear.gather [hbm4b:s15+s4], $0x80, $0x38;
	[tilespmem:$0x1F400] =	vst v63  }
0x9c: {  	_ =	swait.ge [sflag:s17], $0x80  }
0x9d: {  	[sflag:s17] =	ssyncset.done $0x0  }
0x9e: {  	[sflag:s17] =	ssyncadd.s32 $0xFFFFFF80  }
0x9f: {  	_ =	swait.ge [sflag:s17], $0x80  }
0xa0: {  	[sflag:s17] =	ssyncset.done $0x0  }
0xa1: {  	s10 =	simm.s32 $0x14180;
	s16 =	simm.s32 $0x1C800;
	[sflag:s17] =	ssyncadd.s32 $0xFFFFFF80  }
0xa2: {  	[tilespmem:s16], [sflag:$0x8] =	stream.indirect.gather [hbm4b:s5+s28], $0x80, s10, s28, $0xb8;
	[tilespmem:$0x1F400] =	vst v63  }
0xa3: {  	_ =	swait.ge [sflag:s18], $0x2C00  }
0xa4: {  	[sflag:s18] =	ssyncset.done $0x0  }
0xa5: {  	s14 =	simm.s32 $0x14300;
	s15 =	simm.s32 $0x19C00;
	[sflag:s18] =	ssyncadd.s32 $0xFFFFD400  }
0xa6: {  	[spmem:s2] =	stream.indirect.scatter.add.f32 [tilespmem:s15], [sflag:$0xB], $0x80, s14, s28, $0xb8;
	[tilespmem:$0x1F400] =	vst v63  }
0xa7: {  	_ =	swait.ge [sflag:s19], $0x2C00  }
0xa8: {  	s11 =	simm.s32 $0x14080;
	[sflag:s19] =	ssyncset.done $0x0  }
0xa9: {  	s7 =	smov.u32 s29;
	s29 =	sadd.s32 s1, s0;
	[sflag:s19] =	ssyncadd.s32 $0xFFFFD400  }
0xaa: {  	[tilespmem:s11], [sflag:$0x2] =	stream.linear.gather [hbm4b:s29+s4], $0x80, $0x38;
	[tilespmem:$0x1F400] =	vst v63  }
0xab: {  	s0 =	sadd.s32 s6, s0  }
0xac: {  	[tilespmem:s12], [sflag:$0x2] =	stream.linear.gather [hbm4b:s0+s4], $0x80, $0x38;
	[tilespmem:$0x1F400] =	vst v63  }
0xad: {  	_ =	swait.ge [sflag:s26], $0x80  }
0xae: {  	[sflag:s26] =	ssyncset.done $0x0  }
0xaf: {  	[sflag:s26] =	ssyncadd.s32 $0xFFFFFF80  }
0xb0: {  	_ =	swait.ge [sflag:s26], $0x80  }
0xb1: {  	[sflag:s26] =	ssyncset.done $0x0  }
0xb2: {  	s12 =	simm.s32 $0x14400;
	[sflag:s26] =	ssyncadd.s32 $0xFFFFFF80  }
0xb3: {  	[tilespmem:s12], [sflag:$0x5] =	stream.indirect.gather [hbm4b:s5+s28], $0x80, s9, s28, $0xb8;
	[tilespmem:$0x1F400] =	vst v63  }
0xb4: {  	_ =	swait.ge [sflag:s24], $0x2C00  }
0xb5: {  	[sflag:s24] =	ssyncset.done $0x0  }
0xb6: {  	s29 =	simm.s32 $0x14380;
	[sflag:s24] =	ssyncadd.s32 $0xFFFFD400  }
0xb7: {  	[spmem:s2] =	stream.indirect.scatter.add.f32 [tilespmem:s16], [sflag:$0xC], $0x80, s29, s28, $0xb8;
	[tilespmem:$0x1F400] =	vst v63  }
0xb8: {  	_ =	swait.ge [sflag:s30], $0x2C00  }
0xb9: {  	[sflag:s30] =	ssyncset.done $0x0  }
0xba: {  	s9 =	simm.s32 $0x14100;
	s16 =	sadd.s32 s1, s25;
	[sflag:s30] =	ssyncadd.s32 $0xFFFFD400  }
0xbb: {  	[tilespmem:s9], [sflag:$0x3] =	stream.linear.gather [hbm4b:s16+s4], $0x80, $0x38;
	[tilespmem:$0x1F400] =	vst v63  }
0xbc: {  	s25 =	sadd.s32 s6, s25  }
0xbd: {  	[tilespmem:s14], [sflag:$0x3] =	stream.linear.gather [hbm4b:s25+s4], $0x80, $0x38;
	[tilespmem:$0x1F400] =	vst v63  }
0xbe: {  	_ =	swait.ge [sflag:s3], $0x80  }
0xbf: {  	[sflag:s3] =	ssyncset.done $0x0  }
0xc0: {  	[sflag:s3] =	ssyncadd.s32 $0xFFFFFF80  }
0xc1: {  	_ =	swait.ge [sflag:s3], $0x80  }
0xc2: {  	[sflag:s3] =	ssyncset.done $0x0  }
0xc3: {  	s16 =	simm.s32 $0x5;
	[sflag:s3] =	ssyncadd.s32 $0xFFFFFF80  }
0xc4: {  	[tilespmem:s8], [sflag:$0x6] =	stream.indirect.gather [hbm4b:s5+s28], $0x80, s11, s28, $0xb8;
	[tilespmem:$0x1F400] =	vst v63  }
0xc5: {  	_ =	swait.ge [sflag:s16], $0x2C00  }
0xc6: {  	[sflag:s16] =	ssyncset.done $0x0  }
0xc7: {  	[sflag:s16] =	ssyncadd.s32 $0xFFFFD400  }
0xc8: {  	[spmem:s2] =	stream.indirect.scatter.add.f32 [tilespmem:s12], [sflag:$0x9], $0x80, s31, s28, $0xb8;
	[tilespmem:$0x1F400] =	vst v63  }
0xc9: {  	_ =	swait.ge [sflag:s20], $0x2C00  }
0xca: {  	[sflag:s20] =	ssyncset.done $0x0  }
0xcb: {  	s25 =	sadd.s32 s1, s23;
	[sflag:s20] =	ssyncadd.s32 $0xFFFFD400  }
0xcc: {  	[tilespmem:s10], [sflag:$0x4] =	stream.linear.gather [hbm4b:s25+s4], $0x80, $0x38;
	[tilespmem:$0x1F400] =	vst v63  }
0xcd: {  	s31 =	sadd.s32 s6, s23  }
0xce: {  	[tilespmem:s29], [sflag:$0x4] =	stream.linear.gather [hbm4b:s31+s4], $0x80, $0x38;
	[tilespmem:$0x1F400] =	vst v63  }
0xcf: {  	_ =	swait.ge [sflag:s13], $0x80  }
0xd0: {  	[sflag:s13] =	ssyncset.done $0x0  }
.Ltmp0:
0xd1: {  	[sflag:s13] =	ssyncadd.s32 $0xFFFFFF80;
	(pc) =	sbr.rel @p0 .LBB2_2-.Ltmp0, $4  }
0xd2: {  	_ =	swait.ge [sflag:s13], $0x80  }
0xd3: {  	[sflag:s13] =	ssyncset.done $0x0  }
0xd4: {  	s22 =	sand.u32 $0x7C00, s22;
	s23 =	smov.u32 s21;
	[sflag:s13] =	ssyncadd.s32 $0xFFFFFF80  }
0xd5: {  	[tilespmem:s15], [sflag:$0x7] =	stream.indirect.gather [hbm4b:s5+s28], $0x80, s9, s28, $0xb8;
	[tilespmem:$0x1F400] =	vst v63  }
0xd6: {  	s29 =	simm.s32 $0x6  }
0xd7: {  	s23 =	simm.s32 $0x14280;
	_ =	swait.ge [sflag:s29], $0x2C00  }
0xd8: {  	s8 =	simm.s32 $0x17000;
	[sflag:s29] =	ssyncset.done $0x0;
	s0 =	rddreg [dreg:$0x4]  }
0xd9: {  	s16 =	simm.s32 $0x9;
	s0 =	sadd.s32 s0, s22;
	[sflag:s29] =	ssyncadd.s32 $0xFFFFD400  }
0xda: {  	[spmem:s2] =	stream.indirect.scatter.add.f32 [tilespmem:s8], [sflag:$0xA], $0x80, s23, s28, $0xb8;
	[tilespmem:$0x1F400] =	vst v63  }
0xdb: {  	s0 =	sor.u32 s7, s0;
	_ =	swait.ge [sflag:s16], $0x2C00  }
0xdc: {  	s0 =	sshrl.u32 s0, $0x3;
	[sflag:s16] =	ssyncset.done $0x0  }
0xdd: {  	s9 =	simm.s32 $0x14000;
	s11 =	sadd.s32 s1, s0;
	[sflag:s16] =	ssyncadd.s32 $0xFFFFD400  }
0xde: {  	[tilespmem:s9], [sflag:$0x1] =	stream.linear.gather [hbm4b:s11+s4], $0x80, $0x38;
	[tilespmem:$0x1F400] =	vst v63  }
0xdf: {  	s22 =	simm.s32 $0x14200;
	s12 =	sadd.s32 s6, s0  }
0xe0: {  	[tilespmem:s22], [sflag:$0x1] =	stream.linear.gather [hbm4b:s12+s4], $0x80, $0x38;
	[tilespmem:$0x1F400] =	vst v63  }
0xe1: {  	_ =	swait.ge [sflag:s17], $0x80  }
0xe2: {  	[sflag:s17] =	ssyncset.done $0x0  }
0xe3: {  	[sflag:s17] =	ssyncadd.s32 $0xFFFFFF80  }
0xe4: {  	_ =	swait.ge [sflag:s17], $0x80  }
0xe5: {  	[sflag:s17] =	ssyncset.done $0x0  }
0xe6: {  	s10 =	simm.s32 $0x14180;
	s31 =	simm.s32 $0x1C800;
	[sflag:s17] =	ssyncadd.s32 $0xFFFFFF80  }
0xe7: {  	[tilespmem:s31], [sflag:$0x8] =	stream.indirect.gather [hbm4b:s5+s28], $0x80, s10, s28, $0xb8;
	[tilespmem:$0x1F400] =	vst v63  }
0xe8: {  	_ =	swait.ge [sflag:s18], $0x2C00  }
0xe9: {  	[sflag:s18] =	ssyncset.done $0x0  }
0xea: {  	s25 =	simm.s32 $0x14300;
	s15 =	simm.s32 $0x19C00;
	[sflag:s18] =	ssyncadd.s32 $0xFFFFD400  }
0xeb: {  	[spmem:s2] =	stream.indirect.scatter.add.f32 [tilespmem:s15], [sflag:$0xB], $0x80, s25, s28, $0xb8;
	[tilespmem:$0x1F400] =	vst v63  }
0xec: {  	_ =	swait.ge [sflag:s19], $0x2C00  }
0xed: {  	s14 =	sor.u32 $0x10, s0;
	[sflag:s19] =	ssyncset.done $0x0  }
0xee: {  	s21 =	sadd.s32 s1, s14;
	s11 =	simm.s32 $0x14080;
	[sflag:s19] =	ssyncadd.s32 $0xFFFFD400  }
0xef: {  	[tilespmem:s11], [sflag:$0x2] =	stream.linear.gather [hbm4b:s21+s4], $0x80, $0x38;
	[tilespmem:$0x1F400] =	vst v63  }
0xf0: {  	s7 =	sadd.s32 s6, s14  }
0xf1: {  	[tilespmem:s23], [sflag:$0x2] =	stream.linear.gather [hbm4b:s7+s4], $0x80, $0x38;
	[tilespmem:$0x1F400] =	vst v63  }
0xf2: {  	_ =	swait.ge [sflag:s26], $0x80  }
0xf3: {  	[sflag:s26] =	ssyncset.done $0x0  }
0xf4: {  	[sflag:s26] =	ssyncadd.s32 $0xFFFFFF80  }
0xf5: {  	_ =	swait.ge [sflag:s26], $0x80  }
0xf6: {  	[sflag:s26] =	ssyncset.done $0x0  }
0xf7: {  	s12 =	simm.s32 $0x14400;
	[sflag:s26] =	ssyncadd.s32 $0xFFFFFF80  }
0xf8: {  	[tilespmem:s12], [sflag:$0x5] =	stream.indirect.gather [hbm4b:s5+s28], $0x80, s9, s28, $0xb8;
	[tilespmem:$0x1F400] =	vst v63  }
0xf9: {  	_ =	swait.ge [sflag:s24], $0x2C00  }
0xfa: {  	[sflag:s24] =	ssyncset.done $0x0  }
0xfb: {  	s14 =	simm.s32 $0x14380;
	[sflag:s24] =	ssyncadd.s32 $0xFFFFD400  }
0xfc: {  	[spmem:s2] =	stream.indirect.scatter.add.f32 [tilespmem:s31], [sflag:$0xC], $0x80, s14, s28, $0xb8;
	[tilespmem:$0x1F400] =	vst v63  }
0xfd: {  	_ =	swait.ge [sflag:s30], $0x2C00  }
0xfe: {  	s7 =	sor.u32 $0x20, s0;
	[sflag:s30] =	ssyncset.done $0x0  }
0xff: {  	s21 =	sadd.s32 s1, s7;
	s9 =	simm.s32 $0x14100;
	[sflag:s30] =	ssyncadd.s32 $0xFFFFD400  }
0x100: {  	[tilespmem:s9], [sflag:$0x3] =	stream.linear.gather [hbm4b:s21+s4], $0x80, $0x38;
	[tilespmem:$0x1F400] =	vst v63  }
0x101: {  	s7 =	sadd.s32 s6, s7  }
0x102: {  	[tilespmem:s25], [sflag:$0x3] =	stream.linear.gather [hbm4b:s7+s4], $0x80, $0x38;
	[tilespmem:$0x1F400] =	vst v63  }
0x103: {  	_ =	swait.ge [sflag:s3], $0x80  }
0x104: {  	[sflag:s3] =	ssyncset.done $0x0  }
0x105: {  	[sflag:s3] =	ssyncadd.s32 $0xFFFFFF80  }
0x106: {  	_ =	swait.ge [sflag:s3], $0x80  }
0x107: {  	[sflag:s3] =	ssyncset.done $0x0  }
0x108: {  	[sflag:s3] =	ssyncadd.s32 $0xFFFFFF80  }
0x109: {  	[tilespmem:s8], [sflag:$0x6] =	stream.indirect.gather [hbm4b:s5+s28], $0x80, s11, s28, $0xb8;
	[tilespmem:$0x1F400] =	vst v63  }
0x10a: {  	s11 =	simm.s32 $0x5  }
0x10b: {  	_ =	swait.ge [sflag:s11], $0x2C00  }
0x10c: {  	[sflag:s11] =	ssyncset.done $0x0  }
0x10d: {  	[sflag:s11] =	ssyncadd.s32 $0xFFFFD400  }
0x10e: {  	[spmem:s2] =	stream.indirect.scatter.add.f32 [tilespmem:s12], [sflag:$0x9], $0x80, s22, s28, $0xb8;
	[tilespmem:$0x1F400] =	vst v63  }
0x10f: {  	_ =	swait.ge [sflag:s20], $0x2C00  }
0x110: {  	s0 =	sor.u32 $0x30, s0;
	[sflag:s20] =	ssyncset.done $0x0  }
0x111: {  	s21 =	sadd.s32 s1, s0;
	[sflag:s20] =	ssyncadd.s32 $0xFFFFD400  }
0x112: {  	[tilespmem:s10], [sflag:$0x4] =	stream.linear.gather [hbm4b:s21+s4], $0x80, $0x38;
	[tilespmem:$0x1F400] =	vst v63  }
0x113: {  	s0 =	sadd.s32 s6, s0  }
0x114: {  	[tilespmem:s14], [sflag:$0x4] =	stream.linear.gather [hbm4b:s0+s4], $0x80, $0x38;
	[tilespmem:$0x1F400] =	vst v63  }
0x115: {  	_ =	swait.ge [sflag:s13], $0x80  }
0x116: {  	[sflag:s13] =	ssyncset.done $0x0  }
0x117: {  	[sflag:s13] =	ssyncadd.s32 $0xFFFFFF80  }
0x118: {  	_ =	swait.ge [sflag:s13], $0x80  }
0x119: {  	[sflag:s13] =	ssyncset.done $0x0  }
0x11a: {  	[sflag:s13] =	ssyncadd.s32 $0xFFFFFF80  }
0x11b: {  	[tilespmem:s15], [sflag:$0x7] =	stream.indirect.gather [hbm4b:s5+s28], $0x80, s9, s28, $0xb8;
	[tilespmem:$0x1F400] =	vst v63  }
0x11c: {  	_ =	swait.ge [sflag:s29], $0x2C00  }
0x11d: {  	[sflag:s29] =	ssyncset.done $0x0  }
0x11e: {  	[sflag:s29] =	ssyncadd.s32 $0xFFFFD400  }
0x11f: {  	[spmem:s2] =	stream.indirect.scatter.add.f32 [tilespmem:s8], [sflag:$0xA], $0x80, s23, s28, $0xb8;
	[tilespmem:$0x1F400] =	vst v63  }
0x120: {  	_ =	swait.ge [sflag:s17], $0x80  }
0x121: {  	[sflag:s17] =	ssyncset.done $0x0  }
0x122: {  	[sflag:s17] =	ssyncadd.s32 $0xFFFFFF80  }
0x123: {  	_ =	swait.ge [sflag:s17], $0x80  }
0x124: {  	[sflag:s17] =	ssyncset.done $0x0  }
0x125: {  	[sflag:s17] =	ssyncadd.s32 $0xFFFFFF80  }
0x126: {  	[tilespmem:s31], [sflag:$0x8] =	stream.indirect.gather [hbm4b:s5+s28], $0x80, s10, s28, $0xb8;
	[tilespmem:$0x1F400] =	vst v63  }
0x127: {  	_ =	swait.ge [sflag:s18], $0x2C00  }
0x128: {  	[sflag:s18] =	ssyncset.done $0x0  }
0x129: {  	[sflag:s18] =	ssyncadd.s32 $0xFFFFD400  }
0x12a: {  	[spmem:s2] =	stream.indirect.scatter.add.f32 [tilespmem:s15], [sflag:$0xB], $0x80, s25, s28, $0xb8;
	[tilespmem:$0x1F400] =	vst v63  }
0x12b: {  	_ =	swait.ge [sflag:s24], $0x2C00  }
0x12c: {  	[sflag:s24] =	ssyncset.done $0x0  }
0x12d: {  	[sflag:s24] =	ssyncadd.s32 $0xFFFFD400  }
0x12e: {  	[spmem:s2] =	stream.indirect.scatter.add.f32 [tilespmem:s31], [sflag:$0xC], $0x80, s14, s28, $0xb8;
	[tilespmem:$0x1F400] =	vst v63  }
0x12f: {  	_ =	swait.ge [sflag:s16], $0x2C00  }
0x130: {  	[sflag:s16] =	ssyncset.done $0x0  }
0x131: {  	[sflag:s16] =	ssyncadd.s32 $0xFFFFD400  }
0x132: {  	_ =	swait.ge [sflag:s19], $0x2C00  }
0x133: {  	[sflag:s19] =	ssyncset.done $0x0  }
0x134: {  	[sflag:s19] =	ssyncadd.s32 $0xFFFFD400  }
0x135: {  	_ =	swait.ge [sflag:s30], $0x2C00  }
0x136: {  	[sflag:s30] =	ssyncset.done $0x0  }
0x137: {  	[sflag:s30] =	ssyncadd.s32 $0xFFFFD400  }
0x138: {  	_ =	swait.ge [sflag:s20], $0x2C00  }
0x139: {  	[sflag:s20] =	ssyncset.done $0x0  }
0x13a: {  	[sflag:s20] =	ssyncadd.s32 $0xFFFFD400  }
0x13b: {  	[bflag:$0x0] =	sbarrier.arrive $0xFFFF  }
0x13c: {  	s22 =	rddreg [dreg:$0x5]  }
0x13d: {  	s21 =	rddreg [dreg:$0x11]  }
0x13e: {  	s25 =	simm.s32 $0xE;
	s23 =	rddreg [dreg:$0x12];
	s0 =	sor.u32 $0x1C0E, s22  }
0x13f: {  	[hbm:s23], [sflag:s0] =	dma.local [spmem:s21], $0x2800  }
0x140: {  	_ =	swait.ge [sflag:s25], $0x2800  }
0x141: {  	s29 =	rddreg [dreg:$0x13]  }
0x142: {  	s31 =	rddreg [dreg:$0x10];
	s8 =	sadd.s32 $0x1, s29  }
0x143: {  	p0 =	sne.s32 s8, s31  }
.Ltmp1:
0x144: {  	_ = 	snop;
	(pc) =	sbr.rel @p0 .LBB2_1-.Ltmp1, $3  }
0x145: {  	_ =	sdelay $0x1  }
0x146: {  	[sflag:s25] =	ssyncset.done $0x0  }
0x147: {  	[sflag:s25] =	ssyncadd.s32 $0xFFFFD800  }
0x148: {  	_ =	sfence.sel $0x180000  }
0x149: {  	[bflag:$0x0] =	sbarrier.arrive $0xFFFF  }
0x14a: {  	_ =	strace $0x9000004D  }
0x14b: {  	s0 =	stileid.u32;
	[bflag:$0x2] =	sbarrier.arrive $0xFFFF  }
0x14c: {  	p0 =	sne.s32 s0, $0x0;
	s0 =	rddreg [dreg:$0x3]  }
0x14d: {  	s0 =	sadd.s32 @!p0 $0x100000, s0  }
0x14e: {  	[sflag:s0] =	ssyncadd.tile.s32 @!p0 $0x1;
	_ =	shalt  }
.Lfunc_end2:
_tile_overlayer_lowered:
.L_overlay_start_2:
0x14f: {  	(tag) =	ssettag $0x2  }
0x150: {  	s0 =	rddreg [dreg:$0x0];
	s2 =	stileid.u32  }
0x151: {  	s1 =	rddreg [dreg:$0x1];
	p0 =	sne.s32 s2, $0x0  }
0x152: {  	s3 =	rddreg [dreg:$0x2];
	[bflag:$0x3] =	sbarrier.arrive $0xFFFF;
	s2 =	simm.s32 @!p0 $0x1C0E  }
0x153: {  	[timem:s3], [sflag:s2] =	dma.local @!p0 [hbm:s0], s1  }
0x154: {  	s0 =	simm.s32 @!p0 $0xE  }
0x155: {  	_ =	swait.ge @!p0 [sflag:s0], s1  }
0x156: {  	s1 =	ssub.s32 @!p0 $0x0, s1;
	[sflag:s0] =	ssyncset.done @!p0 $0x0  }
0x157: {  	[sflag:s0] =	ssyncadd.s32 @!p0 s1  }
0x158: {  	[bflag:$0x3] =	sbarrier.arrive $0xFFFF  }
0x159: {  	_ =	shalt  }

// kernel: kernel.8.cloned.1.call-start
scs
__scs_entry_jumppad:
0x0: {  	(pc) =	sbr.rel $0x88, $3  }
0x1: {  	(tag) =	ssettag $0x0;
	lr =	simm.s32 $0x1  }
0x2: {  	[smem:$0x3F9B] =	sst lr;
	_ =	strace $0xD0000000  }
0x3: {  	_ = 	snop  }
0x4: {  	_ = 	snop  }
0x5: {  	_ = 	snop  }
0x6: {  	_ = 	snop  }
0x7: {  	_ = 	snop  }
__scs_overlays_trampoline_lowered:
0x8: {  	[smem:$0x3FAA] =	sst s0  }
0x9: {  	[smem:$0x3FAB] =	sst s1  }
0xa: {  	[smem:$0x3FAC] =	sst s2  }
0xb: {  	[smem:$0x3FAD] =	sst s3  }
0xc: {  	[smem:$0x3FAE] =	sst s4  }
0xd: {  	[smem:$0x3FAF] =	sst s5  }
0xe: {  	[smem:$0x3FB0] =	sst s6  }
0xf: {  	[smem:$0x3FB1] =	sst s7  }
0x10: {  	[smem:$0x3FB2] =	sst s8  }
0x11: {  	[smem:$0x3FB3] =	sst s9;
	s0 =	simm.s32 @!p0 $0x0  }
0x12: {  	s1 =	sld [smem:$0x3F99];
	s0 =	simm.s32 @p0 $0x1  }
0x13: {  	[smem:$0x3FB4] =	sst s0;
	s0 =	simm.s32 @!p1 $0x0  }
0x14: {  	s2 =	sld [smem:$0x3F98];
	s0 =	simm.s32 @p1 $0x1  }
0x15: {  	[smem:$0x3FB5] =	sst s0;
	s0 =	simm.s32 @!p2 $0x0  }
0x16: {  	s3 =	sld [smem:$0x3FDB];
	s0 =	simm.s32 @p2 $0x1  }
0x17: {  	s4 =	simm.s32 $0x1BF5;
	[smem:$0x3FB7] =	sst s0  }
0x18: {  	s0 =	sld [smem:$0x3F9A];
	_ =	swait.ge [sflag:s4], $0x0  }
0x19: {  	s7 =	sld [smem:$0x3F9B]  }
0x1a: {  	s8 =	sadd.s32 $0xFFFFE003, lr  }
0x1b: {  	s9 =	sadd.s32 $0xFFFFFEF7, lr;
	s5 =	simm.s32 $0xFFFFFFFF;
	p2 =	slt.u32 s8, $0xFFFFF086  }
0x1c: {  	p1 =	slt.u32 s9, $0xF7A;
	s5 =	simm.s32 @!p2 $0x0  }
0x1d: {  	s5 =	simm.s32 @p1 $0x1;
	p0 =	seq.s32 s7, s2  }
0x1e: {  	s7 =	smul.u32 @!p0 $0xF7A, s2;
	p2 =	seq.s32 @!p0 s5, $0x0  }
0x1f: {  	s9 =	smul.u32 $0xF7A, s1;
	s8 =	simm.s32 @!p0 $0x1BF5;
	p2 =	por !p2, p0  }
0x20: {  	[sflag:s8] =	ssyncset.s32 @!p0 $0xFFFFF086;
	s6 =	sadd.s32 @!p0 s3, s7;
	s7 =	simm.s32 @!p0 $0x108  }
0x21: {  	s3 =	sadd.s32 s3, s9;
	s6 =	sadd.s32 @!p0 $0x88, s6;
	s7 =	simm.s32 @p2 $0x1082  }
0x22: {  	[simem:s7], [sflag:s8] =	dma.local @!p0 [hbm:s6], $0xF7A  }
0x23: {  	s9 =	sor.u32 $0xD0000000, s2;
	s6 =	simm.s32 $0x108;
	_ =	swait.ge @!p0 [sflag:s8], $0x0  }
0x24: {  	s3 =	sadd.s32 $0x88, s3;
	s6 =	simm.s32 @!p1 $0x1082;
	[sflag:s4] =	ssyncset.s32 $0xFFFFF086  }
0x25: {  	[simem:s6], [sflag:s4] =	dma.local [hbm:s3], $0xF7A  }
0x26: {  	[smem:$0x3F9B] =	sst s1;
	(tag) =	ssettag s2;
	_ =	strace s9  }
0x27: {  	s1 =	sld [smem:$0x3FAB]  }
0x28: {  	s2 =	sld [smem:$0x3FAC]  }
0x29: {  	s4 =	sld [smem:$0x3FAE]  }
0x2a: {  	p0 =	seq.s32 s5, $0x0;
	s5 =	sld [smem:$0x3FAF]  }
0x2b: {  	s6 =	sld [smem:$0x3FB0]  }
0x2c: {  	s7 =	sld [smem:$0x3FB1]  }
0x2d: {  	s3 =	simm.s32 $0x108;
	s8 =	sld [smem:$0x3FB2]  }
0x2e: {  	s3 =	simm.s32 @!p0 $0x1082;
	s9 =	sld [smem:$0x3FB3]  }
0x2f: {  	lr =	sadd.s32 s0, s3;
	s0 =	sld [smem:$0x3FAA]  }
0x30: {  	s3 =	sld [smem:$0x3FAD]  }
0x31: {  	[smem:$0x3FB6] =	sst s10  }
0x32: {  	s10 =	sld [smem:$0x3FB4];
	_ =	sdelay $0x3  }
0x33: {  	p0 =	seq.s32 s10, $0x1;
	s10 =	sld [smem:$0x3FB6];
	_ =	sdelay $0x3  }
0x34: {  	[smem:$0x3FB6] =	sst s10  }
0x35: {  	s10 =	sld [smem:$0x3FB5];
	_ =	sdelay $0x3  }
0x36: {  	p1 =	seq.s32 s10, $0x1;
	s10 =	sld [smem:$0x3FB6];
	_ =	sdelay $0x3  }
0x37: {  	[smem:$0x3FB6] =	sst s10  }
0x38: {  	s10 =	sld [smem:$0x3FB7]  }
0x39: {  	_ = 	snop;
	(pc) =	sbr.ind lr, $3  }
0x3a: {  	_ = 	snop  }
0x3b: {  	_ = 	snop  }
0x3c: {  	p2 =	seq.s32 s10, $0x1;
	s10 =	sld [smem:$0x3FB6]  }
0x3d: {  	_ =	shalt  }
0x3e: {  	_ =	shalt  }
0x3f: {  	_ =	shalt  }
0x40: {  	_ =	shalt  }
0x41: {  	_ =	shalt  }
0x42: {  	_ =	shalt  }
0x43: {  	_ =	shalt  }
0x44: {  	_ =	shalt  }
0x45: {  	_ =	shalt  }
0x46: {  	_ =	shalt  }
0x47: {  	_ =	shalt  }
0x48: {  	_ =	shalt  }
0x49: {  	_ =	shalt  }
0x4a: {  	_ =	shalt  }
0x4b: {  	_ =	shalt  }
0x4c: {  	_ =	shalt  }
0x4d: {  	_ =	shalt  }
0x4e: {  	_ =	shalt  }
0x4f: {  	_ =	shalt  }
0x50: {  	_ =	shalt  }
0x51: {  	_ =	shalt  }
0x52: {  	_ =	shalt  }
0x53: {  	_ =	shalt  }
0x54: {  	_ =	shalt  }
0x55: {  	_ =	shalt  }
0x56: {  	_ =	shalt  }
0x57: {  	_ =	shalt  }
0x58: {  	_ =	shalt  }
0x59: {  	_ =	shalt  }
0x5a: {  	_ =	shalt  }
0x5b: {  	_ =	shalt  }
0x5c: {  	_ =	shalt  }
0x5d: {  	_ =	shalt  }
0x5e: {  	_ =	shalt  }
0x5f: {  	_ =	shalt  }
0x60: {  	_ =	shalt  }
0x61: {  	_ =	shalt  }
0x62: {  	_ =	shalt  }
0x63: {  	_ =	shalt  }
0x64: {  	_ =	shalt  }
0x65: {  	_ =	shalt  }
0x66: {  	_ =	shalt  }
0x67: {  	_ =	shalt  }
0x68: {  	_ =	shalt  }
0x69: {  	_ =	shalt  }
0x6a: {  	_ =	shalt  }
0x6b: {  	_ =	shalt  }
0x6c: {  	_ =	shalt  }
0x6d: {  	_ =	shalt  }
0x6e: {  	_ =	shalt  }
0x6f: {  	_ =	shalt  }
0x70: {  	_ =	shalt  }
0x71: {  	_ =	shalt  }
0x72: {  	_ =	shalt  }
0x73: {  	_ =	shalt  }
0x74: {  	_ =	shalt  }
0x75: {  	_ =	shalt  }
0x76: {  	_ =	shalt  }
0x77: {  	_ =	shalt  }
0x78: {  	_ =	shalt  }
0x79: {  	_ =	shalt  }
0x7a: {  	_ =	shalt  }
0x7b: {  	_ =	shalt  }
0x7c: {  	_ =	shalt  }
0x7d: {  	_ =	shalt  }
0x7e: {  	_ =	shalt  }
0x7f: {  	_ =	shalt  }
0x80: {  	_ =	shalt  }
0x81: {  	_ =	shalt  }
0x82: {  	_ =	shalt  }
0x83: {  	_ =	shalt  }
0x84: {  	_ =	shalt  }
0x85: {  	_ =	shalt  }
0x86: {  	_ =	shalt  }
0x87: {  	_ =	shalt  }
.Lfunc_end0:
.L_simem_size_0:
called_computation_lowered:
.L_overlay_start_0:
0x88: {  	s2 =	sld [smem:$0x3FD9]  }
0x89: {  	s3 =	sld [smem:$0x3FFE];
	_ =	sdelay $0x1  }
0x8a: {  	s1 =	srdreg.scid  }
0x8b: {  	s0 =	sand.u32 $0x1, s1  }
0x8c: {  	s16 =	sshll.u32 s0, $0xA;
	s2 =	sadd.s32 s3, s2  }
0x8d: {  	s2 =	sadd.s32 s2, s16  }
0x8e: {  	[smem:$0x3FC2] =	sst s2  }
0x8f: {  	_ = 	snop  }
0x90: {  	(tm) =	ssettm $0x1  }
0x91: {  	s17 =	sld [smem:$0x3FFB];
	_ =	sdelay $0x3  }
0x92: {  	_ =	strace s17  }
0x93: {  	s2 =	sld [smem:$0x3FFC];
	_ =	sdelay $0x3  }
0x94: {  	_ =	strace s2  }
0x95: {  	s2 =	sld [smem:$0x3FFD];
	_ =	sdelay $0x3  }
0x96: {  	_ =	strace s2  }
0x97: {  	_ =	strace $0x8FFFFFFF  }
0x98: {  	s18 =	sld [smem:$0x3FDB];
	_ =	sdelay $0x1  }
0x99: {  	s19 =	simm.s32 $_scs_section_size  }
0x9a: {  	s4 =	simm.s32 $_size__tile_overlayer_lowered;
	s5 =	simm.s32 $_tile_overlayer_lowered  }
0x9b: {  	s22 =	simm.s32 $0x1BFF;
	s21 =	sshll.u32 s5, $0x1;
	s2 =	sadd.s32 s19, s18  }
0x9c: {  	s6 =	simm.s32 $0x0;
	s20 =	sshll.u32 s4, $0x1;
	s4 =	sadd.s32 s21, s2  }
0x9d: {  	[timem:s6], [sflag:s22] =	dma.local [hbm:s4], s20  }
0x9e: {  	_ =	swait.ge [sflag:s22], s20  }
0x9f: {  	s3 =	ssub.s32 $0x0, s20;
	[sflag:s22] =	ssyncset.done $0x0  }
0xa0: {  	[sflag:s22] =	ssyncadd.s32 s3;
	_ =	sdelay $0x1  }
0xa1: {  	s23 =	simm.s32 $0x1B8B  }
0xa2: {  	_ =	swait.ge [sflag:s23], $0x1  }
0xa3: {  	[sflag:s23] =	ssyncset.done $0x0  }
0xa4: {  	s25 =	simm.s32 $0x1B8E;
	s24 =	sld [smem:$0x3FFE];
	[sflag:s23] =	ssyncadd.s32 $0xFFFFFFFF  }
0xa5: {  	s26 =	simm.s32 $execute0_lowered;
	[smem:$0x3FD2] =	sst s25  }
0xa6: {  	s4 =	sshll.u32 s26, $0x1;
	_ =	strace $0x80000046;
	[dreg:$0x1] =	wrdreg $0xFFFFFFFF  }
0xa7: {  	s28 =	simm.s32 $_size_execute0_lowered;
	s2 =	sadd.s32 s2, s4;
	[dreg:$0x0] =	wrdreg $0x0  }
0xa8: {  	s4 =	sshll.u32 s28, $0x1;
	[dreg:$0x2] =	wrdreg s2  }
0xa9: {  	[dreg:$0x3] =	wrdreg s4  }
0xaa: {  	[dreg:$0x4] =	wrdreg $0xC0  }
0xab: {  	_ =	task [dreg:s6], $0x5FFFF  }
0xac: {  	[dreg:$0x1] =	wrdreg $0xFFFFFFFF  }
0xad: {  	[dreg:$0x0] =	wrdreg $0x60  }
0xae: {  	[dreg:$0x2] =	wrdreg s24  }
0xaf: {  	[dreg:$0x3] =	wrdreg $0x9  }
0xb0: {  	_ =	task.clear_ibuf [dreg:s6], $0x4FFFF;
	_ =	strace $0x90000046  }
0xb1: {  	s29 =	simm.s32 $0x9;
	_ =	strace $0x80000048  }
0xb2: {  	_ =	swait.ge [sflag:s29], $0x1  }
0xb3: {  	[sflag:s29] =	ssyncadd.s32 $0xFFFFFFFF  }
0xb4: {  	_ =	strace $0x90000048  }
0xb5: {  	_ =	sfence  }
0xb6: {  	s30 =	sld [smem:$0x0];
	_ =	sdelay $0x2  }
0xb7: {  	s31 =	sshll.u32 s1, $0xD;
	s1 =	sshrl.u32 s1, $0x2  }
0xb8: {  	s3 =	sand.u32 $0x4000, s31;
	s1 =	sadd.s32 s1, s30  }
0xb9: {  	s0 =	sor.u32 s3, s0;
	s1 =	sshll.u32 s1, $0x11  }
0xba: {  	s0 =	sor.u32 s1, s0  }
0xbb: {  	s0 =	sadd.s32 $0x8F2B, s0  }
0xbc: {  	[sflag:s0] =	ssyncadd.remote.s32 $0x1  }
0xbd: {  	_ =	sfence.sel $0xFFFF  }
0xbe: {  	[dreg:$0x0] =	wrdreg $0xFFFFFFFF;
	(pc) =	sbr.abs _section_cstart, $3  }
0xbf: {  	[dreg:$0x1] =	wrdreg $0xFFFFFFFF  }
0xc0: {  	_ =	task.clear_ibuf [dreg:s6], $0x2FFFF;
	_ =	strace $0x9FFFFFFF  }
0xc1: {  	(tm) =	ssettm $0x7FFFFFFF  }
tec
execute0_lowered:
.L_overlay_start_1:
0x0: {  	(tag) =	ssettag $0x1  }
0x1: {  	s0 =	srdreg.scid;
	s4 =	rddreg [dreg:$0x0];
	s2 =	simm.s32 $0x0  }
0x2: {  	s10 =	simm.s32 $0x2;
	s11 =	simm.s32 $0x0;
	s3 =	sand.u32 $0x1, s0  }
0x3: {  	s0 =	stileid.u32;
	[smem:$0x7FF] =	sst s2;
	s1 =	sshll.u32 s3, $0x4  }
0x4: {  	s6 =	smul.u32 $0x5000, s3;
	s3 =	ssub.s32 $0x2, s3;
	s7 =	sshrl.u32 s0, $0x3  }
0x5: {  	s9 =	sshll.u32 s0, $0x7;
	s5 =	sor.u32 s0, s1;
	s1 =	rddreg [dreg:$0x1]  }
0x6: {  	_ =	strace $0x80000047;
	s8 =	sshrl.u32 s3, $0x1;
	s7 =	smul.u32 $0x14000, s7  }
0x7: {  	s29 =	sand.u32 $0x380, s9;
	s9 =	simm.s32 $0x400;
	s5 =	smul.u32 $0x4FC, s5  }
0x8: {  	s28 =	ssub.s32 s3, s8;
	s8 =	simm.s32 $0x80;
	s31 =	sor.u32 s29, s7  }
0x9: {  	s5 =	sadd.s32 s5, s4;
	s4 =	sadd.s32 s6, s4;
	s7 =	sshrl.u32 s31, $0x3  }
0xa: {  	s6 =	simm.s32 $0x1;
	s3 =	sadd.s32 $0x2400, s5;
	s30 =	sadd.s32 $0xC400, s4  }
0xb: {  	v0 =	vimm.f32 $0.0e+00;
	v1 =	vimm.f32 $1.000000000e+00;
	s4 =	smax.u32 s28, $0x1;
	s5 =	simm.s32 $0x2800;
	s7 =	sadd.s32 s7, s30  }
.LBB2_1:
0xc: {  	[tilespmem:s5], [sflag:$0x1] =	stream.linear.gather [hbm4b:s3+s2], $0x27E0, $0x38;
	[tilespmem:$0x5000] =	vst v63  }
0xd: {  	s12 =	simm.s32 $0x40;
	s13 =	simm.s32 $0x0  }
.LBB2_2:
0xe: {  	p0 =	sne.s32 s12, $0x9FC0;
	[tilespmem:s13+$0x0] =	vst v0;
	s13 =	smov.u32 s12;
	s12 =	sadd.s32 $0x40, s12  }
.Ltmp0:
0xf: {  	(pc) =	sbr.rel @p0 .LBB2_2-.Ltmp0, $2  }
0x10: {  	_ =	sdelay $0x2  }
0x11: {  	s13 =	sshra.s32 s13, $0x2  }
0x12: {  	[tilespmem:s13+$0x0] =	vst v0  }
0x13: {  	_ =	swait.ge [sflag:s6], $0x27E0  }
0x14: {  	[sflag:s6] =	ssyncset.done $0x0  }
0x15: {  	s13 =	simm.s32 $0x0;
	s12 =	simm.s32 $0x40;
	[sflag:s6] =	ssyncadd.s32 $0xFFFFD820  }
.LBB2_4:
0x16: {  	p0 =	sne.s32 s12, $0x9F40;
	v2 =	vld [tilespmem:s13+$0x2800];
	_ =	sdelay $0x3  }
.Ltmp1:
0x17: {  	(pc) =	sbr.rel @p0 .LBB2_4-.Ltmp1, $2  }
0x18: {  	_ =	sdelay $0x2  }
0x19: {  	s13 =	sshra.s32 s12, $0x2;
	s12 =	sadd.s32 $0x40, s12;
	[tilespmem:v2+s2+$0x0] =	vst.idx.add.f32.msk $0xffff, v1  }
0x1a: {  	v2 =	vld [tilespmem:s13+$0x2800];
	_ =	sdelay $0x5  }
0x1b: {  	s11 =	sadd.s32 $0x1, s11  }
0x1c: {  	p0 =	sne.s32 s11, s4  }
.Ltmp2:
0x1d: {  	[tilespmem:v2+s2+$0x0] =	vst.idx.add.f32.msk $0xffff, v1;
	(pc) =	sbr.rel @p0 .LBB2_1-.Ltmp2, $4  }
0x1e: {  	[hbm4b:s7+s8] =	stream.strided.scatter [tilespmem:s2], [sflag:$0x2], $0x2800, s9, s8, $0x38;
	[tilespmem:$0x5000] =	vst v63  }
0x1f: {  	_ =	swait.ge [sflag:s10], $0x2800  }
0x20: {  	[sflag:s10] =	ssyncset.done $0x0  }
0x21: {  	[sflag:s10] =	ssyncadd.s32 $0xFFFFD800  }
0x22: {  	_ =	sfence.sel $0x180000  }
0x23: {  	[bflag:$0x0] =	sbarrier.arrive $0xFFFF  }
0x24: {  	p0 =	sne.s32 s0, $0x0;
	_ =	strace $0x90000047  }
0x25: {  	s0 =	sadd.s32 @!p0 $0x100000, s1;
	[bflag:$0x2] =	sbarrier.arrive $0xFFFF  }
0x26: {  	[sflag:s0] =	ssyncadd.tile.s32 @!p0 $0x1;
	_ =	shalt  }
.Lfunc_end2:
_tile_overlayer_lowered:
.L_overlay_start_2:
0x27: {  	(tag) =	ssettag $0x2  }
0x28: {  	s0 =	rddreg [dreg:$0x0];
	s2 =	stileid.u32  }
0x29: {  	s1 =	rddreg [dreg:$0x1];
	p0 =	sne.s32 s2, $0x0  }
0x2a: {  	s3 =	rddreg [dreg:$0x2];
	[bflag:$0x3] =	sbarrier.arrive $0xFFFF;
	s2 =	simm.s32 @!p0 $0x1C02  }
0x2b: {  	[timem:s3], [sflag:s2] =	dma.local @!p0 [hbm:s0], s1  }
0x2c: {  	s0 =	simm.s32 @!p0 $0x2  }
0x2d: {  	_ =	swait.ge @!p0 [sflag:s0], s1  }
0x2e: {  	s1 =	ssub.s32 @!p0 $0x0, s1;
	[sflag:s0] =	ssyncset.done @!p0 $0x0  }
0x2f: {  	[sflag:s0] =	ssyncadd.s32 @!p0 s1  }
0x30: {  	[bflag:$0x3] =	sbarrier.arrive $0xFFFF  }
0x31: {  	_ =	shalt  }

</sc_bundles>
